<compile_context>
chip_gen: v7x
topology: tpu7x:2x2x1
jax: 0.10.2.dev20260603
libtpu: 0.0.44.dev20260713+nightly
codegen_flags: <defaults>
</compile_context>

<pallas_src>
import functools

import jax
import jax.numpy as jnp
from jax import lax
from jax.experimental import pallas as pl
from jax.experimental.pallas import tpu as pltpu
from jax.experimental.pallas import tpu_sc as plsc

N_NODES = 10000
N_EDGES = 320000
H = 128
NC = 2
NS = 16
NW = NC * NS
PER_W = N_EDGES // NW
ROWS_PER_SUB = N_NODES // NS
W16 = 16

_MESH = plsc.VectorSubcoreMesh(
    core_axis_name="c", subcore_axis_name="s", num_cores=NC, num_subcores=NS)
_SC_PARAMS = pltpu.CompilerParams(use_tc_tiling_on_sc=False)


def _wid():
    return lax.axis_index("s") * NC + lax.axis_index("c")


_UR = 200
_NU = (N_EDGES // 8) // _UR


def _unit_range(wid):
    nu = jnp.where(wid < 8, 7, 6)
    start = 6 * wid + jnp.minimum(wid, 8)
    return start, nu


@functools.partial(
    pl.kernel,
    out_type=(jax.ShapeDtypeStruct((N_EDGES // 8, 128), jnp.float32),
              jax.ShapeDtypeStruct((N_EDGES // 8, 128), jnp.float32)),
    mesh=_MESH,
    scratch_types=[
        pltpu.VMEM((_UR,), jnp.int32),
        pltpu.VMEM((_UR,), jnp.int32),
        pltpu.VMEM((_UR, W16), jnp.float32),
        pltpu.VMEM((_UR, W16), jnp.float32),
        pltpu.SemaphoreType.DMA,
    ],
    compiler_params=_SC_PARAMS,
)
def _sc_gather_edges(tab, sendp8, recvp8, s_out, r_out, sidx, ridx, srows, rrows, sem):
    wid = _wid()
    start, nu = _unit_range(wid)

    def body(t, _):
        u = start + t
        rwb = u * _UR
        for j in range(8):
            pltpu.sync_copy(sendp8.at[j, u], sidx)
            pltpu.sync_copy(recvp8.at[j, u], ridx)
            pltpu.async_copy(tab.at[sidx], srows, sem).wait()
            pltpu.async_copy(tab.at[ridx], rrows, sem).wait()
            pltpu.sync_copy(srows, s_out.at[pl.ds(rwb, _UR), pl.ds(16 * j, 16)])
            pltpu.sync_copy(rrows, r_out.at[pl.ds(rwb, _UR), pl.ds(16 * j, 16)])
        return 0

    lax.fori_loop(0, nu, body, 0)


@functools.partial(
    pl.kernel,
    out_type=jax.ShapeDtypeStruct((NC, N_NODES, H), jnp.float32),
    mesh=_MESH,
    scratch_types=[
        pltpu.VMEM_SHARED((N_NODES, H), jnp.float32),
        pltpu.VMEM((_UR,), jnp.int32),
        pltpu.VMEM((_UR, H), jnp.float32),
    ],
    compiler_params=_SC_PARAMS,
)
def _sc_scatter_feat(feat, recvp8, zeros, agg_out, spmem, ridx, fbuf):
    c = lax.axis_index("c")
    s = lax.axis_index("s")
    wid = s * NC + c
    nb = s * ROWS_PER_SUB
    pltpu.sync_copy(zeros.at[pl.ds(nb, ROWS_PER_SUB)],
                    spmem.at[pl.ds(nb, ROWS_PER_SUB)])
    plsc.subcore_barrier()
    start, nu = _unit_range(wid)

    def body(t, _):
        u = start + t // 8
        j = t % 8
        rwb = u * _UR
        pltpu.sync_copy(recvp8.at[j, u], ridx)
        pltpu.sync_copy(feat.at[j, pl.ds(rwb, _UR)], fbuf)
        pltpu.sync_copy(fbuf, spmem.at[ridx], add=True)
        return 0

    lax.fori_loop(0, nu * 8, body, 0)
    plsc.subcore_barrier()
    pltpu.sync_copy(spmem.at[pl.ds(nb, ROWS_PER_SUB)],
                    agg_out.at[c, pl.ds(nb, ROWS_PER_SUB)])


@functools.partial(
    pl.kernel,
    out_type=jax.ShapeDtypeStruct((8, N_EDGES // 8, H), jnp.float32),
    mesh=_MESH,
    scratch_types=[
        pltpu.VMEM((_UR,), jnp.int32),
        pltpu.VMEM((_UR, H), jnp.float32),
        pltpu.SemaphoreType.DMA,
    ],
    compiler_params=_SC_PARAMS,
)
def _sc_gather_grad(gagg, recvp8, gfeat_out, ridx, fbuf, sem):
    wid = _wid()
    start, nu = _unit_range(wid)

    def body(t, _):
        u = start + t // 8
        j = t % 8
        rwb = u * _UR
        pltpu.sync_copy(recvp8.at[j, u], ridx)
        pltpu.async_copy(gagg.at[ridx], fbuf, sem).wait()
        pltpu.sync_copy(fbuf, gfeat_out.at[j, pl.ds(rwb, _UR)])
        return 0

    lax.fori_loop(0, nu * 8, body, 0)


_CG = 2000


@functools.partial(
    pl.kernel,
    out_type=jax.ShapeDtypeStruct((NC, 2, N_NODES, W16), jnp.float32),
    mesh=_MESH,
    scratch_types=[
        pltpu.VMEM_SHARED((N_NODES, W16), jnp.float32),
        pltpu.VMEM_SHARED((N_NODES, W16), jnp.float32),
        pltpu.VMEM((_CG,), jnp.int32),
        pltpu.VMEM((_CG,), jnp.int32),
        pltpu.VMEM((_CG, W16), jnp.float32),
    ],
    compiler_params=_SC_PARAMS,
)
def _sc_scatter_forces(gv, send, recv, zeros, mf_out,
                       acc_r, acc_s, sidx, ridx, gbuf):
    c = lax.axis_index("c")
    s = lax.axis_index("s")
    wid = s * NC + c
    nb = s * ROWS_PER_SUB
    pltpu.sync_copy(zeros.at[pl.ds(nb, ROWS_PER_SUB)],
                    acc_r.at[pl.ds(nb, ROWS_PER_SUB)])
    pltpu.sync_copy(zeros.at[pl.ds(nb, ROWS_PER_SUB)],
                    acc_s.at[pl.ds(nb, ROWS_PER_SUB)])
    plsc.subcore_barrier()
    for i in range(PER_W // _CG):
        base = wid * PER_W + i * _CG
        pltpu.sync_copy(recv.at[pl.ds(base, _CG)], ridx)
        pltpu.sync_copy(send.at[pl.ds(base, _CG)], sidx)
        pltpu.sync_copy(gv.at[pl.ds(base, _CG)], gbuf)
        pltpu.sync_copy(gbuf, acc_r.at[ridx], add=True)
        pltpu.sync_copy(gbuf, acc_s.at[sidx], add=True)
    plsc.subcore_barrier()
    pltpu.sync_copy(acc_r.at[pl.ds(nb, ROWS_PER_SUB)],
                    mf_out.at[c, 0, pl.ds(nb, ROWS_PER_SUB)])
    pltpu.sync_copy(acc_s.at[pl.ds(nb, ROWS_PER_SUB)],
                    mf_out.at[c, 1, pl.ds(nb, ROWS_PER_SUB)])


_BE = 6400
_BR = _BE // 8
_BN = 2000


def _edge_pre_packed(s_ref, r_ref, sh_ref, cellb_ref, w1b_ref, ehi_ref, elo_ref):
    s = s_ref[...]
    r = r_ref[...]
    vec = (r - s) + jnp.dot(sh_ref[...], cellb_ref[...],
                            preferred_element_type=jnp.float32)
    pre = jnp.dot(vec, w1b_ref[...], preferred_element_type=jnp.float32)
    ohs = s + r
    pre = pre + jnp.dot(ohs, ehi_ref[...], preferred_element_type=jnp.float32)
    pre = pre + jnp.dot(ohs, elo_ref[...], preferred_element_type=jnp.float32)
    return pre


def _tc_edge_fwd_body(s_ref, r_ref, sh_ref, cellb_ref, w1b_ref, ehi_ref,
                      elo_ref, feat_ref):
    pre = _edge_pre_packed(s_ref, r_ref, sh_ref, cellb_ref, w1b_ref,
                           ehi_ref, elo_ref)
    feat = pre * jax.nn.sigmoid(pre)
    for j in range(8):
        feat_ref[j] = feat[:, 128 * j:128 * (j + 1)]


def _tc_node_body(a0_ref, a1_ref, w2_ref, w2t_ref, w3_ref, esum_ref, gagg_ref):
    agg = a0_ref[...] + a1_ref[...]
    h = jnp.dot(agg, w2_ref[...], preferred_element_type=jnp.float32)
    sig = jax.nn.sigmoid(h)
    s = h * sig
    w3row = w3_ref[...]

    @pl.when(pl.program_id(0) == 0)
    def _():
        esum_ref[...] = jnp.zeros_like(esum_ref)

    s_bf = s.astype(jnp.bfloat16).astype(jnp.float32)
    w3_bf = w3row.astype(jnp.bfloat16).astype(jnp.float32)
    esum_ref[...] += jnp.reshape(jnp.sum(s_bf * w3_bf), (1, 1))
    g_h = w3row * (sig * (1.0 + h * (1.0 - sig)))
    gagg_ref[...] = jnp.dot(g_h, w2t_ref[...], preferred_element_type=jnp.float32)


def _tc_edge_bwd_body(gf_ref, s_ref, r_ref, sh_ref, cellb_ref, w1b_ref,
                      ehi_ref, elo_ref, w1tb_ref, gv_ref, ps_ref):
    pre = _edge_pre_packed(s_ref, r_ref, sh_ref, cellb_ref, w1b_ref,
                           ehi_ref, elo_ref)
    sig = jax.nn.sigmoid(pre)
    gf = jnp.concatenate([gf_ref[j] for j in range(8)], axis=1)
    gp = gf * (sig * (1.0 + pre * (1.0 - sig)))
    gv = jnp.dot(gp, w1tb_ref[...], preferred_element_type=jnp.float32)
    gv_ref[...] = gv

    @pl.when(pl.program_id(0) == 0)
    def _():
        ps_ref[...] = jnp.zeros_like(ps_ref)

    ps_ref[...] += lax.dot_general(sh_ref[...], gv, (((0,), (0,)), ((), ())),
                                   preferred_element_type=jnp.float32)


def _tc_final_body(r0_ref, r1_ref, s0_ref, s1_ref, pos_ref, forces_ref, sf_ref):
    mf = (r0_ref[...] + r1_ref[...]) - (s0_ref[...] + s1_ref[...])
    forces_ref[...] = -mf
    sf_ref[...] = lax.dot_general(mf, pos_ref[...], (((0,), (0,)), ((), ())),
                                  preferred_element_type=jnp.float32,
                                  precision=lax.Precision.HIGHEST)


def _diag_blocks(P, nb, a, b):
    return jnp.einsum('jujv->uv', P.reshape(nb, a, nb, b))


def kernel(positions, cell, shifts, senders, receivers, species, W1, emb, W2, w3):
    f32 = jnp.float32
    eye8 = jnp.eye(8, dtype=f32)
    node_tab = jnp.concatenate(
        [positions, jnp.zeros((N_NODES, 1), f32),
         jax.nn.one_hot(species, 10, dtype=f32),
         jnp.zeros((N_NODES, 2), f32)], axis=1)
    shp24 = jnp.reshape(shifts, (N_EDGES // 8, 24))
    w1p = jnp.pad(W1, ((0, W16 - 3), (0, 0)))
    w1blk = jnp.kron(eye8, w1p)
    w1tblk = jnp.kron(eye8, w1p.T)
    cellb = jnp.kron(eye8, jnp.pad(cell[0], ((0, 0), (0, W16 - 3))))
    embp = jnp.zeros((W16, H), f32).at[4:14].set(emb)
    emb_hi = embp.astype(jnp.bfloat16).astype(f32)
    ehiblk = jnp.kron(eye8, emb_hi)
    eloblk = jnp.kron(eye8, embp - emb_hi)
    w2t = W2.T
    w3row = w3[None, :]
    zeros_h = jnp.zeros((N_NODES, H), f32)
    zeros_w = jnp.zeros((N_NODES, W16), f32)
    pos_p = jnp.reshape(jnp.pad(positions, ((0, 0), (0, W16 - 3))),
                        (N_NODES // 8, 128))

    sendp8 = jnp.reshape(jnp.transpose(jnp.reshape(senders, (N_EDGES // 8, 8))),
                         (8, _NU, _UR))
    recvp8 = jnp.reshape(jnp.transpose(jnp.reshape(receivers, (N_EDGES // 8, 8))),
                         (8, _NU, _UR))
    s128, r128 = _sc_gather_edges(node_tab, sendp8, recvp8)

    ge = N_EDGES // _BE
    feat_p = pl.pallas_call(
        _tc_edge_fwd_body,
        grid=(ge,),
        in_specs=[
            pl.BlockSpec((_BR, 128), lambda i: (i, 0)),
            pl.BlockSpec((_BR, 128), lambda i: (i, 0)),
            pl.BlockSpec((_BR, 24), lambda i: (i, 0)),
            pl.BlockSpec((24, 128), lambda i: (0, 0)),
            pl.BlockSpec((128, 1024), lambda i: (0, 0)),
            pl.BlockSpec((128, 1024), lambda i: (0, 0)),
            pl.BlockSpec((128, 1024), lambda i: (0, 0)),
        ],
        out_specs=pl.BlockSpec((8, _BR, 128), lambda i: (0, i, 0)),
        out_shape=jax.ShapeDtypeStruct((8, N_EDGES // 8, 128), f32),
    )(s128, r128, shp24, cellb, w1blk, ehiblk, eloblk)

    agg2 = _sc_scatter_feat(feat_p, recvp8, zeros_h)

    gn = N_NODES // _BN
    esum, gagg = pl.pallas_call(
        _tc_node_body,
        grid=(gn,),
        in_specs=[
            pl.BlockSpec((_BN, H), lambda i: (i, 0)),
            pl.BlockSpec((_BN, H), lambda i: (i, 0)),
            pl.BlockSpec((H, H), lambda i: (0, 0)),
            pl.BlockSpec((H, H), lambda i: (0, 0)),
            pl.BlockSpec((1, H), lambda i: (0, 0)),
        ],
        out_specs=[
            pl.BlockSpec((1, 1), lambda i: (0, 0)),
            pl.BlockSpec((_BN, H), lambda i: (i, 0)),
        ],
        out_shape=[
            jax.ShapeDtypeStruct((1, 1), f32),
            jax.ShapeDtypeStruct((N_NODES, H), f32),
        ],
    )(agg2[0], agg2[1], W2, w2t, w3row)

    gf_p = _sc_gather_grad(gagg, recvp8)

    gv128, ps24 = pl.pallas_call(
        _tc_edge_bwd_body,
        grid=(ge,),
        in_specs=[
            pl.BlockSpec((8, _BR, 128), lambda i: (0, i, 0)),
            pl.BlockSpec((_BR, 128), lambda i: (i, 0)),
            pl.BlockSpec((_BR, 128), lambda i: (i, 0)),
            pl.BlockSpec((_BR, 24), lambda i: (i, 0)),
            pl.BlockSpec((24, 128), lambda i: (0, 0)),
            pl.BlockSpec((128, 1024), lambda i: (0, 0)),
            pl.BlockSpec((128, 1024), lambda i: (0, 0)),
            pl.BlockSpec((128, 1024), lambda i: (0, 0)),
            pl.BlockSpec((1024, 128), lambda i: (0, 0)),
        ],
        out_specs=[
            pl.BlockSpec((_BR, 128), lambda i: (i, 0)),
            pl.BlockSpec((24, 128), lambda i: (0, 0)),
        ],
        out_shape=[
            jax.ShapeDtypeStruct((N_EDGES // 8, 128), f32),
            jax.ShapeDtypeStruct((24, 128), f32),
        ],
    )(gf_p, s128, r128, shp24, cellb, w1blk, ehiblk, eloblk, w1tblk)

    gv16 = jnp.reshape(gv128, (N_EDGES, W16))
    mf4 = _sc_scatter_forces(gv16, senders, receivers, zeros_w)
    mfp = jnp.reshape(mf4, (NC * 2, N_NODES // 8, 128))

    forces_p, sfull = pl.pallas_call(
        _tc_final_body,
        grid=(1,),
        in_specs=[
            pl.BlockSpec((N_NODES // 8, 128), lambda i: (0, 0)),
            pl.BlockSpec((N_NODES // 8, 128), lambda i: (0, 0)),
            pl.BlockSpec((N_NODES // 8, 128), lambda i: (0, 0)),
            pl.BlockSpec((N_NODES // 8, 128), lambda i: (0, 0)),
            pl.BlockSpec((N_NODES // 8, 128), lambda i: (0, 0)),
        ],
        out_specs=[
            pl.BlockSpec((N_NODES // 8, 128), lambda i: (0, 0)),
            pl.BlockSpec((128, 128), lambda i: (0, 0)),
        ],
        out_shape=[
            jax.ShapeDtypeStruct((N_NODES // 8, 128), f32),
            jax.ShapeDtypeStruct((128, 128), f32),
        ],
    )(mfp[0], mfp[2], mfp[1], mfp[3], pos_p)

    graph_energies = jnp.reshape(esum, (1,))
    forces = jnp.reshape(forces_p, (N_NODES, W16))[:, :3]
    pseudo_stress = _diag_blocks(ps24, 8, 3, W16)[:3, :3][None]
    stress_forces = _diag_blocks(sfull, 8, W16, W16)[:3, :3][None]
    det = jnp.linalg.det(cell)[:, None, None]
    det = jnp.where(det > 0.0, det, 1.0)
    stress_cell = jnp.transpose(pseudo_stress, (0, 2, 1)) @ cell
    viriel = stress_cell + stress_forces
    stress = -1.0 / det * viriel
    pressure = jnp.trace(stress, axis1=1, axis2=2)
    return (graph_energies, forces, stress,
            -1.0 / det * stress_cell, -1.0 / det * stress_forces, pressure)

# --- scband reference (transcript-rebuilt; emitter-appended) ---
"""Pipeline reference for scband-force-field-predictor-36146444763340 (READ-ONLY COPY).

The authoritative reference and input builder live on the scoring server;
editing this copy changes nothing except your own understanding.
"""

import jax, jax.numpy as jnp
import numpy as np

N_NODES = 10000
N_EDGES = 320000
HIDDEN = 128
N_SPECIES = 10


def setup_inputs(seed: int = 0) -> dict:
    key = jax.random.key(seed)
    ks = jax.random.split(key, 10)
    positions = jax.random.normal(ks[0], (N_NODES, 3), dtype=jnp.float32) * 5.0
    cell = (jnp.eye(3, dtype=jnp.float32) * 20.0 + 0.1 * jax.random.normal(ks[1], (3, 3), dtype=jnp.float32))[None]
    shifts = jax.random.randint(ks[2], (N_EDGES, 3), -1, 2).astype(jnp.float32)
    senders = jax.random.randint(ks[3], (N_EDGES,), 0, N_NODES, dtype=jnp.int32)
    receivers = jax.random.randint(ks[4], (N_EDGES,), 0, N_NODES, dtype=jnp.int32)
    species = jax.random.randint(ks[5], (N_NODES,), 0, N_SPECIES, dtype=jnp.int32)
    W1 = jax.random.normal(ks[6], (3, HIDDEN), dtype=jnp.float32) * 0.5
    emb = jax.random.normal(ks[7], (N_SPECIES, HIDDEN), dtype=jnp.float32) * 0.1
    W2 = jax.random.normal(ks[8], (HIDDEN, HIDDEN), dtype=jnp.float32) * (1.0 / np.sqrt(HIDDEN))
    w3 = jax.random.normal(ks[9], (HIDDEN,), dtype=jnp.float32) * (1.0 / np.sqrt(HIDDEN))
    return {"positions": positions, "cell": cell, "shifts": shifts, "senders": senders,
            "receivers": receivers, "species": species, "W1": W1, "emb": emb, "W2": W2, "w3": w3}


def _mlip_network(vectors, species, senders, receivers, W1, emb, W2, w3, num_nodes):
    # surrogate MLIP: per-edge MLP features, segment-sum onto receiver nodes, per-node readout
    edge_feat = jax.nn.silu(vectors @ W1 + emb[species[senders]] + emb[species[receivers]])
    node_agg = jax.ops.segment_sum(edge_feat, receivers, num_segments=num_nodes)
    node_energies = jax.nn.silu(node_agg @ W2) @ w3
    return node_energies


def _compute_energy(positions, cell, shifts, senders, receivers, species, W1, emb, W2, w3):
    # get_edge_relative_vectors with periodic shifts (single graph)
    vectors = positions[receivers] - positions[senders] + shifts @ cell[0]
    node_energies = _mlip_network(vectors, species, senders, receivers, W1, emb, W2, w3, positions.shape[0])
    # single unpadded graph -> padding mask is all ones
    return jnp.sum(node_energies), node_energies


def reference(positions, cell, shifts, senders, receivers, species, W1, emb, W2, w3):
    (minus_forces, pseudo_stress), node_energies = jax.grad(_compute_energy, (0, 1), has_aux=True)(
        positions, cell, shifts, senders, receivers, species, W1, emb, W2, w3)
    num_nodes = positions.shape[0]
    graph_ids = jnp.zeros(num_nodes, dtype=jnp.int32)
    graph_energies = jax.ops.segment_sum(node_energies, graph_ids, num_segments=1)
    forces = -minus_forces
    det = jnp.linalg.det(cell)[:, None, None]
    det = jnp.where(det > 0.0, det, 1.0)
    stress_cell = jnp.transpose(pseudo_stress, (0, 2, 1)) @ cell
    stress_forces = jax.ops.segment_sum(jnp.einsum('iu,iv->iuv', minus_forces, positions), graph_ids, num_segments=1)
    viriel = stress_cell + stress_forces
    stress = -1.0 / det * viriel
    pressure = jnp.trace(stress, axis1=1, axis2=2)
    return (graph_energies, forces, stress, -1.0 / det * stress_cell, -1.0 / det * stress_forces, pressure)

if __name__ == "__main__":
    import jax
    _d = setup_inputs()
    print(jax.jit(kernel)(*tuple(_d.values())))

</pallas_src>

<mosaic_0001>
#map = affine_map<(d0, d1) -> (0, 0)>
#map1 = affine_map<(d0, d1) -> (0)>
#map2 = affine_map<(d0, d1) -> (0, 0, 0, 0)>
module attributes {stable_mosaic.version = 14 : i64} {
  func.func @_sc_scatter_forces(%arg0: i32, %arg1: i32, %arg2: memref<320000x16xf32, #tpu.memory_space<hbm>>, %arg3: memref<320000xi32, #tpu.memory_space<hbm>>, %arg4: memref<320000xi32, #tpu.memory_space<hbm>>, %arg5: memref<10000x16xf32, #tpu.memory_space<hbm>>, %arg6: memref<2x2x10000x16xf32, #tpu.memory_space<hbm>>, %arg7: memref<10000x16xf32, #tpu.memory_space<vmem_shared>>, %arg8: memref<10000x16xf32, #tpu.memory_space<vmem_shared>>, %arg9: memref<2000xi32, #tpu.memory_space<vmem>>, %arg10: memref<2000xi32, #tpu.memory_space<vmem>>, %arg11: memref<2000x16xf32, #tpu.memory_space<vmem>>) attributes {dimension_semantics = [#tpu.dimension_semantics<core_parallel>, #tpu.dimension_semantics<subcore_parallel>], iteration_bounds = array<i64: 2, 16>, scalar_prefetch = 0 : i64, scratch_operands = 5 : i64, tpu.core_type = #tpu.core_type<sc_vector_subcore>, window_params = [{transform_indices = #map}, {transform_indices = #map1}, {transform_indices = #map1}, {transform_indices = #map}, {transform_indices = #map2}]} {
    %mul3A = arith.constant 2 : i32
    %mul3A_0 = arith.muli %arg1, %mul3A : i32
    %add3A = arith.addi %mul3A_0, %arg0 : i32
    %mul3A_1 = arith.constant 625 : i32
    %mul3A_2 = arith.muli %arg1, %mul3A_1 : i32
    "tpu.region"() ({
      %run_scoped3A_25 = tpu.sem_alloc : memref<!tpu.dma_semaphore, #tpu.memory_space<semaphore_mem>>
      %dma_start3A = arith.constant 0 : i32
      %dma_start3A_26 = tpu.memref_slice %arg7[%mul3A_2, %dma_start3A] : memref<10000x16xf32, #tpu.memory_space<vmem_shared>> -> memref<625x16xf32, #tpu.memory_space<vmem_shared>>
      %dma_start3A_27 = arith.constant 0 : i32
      %dma_start3A_28 = tpu.memref_slice %arg5[%mul3A_2, %dma_start3A_27] : memref<10000x16xf32, #tpu.memory_space<hbm>> -> memref<625x16xf32, #tpu.memory_space<hbm>>
      tpu.enqueue_dma source(%dma_start3A_28 : memref<625x16xf32, #tpu.memory_space<hbm>>) target(%dma_start3A_26 : memref<625x16xf32, #tpu.memory_space<vmem_shared>>) target_semaphore(%run_scoped3A_25 : memref<!tpu.dma_semaphore, #tpu.memory_space<semaphore_mem>>)
      %dma_wait3A = arith.constant 0 : i32
      %dma_wait3A_29 = tpu.memref_slice %arg7[%mul3A_2, %dma_wait3A] : memref<10000x16xf32, #tpu.memory_space<vmem_shared>> -> memref<625x16xf32, #tpu.memory_space<vmem_shared>>
      %dma_wait3A_30 = arith.constant 0 : i32
      %dma_wait3A_31 = tpu.memref_slice %arg5[%mul3A_2, %dma_wait3A_30] : memref<10000x16xf32, #tpu.memory_space<hbm>> -> memref<625x16xf32, #tpu.memory_space<hbm>>
      tpu.wait_dma2 semaphore(%run_scoped3A_25 : memref<!tpu.dma_semaphore, #tpu.memory_space<semaphore_mem>>) src(%dma_wait3A_31 : memref<625x16xf32, #tpu.memory_space<hbm>>) dst(%dma_wait3A_29 : memref<625x16xf32, #tpu.memory_space<vmem_shared>>)
      tpu.yield
    }) : () -> ()
    "tpu.region"() ({
      %run_scoped3A_25 = tpu.sem_alloc : memref<!tpu.dma_semaphore, #tpu.memory_space<semaphore_mem>>
      %dma_start3A = arith.constant 0 : i32
      %dma_start3A_26 = tpu.memref_slice %arg8[%mul3A_2, %dma_start3A] : memref<10000x16xf32, #tpu.memory_space<vmem_shared>> -> memref<625x16xf32, #tpu.memory_space<vmem_shared>>
      %dma_start3A_27 = arith.constant 0 : i32
      %dma_start3A_28 = tpu.memref_slice %arg5[%mul3A_2, %dma_start3A_27] : memref<10000x16xf32, #tpu.memory_space<hbm>> -> memref<625x16xf32, #tpu.memory_space<hbm>>
      tpu.enqueue_dma source(%dma_start3A_28 : memref<625x16xf32, #tpu.memory_space<hbm>>) target(%dma_start3A_26 : memref<625x16xf32, #tpu.memory_space<vmem_shared>>) target_semaphore(%run_scoped3A_25 : memref<!tpu.dma_semaphore, #tpu.memory_space<semaphore_mem>>)
      %dma_wait3A = arith.constant 0 : i32
      %dma_wait3A_29 = tpu.memref_slice %arg8[%mul3A_2, %dma_wait3A] : memref<10000x16xf32, #tpu.memory_space<vmem_shared>> -> memref<625x16xf32, #tpu.memory_space<vmem_shared>>
      %dma_wait3A_30 = arith.constant 0 : i32
      %dma_wait3A_31 = tpu.memref_slice %arg5[%mul3A_2, %dma_wait3A_30] : memref<10000x16xf32, #tpu.memory_space<hbm>> -> memref<625x16xf32, #tpu.memory_space<hbm>>
      tpu.wait_dma2 semaphore(%run_scoped3A_25 : memref<!tpu.dma_semaphore, #tpu.memory_space<semaphore_mem>>) src(%dma_wait3A_31 : memref<625x16xf32, #tpu.memory_space<hbm>>) dst(%dma_wait3A_29 : memref<625x16xf32, #tpu.memory_space<vmem_shared>>)
      tpu.yield
    }) : () -> ()
    %barrier3A = arith.constant 0 : index
    tpu.barrier barrier_id(%barrier3A)
    %mul3A_3 = arith.constant 10000 : i32
    %mul3A_4 = arith.muli %add3A, %mul3A_3 : i32
    %add3A_5 = arith.constant 0 : i32
    %add3A_6 = arith.addi %mul3A_4, %add3A_5 : i32
    "tpu.region"() ({
      %run_scoped3A_25 = tpu.sem_alloc : memref<!tpu.dma_semaphore, #tpu.memory_space<semaphore_mem>>
      %dma_start3A = tpu.memref_slice %arg4[%add3A_6] : memref<320000xi32, #tpu.memory_space<hbm>> -> memref<2000xi32, #tpu.memory_space<hbm>>
      %dma_start3A_26 = tpu.memref_slice %arg4[%add3A_6] : memref<320000xi32, #tpu.memory_space<hbm>> -> memref<2000xi32, #tpu.memory_space<hbm>>
      tpu.enqueue_dma source(%dma_start3A_26 : memref<2000xi32, #tpu.memory_space<hbm>>) target(%arg10 : memref<2000xi32, #tpu.memory_space<vmem>>) target_semaphore(%run_scoped3A_25 : memref<!tpu.dma_semaphore, #tpu.memory_space<semaphore_mem>>)
      %dma_wait3A = tpu.memref_slice %arg4[%add3A_6] : memref<320000xi32, #tpu.memory_space<hbm>> -> memref<2000xi32, #tpu.memory_space<hbm>>
      %dma_wait3A_27 = tpu.memref_slice %arg4[%add3A_6] : memref<320000xi32, #tpu.memory_space<hbm>> -> memref<2000xi32, #tpu.memory_space<hbm>>
      tpu.wait_dma2 semaphore(%run_scoped3A_25 : memref<!tpu.dma_semaphore, #tpu.memory_space<semaphore_mem>>) src(%dma_wait3A_27 : memref<2000xi32, #tpu.memory_space<hbm>>) dst(%arg10 : memref<2000xi32, #tpu.memory_space<vmem>>)
      tpu.yield
    }) : () -> ()
    "tpu.region"() ({
      %run_scoped3A_25 = tpu.sem_alloc : memref<!tpu.dma_semaphore, #tpu.memory_space<semaphore_mem>>
      %dma_start3A = tpu.memref_slice %arg3[%add3A_6] : memref<320000xi32, #tpu.memory_space<hbm>> -> memref<2000xi32, #tpu.memory_space<hbm>>
      %dma_start3A_26 = tpu.memref_slice %arg3[%add3A_6] : memref<320000xi32, #tpu.memory_space<hbm>> -> memref<2000xi32, #tpu.memory_space<hbm>>
      tpu.enqueue_dma source(%dma_start3A_26 : memref<2000xi32, #tpu.memory_space<hbm>>) target(%arg9 : memref<2000xi32, #tpu.memory_space<vmem>>) target_semaphore(%run_scoped3A_25 : memref<!tpu.dma_semaphore, #tpu.memory_space<semaphore_mem>>)
      %dma_wait3A = tpu.memref_slice %arg3[%add3A_6] : memref<320000xi32, #tpu.memory_space<hbm>> -> memref<2000xi32, #tpu.memory_space<hbm>>
      %dma_wait3A_27 = tpu.memref_slice %arg3[%add3A_6] : memref<320000xi32, #tpu.memory_space<hbm>> -> memref<2000xi32, #tpu.memory_space<hbm>>
      tpu.wait_dma2 semaphore(%run_scoped3A_25 : memref<!tpu.dma_semaphore, #tpu.memory_space<semaphore_mem>>) src(%dma_wait3A_27 : memref<2000xi32, #tpu.memory_space<hbm>>) dst(%arg9 : memref<2000xi32, #tpu.memory_space<vmem>>)
      tpu.yield
    }) : () -> ()
    "tpu.region"() ({
      %run_scoped3A_25 = tpu.sem_alloc : memref<!tpu.dma_semaphore, #tpu.memory_space<semaphore_mem>>
      %dma_start3A = arith.constant 0 : i32
      %dma_start3A_26 = tpu.memref_slice %arg2[%add3A_6, %dma_start3A] : memref<320000x16xf32, #tpu.memory_space<hbm>> -> memref<2000x16xf32, #tpu.memory_space<hbm>>
      %dma_start3A_27 = arith.constant 0 : i32
      %dma_start3A_28 = tpu.memref_slice %arg2[%add3A_6, %dma_start3A_27] : memref<320000x16xf32, #tpu.memory_space<hbm>> -> memref<2000x16xf32, #tpu.memory_space<hbm>>
      tpu.enqueue_dma source(%dma_start3A_28 : memref<2000x16xf32, #tpu.memory_space<hbm>>) target(%arg11 : memref<2000x16xf32, #tpu.memory_space<vmem>>) target_semaphore(%run_scoped3A_25 : memref<!tpu.dma_semaphore, #tpu.memory_space<semaphore_mem>>)
      %dma_wait3A = arith.constant 0 : i32
      %dma_wait3A_29 = tpu.memref_slice %arg2[%add3A_6, %dma_wait3A] : memref<320000x16xf32, #tpu.memory_space<hbm>> -> memref<2000x16xf32, #tpu.memory_space<hbm>>
      %dma_wait3A_30 = arith.constant 0 : i32
      %dma_wait3A_31 = tpu.memref_slice %arg2[%add3A_6, %dma_wait3A_30] : memref<320000x16xf32, #tpu.memory_space<hbm>> -> memref<2000x16xf32, #tpu.memory_space<hbm>>
      tpu.wait_dma2 semaphore(%run_scoped3A_25 : memref<!tpu.dma_semaphore, #tpu.memory_space<semaphore_mem>>) src(%dma_wait3A_31 : memref<2000x16xf32, #tpu.memory_space<hbm>>) dst(%arg11 : memref<2000x16xf32, #tpu.memory_space<vmem>>)
      tpu.yield
    }) : () -> ()
    "tpu.region"() ({
      %run_scoped3A_25 = tpu.sem_alloc : memref<!tpu.dma_semaphore, #tpu.memory_space<semaphore_mem>>
      %dma_start3A = arith.constant 0 : i32
      %dma_start3A_26 = arith.constant 0 : i32
      %dma_start3A_27 = tpu.memref_slice %arg7[%dma_start3A, %dma_start3A_26] : memref<10000x16xf32, #tpu.memory_space<vmem_shared>> -> memref<10000x16xf32, #tpu.memory_space<vmem_shared>>
      tpu.enqueue_indirect_dma source(%arg11 : memref<2000x16xf32, #tpu.memory_space<vmem>>) target(%dma_start3A_27 : memref<10000x16xf32, #tpu.memory_space<vmem_shared>>) offsets(%arg10 : memref<2000xi32, #tpu.memory_space<vmem>>) semaphore(%run_scoped3A_25 : memref<!tpu.dma_semaphore, #tpu.memory_space<semaphore_mem>>) {add = true}
      %dma_wait3A = arith.constant 0 : i32
      %dma_wait3A_28 = arith.constant 0 : i32
      %dma_wait3A_29 = tpu.memref_slice %arg7[%dma_wait3A, %dma_wait3A_28] : memref<10000x16xf32, #tpu.memory_space<vmem_shared>> -> memref<10000x16xf32, #tpu.memory_space<vmem_shared>>
      tpu.wait_indirect_dma semaphore(%run_scoped3A_25 : memref<!tpu.dma_semaphore, #tpu.memory_space<semaphore_mem>>) src(%arg11 : memref<2000x16xf32, #tpu.memory_space<vmem>>) dst(%dma_wait3A_29 : memref<10000x16xf32, #tpu.memory_space<vmem_shared>>)
      tpu.yield
    }) : () -> ()
    "tpu.region"() ({
      %run_scoped3A_25 = tpu.sem_alloc : memref<!tpu.dma_semaphore, #tpu.memory_space<semaphore_mem>>
      %dma_start3A = arith.constant 0 : i32
      %dma_start3A_26 = arith.constant 0 : i32
      %dma_start3A_27 = tpu.memref_slice %arg8[%dma_start3A, %dma_start3A_26] : memref<10000x16xf32, #tpu.memory_space<vmem_shared>> -> memref<10000x16xf32, #tpu.memory_space<vmem_shared>>
      tpu.enqueue_indirect_dma source(%arg11 : memref<2000x16xf32, #tpu.memory_space<vmem>>) target(%dma_start3A_27 : memref<10000x16xf32, #tpu.memory_space<vmem_shared>>) offsets(%arg9 : memref<2000xi32, #tpu.memory_space<vmem>>) semaphore(%run_scoped3A_25 : memref<!tpu.dma_semaphore, #tpu.memory_space<semaphore_mem>>) {add = true}
      %dma_wait3A = arith.constant 0 : i32
      %dma_wait3A_28 = arith.constant 0 : i32
      %dma_wait3A_29 = tpu.memref_slice %arg8[%dma_wait3A, %dma_wait3A_28] : memref<10000x16xf32, #tpu.memory_space<vmem_shared>> -> memref<10000x16xf32, #tpu.memory_space<vmem_shared>>
      tpu.wait_indirect_dma semaphore(%run_scoped3A_25 : memref<!tpu.dma_semaphore, #tpu.memory_space<semaphore_mem>>) src(%arg11 : memref<2000x16xf32, #tpu.memory_space<vmem>>) dst(%dma_wait3A_29 : memref<10000x16xf32, #tpu.memory_space<vmem_shared>>)
      tpu.yield
    }) : () -> ()
    %mul3A_7 = arith.constant 10000 : i32
    %mul3A_8 = arith.muli %add3A, %mul3A_7 : i32
    %add3A_9 = arith.constant 2000 : i32
    %add3A_10 = arith.addi %mul3A_8, %add3A_9 : i32
    "tpu.region"() ({
      %run_scoped3A_25 = tpu.sem_alloc : memref<!tpu.dma_semaphore, #tpu.memory_space<semaphore_mem>>
      %dma_start3A = tpu.memref_slice %arg4[%add3A_10] : memref<320000xi32, #tpu.memory_space<hbm>> -> memref<2000xi32, #tpu.memory_space<hbm>>
      %dma_start3A_26 = tpu.memref_slice %arg4[%add3A_10] : memref<320000xi32, #tpu.memory_space<hbm>> -> memref<2000xi32, #tpu.memory_space<hbm>>
      tpu.enqueue_dma source(%dma_start3A_26 : memref<2000xi32, #tpu.memory_space<hbm>>) target(%arg10 : memref<2000xi32, #tpu.memory_space<vmem>>) target_semaphore(%run_scoped3A_25 : memref<!tpu.dma_semaphore, #tpu.memory_space<semaphore_mem>>)
      %dma_wait3A = tpu.memref_slice %arg4[%add3A_10] : memref<320000xi32, #tpu.memory_space<hbm>> -> memref<2000xi32, #tpu.memory_space<hbm>>
      %dma_wait3A_27 = tpu.memref_slice %arg4[%add3A_10] : memref<320000xi32, #tpu.memory_space<hbm>> -> memref<2000xi32, #tpu.memory_space<hbm>>
      tpu.wait_dma2 semaphore(%run_scoped3A_25 : memref<!tpu.dma_semaphore, #tpu.memory_space<semaphore_mem>>) src(%dma_wait3A_27 : memref<2000xi32, #tpu.memory_space<hbm>>) dst(%arg10 : memref<2000xi32, #tpu.memory_space<vmem>>)
      tpu.yield
    }) : () -> ()
    "tpu.region"() ({
      %run_scoped3A_25 = tpu.sem_alloc : memref<!tpu.dma_semaphore, #tpu.memory_space<semaphore_mem>>
      %dma_start3A = tpu.memref_slice %arg3[%add3A_10] : memref<320000xi32, #tpu.memory_space<hbm>> -> memref<2000xi32, #tpu.memory_space<hbm>>
      %dma_start3A_26 = tpu.memref_slice %arg3[%add3A_10] : memref<320000xi32, #tpu.memory_space<hbm>> -> memref<2000xi32, #tpu.memory_space<hbm>>
      tpu.enqueue_dma source(%dma_start3A_26 : memref<2000xi32, #tpu.memory_space<hbm>>) target(%arg9 : memref<2000xi32, #tpu.memory_space<vmem>>) target_semaphore(%run_scoped3A_25 : memref<!tpu.dma_semaphore, #tpu.memory_space<semaphore_mem>>)
      %dma_wait3A = tpu.memref_slice %arg3[%add3A_10] : memref<320000xi32, #tpu.memory_space<hbm>> -> memref<2000xi32, #tpu.memory_space<hbm>>
      %dma_wait3A_27 = tpu.memref_slice %arg3[%add3A_10] : memref<320000xi32, #tpu.memory_space<hbm>> -> memref<2000xi32, #tpu.memory_space<hbm>>
      tpu.wait_dma2 semaphore(%run_scoped3A_25 : memref<!tpu.dma_semaphore, #tpu.memory_space<semaphore_mem>>) src(%dma_wait3A_27 : memref<2000xi32, #tpu.memory_space<hbm>>) dst(%arg9 : memref<2000xi32, #tpu.memory_space<vmem>>)
      tpu.yield
    }) : () -> ()
    "tpu.region"() ({
      %run_scoped3A_25 = tpu.sem_alloc : memref<!tpu.dma_semaphore, #tpu.memory_space<semaphore_mem>>
      %dma_start3A = arith.constant 0 : i32
      %dma_start3A_26 = tpu.memref_slice %arg2[%add3A_10, %dma_start3A] : memref<320000x16xf32, #tpu.memory_space<hbm>> -> memref<2000x16xf32, #tpu.memory_space<hbm>>
      %dma_start3A_27 = arith.constant 0 : i32
      %dma_start3A_28 = tpu.memref_slice %arg2[%add3A_10, %dma_start3A_27] : memref<320000x16xf32, #tpu.memory_space<hbm>> -> memref<2000x16xf32, #tpu.memory_space<hbm>>
      tpu.enqueue_dma source(%dma_start3A_28 : memref<2000x16xf32, #tpu.memory_space<hbm>>) target(%arg11 : memref<2000x16xf32, #tpu.memory_space<vmem>>) target_semaphore(%run_scoped3A_25 : memref<!tpu.dma_semaphore, #tpu.memory_space<semaphore_mem>>)
      %dma_wait3A = arith.constant 0 : i32
      %dma_wait3A_29 = tpu.memref_slice %arg2[%add3A_10, %dma_wait3A] : memref<320000x16xf32, #tpu.memory_space<hbm>> -> memref<2000x16xf32, #tpu.memory_space<hbm>>
      %dma_wait3A_30 = arith.constant 0 : i32
      %dma_wait3A_31 = tpu.memref_slice %arg2[%add3A_10, %dma_wait3A_30] : memref<320000x16xf32, #tpu.memory_space<hbm>> -> memref<2000x16xf32, #tpu.memory_space<hbm>>
      tpu.wait_dma2 semaphore(%run_scoped3A_25 : memref<!tpu.dma_semaphore, #tpu.memory_space<semaphore_mem>>) src(%dma_wait3A_31 : memref<2000x16xf32, #tpu.memory_space<hbm>>) dst(%arg11 : memref<2000x16xf32, #tpu.memory_space<vmem>>)
      tpu.yield
    }) : () -> ()
    "tpu.region"() ({
      %run_scoped3A_25 = tpu.sem_alloc : memref<!tpu.dma_semaphore, #tpu.memory_space<semaphore_mem>>
      %dma_start3A = arith.constant 0 : i32
      %dma_start3A_26 = arith.constant 0 : i32
      %dma_start3A_27 = tpu.memref_slice %arg7[%dma_start3A, %dma_start3A_26] : memref<10000x16xf32, #tpu.memory_space<vmem_shared>> -> memref<10000x16xf32, #tpu.memory_space<vmem_shared>>
      tpu.enqueue_indirect_dma source(%arg11 : memref<2000x16xf32, #tpu.memory_space<vmem>>) target(%dma_start3A_27 : memref<10000x16xf32, #tpu.memory_space<vmem_shared>>) offsets(%arg10 : memref<2000xi32, #tpu.memory_space<vmem>>) semaphore(%run_scoped3A_25 : memref<!tpu.dma_semaphore, #tpu.memory_space<semaphore_mem>>) {add = true}
      %dma_wait3A = arith.constant 0 : i32
      %dma_wait3A_28 = arith.constant 0 : i32
      %dma_wait3A_29 = tpu.memref_slice %arg7[%dma_wait3A, %dma_wait3A_28] : memref<10000x16xf32, #tpu.memory_space<vmem_shared>> -> memref<10000x16xf32, #tpu.memory_space<vmem_shared>>
      tpu.wait_indirect_dma semaphore(%run_scoped3A_25 : memref<!tpu.dma_semaphore, #tpu.memory_space<semaphore_mem>>) src(%arg11 : memref<2000x16xf32, #tpu.memory_space<vmem>>) dst(%dma_wait3A_29 : memref<10000x16xf32, #tpu.memory_space<vmem_shared>>)
      tpu.yield
    }) : () -> ()
    "tpu.region"() ({
      %run_scoped3A_25 = tpu.sem_alloc : memref<!tpu.dma_semaphore, #tpu.memory_space<semaphore_mem>>
      %dma_start3A = arith.constant 0 : i32
      %dma_start3A_26 = arith.constant 0 : i32
      %dma_start3A_27 = tpu.memref_slice %arg8[%dma_start3A, %dma_start3A_26] : memref<10000x16xf32, #tpu.memory_space<vmem_shared>> -> memref<10000x16xf32, #tpu.memory_space<vmem_shared>>
      tpu.enqueue_indirect_dma source(%arg11 : memref<2000x16xf32, #tpu.memory_space<vmem>>) target(%dma_start3A_27 : memref<10000x16xf32, #tpu.memory_space<vmem_shared>>) offsets(%arg9 : memref<2000xi32, #tpu.memory_space<vmem>>) semaphore(%run_scoped3A_25 : memref<!tpu.dma_semaphore, #tpu.memory_space<semaphore_mem>>) {add = true}
      %dma_wait3A = arith.constant 0 : i32
      %dma_wait3A_28 = arith.constant 0 : i32
      %dma_wait3A_29 = tpu.memref_slice %arg8[%dma_wait3A, %dma_wait3A_28] : memref<10000x16xf32, #tpu.memory_space<vmem_shared>> -> memref<10000x16xf32, #tpu.memory_space<vmem_shared>>
      tpu.wait_indirect_dma semaphore(%run_scoped3A_25 : memref<!tpu.dma_semaphore, #tpu.memory_space<semaphore_mem>>) src(%arg11 : memref<2000x16xf32, #tpu.memory_space<vmem>>) dst(%dma_wait3A_29 : memref<10000x16xf32, #tpu.memory_space<vmem_shared>>)
      tpu.yield
    }) : () -> ()
    %mul3A_11 = arith.constant 10000 : i32
    %mul3A_12 = arith.muli %add3A, %mul3A_11 : i32
    %add3A_13 = arith.constant 4000 : i32
    %add3A_14 = arith.addi %mul3A_12, %add3A_13 : i32
    "tpu.region"() ({
      %run_scoped3A_25 = tpu.sem_alloc : memref<!tpu.dma_semaphore, #tpu.memory_space<semaphore_mem>>
      %dma_start3A = tpu.memref_slice %arg4[%add3A_14] : memref<320000xi32, #tpu.memory_space<hbm>> -> memref<2000xi32, #tpu.memory_space<hbm>>
      %dma_start3A_26 = tpu.memref_slice %arg4[%add3A_14] : memref<320000xi32, #tpu.memory_space<hbm>> -> memref<2000xi32, #tpu.memory_space<hbm>>
      tpu.enqueue_dma source(%dma_start3A_26 : memref<2000xi32, #tpu.memory_space<hbm>>) target(%arg10 : memref<2000xi32, #tpu.memory_space<vmem>>) target_semaphore(%run_scoped3A_25 : memref<!tpu.dma_semaphore, #tpu.memory_space<semaphore_mem>>)
      %dma_wait3A = tpu.memref_slice %arg4[%add3A_14] : memref<320000xi32, #tpu.memory_space<hbm>> -> memref<2000xi32, #tpu.memory_space<hbm>>
      %dma_wait3A_27 = tpu.memref_slice %arg4[%add3A_14] : memref<320000xi32, #tpu.memory_space<hbm>> -> memref<2000xi32, #tpu.memory_space<hbm>>
      tpu.wait_dma2 semaphore(%run_scoped3A_25 : memref<!tpu.dma_semaphore, #tpu.memory_space<semaphore_mem>>) src(%dma_wait3A_27 : memref<2000xi32, #tpu.memory_space<hbm>>) dst(%arg10 : memref<2000xi32, #tpu.memory_space<vmem>>)
      tpu.yield
    }) : () -> ()
    "tpu.region"() ({
      %run_scoped3A_25 = tpu.sem_alloc : memref<!tpu.dma_semaphore, #tpu.memory_space<semaphore_mem>>
      %dma_start3A = tpu.memref_slice %arg3[%add3A_14] : memref<320000xi32, #tpu.memory_space<hbm>> -> memref<2000xi32, #tpu.memory_space<hbm>>
      %dma_start3A_26 = tpu.memref_slice %arg3[%add3A_14] : memref<320000xi32, #tpu.memory_space<hbm>> -> memref<2000xi32, #tpu.memory_space<hbm>>
      tpu.enqueue_dma source(%dma_start3A_26 : memref<2000xi32, #tpu.memory_space<hbm>>) target(%arg9 : memref<2000xi32, #tpu.memory_space<vmem>>) target_semaphore(%run_scoped3A_25 : memref<!tpu.dma_semaphore, #tpu.memory_space<semaphore_mem>>)
      %dma_wait3A = tpu.memref_slice %arg3[%add3A_14] : memref<320000xi32, #tpu.memory_space<hbm>> -> memref<2000xi32, #tpu.memory_space<hbm>>
      %dma_wait3A_27 = tpu.memref_slice %arg3[%add3A_14] : memref<320000xi32, #tpu.memory_space<hbm>> -> memref<2000xi32, #tpu.memory_space<hbm>>
      tpu.wait_dma2 semaphore(%run_scoped3A_25 : memref<!tpu.dma_semaphore, #tpu.memory_space<semaphore_mem>>) src(%dma_wait3A_27 : memref<2000xi32, #tpu.memory_space<hbm>>) dst(%arg9 : memref<2000xi32, #tpu.memory_space<vmem>>)
      tpu.yield
    }) : () -> ()
    "tpu.region"() ({
      %run_scoped3A_25 = tpu.sem_alloc : memref<!tpu.dma_semaphore, #tpu.memory_space<semaphore_mem>>
      %dma_start3A = arith.constant 0 : i32
      %dma_start3A_26 = tpu.memref_slice %arg2[%add3A_14, %dma_start3A] : memref<320000x16xf32, #tpu.memory_space<hbm>> -> memref<2000x16xf32, #tpu.memory_space<hbm>>
      %dma_start3A_27 = arith.constant 0 : i32
      %dma_start3A_28 = tpu.memref_slice %arg2[%add3A_14, %dma_start3A_27] : memref<320000x16xf32, #tpu.memory_space<hbm>> -> memref<2000x16xf32, #tpu.memory_space<hbm>>
      tpu.enqueue_dma source(%dma_start3A_28 : memref<2000x16xf32, #tpu.memory_space<hbm>>) target(%arg11 : memref<2000x16xf32, #tpu.memory_space<vmem>>) target_semaphore(%run_scoped3A_25 : memref<!tpu.dma_semaphore, #tpu.memory_space<semaphore_mem>>)
      %dma_wait3A = arith.constant 0 : i32
      %dma_wait3A_29 = tpu.memref_slice %arg2[%add3A_14, %dma_wait3A] : memref<320000x16xf32, #tpu.memory_space<hbm>> -> memref<2000x16xf32, #tpu.memory_space<hbm>>
      %dma_wait3A_30 = arith.constant 0 : i32
      %dma_wait3A_31 = tpu.memref_slice %arg2[%add3A_14, %dma_wait3A_30] : memref<320000x16xf32, #tpu.memory_space<hbm>> -> memref<2000x16xf32, #tpu.memory_space<hbm>>
      tpu.wait_dma2 semaphore(%run_scoped3A_25 : memref<!tpu.dma_semaphore, #tpu.memory_space<semaphore_mem>>) src(%dma_wait3A_31 : memref<2000x16xf32, #tpu.memory_space<hbm>>) dst(%arg11 : memref<2000x16xf32, #tpu.memory_space<vmem>>)
      tpu.yield
    }) : () -> ()
    "tpu.region"() ({
      %run_scoped3A_25 = tpu.sem_alloc : memref<!tpu.dma_semaphore, #tpu.memory_space<semaphore_mem>>
      %dma_start3A = arith.constant 0 : i32
      %dma_start3A_26 = arith.constant 0 : i32
      %dma_start3A_27 = tpu.memref_slice %arg7[%dma_start3A, %dma_start3A_26] : memref<10000x16xf32, #tpu.memory_space<vmem_shared>> -> memref<10000x16xf32, #tpu.memory_space<vmem_shared>>
      tpu.enqueue_indirect_dma source(%arg11 : memref<2000x16xf32, #tpu.memory_space<vmem>>) target(%dma_start3A_27 : memref<10000x16xf32, #tpu.memory_space<vmem_shared>>) offsets(%arg10 : memref<2000xi32, #tpu.memory_space<vmem>>) semaphore(%run_scoped3A_25 : memref<!tpu.dma_semaphore, #tpu.memory_space<semaphore_mem>>) {add = true}
      %dma_wait3A = arith.constant 0 : i32
      %dma_wait3A_28 = arith.constant 0 : i32
      %dma_wait3A_29 = tpu.memref_slice %arg7[%dma_wait3A, %dma_wait3A_28] : memref<10000x16xf32, #tpu.memory_space<vmem_shared>> -> memref<10000x16xf32, #tpu.memory_space<vmem_shared>>
      tpu.wait_indirect_dma semaphore(%run_scoped3A_25 : memref<!tpu.dma_semaphore, #tpu.memory_space<semaphore_mem>>) src(%arg11 : memref<2000x16xf32, #tpu.memory_space<vmem>>) dst(%dma_wait3A_29 : memref<10000x16xf32, #tpu.memory_space<vmem_shared>>)
      tpu.yield
    }) : () -> ()
    "tpu.region"() ({
      %run_scoped3A_25 = tpu.sem_alloc : memref<!tpu.dma_semaphore, #tpu.memory_space<semaphore_mem>>
      %dma_start3A = arith.constant 0 : i32
      %dma_start3A_26 = arith.constant 0 : i32
      %dma_start3A_27 = tpu.memref_slice %arg8[%dma_start3A, %dma_start3A_26] : memref<10000x16xf32, #tpu.memory_space<vmem_shared>> -> memref<10000x16xf32, #tpu.memory_space<vmem_shared>>
      tpu.enqueue_indirect_dma source(%arg11 : memref<2000x16xf32, #tpu.memory_space<vmem>>) target(%dma_start3A_27 : memref<10000x16xf32, #tpu.memory_space<vmem_shared>>) offsets(%arg9 : memref<2000xi32, #tpu.memory_space<vmem>>) semaphore(%run_scoped3A_25 : memref<!tpu.dma_semaphore, #tpu.memory_space<semaphore_mem>>) {add = true}
      %dma_wait3A = arith.constant 0 : i32
      %dma_wait3A_28 = arith.constant 0 : i32
      %dma_wait3A_29 = tpu.memref_slice %arg8[%dma_wait3A, %dma_wait3A_28] : memref<10000x16xf32, #tpu.memory_space<vmem_shared>> -> memref<10000x16xf32, #tpu.memory_space<vmem_shared>>
      tpu.wait_indirect_dma semaphore(%run_scoped3A_25 : memref<!tpu.dma_semaphore, #tpu.memory_space<semaphore_mem>>) src(%arg11 : memref<2000x16xf32, #tpu.memory_space<vmem>>) dst(%dma_wait3A_29 : memref<10000x16xf32, #tpu.memory_space<vmem_shared>>)
      tpu.yield
    }) : () -> ()
    %mul3A_15 = arith.constant 10000 : i32
    %mul3A_16 = arith.muli %add3A, %mul3A_15 : i32
    %add3A_17 = arith.constant 6000 : i32
    %add3A_18 = arith.addi %mul3A_16, %add3A_17 : i32
    "tpu.region"() ({
      %run_scoped3A_25 = tpu.sem_alloc : memref<!tpu.dma_semaphore, #tpu.memory_space<semaphore_mem>>
      %dma_start3A = tpu.memref_slice %arg4[%add3A_18] : memref<320000xi32, #tpu.memory_space<hbm>> -> memref<2000xi32, #tpu.memory_space<hbm>>
      %dma_start3A_26 = tpu.memref_slice %arg4[%add3A_18] : memref<320000xi32, #tpu.memory_space<hbm>> -> memref<2000xi32, #tpu.memory_space<hbm>>
      tpu.enqueue_dma source(%dma_start3A_26 : memref<2000xi32, #tpu.memory_space<hbm>>) target(%arg10 : memref<2000xi32, #tpu.memory_space<vmem>>) target_semaphore(%run_scoped3A_25 : memref<!tpu.dma_semaphore, #tpu.memory_space<semaphore_mem>>)
      %dma_wait3A = tpu.memref_slice %arg4[%add3A_18] : memref<320000xi32, #tpu.memory_space<hbm>> -> memref<2000xi32, #tpu.memory_space<hbm>>
      %dma_wait3A_27 = tpu.memref_slice %arg4[%add3A_18] : memref<320000xi32, #tpu.memory_space<hbm>> -> memref<2000xi32, #tpu.memory_space<hbm>>
      tpu.wait_dma2 semaphore(%run_scoped3A_25 : memref<!tpu.dma_semaphore, #tpu.memory_space<semaphore_mem>>) src(%dma_wait3A_27 : memref<2000xi32, #tpu.memory_space<hbm>>) dst(%arg10 : memref<2000xi32, #tpu.memory_space<vmem>>)
      tpu.yield
    }) : () -> ()
    "tpu.region"() ({
      %run_scoped3A_25 = tpu.sem_alloc : memref<!tpu.dma_semaphore, #tpu.memory_space<semaphore_mem>>
      %dma_start3A = tpu.memref_slice %arg3[%add3A_18] : memref<320000xi32, #tpu.memory_space<hbm>> -> memref<2000xi32, #tpu.memory_space<hbm>>
      %dma_start3A_26 = tpu.memref_slice %arg3[%add3A_18] : memref<320000xi32, #tpu.memory_space<hbm>> -> memref<2000xi32, #tpu.memory_space<hbm>>
      tpu.enqueue_dma source(%dma_start3A_26 : memref<2000xi32, #tpu.memory_space<hbm>>) target(%arg9 : memref<2000xi32, #tpu.memory_space<vmem>>) target_semaphore(%run_scoped3A_25 : memref<!tpu.dma_semaphore, #tpu.memory_space<semaphore_mem>>)
      %dma_wait3A = tpu.memref_slice %arg3[%add3A_18] : memref<320000xi32, #tpu.memory_space<hbm>> -> memref<2000xi32, #tpu.memory_space<hbm>>
      %dma_wait3A_27 = tpu.memref_slice %arg3[%add3A_18] : memref<320000xi32, #tpu.memory_space<hbm>> -> memref<2000xi32, #tpu.memory_space<hbm>>
      tpu.wait_dma2 semaphore(%run_scoped3A_25 : memref<!tpu.dma_semaphore, #tpu.memory_space<semaphore_mem>>) src(%dma_wait3A_27 : memref<2000xi32, #tpu.memory_space<hbm>>) dst(%arg9 : memref<2000xi32, #tpu.memory_space<vmem>>)
      tpu.yield
    }) : () -> ()
    "tpu.region"() ({
      %run_scoped3A_25 = tpu.sem_alloc : memref<!tpu.dma_semaphore, #tpu.memory_space<semaphore_mem>>
      %dma_start3A = arith.constant 0 : i32
      %dma_start3A_26 = tpu.memref_slice %arg2[%add3A_18, %dma_start3A] : memref<320000x16xf32, #tpu.memory_space<hbm>> -> memref<2000x16xf32, #tpu.memory_space<hbm>>
      %dma_start3A_27 = arith.constant 0 : i32
      %dma_start3A_28 = tpu.memref_slice %arg2[%add3A_18, %dma_start3A_27] : memref<320000x16xf32, #tpu.memory_space<hbm>> -> memref<2000x16xf32, #tpu.memory_space<hbm>>
      tpu.enqueue_dma source(%dma_start3A_28 : memref<2000x16xf32, #tpu.memory_space<hbm>>) target(%arg11 : memref<2000x16xf32, #tpu.memory_space<vmem>>) target_semaphore(%run_scoped3A_25 : memref<!tpu.dma_semaphore, #tpu.memory_space<semaphore_mem>>)
      %dma_wait3A = arith.constant 0 : i32
      %dma_wait3A_29 = tpu.memref_slice %arg2[%add3A_18, %dma_wait3A] : memref<320000x16xf32, #tpu.memory_space<hbm>> -> memref<2000x16xf32, #tpu.memory_space<hbm>>
      %dma_wait3A_30 = arith.constant 0 : i32
      %dma_wait3A_31 = tpu.memref_slice %arg2[%add3A_18, %dma_wait3A_30] : memref<320000x16xf32, #tpu.memory_space<hbm>> -> memref<2000x16xf32, #tpu.memory_space<hbm>>
      tpu.wait_dma2 semaphore(%run_scoped3A_25 : memref<!tpu.dma_semaphore, #tpu.memory_space<semaphore_mem>>) src(%dma_wait3A_31 : memref<2000x16xf32, #tpu.memory_space<hbm>>) dst(%arg11 : memref<2000x16xf32, #tpu.memory_space<vmem>>)
      tpu.yield
    }) : () -> ()
    "tpu.region"() ({
      %run_scoped3A_25 = tpu.sem_alloc : memref<!tpu.dma_semaphore, #tpu.memory_space<semaphore_mem>>
      %dma_start3A = arith.constant 0 : i32
      %dma_start3A_26 = arith.constant 0 : i32
      %dma_start3A_27 = tpu.memref_slice %arg7[%dma_start3A, %dma_start3A_26] : memref<10000x16xf32, #tpu.memory_space<vmem_shared>> -> memref<10000x16xf32, #tpu.memory_space<vmem_shared>>
      tpu.enqueue_indirect_dma source(%arg11 : memref<2000x16xf32, #tpu.memory_space<vmem>>) target(%dma_start3A_27 : memref<10000x16xf32, #tpu.memory_space<vmem_shared>>) offsets(%arg10 : memref<2000xi32, #tpu.memory_space<vmem>>) semaphore(%run_scoped3A_25 : memref<!tpu.dma_semaphore, #tpu.memory_space<semaphore_mem>>) {add = true}
      %dma_wait3A = arith.constant 0 : i32
      %dma_wait3A_28 = arith.constant 0 : i32
      %dma_wait3A_29 = tpu.memref_slice %arg7[%dma_wait3A, %dma_wait3A_28] : memref<10000x16xf32, #tpu.memory_space<vmem_shared>> -> memref<10000x16xf32, #tpu.memory_space<vmem_shared>>
      tpu.wait_indirect_dma semaphore(%run_scoped3A_25 : memref<!tpu.dma_semaphore, #tpu.memory_space<semaphore_mem>>) src(%arg11 : memref<2000x16xf32, #tpu.memory_space<vmem>>) dst(%dma_wait3A_29 : memref<10000x16xf32, #tpu.memory_space<vmem_shared>>)
      tpu.yield
    }) : () -> ()
    "tpu.region"() ({
      %run_scoped3A_25 = tpu.sem_alloc : memref<!tpu.dma_semaphore, #tpu.memory_space<semaphore_mem>>
      %dma_start3A = arith.constant 0 : i32
      %dma_start3A_26 = arith.constant 0 : i32
      %dma_start3A_27 = tpu.memref_slice %arg8[%dma_start3A, %dma_start3A_26] : memref<10000x16xf32, #tpu.memory_space<vmem_shared>> -> memref<10000x16xf32, #tpu.memory_space<vmem_shared>>
      tpu.enqueue_indirect_dma source(%arg11 : memref<2000x16xf32, #tpu.memory_space<vmem>>) target(%dma_start3A_27 : memref<10000x16xf32, #tpu.memory_space<vmem_shared>>) offsets(%arg9 : memref<2000xi32, #tpu.memory_space<vmem>>) semaphore(%run_scoped3A_25 : memref<!tpu.dma_semaphore, #tpu.memory_space<semaphore_mem>>) {add = true}
      %dma_wait3A = arith.constant 0 : i32
      %dma_wait3A_28 = arith.constant 0 : i32
      %dma_wait3A_29 = tpu.memref_slice %arg8[%dma_wait3A, %dma_wait3A_28] : memref<10000x16xf32, #tpu.memory_space<vmem_shared>> -> memref<10000x16xf32, #tpu.memory_space<vmem_shared>>
      tpu.wait_indirect_dma semaphore(%run_scoped3A_25 : memref<!tpu.dma_semaphore, #tpu.memory_space<semaphore_mem>>) src(%arg11 : memref<2000x16xf32, #tpu.memory_space<vmem>>) dst(%dma_wait3A_29 : memref<10000x16xf32, #tpu.memory_space<vmem_shared>>)
      tpu.yield
    }) : () -> ()
    %mul3A_19 = arith.constant 10000 : i32
    %mul3A_20 = arith.muli %add3A, %mul3A_19 : i32
    %add3A_21 = arith.constant 8000 : i32
    %add3A_22 = arith.addi %mul3A_20, %add3A_21 : i32
    "tpu.region"() ({
      %run_scoped3A_25 = tpu.sem_alloc : memref<!tpu.dma_semaphore, #tpu.memory_space<semaphore_mem>>
      %dma_start3A = tpu.memref_slice %arg4[%add3A_22] : memref<320000xi32, #tpu.memory_space<hbm>> -> memref<2000xi32, #tpu.memory_space<hbm>>
      %dma_start3A_26 = tpu.memref_slice %arg4[%add3A_22] : memref<320000xi32, #tpu.memory_space<hbm>> -> memref<2000xi32, #tpu.memory_space<hbm>>
      tpu.enqueue_dma source(%dma_start3A_26 : memref<2000xi32, #tpu.memory_space<hbm>>) target(%arg10 : memref<2000xi32, #tpu.memory_space<vmem>>) target_semaphore(%run_scoped3A_25 : memref<!tpu.dma_semaphore, #tpu.memory_space<semaphore_mem>>)
      %dma_wait3A = tpu.memref_slice %arg4[%add3A_22] : memref<320000xi32, #tpu.memory_space<hbm>> -> memref<2000xi32, #tpu.memory_space<hbm>>
      %dma_wait3A_27 = tpu.memref_slice %arg4[%add3A_22] : memref<320000xi32, #tpu.memory_space<hbm>> -> memref<2000xi32, #tpu.memory_space<hbm>>
      tpu.wait_dma2 semaphore(%run_scoped3A_25 : memref<!tpu.dma_semaphore, #tpu.memory_space<semaphore_mem>>) src(%dma_wait3A_27 : memref<2000xi32, #tpu.memory_space<hbm>>) dst(%arg10 : memref<2000xi32, #tpu.memory_space<vmem>>)
      tpu.yield
    }) : () -> ()
    "tpu.region"() ({
      %run_scoped3A_25 = tpu.sem_alloc : memref<!tpu.dma_semaphore, #tpu.memory_space<semaphore_mem>>
      %dma_start3A = tpu.memref_slice %arg3[%add3A_22] : memref<320000xi32, #tpu.memory_space<hbm>> -> memref<2000xi32, #tpu.memory_space<hbm>>
      %dma_start3A_26 = tpu.memref_slice %arg3[%add3A_22] : memref<320000xi32, #tpu.memory_space<hbm>> -> memref<2000xi32, #tpu.memory_space<hbm>>
      tpu.enqueue_dma source(%dma_start3A_26 : memref<2000xi32, #tpu.memory_space<hbm>>) target(%arg9 : memref<2000xi32, #tpu.memory_space<vmem>>) target_semaphore(%run_scoped3A_25 : memref<!tpu.dma_semaphore, #tpu.memory_space<semaphore_mem>>)
      %dma_wait3A = tpu.memref_slice %arg3[%add3A_22] : memref<320000xi32, #tpu.memory_space<hbm>> -> memref<2000xi32, #tpu.memory_space<hbm>>
      %dma_wait3A_27 = tpu.memref_slice %arg3[%add3A_22] : memref<320000xi32, #tpu.memory_space<hbm>> -> memref<2000xi32, #tpu.memory_space<hbm>>
      tpu.wait_dma2 semaphore(%run_scoped3A_25 : memref<!tpu.dma_semaphore, #tpu.memory_space<semaphore_mem>>) src(%dma_wait3A_27 : memref<2000xi32, #tpu.memory_space<hbm>>) dst(%arg9 : memref<2000xi32, #tpu.memory_space<vmem>>)
      tpu.yield
    }) : () -> ()
    "tpu.region"() ({
      %run_scoped3A_25 = tpu.sem_alloc : memref<!tpu.dma_semaphore, #tpu.memory_space<semaphore_mem>>
      %dma_start3A = arith.constant 0 : i32
      %dma_start3A_26 = tpu.memref_slice %arg2[%add3A_22, %dma_start3A] : memref<320000x16xf32, #tpu.memory_space<hbm>> -> memref<2000x16xf32, #tpu.memory_space<hbm>>
      %dma_start3A_27 = arith.constant 0 : i32
      %dma_start3A_28 = tpu.memref_slice %arg2[%add3A_22, %dma_start3A_27] : memref<320000x16xf32, #tpu.memory_space<hbm>> -> memref<2000x16xf32, #tpu.memory_space<hbm>>
      tpu.enqueue_dma source(%dma_start3A_28 : memref<2000x16xf32, #tpu.memory_space<hbm>>) target(%arg11 : memref<2000x16xf32, #tpu.memory_space<vmem>>) target_semaphore(%run_scoped3A_25 : memref<!tpu.dma_semaphore, #tpu.memory_space<semaphore_mem>>)
      %dma_wait3A = arith.constant 0 : i32
      %dma_wait3A_29 = tpu.memref_slice %arg2[%add3A_22, %dma_wait3A] : memref<320000x16xf32, #tpu.memory_space<hbm>> -> memref<2000x16xf32, #tpu.memory_space<hbm>>
      %dma_wait3A_30 = arith.constant 0 : i32
      %dma_wait3A_31 = tpu.memref_slice %arg2[%add3A_22, %dma_wait3A_30] : memref<320000x16xf32, #tpu.memory_space<hbm>> -> memref<2000x16xf32, #tpu.memory_space<hbm>>
      tpu.wait_dma2 semaphore(%run_scoped3A_25 : memref<!tpu.dma_semaphore, #tpu.memory_space<semaphore_mem>>) src(%dma_wait3A_31 : memref<2000x16xf32, #tpu.memory_space<hbm>>) dst(%arg11 : memref<2000x16xf32, #tpu.memory_space<vmem>>)
      tpu.yield
    }) : () -> ()
    "tpu.region"() ({
      %run_scoped3A_25 = tpu.sem_alloc : memref<!tpu.dma_semaphore, #tpu.memory_space<semaphore_mem>>
      %dma_start3A = arith.constant 0 : i32
      %dma_start3A_26 = arith.constant 0 : i32
      %dma_start3A_27 = tpu.memref_slice %arg7[%dma_start3A, %dma_start3A_26] : memref<10000x16xf32, #tpu.memory_space<vmem_shared>> -> memref<10000x16xf32, #tpu.memory_space<vmem_shared>>
      tpu.enqueue_indirect_dma source(%arg11 : memref<2000x16xf32, #tpu.memory_space<vmem>>) target(%dma_start3A_27 : memref<10000x16xf32, #tpu.memory_space<vmem_shared>>) offsets(%arg10 : memref<2000xi32, #tpu.memory_space<vmem>>) semaphore(%run_scoped3A_25 : memref<!tpu.dma_semaphore, #tpu.memory_space<semaphore_mem>>) {add = true}
      %dma_wait3A = arith.constant 0 : i32
      %dma_wait3A_28 = arith.constant 0 : i32
      %dma_wait3A_29 = tpu.memref_slice %arg7[%dma_wait3A, %dma_wait3A_28] : memref<10000x16xf32, #tpu.memory_space<vmem_shared>> -> memref<10000x16xf32, #tpu.memory_space<vmem_shared>>
      tpu.wait_indirect_dma semaphore(%run_scoped3A_25 : memref<!tpu.dma_semaphore, #tpu.memory_space<semaphore_mem>>) src(%arg11 : memref<2000x16xf32, #tpu.memory_space<vmem>>) dst(%dma_wait3A_29 : memref<10000x16xf32, #tpu.memory_space<vmem_shared>>)
      tpu.yield
    }) : () -> ()
    "tpu.region"() ({
      %run_scoped3A_25 = tpu.sem_alloc : memref<!tpu.dma_semaphore, #tpu.memory_space<semaphore_mem>>
      %dma_start3A = arith.constant 0 : i32
      %dma_start3A_26 = arith.constant 0 : i32
      %dma_start3A_27 = tpu.memref_slice %arg8[%dma_start3A, %dma_start3A_26] : memref<10000x16xf32, #tpu.memory_space<vmem_shared>> -> memref<10000x16xf32, #tpu.memory_space<vmem_shared>>
      tpu.enqueue_indirect_dma source(%arg11 : memref<2000x16xf32, #tpu.memory_space<vmem>>) target(%dma_start3A_27 : memref<10000x16xf32, #tpu.memory_space<vmem_shared>>) offsets(%arg9 : memref<2000xi32, #tpu.memory_space<vmem>>) semaphore(%run_scoped3A_25 : memref<!tpu.dma_semaphore, #tpu.memory_space<semaphore_mem>>) {add = true}
      %dma_wait3A = arith.constant 0 : i32
      %dma_wait3A_28 = arith.constant 0 : i32
      %dma_wait3A_29 = tpu.memref_slice %arg8[%dma_wait3A, %dma_wait3A_28] : memref<10000x16xf32, #tpu.memory_space<vmem_shared>> -> memref<10000x16xf32, #tpu.memory_space<vmem_shared>>
      tpu.wait_indirect_dma semaphore(%run_scoped3A_25 : memref<!tpu.dma_semaphore, #tpu.memory_space<semaphore_mem>>) src(%arg11 : memref<2000x16xf32, #tpu.memory_space<vmem>>) dst(%dma_wait3A_29 : memref<10000x16xf32, #tpu.memory_space<vmem_shared>>)
      tpu.yield
    }) : () -> ()
    %barrier3A_23 = arith.constant 0 : index
    tpu.barrier barrier_id(%barrier3A_23)
    %run_scoped3A = arith.constant 0 : i32
    "tpu.region"() ({
      %run_scoped3A_25 = tpu.sem_alloc : memref<!tpu.dma_semaphore, #tpu.memory_space<semaphore_mem>>
      %dma_start3A = arith.constant 0 : i32
      %dma_start3A_26 = tpu.memref_slice %arg6[%arg0, %run_scoped3A, %mul3A_2, %dma_start3A] : memref<2x2x10000x16xf32, #tpu.memory_space<hbm>> -> memref<1x1x625x16xf32, #tpu.memory_space<hbm>>
      %dma_start3A_27 = tpu.memref_squeeze %dma_start3A_26 : memref<1x1x625x16xf32, #tpu.memory_space<hbm>> -> memref<625x16xf32, #tpu.memory_space<hbm>>
      %dma_start3A_28 = arith.constant 0 : i32
      %dma_start3A_29 = tpu.memref_slice %arg7[%mul3A_2, %dma_start3A_28] : memref<10000x16xf32, #tpu.memory_space<vmem_shared>> -> memref<625x16xf32, #tpu.memory_space<vmem_shared>>
      tpu.enqueue_dma source(%dma_start3A_29 : memref<625x16xf32, #tpu.memory_space<vmem_shared>>) target(%dma_start3A_27 : memref<625x16xf32, #tpu.memory_space<hbm>>) target_semaphore(%run_scoped3A_25 : memref<!tpu.dma_semaphore, #tpu.memory_space<semaphore_mem>>)
      %dma_wait3A = arith.constant 0 : i32
      %dma_wait3A_30 = tpu.memref_slice %arg6[%arg0, %run_scoped3A, %mul3A_2, %dma_wait3A] : memref<2x2x10000x16xf32, #tpu.memory_space<hbm>> -> memref<1x1x625x16xf32, #tpu.memory_space<hbm>>
      %dma_wait3A_31 = tpu.memref_squeeze %dma_wait3A_30 : memref<1x1x625x16xf32, #tpu.memory_space<hbm>> -> memref<625x16xf32, #tpu.memory_space<hbm>>
      %dma_wait3A_32 = arith.constant 0 : i32
      %dma_wait3A_33 = tpu.memref_slice %arg7[%mul3A_2, %dma_wait3A_32] : memref<10000x16xf32, #tpu.memory_space<vmem_shared>> -> memref<625x16xf32, #tpu.memory_space<vmem_shared>>
      tpu.wait_dma2 semaphore(%run_scoped3A_25 : memref<!tpu.dma_semaphore, #tpu.memory_space<semaphore_mem>>) src(%dma_wait3A_33 : memref<625x16xf32, #tpu.memory_space<vmem_shared>>) dst(%dma_wait3A_31 : memref<625x16xf32, #tpu.memory_space<hbm>>)
      tpu.yield
    }) : () -> ()
    %run_scoped3A_24 = arith.constant 1 : i32
    "tpu.region"() ({
      %run_scoped3A_25 = tpu.sem_alloc : memref<!tpu.dma_semaphore, #tpu.memory_space<semaphore_mem>>
      %dma_start3A = arith.constant 0 : i32
      %dma_start3A_26 = tpu.memref_slice %arg6[%arg0, %run_scoped3A_24, %mul3A_2, %dma_start3A] : memref<2x2x10000x16xf32, #tpu.memory_space<hbm>> -> memref<1x1x625x16xf32, #tpu.memory_space<hbm>>
      %dma_start3A_27 = tpu.memref_squeeze %dma_start3A_26 : memref<1x1x625x16xf32, #tpu.memory_space<hbm>> -> memref<625x16xf32, #tpu.memory_space<hbm>>
      %dma_start3A_28 = arith.constant 0 : i32
      %dma_start3A_29 = tpu.memref_slice %arg8[%mul3A_2, %dma_start3A_28] : memref<10000x16xf32, #tpu.memory_space<vmem_shared>> -> memref<625x16xf32, #tpu.memory_space<vmem_shared>>
      tpu.enqueue_dma source(%dma_start3A_29 : memref<625x16xf32, #tpu.memory_space<vmem_shared>>) target(%dma_start3A_27 : memref<625x16xf32, #tpu.memory_space<hbm>>) target_semaphore(%run_scoped3A_25 : memref<!tpu.dma_semaphore, #tpu.memory_space<semaphore_mem>>)
      %dma_wait3A = arith.constant 0 : i32
      %dma_wait3A_30 = tpu.memref_slice %arg6[%arg0, %run_scoped3A_24, %mul3A_2, %dma_wait3A] : memref<2x2x10000x16xf32, #tpu.memory_space<hbm>> -> memref<1x1x625x16xf32, #tpu.memory_space<hbm>>
      %dma_wait3A_31 = tpu.memref_squeeze %dma_wait3A_30 : memref<1x1x625x16xf32, #tpu.memory_space<hbm>> -> memref<625x16xf32, #tpu.memory_space<hbm>>
      %dma_wait3A_32 = arith.constant 0 : i32
      %dma_wait3A_33 = tpu.memref_slice %arg8[%mul3A_2, %dma_wait3A_32] : memref<10000x16xf32, #tpu.memory_space<vmem_shared>> -> memref<625x16xf32, #tpu.memory_space<vmem_shared>>
      tpu.wait_dma2 semaphore(%run_scoped3A_25 : memref<!tpu.dma_semaphore, #tpu.memory_space<semaphore_mem>>) src(%dma_wait3A_33 : memref<625x16xf32, #tpu.memory_space<vmem_shared>>) dst(%dma_wait3A_31 : memref<625x16xf32, #tpu.memory_space<hbm>>)
      tpu.yield
    }) : () -> ()
    return
  }
}

#map = affine_map<(d0, d1) -> (0, 0, 0)>
#map1 = affine_map<(d0, d1) -> (0, 0)>
module attributes {stable_mosaic.version = 14 : i64} {
  func.func @_sc_scatter_feat(%arg0: i32, %arg1: i32, %arg2: memref<8x40000x128xf32, #tpu.memory_space<hbm>>, %arg3: memref<8x200x200xi32, #tpu.memory_space<hbm>>, %arg4: memref<10000x128xf32, #tpu.memory_space<hbm>>, %arg5: memref<2x10000x128xf32, #tpu.memory_space<hbm>>, %arg6: memref<10000x128xf32, #tpu.memory_space<vmem_shared>>, %arg7: memref<200xi32, #tpu.memory_space<vmem>>, %arg8: memref<200x128xf32, #tpu.memory_space<vmem>>) attributes {dimension_semantics = [#tpu.dimension_semantics<core_parallel>, #tpu.dimension_semantics<subcore_parallel>], iteration_bounds = array<i64: 2, 16>, scalar_prefetch = 0 : i64, scratch_operands = 3 : i64, tpu.core_type = #tpu.core_type<sc_vector_subcore>, window_params = [{transform_indices = #map}, {transform_indices = #map}, {transform_indices = #map1}, {transform_indices = #map}]} {
    %mul3A = arith.constant 2 : i32
    %mul3A_0 = arith.muli %arg1, %mul3A : i32
    %add3A = arith.addi %mul3A_0, %arg0 : i32
    %mul3A_1 = arith.constant 625 : i32
    %mul3A_2 = arith.muli %arg1, %mul3A_1 : i32
    "tpu.region"() ({
      %run_scoped3A = tpu.sem_alloc : memref<!tpu.dma_semaphore, #tpu.memory_space<semaphore_mem>>
      %dma_start3A = arith.constant 0 : i32
      %dma_start3A_23 = tpu.memref_slice %arg6[%mul3A_2, %dma_start3A] : memref<10000x128xf32, #tpu.memory_space<vmem_shared>> -> memref<625x128xf32, #tpu.memory_space<vmem_shared>>
      %dma_start3A_24 = arith.constant 0 : i32
      %dma_start3A_25 = tpu.memref_slice %arg4[%mul3A_2, %dma_start3A_24] : memref<10000x128xf32, #tpu.memory_space<hbm>> -> memref<625x128xf32, #tpu.memory_space<hbm>>
      tpu.enqueue_dma source(%dma_start3A_25 : memref<625x128xf32, #tpu.memory_space<hbm>>) target(%dma_start3A_23 : memref<625x128xf32, #tpu.memory_space<vmem_shared>>) target_semaphore(%run_scoped3A : memref<!tpu.dma_semaphore, #tpu.memory_space<semaphore_mem>>)
      %dma_wait3A = arith.constant 0 : i32
      %dma_wait3A_26 = tpu.memref_slice %arg6[%mul3A_2, %dma_wait3A] : memref<10000x128xf32, #tpu.memory_space<vmem_shared>> -> memref<625x128xf32, #tpu.memory_space<vmem_shared>>
      %dma_wait3A_27 = arith.constant 0 : i32
      %dma_wait3A_28 = tpu.memref_slice %arg4[%mul3A_2, %dma_wait3A_27] : memref<10000x128xf32, #tpu.memory_space<hbm>> -> memref<625x128xf32, #tpu.memory_space<hbm>>
      tpu.wait_dma2 semaphore(%run_scoped3A : memref<!tpu.dma_semaphore, #tpu.memory_space<semaphore_mem>>) src(%dma_wait3A_28 : memref<625x128xf32, #tpu.memory_space<hbm>>) dst(%dma_wait3A_26 : memref<625x128xf32, #tpu.memory_space<vmem_shared>>)
      tpu.yield
    }) : () -> ()
    %barrier3A = arith.constant 0 : index
    tpu.barrier barrier_id(%barrier3A)
    %lt3A = arith.constant 8 : i32
    %lt3A_3 = arith.cmpi slt, %add3A, %lt3A : i32
    %jit3A = arith.constant 7 : i32
    %jit3A_4 = arith.constant 6 : i32
    %select_n3A = arith.select %lt3A_3, %jit3A, %jit3A_4 : i32
    %mul3A_5 = arith.constant 6 : i32
    %mul3A_6 = arith.muli %mul3A_5, %add3A : i32
    %min3A = arith.constant 8 : i32
    %min3A_7 = arith.minsi %add3A, %min3A : i32
    %add3A_8 = arith.addi %mul3A_6, %min3A_7 : i32
    %mul3A_9 = arith.constant 8 : i32
    %mul3A_10 = arith.muli %select_n3A, %mul3A_9 : i32
    %while3A = arith.constant 0 : i32
    %while3A_11 = arith.constant 0 : i32
    %while3A_12 = arith.subi %mul3A_10, %while3A : i32
    %while3A_13 = arith.addi %while3A, %while3A_12 : i32
    %while3A_14 = arith.constant 1 : i32
    %while3A_15 = arith.divsi %while3A_12, %while3A_14 : i32
    %while3A_16 = arith.muli %while3A_15, %while3A_14 : i32
    %while3A_17 = arith.addi %while3A, %while3A_16 : i32
    %while3A_18 = arith.constant 1 : i32
    %while3A_19 = scf.for %while3A_23 = %while3A to %while3A_17 step %while3A_18 iter_args(%while3A_24 = %while3A_11) -> (i32)  : i32 {
      %jit3A_25 = arith.constant 8 : i32
      %div3A = arith.divsi %while3A_23, %jit3A_25 : i32
      %sign3A = arith.constant 0 : i32
      %sign3A_26 = arith.cmpi sgt, %while3A_23, %sign3A : i32
      %sign3A_27 = arith.extui %sign3A_26 : i1 to i32
      %sign3A_28 = arith.constant 0 : i32
      %sign3A_29 = arith.cmpi slt, %while3A_23, %sign3A_28 : i32
      %sign3A_30 = arith.extui %sign3A_29 : i1 to i32
      %sign3A_31 = arith.subi %sign3A_27, %sign3A_30 : i32
      %sign3A_32 = arith.constant 0 : i32
      %sign3A_33 = arith.cmpi sgt, %jit3A_25, %sign3A_32 : i32
      %sign3A_34 = arith.extui %sign3A_33 : i1 to i32
      %sign3A_35 = arith.constant 0 : i32
      %sign3A_36 = arith.cmpi slt, %jit3A_25, %sign3A_35 : i32
      %sign3A_37 = arith.extui %sign3A_36 : i1 to i32
      %sign3A_38 = arith.subi %sign3A_34, %sign3A_37 : i32
      %ne3A = arith.cmpi ne, %sign3A_31, %sign3A_38 : i32
      %rem3A = arith.remsi %while3A_23, %jit3A_25 : i32
      %ne3A_39 = arith.constant 0 : i32
      %ne3A_40 = arith.cmpi ne, %rem3A, %ne3A_39 : i32
      %and3A = arith.andi %ne3A, %ne3A_40 : i1
      %sub3A = arith.constant 1 : i32
      %sub3A_41 = arith.subi %div3A, %sub3A : i32
      %select_n3A_42 = arith.select %and3A, %sub3A_41, %div3A : i32
      %add3A_43 = arith.addi %add3A_8, %select_n3A_42 : i32
      %jit3A_44 = arith.constant 8 : i32
      %eq3A = arith.constant 0 : i32
      %eq3A_45 = arith.cmpi eq, %jit3A_44, %eq3A : i32
      %jit3A_46 = arith.constant 1 : i32
      %select_n3A_47 = arith.select %eq3A_45, %jit3A_46, %jit3A_44 : i32
      %rem3A_48 = arith.remsi %while3A_23, %select_n3A_47 : i32
      %ne3A_49 = arith.constant 0 : i32
      %ne3A_50 = arith.cmpi ne, %rem3A_48, %ne3A_49 : i32
      %lt3A_51 = arith.constant 0 : i32
      %lt3A_52 = arith.cmpi slt, %rem3A_48, %lt3A_51 : i32
      %lt3A_53 = arith.constant 0 : i32
      %lt3A_54 = arith.cmpi slt, %select_n3A_47, %lt3A_53 : i32
      %ne3A_55 = arith.xori %lt3A_52, %lt3A_54 : i1
      %and3A_56 = arith.andi %ne3A_55, %ne3A_50 : i1
      %add3A_57 = arith.addi %rem3A_48, %select_n3A_47 : i32
      %select_n3A_58 = arith.select %and3A_56, %add3A_57, %rem3A_48 : i32
      %mul3A_59 = arith.constant 200 : i32
      %mul3A_60 = arith.muli %add3A_43, %mul3A_59 : i32
      "tpu.region"() ({
        %run_scoped3A = tpu.sem_alloc : memref<!tpu.dma_semaphore, #tpu.memory_space<semaphore_mem>>
        %dma_start3A = arith.constant 0 : i32
        %dma_start3A_62 = tpu.memref_slice %arg3[%select_n3A_58, %add3A_43, %dma_start3A] : memref<8x200x200xi32, #tpu.memory_space<hbm>> -> memref<1x1x200xi32, #tpu.memory_space<hbm>>
        %dma_start3A_63 = tpu.memref_squeeze %dma_start3A_62 : memref<1x1x200xi32, #tpu.memory_space<hbm>> -> memref<200xi32, #tpu.memory_space<hbm>>
        %dma_start3A_64 = arith.constant 0 : i32
        %dma_start3A_65 = tpu.memref_slice %arg3[%select_n3A_58, %add3A_43, %dma_start3A_64] : memref<8x200x200xi32, #tpu.memory_space<hbm>> -> memref<1x1x200xi32, #tpu.memory_space<hbm>>
        %dma_start3A_66 = tpu.memref_squeeze %dma_start3A_65 : memref<1x1x200xi32, #tpu.memory_space<hbm>> -> memref<200xi32, #tpu.memory_space<hbm>>
        tpu.enqueue_dma source(%dma_start3A_66 : memref<200xi32, #tpu.memory_space<hbm>>) target(%arg7 : memref<200xi32, #tpu.memory_space<vmem>>) target_semaphore(%run_scoped3A : memref<!tpu.dma_semaphore, #tpu.memory_space<semaphore_mem>>)
        %dma_wait3A = arith.constant 0 : i32
        %dma_wait3A_67 = tpu.memref_slice %arg3[%select_n3A_58, %add3A_43, %dma_wait3A] : memref<8x200x200xi32, #tpu.memory_space<hbm>> -> memref<1x1x200xi32, #tpu.memory_space<hbm>>
        %dma_wait3A_68 = tpu.memref_squeeze %dma_wait3A_67 : memref<1x1x200xi32, #tpu.memory_space<hbm>> -> memref<200xi32, #tpu.memory_space<hbm>>
        %dma_wait3A_69 = arith.constant 0 : i32
        %dma_wait3A_70 = tpu.memref_slice %arg3[%select_n3A_58, %add3A_43, %dma_wait3A_69] : memref<8x200x200xi32, #tpu.memory_space<hbm>> -> memref<1x1x200xi32, #tpu.memory_space<hbm>>
        %dma_wait3A_71 = tpu.memref_squeeze %dma_wait3A_70 : memref<1x1x200xi32, #tpu.memory_space<hbm>> -> memref<200xi32, #tpu.memory_space<hbm>>
        tpu.wait_dma2 semaphore(%run_scoped3A : memref<!tpu.dma_semaphore, #tpu.memory_space<semaphore_mem>>) src(%dma_wait3A_71 : memref<200xi32, #tpu.memory_space<hbm>>) dst(%arg7 : memref<200xi32, #tpu.memory_space<vmem>>)
        tpu.yield
      }) : () -> ()
      "tpu.region"() ({
        %run_scoped3A = tpu.sem_alloc : memref<!tpu.dma_semaphore, #tpu.memory_space<semaphore_mem>>
        %dma_start3A = arith.constant 0 : i32
        %dma_start3A_62 = tpu.memref_slice %arg2[%select_n3A_58, %mul3A_60, %dma_start3A] : memref<8x40000x128xf32, #tpu.memory_space<hbm>> -> memref<1x200x128xf32, #tpu.memory_space<hbm>>
        %dma_start3A_63 = tpu.memref_squeeze %dma_start3A_62 : memref<1x200x128xf32, #tpu.memory_space<hbm>> -> memref<200x128xf32, #tpu.memory_space<hbm>>
        %dma_start3A_64 = arith.constant 0 : i32
        %dma_start3A_65 = tpu.memref_slice %arg2[%select_n3A_58, %mul3A_60, %dma_start3A_64] : memref<8x40000x128xf32, #tpu.memory_space<hbm>> -> memref<1x200x128xf32, #tpu.memory_space<hbm>>
        %dma_start3A_66 = tpu.memref_squeeze %dma_start3A_65 : memref<1x200x128xf32, #tpu.memory_space<hbm>> -> memref<200x128xf32, #tpu.memory_space<hbm>>
        tpu.enqueue_dma source(%dma_start3A_66 : memref<200x128xf32, #tpu.memory_space<hbm>>) target(%arg8 : memref<200x128xf32, #tpu.memory_space<vmem>>) target_semaphore(%run_scoped3A : memref<!tpu.dma_semaphore, #tpu.memory_space<semaphore_mem>>)
        %dma_wait3A = arith.constant 0 : i32
        %dma_wait3A_67 = tpu.memref_slice %arg2[%select_n3A_58, %mul3A_60, %dma_wait3A] : memref<8x40000x128xf32, #tpu.memory_space<hbm>> -> memref<1x200x128xf32, #tpu.memory_space<hbm>>
        %dma_wait3A_68 = tpu.memref_squeeze %dma_wait3A_67 : memref<1x200x128xf32, #tpu.memory_space<hbm>> -> memref<200x128xf32, #tpu.memory_space<hbm>>
        %dma_wait3A_69 = arith.constant 0 : i32
        %dma_wait3A_70 = tpu.memref_slice %arg2[%select_n3A_58, %mul3A_60, %dma_wait3A_69] : memref<8x40000x128xf32, #tpu.memory_space<hbm>> -> memref<1x200x128xf32, #tpu.memory_space<hbm>>
        %dma_wait3A_71 = tpu.memref_squeeze %dma_wait3A_70 : memref<1x200x128xf32, #tpu.memory_space<hbm>> -> memref<200x128xf32, #tpu.memory_space<hbm>>
        tpu.wait_dma2 semaphore(%run_scoped3A : memref<!tpu.dma_semaphore, #tpu.memory_space<semaphore_mem>>) src(%dma_wait3A_71 : memref<200x128xf32, #tpu.memory_space<hbm>>) dst(%arg8 : memref<200x128xf32, #tpu.memory_space<vmem>>)
        tpu.yield
      }) : () -> ()
      "tpu.region"() ({
        %run_scoped3A = tpu.sem_alloc : memref<!tpu.dma_semaphore, #tpu.memory_space<semaphore_mem>>
        %dma_start3A = arith.constant 0 : i32
        %dma_start3A_62 = arith.constant 0 : i32
        %dma_start3A_63 = tpu.memref_slice %arg6[%dma_start3A, %dma_start3A_62] : memref<10000x128xf32, #tpu.memory_space<vmem_shared>> -> memref<10000x128xf32, #tpu.memory_space<vmem_shared>>
        tpu.enqueue_indirect_dma source(%arg8 : memref<200x128xf32, #tpu.memory_space<vmem>>) target(%dma_start3A_63 : memref<10000x128xf32, #tpu.memory_space<vmem_shared>>) offsets(%arg7 : memref<200xi32, #tpu.memory_space<vmem>>) semaphore(%run_scoped3A : memref<!tpu.dma_semaphore, #tpu.memory_space<semaphore_mem>>) {add = true}
        %dma_wait3A = arith.constant 0 : i32
        %dma_wait3A_64 = arith.constant 0 : i32
        %dma_wait3A_65 = tpu.memref_slice %arg6[%dma_wait3A, %dma_wait3A_64] : memref<10000x128xf32, #tpu.memory_space<vmem_shared>> -> memref<10000x128xf32, #tpu.memory_space<vmem_shared>>
        tpu.wait_indirect_dma semaphore(%run_scoped3A : memref<!tpu.dma_semaphore, #tpu.memory_space<semaphore_mem>>) src(%arg8 : memref<200x128xf32, #tpu.memory_space<vmem>>) dst(%dma_wait3A_65 : memref<10000x128xf32, #tpu.memory_space<vmem_shared>>)
        tpu.yield
      }) : () -> ()
      %while3A_61 = arith.constant 0 : i32
      scf.yield %while3A_61 : i32
    }
    %while3A_20 = arith.constant 1 : i32
    %while3A_21 = scf.for %while3A_23 = %while3A_17 to %while3A_13 step %while3A_20 iter_args(%while3A_24 = %while3A_19) -> (i32)  : i32 {
      %jit3A_25 = arith.constant 8 : i32
      %div3A = arith.divsi %while3A_23, %jit3A_25 : i32
      %sign3A = arith.constant 0 : i32
      %sign3A_26 = arith.cmpi sgt, %while3A_23, %sign3A : i32
      %sign3A_27 = arith.extui %sign3A_26 : i1 to i32
      %sign3A_28 = arith.constant 0 : i32
      %sign3A_29 = arith.cmpi slt, %while3A_23, %sign3A_28 : i32
      %sign3A_30 = arith.extui %sign3A_29 : i1 to i32
      %sign3A_31 = arith.subi %sign3A_27, %sign3A_30 : i32
      %sign3A_32 = arith.constant 0 : i32
      %sign3A_33 = arith.cmpi sgt, %jit3A_25, %sign3A_32 : i32
      %sign3A_34 = arith.extui %sign3A_33 : i1 to i32
      %sign3A_35 = arith.constant 0 : i32
      %sign3A_36 = arith.cmpi slt, %jit3A_25, %sign3A_35 : i32
      %sign3A_37 = arith.extui %sign3A_36 : i1 to i32
      %sign3A_38 = arith.subi %sign3A_34, %sign3A_37 : i32
      %ne3A = arith.cmpi ne, %sign3A_31, %sign3A_38 : i32
      %rem3A = arith.remsi %while3A_23, %jit3A_25 : i32
      %ne3A_39 = arith.constant 0 : i32
      %ne3A_40 = arith.cmpi ne, %rem3A, %ne3A_39 : i32
      %and3A = arith.andi %ne3A, %ne3A_40 : i1
      %sub3A = arith.constant 1 : i32
      %sub3A_41 = arith.subi %div3A, %sub3A : i32
      %select_n3A_42 = arith.select %and3A, %sub3A_41, %div3A : i32
      %add3A_43 = arith.addi %add3A_8, %select_n3A_42 : i32
      %jit3A_44 = arith.constant 8 : i32
      %eq3A = arith.constant 0 : i32
      %eq3A_45 = arith.cmpi eq, %jit3A_44, %eq3A : i32
      %jit3A_46 = arith.constant 1 : i32
      %select_n3A_47 = arith.select %eq3A_45, %jit3A_46, %jit3A_44 : i32
      %rem3A_48 = arith.remsi %while3A_23, %select_n3A_47 : i32
      %ne3A_49 = arith.constant 0 : i32
      %ne3A_50 = arith.cmpi ne, %rem3A_48, %ne3A_49 : i32
      %lt3A_51 = arith.constant 0 : i32
      %lt3A_52 = arith.cmpi slt, %rem3A_48, %lt3A_51 : i32
      %lt3A_53 = arith.constant 0 : i32
      %lt3A_54 = arith.cmpi slt, %select_n3A_47, %lt3A_53 : i32
      %ne3A_55 = arith.xori %lt3A_52, %lt3A_54 : i1
      %and3A_56 = arith.andi %ne3A_55, %ne3A_50 : i1
      %add3A_57 = arith.addi %rem3A_48, %select_n3A_47 : i32
      %select_n3A_58 = arith.select %and3A_56, %add3A_57, %rem3A_48 : i32
      %mul3A_59 = arith.constant 200 : i32
      %mul3A_60 = arith.muli %add3A_43, %mul3A_59 : i32
      "tpu.region"() ({
        %run_scoped3A = tpu.sem_alloc : memref<!tpu.dma_semaphore, #tpu.memory_space<semaphore_mem>>
        %dma_start3A = arith.constant 0 : i32
        %dma_start3A_62 = tpu.memref_slice %arg3[%select_n3A_58, %add3A_43, %dma_start3A] : memref<8x200x200xi32, #tpu.memory_space<hbm>> -> memref<1x1x200xi32, #tpu.memory_space<hbm>>
        %dma_start3A_63 = tpu.memref_squeeze %dma_start3A_62 : memref<1x1x200xi32, #tpu.memory_space<hbm>> -> memref<200xi32, #tpu.memory_space<hbm>>
        %dma_start3A_64 = arith.constant 0 : i32
        %dma_start3A_65 = tpu.memref_slice %arg3[%select_n3A_58, %add3A_43, %dma_start3A_64] : memref<8x200x200xi32, #tpu.memory_space<hbm>> -> memref<1x1x200xi32, #tpu.memory_space<hbm>>
        %dma_start3A_66 = tpu.memref_squeeze %dma_start3A_65 : memref<1x1x200xi32, #tpu.memory_space<hbm>> -> memref<200xi32, #tpu.memory_space<hbm>>
        tpu.enqueue_dma source(%dma_start3A_66 : memref<200xi32, #tpu.memory_space<hbm>>) target(%arg7 : memref<200xi32, #tpu.memory_space<vmem>>) target_semaphore(%run_scoped3A : memref<!tpu.dma_semaphore, #tpu.memory_space<semaphore_mem>>)
        %dma_wait3A = arith.constant 0 : i32
        %dma_wait3A_67 = tpu.memref_slice %arg3[%select_n3A_58, %add3A_43, %dma_wait3A] : memref<8x200x200xi32, #tpu.memory_space<hbm>> -> memref<1x1x200xi32, #tpu.memory_space<hbm>>
        %dma_wait3A_68 = tpu.memref_squeeze %dma_wait3A_67 : memref<1x1x200xi32, #tpu.memory_space<hbm>> -> memref<200xi32, #tpu.memory_space<hbm>>
        %dma_wait3A_69 = arith.constant 0 : i32
        %dma_wait3A_70 = tpu.memref_slice %arg3[%select_n3A_58, %add3A_43, %dma_wait3A_69] : memref<8x200x200xi32, #tpu.memory_space<hbm>> -> memref<1x1x200xi32, #tpu.memory_space<hbm>>
        %dma_wait3A_71 = tpu.memref_squeeze %dma_wait3A_70 : memref<1x1x200xi32, #tpu.memory_space<hbm>> -> memref<200xi32, #tpu.memory_space<hbm>>
        tpu.wait_dma2 semaphore(%run_scoped3A : memref<!tpu.dma_semaphore, #tpu.memory_space<semaphore_mem>>) src(%dma_wait3A_71 : memref<200xi32, #tpu.memory_space<hbm>>) dst(%arg7 : memref<200xi32, #tpu.memory_space<vmem>>)
        tpu.yield
      }) : () -> ()
      "tpu.region"() ({
        %run_scoped3A = tpu.sem_alloc : memref<!tpu.dma_semaphore, #tpu.memory_space<semaphore_mem>>
        %dma_start3A = arith.constant 0 : i32
        %dma_start3A_62 = tpu.memref_slice %arg2[%select_n3A_58, %mul3A_60, %dma_start3A] : memref<8x40000x128xf32, #tpu.memory_space<hbm>> -> memref<1x200x128xf32, #tpu.memory_space<hbm>>
        %dma_start3A_63 = tpu.memref_squeeze %dma_start3A_62 : memref<1x200x128xf32, #tpu.memory_space<hbm>> -> memref<200x128xf32, #tpu.memory_space<hbm>>
        %dma_start3A_64 = arith.constant 0 : i32
        %dma_start3A_65 = tpu.memref_slice %arg2[%select_n3A_58, %mul3A_60, %dma_start3A_64] : memref<8x40000x128xf32, #tpu.memory_space<hbm>> -> memref<1x200x128xf32, #tpu.memory_space<hbm>>
        %dma_start3A_66 = tpu.memref_squeeze %dma_start3A_65 : memref<1x200x128xf32, #tpu.memory_space<hbm>> -> memref<200x128xf32, #tpu.memory_space<hbm>>
        tpu.enqueue_dma source(%dma_start3A_66 : memref<200x128xf32, #tpu.memory_space<hbm>>) target(%arg8 : memref<200x128xf32, #tpu.memory_space<vmem>>) target_semaphore(%run_scoped3A : memref<!tpu.dma_semaphore, #tpu.memory_space<semaphore_mem>>)
        %dma_wait3A = arith.constant 0 : i32
        %dma_wait3A_67 = tpu.memref_slice %arg2[%select_n3A_58, %mul3A_60, %dma_wait3A] : memref<8x40000x128xf32, #tpu.memory_space<hbm>> -> memref<1x200x128xf32, #tpu.memory_space<hbm>>
        %dma_wait3A_68 = tpu.memref_squeeze %dma_wait3A_67 : memref<1x200x128xf32, #tpu.memory_space<hbm>> -> memref<200x128xf32, #tpu.memory_space<hbm>>
        %dma_wait3A_69 = arith.constant 0 : i32
        %dma_wait3A_70 = tpu.memref_slice %arg2[%select_n3A_58, %mul3A_60, %dma_wait3A_69] : memref<8x40000x128xf32, #tpu.memory_space<hbm>> -> memref<1x200x128xf32, #tpu.memory_space<hbm>>
        %dma_wait3A_71 = tpu.memref_squeeze %dma_wait3A_70 : memref<1x200x128xf32, #tpu.memory_space<hbm>> -> memref<200x128xf32, #tpu.memory_space<hbm>>
        tpu.wait_dma2 semaphore(%run_scoped3A : memref<!tpu.dma_semaphore, #tpu.memory_space<semaphore_mem>>) src(%dma_wait3A_71 : memref<200x128xf32, #tpu.memory_space<hbm>>) dst(%arg8 : memref<200x128xf32, #tpu.memory_space<vmem>>)
        tpu.yield
      }) : () -> ()
      "tpu.region"() ({
        %run_scoped3A = tpu.sem_alloc : memref<!tpu.dma_semaphore, #tpu.memory_space<semaphore_mem>>
        %dma_start3A = arith.constant 0 : i32
        %dma_start3A_62 = arith.constant 0 : i32
        %dma_start3A_63 = tpu.memref_slice %arg6[%dma_start3A, %dma_start3A_62] : memref<10000x128xf32, #tpu.memory_space<vmem_shared>> -> memref<10000x128xf32, #tpu.memory_space<vmem_shared>>
        tpu.enqueue_indirect_dma source(%arg8 : memref<200x128xf32, #tpu.memory_space<vmem>>) target(%dma_start3A_63 : memref<10000x128xf32, #tpu.memory_space<vmem_shared>>) offsets(%arg7 : memref<200xi32, #tpu.memory_space<vmem>>) semaphore(%run_scoped3A : memref<!tpu.dma_semaphore, #tpu.memory_space<semaphore_mem>>) {add = true}
        %dma_wait3A = arith.constant 0 : i32
        %dma_wait3A_64 = arith.constant 0 : i32
        %dma_wait3A_65 = tpu.memref_slice %arg6[%dma_wait3A, %dma_wait3A_64] : memref<10000x128xf32, #tpu.memory_space<vmem_shared>> -> memref<10000x128xf32, #tpu.memory_space<vmem_shared>>
        tpu.wait_indirect_dma semaphore(%run_scoped3A : memref<!tpu.dma_semaphore, #tpu.memory_space<semaphore_mem>>) src(%arg8 : memref<200x128xf32, #tpu.memory_space<vmem>>) dst(%dma_wait3A_65 : memref<10000x128xf32, #tpu.memory_space<vmem_shared>>)
        tpu.yield
      }) : () -> ()
      %while3A_61 = arith.constant 0 : i32
      scf.yield %while3A_61 : i32
    }
    %barrier3A_22 = arith.constant 0 : index
    tpu.barrier barrier_id(%barrier3A_22)
    "tpu.region"() ({
      %run_scoped3A = tpu.sem_alloc : memref<!tpu.dma_semaphore, #tpu.memory_space<semaphore_mem>>
      %dma_start3A = arith.constant 0 : i32
      %dma_start3A_23 = tpu.memref_slice %arg5[%arg0, %mul3A_2, %dma_start3A] : memref<2x10000x128xf32, #tpu.memory_space<hbm>> -> memref<1x625x128xf32, #tpu.memory_space<hbm>>
      %dma_start3A_24 = tpu.memref_squeeze %dma_start3A_23 : memref<1x625x128xf32, #tpu.memory_space<hbm>> -> memref<625x128xf32, #tpu.memory_space<hbm>>
      %dma_start3A_25 = arith.constant 0 : i32
      %dma_start3A_26 = tpu.memref_slice %arg6[%mul3A_2, %dma_start3A_25] : memref<10000x128xf32, #tpu.memory_space<vmem_shared>> -> memref<625x128xf32, #tpu.memory_space<vmem_shared>>
      tpu.enqueue_dma source(%dma_start3A_26 : memref<625x128xf32, #tpu.memory_space<vmem_shared>>) target(%dma_start3A_24 : memref<625x128xf32, #tpu.memory_space<hbm>>) target_semaphore(%run_scoped3A : memref<!tpu.dma_semaphore, #tpu.memory_space<semaphore_mem>>)
      %dma_wait3A = arith.constant 0 : i32
      %dma_wait3A_27 = tpu.memref_slice %arg5[%arg0, %mul3A_2, %dma_wait3A] : memref<2x10000x128xf32, #tpu.memory_space<hbm>> -> memref<1x625x128xf32, #tpu.memory_space<hbm>>
      %dma_wait3A_28 = tpu.memref_squeeze %dma_wait3A_27 : memref<1x625x128xf32, #tpu.memory_space<hbm>> -> memref<625x128xf32, #tpu.memory_space<hbm>>
      %dma_wait3A_29 = arith.constant 0 : i32
      %dma_wait3A_30 = tpu.memref_slice %arg6[%mul3A_2, %dma_wait3A_29] : memref<10000x128xf32, #tpu.memory_space<vmem_shared>> -> memref<625x128xf32, #tpu.memory_space<vmem_shared>>
      tpu.wait_dma2 semaphore(%run_scoped3A : memref<!tpu.dma_semaphore, #tpu.memory_space<semaphore_mem>>) src(%dma_wait3A_30 : memref<625x128xf32, #tpu.memory_space<vmem_shared>>) dst(%dma_wait3A_28 : memref<625x128xf32, #tpu.memory_space<hbm>>)
      tpu.yield
    }) : () -> ()
    return
  }
}

#map = affine_map<(d0, d1) -> (0, 0)>
#map1 = affine_map<(d0, d1) -> (0, 0, 0)>
module attributes {stable_mosaic.version = 14 : i64} {
  func.func @_sc_gather_edges(%arg0: i32, %arg1: i32, %arg2: memref<10000x16xf32, #tpu.memory_space<hbm>>, %arg3: memref<8x200x200xi32, #tpu.memory_space<hbm>>, %arg4: memref<8x200x200xi32, #tpu.memory_space<hbm>>, %arg5: memref<40000x128xf32, #tpu.memory_space<hbm>>, %arg6: memref<40000x128xf32, #tpu.memory_space<hbm>>, %arg7: memref<200xi32, #tpu.memory_space<vmem>>, %arg8: memref<200xi32, #tpu.memory_space<vmem>>, %arg9: memref<200x16xf32, #tpu.memory_space<vmem>>, %arg10: memref<200x16xf32, #tpu.memory_space<vmem>>, %arg11: memref<!tpu.dma_semaphore, #tpu.memory_space<semaphore_mem>>) attributes {dimension_semantics = [#tpu.dimension_semantics<core_parallel>, #tpu.dimension_semantics<subcore_parallel>], iteration_bounds = array<i64: 2, 16>, scalar_prefetch = 0 : i64, scratch_operands = 5 : i64, tpu.core_type = #tpu.core_type<sc_vector_subcore>, window_params = [{transform_indices = #map}, {transform_indices = #map1}, {transform_indices = #map1}, {transform_indices = #map}, {transform_indices = #map}]} {
    %mul3A = arith.constant 2 : i32
    %mul3A_0 = arith.muli %arg1, %mul3A : i32
    %add3A = arith.addi %mul3A_0, %arg0 : i32
    %lt3A = arith.constant 8 : i32
    %lt3A_1 = arith.cmpi slt, %add3A, %lt3A : i32
    %jit3A = arith.constant 7 : i32
    %jit3A_2 = arith.constant 6 : i32
    %select_n3A = arith.select %lt3A_1, %jit3A, %jit3A_2 : i32
    %mul3A_3 = arith.constant 6 : i32
    %mul3A_4 = arith.muli %mul3A_3, %add3A : i32
    %min3A = arith.constant 8 : i32
    %min3A_5 = arith.minsi %add3A, %min3A : i32
    %add3A_6 = arith.addi %mul3A_4, %min3A_5 : i32
    %while3A = arith.constant 0 : i32
    %while3A_7 = arith.constant 0 : i32
    %while3A_8 = arith.subi %select_n3A, %while3A : i32
    %while3A_9 = arith.addi %while3A, %while3A_8 : i32
    %while3A_10 = arith.constant 1 : i32
    %while3A_11 = arith.divsi %while3A_8, %while3A_10 : i32
    %while3A_12 = arith.muli %while3A_11, %while3A_10 : i32
    %while3A_13 = arith.addi %while3A, %while3A_12 : i32
    %while3A_14 = arith.constant 1 : i32
    %while3A_15 = scf.for %while3A_18 = %while3A to %while3A_13 step %while3A_14 iter_args(%while3A_19 = %while3A_7) -> (i32)  : i32 {
      %add3A_20 = arith.addi %add3A_6, %while3A_18 : i32
      %mul3A_21 = arith.constant 200 : i32
      %mul3A_22 = arith.muli %add3A_20, %mul3A_21 : i32
      %run_scoped3A = arith.constant 0 : i32
      "tpu.region"() ({
        %run_scoped3A_133 = tpu.sem_alloc : memref<!tpu.dma_semaphore, #tpu.memory_space<semaphore_mem>>
        %dma_start3A_134 = arith.constant 0 : i32
        %dma_start3A_135 = tpu.memref_slice %arg3[%run_scoped3A, %add3A_20, %dma_start3A_134] : memref<8x200x200xi32, #tpu.memory_space<hbm>> -> memref<1x1x200xi32, #tpu.memory_space<hbm>>
        %dma_start3A_136 = tpu.memref_squeeze %dma_start3A_135 : memref<1x1x200xi32, #tpu.memory_space<hbm>> -> memref<200xi32, #tpu.memory_space<hbm>>
        %dma_start3A_137 = arith.constant 0 : i32
        %dma_start3A_138 = tpu.memref_slice %arg3[%run_scoped3A, %add3A_20, %dma_start3A_137] : memref<8x200x200xi32, #tpu.memory_space<hbm>> -> memref<1x1x200xi32, #tpu.memory_space<hbm>>
        %dma_start3A_139 = tpu.memref_squeeze %dma_start3A_138 : memref<1x1x200xi32, #tpu.memory_space<hbm>> -> memref<200xi32, #tpu.memory_space<hbm>>
        tpu.enqueue_dma source(%dma_start3A_139 : memref<200xi32, #tpu.memory_space<hbm>>) target(%arg7 : memref<200xi32, #tpu.memory_space<vmem>>) target_semaphore(%run_scoped3A_133 : memref<!tpu.dma_semaphore, #tpu.memory_space<semaphore_mem>>)
        %dma_wait3A_140 = arith.constant 0 : i32
        %dma_wait3A_141 = tpu.memref_slice %arg3[%run_scoped3A, %add3A_20, %dma_wait3A_140] : memref<8x200x200xi32, #tpu.memory_space<hbm>> -> memref<1x1x200xi32, #tpu.memory_space<hbm>>
        %dma_wait3A_142 = tpu.memref_squeeze %dma_wait3A_141 : memref<1x1x200xi32, #tpu.memory_space<hbm>> -> memref<200xi32, #tpu.memory_space<hbm>>
        %dma_wait3A_143 = arith.constant 0 : i32
        %dma_wait3A_144 = tpu.memref_slice %arg3[%run_scoped3A, %add3A_20, %dma_wait3A_143] : memref<8x200x200xi32, #tpu.memory_space<hbm>> -> memref<1x1x200xi32, #tpu.memory_space<hbm>>
        %dma_wait3A_145 = tpu.memref_squeeze %dma_wait3A_144 : memref<1x1x200xi32, #tpu.memory_space<hbm>> -> memref<200xi32, #tpu.memory_space<hbm>>
        tpu.wait_dma2 semaphore(%run_scoped3A_133 : memref<!tpu.dma_semaphore, #tpu.memory_space<semaphore_mem>>) src(%dma_wait3A_145 : memref<200xi32, #tpu.memory_space<hbm>>) dst(%arg7 : memref<200xi32, #tpu.memory_space<vmem>>)
        tpu.yield
      }) : () -> ()
      %run_scoped3A_23 = arith.constant 0 : i32
      "tpu.region"() ({
        %run_scoped3A_133 = tpu.sem_alloc : memref<!tpu.dma_semaphore, #tpu.memory_space<semaphore_mem>>
        %dma_start3A_134 = arith.constant 0 : i32
        %dma_start3A_135 = tpu.memref_slice %arg4[%run_scoped3A_23, %add3A_20, %dma_start3A_134] : memref<8x200x200xi32, #tpu.memory_space<hbm>> -> memref<1x1x200xi32, #tpu.memory_space<hbm>>
        %dma_start3A_136 = tpu.memref_squeeze %dma_start3A_135 : memref<1x1x200xi32, #tpu.memory_space<hbm>> -> memref<200xi32, #tpu.memory_space<hbm>>
        %dma_start3A_137 = arith.constant 0 : i32
        %dma_start3A_138 = tpu.memref_slice %arg4[%run_scoped3A_23, %add3A_20, %dma_start3A_137] : memref<8x200x200xi32, #tpu.memory_space<hbm>> -> memref<1x1x200xi32, #tpu.memory_space<hbm>>
        %dma_start3A_139 = tpu.memref_squeeze %dma_start3A_138 : memref<1x1x200xi32, #tpu.memory_space<hbm>> -> memref<200xi32, #tpu.memory_space<hbm>>
        tpu.enqueue_dma source(%dma_start3A_139 : memref<200xi32, #tpu.memory_space<hbm>>) target(%arg8 : memref<200xi32, #tpu.memory_space<vmem>>) target_semaphore(%run_scoped3A_133 : memref<!tpu.dma_semaphore, #tpu.memory_space<semaphore_mem>>)
        %dma_wait3A_140 = arith.constant 0 : i32
        %dma_wait3A_141 = tpu.memref_slice %arg4[%run_scoped3A_23, %add3A_20, %dma_wait3A_140] : memref<8x200x200xi32, #tpu.memory_space<hbm>> -> memref<1x1x200xi32, #tpu.memory_space<hbm>>
        %dma_wait3A_142 = tpu.memref_squeeze %dma_wait3A_141 : memref<1x1x200xi32, #tpu.memory_space<hbm>> -> memref<200xi32, #tpu.memory_space<hbm>>
        %dma_wait3A_143 = arith.constant 0 : i32
        %dma_wait3A_144 = tpu.memref_slice %arg4[%run_scoped3A_23, %add3A_20, %dma_wait3A_143] : memref<8x200x200xi32, #tpu.memory_space<hbm>> -> memref<1x1x200xi32, #tpu.memory_space<hbm>>
        %dma_wait3A_145 = tpu.memref_squeeze %dma_wait3A_144 : memref<1x1x200xi32, #tpu.memory_space<hbm>> -> memref<200xi32, #tpu.memory_space<hbm>>
        tpu.wait_dma2 semaphore(%run_scoped3A_133 : memref<!tpu.dma_semaphore, #tpu.memory_space<semaphore_mem>>) src(%dma_wait3A_145 : memref<200xi32, #tpu.memory_space<hbm>>) dst(%arg8 : memref<200xi32, #tpu.memory_space<vmem>>)
        tpu.yield
      }) : () -> ()
      %dma_start3A = arith.constant 0 : i32
      %dma_start3A_24 = arith.constant 0 : i32
      %dma_start3A_25 = tpu.memref_slice %arg2[%dma_start3A, %dma_start3A_24] : memref<10000x16xf32, #tpu.memory_space<hbm>> -> memref<10000x16xf32, #tpu.memory_space<hbm>>
      tpu.enqueue_indirect_dma source(%dma_start3A_25 : memref<10000x16xf32, #tpu.memory_space<hbm>>) target(%arg9 : memref<200x16xf32, #tpu.memory_space<vmem>>) offsets(%arg7 : memref<200xi32, #tpu.memory_space<vmem>>) semaphore(%arg11 : memref<!tpu.dma_semaphore, #tpu.memory_space<semaphore_mem>>)
      %dma_wait3A = arith.constant 0 : i32
      %dma_wait3A_26 = arith.constant 0 : i32
      %dma_wait3A_27 = tpu.memref_slice %arg2[%dma_wait3A, %dma_wait3A_26] : memref<10000x16xf32, #tpu.memory_space<hbm>> -> memref<10000x16xf32, #tpu.memory_space<hbm>>
      tpu.wait_indirect_dma semaphore(%arg11 : memref<!tpu.dma_semaphore, #tpu.memory_space<semaphore_mem>>) src(%dma_wait3A_27 : memref<10000x16xf32, #tpu.memory_space<hbm>>) dst(%arg9 : memref<200x16xf32, #tpu.memory_space<vmem>>)
      %dma_start3A_28 = arith.constant 0 : i32
      %dma_start3A_29 = arith.constant 0 : i32
      %dma_start3A_30 = tpu.memref_slice %arg2[%dma_start3A_28, %dma_start3A_29] : memref<10000x16xf32, #tpu.memory_space<hbm>> -> memref<10000x16xf32, #tpu.memory_space<hbm>>
      tpu.enqueue_indirect_dma source(%dma_start3A_30 : memref<10000x16xf32, #tpu.memory_space<hbm>>) target(%arg10 : memref<200x16xf32, #tpu.memory_space<vmem>>) offsets(%arg8 : memref<200xi32, #tpu.memory_space<vmem>>) semaphore(%arg11 : memref<!tpu.dma_semaphore, #tpu.memory_space<semaphore_mem>>)
      %dma_wait3A_31 = arith.constant 0 : i32
      %dma_wait3A_32 = arith.constant 0 : i32
      %dma_wait3A_33 = tpu.memref_slice %arg2[%dma_wait3A_31, %dma_wait3A_32] : memref<10000x16xf32, #tpu.memory_space<hbm>> -> memref<10000x16xf32, #tpu.memory_space<hbm>>
      tpu.wait_indirect_dma semaphore(%arg11 : memref<!tpu.dma_semaphore, #tpu.memory_space<semaphore_mem>>) src(%dma_wait3A_33 : memref<10000x16xf32, #tpu.memory_space<hbm>>) dst(%arg10 : memref<200x16xf32, #tpu.memory_space<vmem>>)
      "tpu.region"() ({
        %run_scoped3A_133 = tpu.sem_alloc : memref<!tpu.dma_semaphore, #tpu.memory_space<semaphore_mem>>
        %dma_start3A_134 = arith.constant 0 : i32
        %dma_start3A_135 = tpu.memref_slice %arg5[%mul3A_22, %dma_start3A_134] : memref<40000x128xf32, #tpu.memory_space<hbm>> -> memref<200x16xf32, #tpu.memory_space<hbm>>
        %dma_start3A_136 = arith.constant 0 : i32
        %dma_start3A_137 = tpu.memref_slice %arg5[%mul3A_22, %dma_start3A_136] : memref<40000x128xf32, #tpu.memory_space<hbm>> -> memref<200x16xf32, #tpu.memory_space<hbm>>
        tpu.enqueue_dma source(%arg9 : memref<200x16xf32, #tpu.memory_space<vmem>>) target(%dma_start3A_137 : memref<200x16xf32, #tpu.memory_space<hbm>>) target_semaphore(%run_scoped3A_133 : memref<!tpu.dma_semaphore, #tpu.memory_space<semaphore_mem>>)
        %dma_wait3A_138 = arith.constant 0 : i32
        %dma_wait3A_139 = tpu.memref_slice %arg5[%mul3A_22, %dma_wait3A_138] : memref<40000x128xf32, #tpu.memory_space<hbm>> -> memref<200x16xf32, #tpu.memory_space<hbm>>
        %dma_wait3A_140 = arith.constant 0 : i32
        %dma_wait3A_141 = tpu.memref_slice %arg5[%mul3A_22, %dma_wait3A_140] : memref<40000x128xf32, #tpu.memory_space<hbm>> -> memref<200x16xf32, #tpu.memory_space<hbm>>
        tpu.wait_dma2 semaphore(%run_scoped3A_133 : memref<!tpu.dma_semaphore, #tpu.memory_space<semaphore_mem>>) src(%arg9 : memref<200x16xf32, #tpu.memory_space<vmem>>) dst(%dma_wait3A_141 : memref<200x16xf32, #tpu.memory_space<hbm>>)
        tpu.yield
      }) : () -> ()
      "tpu.region"() ({
        %run_scoped3A_133 = tpu.sem_alloc : memref<!tpu.dma_semaphore, #tpu.memory_space<semaphore_mem>>
        %dma_start3A_134 = arith.constant 0 : i32
        %dma_start3A_135 = tpu.memref_slice %arg6[%mul3A_22, %dma_start3A_134] : memref<40000x128xf32, #tpu.memory_space<hbm>> -> memref<200x16xf32, #tpu.memory_space<hbm>>
        %dma_start3A_136 = arith.constant 0 : i32
        %dma_start3A_137 = tpu.memref_slice %arg6[%mul3A_22, %dma_start3A_136] : memref<40000x128xf32, #tpu.memory_space<hbm>> -> memref<200x16xf32, #tpu.memory_space<hbm>>
        tpu.enqueue_dma source(%arg10 : memref<200x16xf32, #tpu.memory_space<vmem>>) target(%dma_start3A_137 : memref<200x16xf32, #tpu.memory_space<hbm>>) target_semaphore(%run_scoped3A_133 : memref<!tpu.dma_semaphore, #tpu.memory_space<semaphore_mem>>)
        %dma_wait3A_138 = arith.constant 0 : i32
        %dma_wait3A_139 = tpu.memref_slice %arg6[%mul3A_22, %dma_wait3A_138] : memref<40000x128xf32, #tpu.memory_space<hbm>> -> memref<200x16xf32, #tpu.memory_space<hbm>>
        %dma_wait3A_140 = arith.constant 0 : i32
        %dma_wait3A_141 = tpu.memref_slice %arg6[%mul3A_22, %dma_wait3A_140] : memref<40000x128xf32, #tpu.memory_space<hbm>> -> memref<200x16xf32, #tpu.memory_space<hbm>>
        tpu.wait_dma2 semaphore(%run_scoped3A_133 : memref<!tpu.dma_semaphore, #tpu.memory_space<semaphore_mem>>) src(%arg10 : memref<200x16xf32, #tpu.memory_space<vmem>>) dst(%dma_wait3A_141 : memref<200x16xf32, #tpu.memory_space<hbm>>)
        tpu.yield
      }) : () -> ()
      %run_scoped3A_34 = arith.constant 1 : i32
      "tpu.region"() ({
        %run_scoped3A_133 = tpu.sem_alloc : memref<!tpu.dma_semaphore, #tpu.memory_space<semaphore_mem>>
        %dma_start3A_134 = arith.constant 0 : i32
        %dma_start3A_135 = tpu.memref_slice %arg3[%run_scoped3A_34, %add3A_20, %dma_start3A_134] : memref<8x200x200xi32, #tpu.memory_space<hbm>> -> memref<1x1x200xi32, #tpu.memory_space<hbm>>
        %dma_start3A_136 = tpu.memref_squeeze %dma_start3A_135 : memref<1x1x200xi32, #tpu.memory_space<hbm>> -> memref<200xi32, #tpu.memory_space<hbm>>
        %dma_start3A_137 = arith.constant 0 : i32
        %dma_start3A_138 = tpu.memref_slice %arg3[%run_scoped3A_34, %add3A_20, %dma_start3A_137] : memref<8x200x200xi32, #tpu.memory_space<hbm>> -> memref<1x1x200xi32, #tpu.memory_space<hbm>>
        %dma_start3A_139 = tpu.memref_squeeze %dma_start3A_138 : memref<1x1x200xi32, #tpu.memory_space<hbm>> -> memref<200xi32, #tpu.memory_space<hbm>>
        tpu.enqueue_dma source(%dma_start3A_139 : memref<200xi32, #tpu.memory_space<hbm>>) target(%arg7 : memref<200xi32, #tpu.memory_space<vmem>>) target_semaphore(%run_scoped3A_133 : memref<!tpu.dma_semaphore, #tpu.memory_space<semaphore_mem>>)
        %dma_wait3A_140 = arith.constant 0 : i32
        %dma_wait3A_141 = tpu.memref_slice %arg3[%run_scoped3A_34, %add3A_20, %dma_wait3A_140] : memref<8x200x200xi32, #tpu.memory_space<hbm>> -> memref<1x1x200xi32, #tpu.memory_space<hbm>>
        %dma_wait3A_142 = tpu.memref_squeeze %dma_wait3A_141 : memref<1x1x200xi32, #tpu.memory_space<hbm>> -> memref<200xi32, #tpu.memory_space<hbm>>
        %dma_wait3A_143 = arith.constant 0 : i32
        %dma_wait3A_144 = tpu.memref_slice %arg3[%run_scoped3A_34, %add3A_20, %dma_wait3A_143] : memref<8x200x200xi32, #tpu.memory_space<hbm>> -> memref<1x1x200xi32, #tpu.memory_space<hbm>>
        %dma_wait3A_145 = tpu.memref_squeeze %dma_wait3A_144 : memref<1x1x200xi32, #tpu.memory_space<hbm>> -> memref<200xi32, #tpu.memory_space<hbm>>
        tpu.wait_dma2 semaphore(%run_scoped3A_133 : memref<!tpu.dma_semaphore, #tpu.memory_space<semaphore_mem>>) src(%dma_wait3A_145 : memref<200xi32, #tpu.memory_space<hbm>>) dst(%arg7 : memref<200xi32, #tpu.memory_space<vmem>>)
        tpu.yield
      }) : () -> ()
      %run_scoped3A_35 = arith.constant 1 : i32
      "tpu.region"() ({
        %run_scoped3A_133 = tpu.sem_alloc : memref<!tpu.dma_semaphore, #tpu.memory_space<semaphore_mem>>
        %dma_start3A_134 = arith.constant 0 : i32
        %dma_start3A_135 = tpu.memref_slice %arg4[%run_scoped3A_35, %add3A_20, %dma_start3A_134] : memref<8x200x200xi32, #tpu.memory_space<hbm>> -> memref<1x1x200xi32, #tpu.memory_space<hbm>>
        %dma_start3A_136 = tpu.memref_squeeze %dma_start3A_135 : memref<1x1x200xi32, #tpu.memory_space<hbm>> -> memref<200xi32, #tpu.memory_space<hbm>>
        %dma_start3A_137 = arith.constant 0 : i32
        %dma_start3A_138 = tpu.memref_slice %arg4[%run_scoped3A_35, %add3A_20, %dma_start3A_137] : memref<8x200x200xi32, #tpu.memory_space<hbm>> -> memref<1x1x200xi32, #tpu.memory_space<hbm>>
        %dma_start3A_139 = tpu.memref_squeeze %dma_start3A_138 : memref<1x1x200xi32, #tpu.memory_space<hbm>> -> memref<200xi32, #tpu.memory_space<hbm>>
        tpu.enqueue_dma source(%dma_start3A_139 : memref<200xi32, #tpu.memory_space<hbm>>) target(%arg8 : memref<200xi32, #tpu.memory_space<vmem>>) target_semaphore(%run_scoped3A_133 : memref<!tpu.dma_semaphore, #tpu.memory_space<semaphore_mem>>)
        %dma_wait3A_140 = arith.constant 0 : i32
        %dma_wait3A_141 = tpu.memref_slice %arg4[%run_scoped3A_35, %add3A_20, %dma_wait3A_140] : memref<8x200x200xi32, #tpu.memory_space<hbm>> -> memref<1x1x200xi32, #tpu.memory_space<hbm>>
        %dma_wait3A_142 = tpu.memref_squeeze %dma_wait3A_141 : memref<1x1x200xi32, #tpu.memory_space<hbm>> -> memref<200xi32, #tpu.memory_space<hbm>>
        %dma_wait3A_143 = arith.constant 0 : i32
        %dma_wait3A_144 = tpu.memref_slice %arg4[%run_scoped3A_35, %add3A_20, %dma_wait3A_143] : memref<8x200x200xi32, #tpu.memory_space<hbm>> -> memref<1x1x200xi32, #tpu.memory_space<hbm>>
        %dma_wait3A_145 = tpu.memref_squeeze %dma_wait3A_144 : memref<1x1x200xi32, #tpu.memory_space<hbm>> -> memref<200xi32, #tpu.memory_space<hbm>>
        tpu.wait_dma2 semaphore(%run_scoped3A_133 : memref<!tpu.dma_semaphore, #tpu.memory_space<semaphore_mem>>) src(%dma_wait3A_145 : memref<200xi32, #tpu.memory_space<hbm>>) dst(%arg8 : memref<200xi32, #tpu.memory_space<vmem>>)
        tpu.yield
      }) : () -> ()
      %dma_start3A_36 = arith.constant 0 : i32
      %dma_start3A_37 = arith.constant 0 : i32
      %dma_start3A_38 = tpu.memref_slice %arg2[%dma_start3A_36, %dma_start3A_37] : memref<10000x16xf32, #tpu.memory_space<hbm>> -> memref<10000x16xf32, #tpu.memory_space<hbm>>
      tpu.enqueue_indirect_dma source(%dma_start3A_38 : memref<10000x16xf32, #tpu.memory_space<hbm>>) target(%arg9 : memref<200x16xf32, #tpu.memory_space<vmem>>) offsets(%arg7 : memref<200xi32, #tpu.memory_space<vmem>>) semaphore(%arg11 : memref<!tpu.dma_semaphore, #tpu.memory_space<semaphore_mem>>)
      %dma_wait3A_39 = arith.constant 0 : i32
      %dma_wait3A_40 = arith.constant 0 : i32
      %dma_wait3A_41 = tpu.memref_slice %arg2[%dma_wait3A_39, %dma_wait3A_40] : memref<10000x16xf32, #tpu.memory_space<hbm>> -> memref<10000x16xf32, #tpu.memory_space<hbm>>
      tpu.wait_indirect_dma semaphore(%arg11 : memref<!tpu.dma_semaphore, #tpu.memory_space<semaphore_mem>>) src(%dma_wait3A_41 : memref<10000x16xf32, #tpu.memory_space<hbm>>) dst(%arg9 : memref<200x16xf32, #tpu.memory_space<vmem>>)
      %dma_start3A_42 = arith.constant 0 : i32
      %dma_start3A_43 = arith.constant 0 : i32
      %dma_start3A_44 = tpu.memref_slice %arg2[%dma_start3A_42, %dma_start3A_43] : memref<10000x16xf32, #tpu.memory_space<hbm>> -> memref<10000x16xf32, #tpu.memory_space<hbm>>
      tpu.enqueue_indirect_dma source(%dma_start3A_44 : memref<10000x16xf32, #tpu.memory_space<hbm>>) target(%arg10 : memref<200x16xf32, #tpu.memory_space<vmem>>) offsets(%arg8 : memref<200xi32, #tpu.memory_space<vmem>>) semaphore(%arg11 : memref<!tpu.dma_semaphore, #tpu.memory_space<semaphore_mem>>)
      %dma_wait3A_45 = arith.constant 0 : i32
      %dma_wait3A_46 = arith.constant 0 : i32
      %dma_wait3A_47 = tpu.memref_slice %arg2[%dma_wait3A_45, %dma_wait3A_46] : memref<10000x16xf32, #tpu.memory_space<hbm>> -> memref<10000x16xf32, #tpu.memory_space<hbm>>
      tpu.wait_indirect_dma semaphore(%arg11 : memref<!tpu.dma_semaphore, #tpu.memory_space<semaphore_mem>>) src(%dma_wait3A_47 : memref<10000x16xf32, #tpu.memory_space<hbm>>) dst(%arg10 : memref<200x16xf32, #tpu.memory_space<vmem>>)
      "tpu.region"() ({
        %run_scoped3A_133 = tpu.sem_alloc : memref<!tpu.dma_semaphore, #tpu.memory_space<semaphore_mem>>
        %dma_start3A_134 = arith.constant 16 : i32
        %dma_start3A_135 = tpu.memref_slice %arg5[%mul3A_22, %dma_start3A_134] : memref<40000x128xf32, #tpu.memory_space<hbm>> -> memref<200x16xf32, #tpu.memory_space<hbm>>
        %dma_start3A_136 = arith.constant 16 : i32
        %dma_start3A_137 = tpu.memref_slice %arg5[%mul3A_22, %dma_start3A_136] : memref<40000x128xf32, #tpu.memory_space<hbm>> -> memref<200x16xf32, #tpu.memory_space<hbm>>
        tpu.enqueue_dma source(%arg9 : memref<200x16xf32, #tpu.memory_space<vmem>>) target(%dma_start3A_137 : memref<200x16xf32, #tpu.memory_space<hbm>>) target_semaphore(%run_scoped3A_133 : memref<!tpu.dma_semaphore, #tpu.memory_space<semaphore_mem>>)
        %dma_wait3A_138 = arith.constant 16 : i32
        %dma_wait3A_139 = tpu.memref_slice %arg5[%mul3A_22, %dma_wait3A_138] : memref<40000x128xf32, #tpu.memory_space<hbm>> -> memref<200x16xf32, #tpu.memory_space<hbm>>
        %dma_wait3A_140 = arith.constant 16 : i32
        %dma_wait3A_141 = tpu.memref_slice %arg5[%mul3A_22, %dma_wait3A_140] : memref<40000x128xf32, #tpu.memory_space<hbm>> -> memref<200x16xf32, #tpu.memory_space<hbm>>
        tpu.wait_dma2 semaphore(%run_scoped3A_133 : memref<!tpu.dma_semaphore, #tpu.memory_space<semaphore_mem>>) src(%arg9 : memref<200x16xf32, #tpu.memory_space<vmem>>) dst(%dma_wait3A_141 : memref<200x16xf32, #tpu.memory_space<hbm>>)
        tpu.yield
      }) : () -> ()
      "tpu.region"() ({
        %run_scoped3A_133 = tpu.sem_alloc : memref<!tpu.dma_semaphore, #tpu.memory_space<semaphore_mem>>
        %dma_start3A_134 = arith.constant 16 : i32
        %dma_start3A_135 = tpu.memref_slice %arg6[%mul3A_22, %dma_start3A_134] : memref<40000x128xf32, #tpu.memory_space<hbm>> -> memref<200x16xf32, #tpu.memory_space<hbm>>
        %dma_start3A_136 = arith.constant 16 : i32
        %dma_start3A_137 = tpu.memref_slice %arg6[%mul3A_22, %dma_start3A_136] : memref<40000x128xf32, #tpu.memory_space<hbm>> -> memref<200x16xf32, #tpu.memory_space<hbm>>
        tpu.enqueue_dma source(%arg10 : memref<200x16xf32, #tpu.memory_space<vmem>>) target(%dma_start3A_137 : memref<200x16xf32, #tpu.memory_space<hbm>>) target_semaphore(%run_scoped3A_133 : memref<!tpu.dma_semaphore, #tpu.memory_space<semaphore_mem>>)
        %dma_wait3A_138 = arith.constant 16 : i32
        %dma_wait3A_139 = tpu.memref_slice %arg6[%mul3A_22, %dma_wait3A_138] : memref<40000x128xf32, #tpu.memory_space<hbm>> -> memref<200x16xf32, #tpu.memory_space<hbm>>
        %dma_wait3A_140 = arith.constant 16 : i32
        %dma_wait3A_141 = tpu.memref_slice %arg6[%mul3A_22, %dma_wait3A_140] : memref<40000x128xf32, #tpu.memory_space<hbm>> -> memref<200x16xf32, #tpu.memory_space<hbm>>
        tpu.wait_dma2 semaphore(%run_scoped3A_133 : memref<!tpu.dma_semaphore, #tpu.memory_space<semaphore_mem>>) src(%arg10 : memref<200x16xf32, #tpu.memory_space<vmem>>) dst(%dma_wait3A_141 : memref<200x16xf32, #tpu.memory_space<hbm>>)
        tpu.yield
      }) : () -> ()
      %run_scoped3A_48 = arith.constant 2 : i32
      "tpu.region"() ({
        %run_scoped3A_133 = tpu.sem_alloc : memref<!tpu.dma_semaphore, #tpu.memory_space<semaphore_mem>>
        %dma_start3A_134 = arith.constant 0 : i32
        %dma_start3A_135 = tpu.memref_slice %arg3[%run_scoped3A_48, %add3A_20, %dma_start3A_134] : memref<8x200x200xi32, #tpu.memory_space<hbm>> -> memref<1x1x200xi32, #tpu.memory_space<hbm>>
        %dma_start3A_136 = tpu.memref_squeeze %dma_start3A_135 : memref<1x1x200xi32, #tpu.memory_space<hbm>> -> memref<200xi32, #tpu.memory_space<hbm>>
        %dma_start3A_137 = arith.constant 0 : i32
        %dma_start3A_138 = tpu.memref_slice %arg3[%run_scoped3A_48, %add3A_20, %dma_start3A_137] : memref<8x200x200xi32, #tpu.memory_space<hbm>> -> memref<1x1x200xi32, #tpu.memory_space<hbm>>
        %dma_start3A_139 = tpu.memref_squeeze %dma_start3A_138 : memref<1x1x200xi32, #tpu.memory_space<hbm>> -> memref<200xi32, #tpu.memory_space<hbm>>
        tpu.enqueue_dma source(%dma_start3A_139 : memref<200xi32, #tpu.memory_space<hbm>>) target(%arg7 : memref<200xi32, #tpu.memory_space<vmem>>) target_semaphore(%run_scoped3A_133 : memref<!tpu.dma_semaphore, #tpu.memory_space<semaphore_mem>>)
        %dma_wait3A_140 = arith.constant 0 : i32
        %dma_wait3A_141 = tpu.memref_slice %arg3[%run_scoped3A_48, %add3A_20, %dma_wait3A_140] : memref<8x200x200xi32, #tpu.memory_space<hbm>> -> memref<1x1x200xi32, #tpu.memory_space<hbm>>
        %dma_wait3A_142 = tpu.memref_squeeze %dma_wait3A_141 : memref<1x1x200xi32, #tpu.memory_space<hbm>> -> memref<200xi32, #tpu.memory_space<hbm>>
        %dma_wait3A_143 = arith.constant 0 : i32
        %dma_wait3A_144 = tpu.memref_slice %arg3[%run_scoped3A_48, %add3A_20, %dma_wait3A_143] : memref<8x200x200xi32, #tpu.memory_space<hbm>> -> memref<1x1x200xi32, #tpu.memory_space<hbm>>
        %dma_wait3A_145 = tpu.memref_squeeze %dma_wait3A_144 : memref<1x1x200xi32, #tpu.memory_space<hbm>> -> memref<200xi32, #tpu.memory_space<hbm>>
        tpu.wait_dma2 semaphore(%run_scoped3A_133 : memref<!tpu.dma_semaphore, #tpu.memory_space<semaphore_mem>>) src(%dma_wait3A_145 : memref<200xi32, #tpu.memory_space<hbm>>) dst(%arg7 : memref<200xi32, #tpu.memory_space<vmem>>)
        tpu.yield
      }) : () -> ()
      %run_scoped3A_49 = arith.constant 2 : i32
      "tpu.region"() ({
        %run_scoped3A_133 = tpu.sem_alloc : memref<!tpu.dma_semaphore, #tpu.memory_space<semaphore_mem>>
        %dma_start3A_134 = arith.constant 0 : i32
        %dma_start3A_135 = tpu.memref_slice %arg4[%run_scoped3A_49, %add3A_20, %dma_start3A_134] : memref<8x200x200xi32, #tpu.memory_space<hbm>> -> memref<1x1x200xi32, #tpu.memory_space<hbm>>
        %dma_start3A_136 = tpu.memref_squeeze %dma_start3A_135 : memref<1x1x200xi32, #tpu.memory_space<hbm>> -> memref<200xi32, #tpu.memory_space<hbm>>
        %dma_start3A_137 = arith.constant 0 : i32
        %dma_start3A_138 = tpu.memref_slice %arg4[%run_scoped3A_49, %add3A_20, %dma_start3A_137] : memref<8x200x200xi32, #tpu.memory_space<hbm>> -> memref<1x1x200xi32, #tpu.memory_space<hbm>>
        %dma_start3A_139 = tpu.memref_squeeze %dma_start3A_138 : memref<1x1x200xi32, #tpu.memory_space<hbm>> -> memref<200xi32, #tpu.memory_space<hbm>>
        tpu.enqueue_dma source(%dma_start3A_139 : memref<200xi32, #tpu.memory_space<hbm>>) target(%arg8 : memref<200xi32, #tpu.memory_space<vmem>>) target_semaphore(%run_scoped3A_133 : memref<!tpu.dma_semaphore, #tpu.memory_space<semaphore_mem>>)
        %dma_wait3A_140 = arith.constant 0 : i32
        %dma_wait3A_141 = tpu.memref_slice %arg4[%run_scoped3A_49, %add3A_20, %dma_wait3A_140] : memref<8x200x200xi32, #tpu.memory_space<hbm>> -> memref<1x1x200xi32, #tpu.memory_space<hbm>>
        %dma_wait3A_142 = tpu.memref_squeeze %dma_wait3A_141 : memref<1x1x200xi32, #tpu.memory_space<hbm>> -> memref<200xi32, #tpu.memory_space<hbm>>
        %dma_wait3A_143 = arith.constant 0 : i32
        %dma_wait3A_144 = tpu.memref_slice %arg4[%run_scoped3A_49, %add3A_20, %dma_wait3A_143] : memref<8x200x200xi32, #tpu.memory_space<hbm>> -> memref<1x1x200xi32, #tpu.memory_space<hbm>>
        %dma_wait3A_145 = tpu.memref_squeeze %dma_wait3A_144 : memref<1x1x200xi32, #tpu.memory_space<hbm>> -> memref<200xi32, #tpu.memory_space<hbm>>
        tpu.wait_dma2 semaphore(%run_scoped3A_133 : memref<!tpu.dma_semaphore, #tpu.memory_space<semaphore_mem>>) src(%dma_wait3A_145 : memref<200xi32, #tpu.memory_space<hbm>>) dst(%arg8 : memref<200xi32, #tpu.memory_space<vmem>>)
        tpu.yield
      }) : () -> ()
      %dma_start3A_50 = arith.constant 0 : i32
      %dma_start3A_51 = arith.constant 0 : i32
      %dma_start3A_52 = tpu.memref_slice %arg2[%dma_start3A_50, %dma_start3A_51] : memref<10000x16xf32, #tpu.memory_space<hbm>> -> memref<10000x16xf32, #tpu.memory_space<hbm>>
      tpu.enqueue_indirect_dma source(%dma_start3A_52 : memref<10000x16xf32, #tpu.memory_space<hbm>>) target(%arg9 : memref<200x16xf32, #tpu.memory_space<vmem>>) offsets(%arg7 : memref<200xi32, #tpu.memory_space<vmem>>) semaphore(%arg11 : memref<!tpu.dma_semaphore, #tpu.memory_space<semaphore_mem>>)
      %dma_wait3A_53 = arith.constant 0 : i32
      %dma_wait3A_54 = arith.constant 0 : i32
      %dma_wait3A_55 = tpu.memref_slice %arg2[%dma_wait3A_53, %dma_wait3A_54] : memref<10000x16xf32, #tpu.memory_space<hbm>> -> memref<10000x16xf32, #tpu.memory_space<hbm>>
      tpu.wait_indirect_dma semaphore(%arg11 : memref<!tpu.dma_semaphore, #tpu.memory_space<semaphore_mem>>) src(%dma_wait3A_55 : memref<10000x16xf32, #tpu.memory_space<hbm>>) dst(%arg9 : memref<200x16xf32, #tpu.memory_space<vmem>>)
      %dma_start3A_56 = arith.constant 0 : i32
      %dma_start3A_57 = arith.constant 0 : i32
      %dma_start3A_58 = tpu.memref_slice %arg2[%dma_start3A_56, %dma_start3A_57] : memref<10000x16xf32, #tpu.memory_space<hbm>> -> memref<10000x16xf32, #tpu.memory_space<hbm>>
      tpu.enqueue_indirect_dma source(%dma_start3A_58 : memref<10000x16xf32, #tpu.memory_space<hbm>>) target(%arg10 : memref<200x16xf32, #tpu.memory_space<vmem>>) offsets(%arg8 : memref<200xi32, #tpu.memory_space<vmem>>) semaphore(%arg11 : memref<!tpu.dma_semaphore, #tpu.memory_space<semaphore_mem>>)
      %dma_wait3A_59 = arith.constant 0 : i32
      %dma_wait3A_60 = arith.constant 0 : i32
      %dma_wait3A_61 = tpu.memref_slice %arg2[%dma_wait3A_59, %dma_wait3A_60] : memref<10000x16xf32, #tpu.memory_space<hbm>> -> memref<10000x16xf32, #tpu.memory_space<hbm>>
      tpu.wait_indirect_dma semaphore(%arg11 : memref<!tpu.dma_semaphore, #tpu.memory_space<semaphore_mem>>) src(%dma_wait3A_61 : memref<10000x16xf32, #tpu.memory_space<hbm>>) dst(%arg10 : memref<200x16xf32, #tpu.memory_space<vmem>>)
      "tpu.region"() ({
        %run_scoped3A_133 = tpu.sem_alloc : memref<!tpu.dma_semaphore, #tpu.memory_space<semaphore_mem>>
        %dma_start3A_134 = arith.constant 32 : i32
        %dma_start3A_135 = tpu.memref_slice %arg5[%mul3A_22, %dma_start3A_134] : memref<40000x128xf32, #tpu.memory_space<hbm>> -> memref<200x16xf32, #tpu.memory_space<hbm>>
        %dma_start3A_136 = arith.constant 32 : i32
        %dma_start3A_137 = tpu.memref_slice %arg5[%mul3A_22, %dma_start3A_136] : memref<40000x128xf32, #tpu.memory_space<hbm>> -> memref<200x16xf32, #tpu.memory_space<hbm>>
        tpu.enqueue_dma source(%arg9 : memref<200x16xf32, #tpu.memory_space<vmem>>) target(%dma_start3A_137 : memref<200x16xf32, #tpu.memory_space<hbm>>) target_semaphore(%run_scoped3A_133 : memref<!tpu.dma_semaphore, #tpu.memory_space<semaphore_mem>>)
        %dma_wait3A_138 = arith.constant 32 : i32
        %dma_wait3A_139 = tpu.memref_slice %arg5[%mul3A_22, %dma_wait3A_138] : memref<40000x128xf32, #tpu.memory_space<hbm>> -> memref<200x16xf32, #tpu.memory_space<hbm>>
        %dma_wait3A_140 = arith.constant 32 : i32
        %dma_wait3A_141 = tpu.memref_slice %arg5[%mul3A_22, %dma_wait3A_140] : memref<40000x128xf32, #tpu.memory_space<hbm>> -> memref<200x16xf32, #tpu.memory_space<hbm>>
        tpu.wait_dma2 semaphore(%run_scoped3A_133 : memref<!tpu.dma_semaphore, #tpu.memory_space<semaphore_mem>>) src(%arg9 : memref<200x16xf32, #tpu.memory_space<vmem>>) dst(%dma_wait3A_141 : memref<200x16xf32, #tpu.memory_space<hbm>>)
        tpu.yield
      }) : () -> ()
      "tpu.region"() ({
        %run_scoped3A_133 = tpu.sem_alloc : memref<!tpu.dma_semaphore, #tpu.memory_space<semaphore_mem>>
        %dma_start3A_134 = arith.constant 32 : i32
        %dma_start3A_135 = tpu.memref_slice %arg6[%mul3A_22, %dma_start3A_134] : memref<40000x128xf32, #tpu.memory_space<hbm>> -> memref<200x16xf32, #tpu.memory_space<hbm>>
        %dma_start3A_136 = arith.constant 32 : i32
        %dma_start3A_137 = tpu.memref_slice %arg6[%mul3A_22, %dma_start3A_136] : memref<40000x128xf32, #tpu.memory_space<hbm>> -> memref<200x16xf32, #tpu.memory_space<hbm>>
        tpu.enqueue_dma source(%arg10 : memref<200x16xf32, #tpu.memory_space<vmem>>) target(%dma_start3A_137 : memref<200x16xf32, #tpu.memory_space<hbm>>) target_semaphore(%run_scoped3A_133 : memref<!tpu.dma_semaphore, #tpu.memory_space<semaphore_mem>>)
        %dma_wait3A_138 = arith.constant 32 : i32
        %dma_wait3A_139 = tpu.memref_slice %arg6[%mul3A_22, %dma_wait3A_138] : memref<40000x128xf32, #tpu.memory_space<hbm>> -> memref<200x16xf32, #tpu.memory_space<hbm>>
        %dma_wait3A_140 = arith.constant 32 : i32
        %dma_wait3A_141 = tpu.memref_slice %arg6[%mul3A_22, %dma_wait3A_140] : memref<40000x128xf32, #tpu.memory_space<hbm>> -> memref<200x16xf32, #tpu.memory_space<hbm>>
        tpu.wait_dma2 semaphore(%run_scoped3A_133 : memref<!tpu.dma_semaphore, #tpu.memory_space<semaphore_mem>>) src(%arg10 : memref<200x16xf32, #tpu.memory_space<vmem>>) dst(%dma_wait3A_141 : memref<200x16xf32, #tpu.memory_space<hbm>>)
        tpu.yield
      }) : () -> ()
      %run_scoped3A_62 = arith.constant 3 : i32
      "tpu.region"() ({
        %run_scoped3A_133 = tpu.sem_alloc : memref<!tpu.dma_semaphore, #tpu.memory_space<semaphore_mem>>
        %dma_start3A_134 = arith.constant 0 : i32
        %dma_start3A_135 = tpu.memref_slice %arg3[%run_scoped3A_62, %add3A_20, %dma_start3A_134] : memref<8x200x200xi32, #tpu.memory_space<hbm>> -> memref<1x1x200xi32, #tpu.memory_space<hbm>>
        %dma_start3A_136 = tpu.memref_squeeze %dma_start3A_135 : memref<1x1x200xi32, #tpu.memory_space<hbm>> -> memref<200xi32, #tpu.memory_space<hbm>>
        %dma_start3A_137 = arith.constant 0 : i32
        %dma_start3A_138 = tpu.memref_slice %arg3[%run_scoped3A_62, %add3A_20, %dma_start3A_137] : memref<8x200x200xi32, #tpu.memory_space<hbm>> -> memref<1x1x200xi32, #tpu.memory_space<hbm>>
        %dma_start3A_139 = tpu.memref_squeeze %dma_start3A_138 : memref<1x1x200xi32, #tpu.memory_space<hbm>> -> memref<200xi32, #tpu.memory_space<hbm>>
        tpu.enqueue_dma source(%dma_start3A_139 : memref<200xi32, #tpu.memory_space<hbm>>) target(%arg7 : memref<200xi32, #tpu.memory_space<vmem>>) target_semaphore(%run_scoped3A_133 : memref<!tpu.dma_semaphore, #tpu.memory_space<semaphore_mem>>)
        %dma_wait3A_140 = arith.constant 0 : i32
        %dma_wait3A_141 = tpu.memref_slice %arg3[%run_scoped3A_62, %add3A_20, %dma_wait3A_140] : memref<8x200x200xi32, #tpu.memory_space<hbm>> -> memref<1x1x200xi32, #tpu.memory_space<hbm>>
        %dma_wait3A_142 = tpu.memref_squeeze %dma_wait3A_141 : memref<1x1x200xi32, #tpu.memory_space<hbm>> -> memref<200xi32, #tpu.memory_space<hbm>>
        %dma_wait3A_143 = arith.constant 0 : i32
        %dma_wait3A_144 = tpu.memref_slice %arg3[%run_scoped3A_62, %add3A_20, %dma_wait3A_143] : memref<8x200x200xi32, #tpu.memory_space<hbm>> -> memref<1x1x200xi32, #tpu.memory_space<hbm>>
        %dma_wait3A_145 = tpu.memref_squeeze %dma_wait3A_144 : memref<1x1x200xi32, #tpu.memory_space<hbm>> -> memref<200xi32, #tpu.memory_space<hbm>>
        tpu.wait_dma2 semaphore(%run_scoped3A_133 : memref<!tpu.dma_semaphore, #tpu.memory_space<semaphore_mem>>) src(%dma_wait3A_145 : memref<200xi32, #tpu.memory_space<hbm>>) dst(%arg7 : memref<200xi32, #tpu.memory_space<vmem>>)
        tpu.yield
      }) : () -> ()
      %run_scoped3A_63 = arith.constant 3 : i32
      "tpu.region"() ({
        %run_scoped3A_133 = tpu.sem_alloc : memref<!tpu.dma_semaphore, #tpu.memory_space<semaphore_mem>>
        %dma_start3A_134 = arith.constant 0 : i32
        %dma_start3A_135 = tpu.memref_slice %arg4[%run_scoped3A_63, %add3A_20, %dma_start3A_134] : memref<8x200x200xi32, #tpu.memory_space<hbm>> -> memref<1x1x200xi32, #tpu.memory_space<hbm>>
        %dma_start3A_136 = tpu.memref_squeeze %dma_start3A_135 : memref<1x1x200xi32, #tpu.memory_space<hbm>> -> memref<200xi32, #tpu.memory_space<hbm>>
        %dma_start3A_137 = arith.constant 0 : i32
        %dma_start3A_138 = tpu.memref_slice %arg4[%run_scoped3A_63, %add3A_20, %dma_start3A_137] : memref<8x200x200xi32, #tpu.memory_space<hbm>> -> memref<1x1x200xi32, #tpu.memory_space<hbm>>
        %dma_start3A_139 = tpu.memref_squeeze %dma_start3A_138 : memref<1x1x200xi32, #tpu.memory_space<hbm>> -> memref<200xi32, #tpu.memory_space<hbm>>
        tpu.enqueue_dma source(%dma_start3A_139 : memref<200xi32, #tpu.memory_space<hbm>>) target(%arg8 : memref<200xi32, #tpu.memory_space<vmem>>) target_semaphore(%run_scoped3A_133 : memref<!tpu.dma_semaphore, #tpu.memory_space<semaphore_mem>>)
        %dma_wait3A_140 = arith.constant 0 : i32
        %dma_wait3A_141 = tpu.memref_slice %arg4[%run_scoped3A_63, %add3A_20, %dma_wait3A_140] : memref<8x200x200xi32, #tpu.memory_space<hbm>> -> memref<1x1x200xi32, #tpu.memory_space<hbm>>
        %dma_wait3A_142 = tpu.memref_squeeze %dma_wait3A_141 : memref<1x1x200xi32, #tpu.memory_space<hbm>> -> memref<200xi32, #tpu.memory_space<hbm>>
        %dma_wait3A_143 = arith.constant 0 : i32
        %dma_wait3A_144 = tpu.memref_slice %arg4[%run_scoped3A_63, %add3A_20, %dma_wait3A_143] : memref<8x200x200xi32, #tpu.memory_space<hbm>> -> memref<1x1x200xi32, #tpu.memory_space<hbm>>
        %dma_wait3A_145 = tpu.memref_squeeze %dma_wait3A_144 : memref<1x1x200xi32, #tpu.memory_space<hbm>> -> memref<200xi32, #tpu.memory_space<hbm>>
        tpu.wait_dma2 semaphore(%run_scoped3A_133 : memref<!tpu.dma_semaphore, #tpu.memory_space<semaphore_mem>>) src(%dma_wait3A_145 : memref<200xi32, #tpu.memory_space<hbm>>) dst(%arg8 : memref<200xi32, #tpu.memory_space<vmem>>)
        tpu.yield
      }) : () -> ()
      %dma_start3A_64 = arith.constant 0 : i32
      %dma_start3A_65 = arith.constant 0 : i32
      %dma_start3A_66 = tpu.memref_slice %arg2[%dma_start3A_64, %dma_start3A_65] : memref<10000x16xf32, #tpu.memory_space<hbm>> -> memref<10000x16xf32, #tpu.memory_space<hbm>>
      tpu.enqueue_indirect_dma source(%dma_start3A_66 : memref<10000x16xf32, #tpu.memory_space<hbm>>) target(%arg9 : memref<200x16xf32, #tpu.memory_space<vmem>>) offsets(%arg7 : memref<200xi32, #tpu.memory_space<vmem>>) semaphore(%arg11 : memref<!tpu.dma_semaphore, #tpu.memory_space<semaphore_mem>>)
      %dma_wait3A_67 = arith.constant 0 : i32
      %dma_wait3A_68 = arith.constant 0 : i32
      %dma_wait3A_69 = tpu.memref_slice %arg2[%dma_wait3A_67, %dma_wait3A_68] : memref<10000x16xf32, #tpu.memory_space<hbm>> -> memref<10000x16xf32, #tpu.memory_space<hbm>>
      tpu.wait_indirect_dma semaphore(%arg11 : memref<!tpu.dma_semaphore, #tpu.memory_space<semaphore_mem>>) src(%dma_wait3A_69 : memref<10000x16xf32, #tpu.memory_space<hbm>>) dst(%arg9 : memref<200x16xf32, #tpu.memory_space<vmem>>)
      %dma_start3A_70 = arith.constant 0 : i32
      %dma_start3A_71 = arith.constant 0 : i32
      %dma_start3A_72 = tpu.memref_slice %arg2[%dma_start3A_70, %dma_start3A_71] : memref<10000x16xf32, #tpu.memory_space<hbm>> -> memref<10000x16xf32, #tpu.memory_space<hbm>>
      tpu.enqueue_indirect_dma source(%dma_start3A_72 : memref<10000x16xf32, #tpu.memory_space<hbm>>) target(%arg10 : memref<200x16xf32, #tpu.memory_space<vmem>>) offsets(%arg8 : memref<200xi32, #tpu.memory_space<vmem>>) semaphore(%arg11 : memref<!tpu.dma_semaphore, #tpu.memory_space<semaphore_mem>>)
      %dma_wait3A_73 = arith.constant 0 : i32
      %dma_wait3A_74 = arith.constant 0 : i32
      %dma_wait3A_75 = tpu.memref_slice %arg2[%dma_wait3A_73, %dma_wait3A_74] : memref<10000x16xf32, #tpu.memory_space<hbm>> -> memref<10000x16xf32, #tpu.memory_space<hbm>>
      tpu.wait_indirect_dma semaphore(%arg11 : memref<!tpu.dma_semaphore, #tpu.memory_space<semaphore_mem>>) src(%dma_wait3A_75 : memref<10000x16xf32, #tpu.memory_space<hbm>>) dst(%arg10 : memref<200x16xf32, #tpu.memory_space<vmem>>)
      "tpu.region"() ({
        %run_scoped3A_133 = tpu.sem_alloc : memref<!tpu.dma_semaphore, #tpu.memory_space<semaphore_mem>>
        %dma_start3A_134 = arith.constant 48 : i32
        %dma_start3A_135 = tpu.memref_slice %arg5[%mul3A_22, %dma_start3A_134] : memref<40000x128xf32, #tpu.memory_space<hbm>> -> memref<200x16xf32, #tpu.memory_space<hbm>>
        %dma_start3A_136 = arith.constant 48 : i32
        %dma_start3A_137 = tpu.memref_slice %arg5[%mul3A_22, %dma_start3A_136] : memref<40000x128xf32, #tpu.memory_space<hbm>> -> memref<200x16xf32, #tpu.memory_space<hbm>>
        tpu.enqueue_dma source(%arg9 : memref<200x16xf32, #tpu.memory_space<vmem>>) target(%dma_start3A_137 : memref<200x16xf32, #tpu.memory_space<hbm>>) target_semaphore(%run_scoped3A_133 : memref<!tpu.dma_semaphore, #tpu.memory_space<semaphore_mem>>)
        %dma_wait3A_138 = arith.constant 48 : i32
        %dma_wait3A_139 = tpu.memref_slice %arg5[%mul3A_22, %dma_wait3A_138] : memref<40000x128xf32, #tpu.memory_space<hbm>> -> memref<200x16xf32, #tpu.memory_space<hbm>>
        %dma_wait3A_140 = arith.constant 48 : i32
        %dma_wait3A_141 = tpu.memref_slice %arg5[%mul3A_22, %dma_wait3A_140] : memref<40000x128xf32, #tpu.memory_space<hbm>> -> memref<200x16xf32, #tpu.memory_space<hbm>>
        tpu.wait_dma2 semaphore(%run_scoped3A_133 : memref<!tpu.dma_semaphore, #tpu.memory_space<semaphore_mem>>) src(%arg9 : memref<200x16xf32, #tpu.memory_space<vmem>>) dst(%dma_wait3A_141 : memref<200x16xf32, #tpu.memory_space<hbm>>)
        tpu.yield
      }) : () -> ()
      "tpu.region"() ({
        %run_scoped3A_133 = tpu.sem_alloc : memref<!tpu.dma_semaphore, #tpu.memory_space<semaphore_mem>>
        %dma_start3A_134 = arith.constant 48 : i32
        %dma_start3A_135 = tpu.memref_slice %arg6[%mul3A_22, %dma_start3A_134] : memref<40000x128xf32, #tpu.memory_space<hbm>> -> memref<200x16xf32, #tpu.memory_space<hbm>>
        %dma_start3A_136 = arith.constant 48 : i32
        %dma_start3A_137 = tpu.memref_slice %arg6[%mul3A_22, %dma_start3A_136] : memref<40000x128xf32, #tpu.memory_space<hbm>> -> memref<200x16xf32, #tpu.memory_space<hbm>>
        tpu.enqueue_dma source(%arg10 : memref<200x16xf32, #tpu.memory_space<vmem>>) target(%dma_start3A_137 : memref<200x16xf32, #tpu.memory_space<hbm>>) target_semaphore(%run_scoped3A_133 : memref<!tpu.dma_semaphore, #tpu.memory_space<semaphore_mem>>)
        %dma_wait3A_138 = arith.constant 48 : i32
        %dma_wait3A_139 = tpu.memref_slice %arg6[%mul3A_22, %dma_wait3A_138] : memref<40000x128xf32, #tpu.memory_space<hbm>> -> memref<200x16xf32, #tpu.memory_space<hbm>>
        %dma_wait3A_140 = arith.constant 48 : i32
        %dma_wait3A_141 = tpu.memref_slice %arg6[%mul3A_22, %dma_wait3A_140] : memref<40000x128xf32, #tpu.memory_space<hbm>> -> memref<200x16xf32, #tpu.memory_space<hbm>>
        tpu.wait_dma2 semaphore(%run_scoped3A_133 : memref<!tpu.dma_semaphore, #tpu.memory_space<semaphore_mem>>) src(%arg10 : memref<200x16xf32, #tpu.memory_space<vmem>>) dst(%dma_wait3A_141 : memref<200x16xf32, #tpu.memory_space<hbm>>)
        tpu.yield
      }) : () -> ()
      %run_scoped3A_76 = arith.constant 4 : i32
      "tpu.region"() ({
        %run_scoped3A_133 = tpu.sem_alloc : memref<!tpu.dma_semaphore, #tpu.memory_space<semaphore_mem>>
        %dma_start3A_134 = arith.constant 0 : i32
        %dma_start3A_135 = tpu.memref_slice %arg3[%run_scoped3A_76, %add3A_20, %dma_start3A_134] : memref<8x200x200xi32, #tpu.memory_space<hbm>> -> memref<1x1x200xi32, #tpu.memory_space<hbm>>
        %dma_start3A_136 = tpu.memref_squeeze %dma_start3A_135 : memref<1x1x200xi32, #tpu.memory_space<hbm>> -> memref<200xi32, #tpu.memory_space<hbm>>
        %dma_start3A_137 = arith.constant 0 : i32
        %dma_start3A_138 = tpu.memref_slice %arg3[%run_scoped3A_76, %add3A_20, %dma_start3A_137] : memref<8x200x200xi32, #tpu.memory_space<hbm>> -> memref<1x1x200xi32, #tpu.memory_space<hbm>>
        %dma_start3A_139 = tpu.memref_squeeze %dma_start3A_138 : memref<1x1x200xi32, #tpu.memory_space<hbm>> -> memref<200xi32, #tpu.memory_space<hbm>>
        tpu.enqueue_dma source(%dma_start3A_139 : memref<200xi32, #tpu.memory_space<hbm>>) target(%arg7 : memref<200xi32, #tpu.memory_space<vmem>>) target_semaphore(%run_scoped3A_133 : memref<!tpu.dma_semaphore, #tpu.memory_space<semaphore_mem>>)
        %dma_wait3A_140 = arith.constant 0 : i32
        %dma_wait3A_141 = tpu.memref_slice %arg3[%run_scoped3A_76, %add3A_20, %dma_wait3A_140] : memref<8x200x200xi32, #tpu.memory_space<hbm>> -> memref<1x1x200xi32, #tpu.memory_space<hbm>>
        %dma_wait3A_142 = tpu.memref_squeeze %dma_wait3A_141 : memref<1x1x200xi32, #tpu.memory_space<hbm>> -> memref<200xi32, #tpu.memory_space<hbm>>
        %dma_wait3A_143 = arith.constant 0 : i32
        %dma_wait3A_144 = tpu.memref_slice %arg3[%run_scoped3A_76, %add3A_20, %dma_wait3A_143] : memref<8x200x200xi32, #tpu.memory_space<hbm>> -> memref<1x1x200xi32, #tpu.memory_space<hbm>>
        %dma_wait3A_145 = tpu.memref_squeeze %dma_wait3A_144 : memref<1x1x200xi32, #tpu.memory_space<hbm>> -> memref<200xi32, #tpu.memory_space<hbm>>
        tpu.wait_dma2 semaphore(%run_scoped3A_133 : memref<!tpu.dma_semaphore, #tpu.memory_space<semaphore_mem>>) src(%dma_wait3A_145 : memref<200xi32, #tpu.memory_space<hbm>>) dst(%arg7 : memref<200xi32, #tpu.memory_space<vmem>>)
        tpu.yield
      }) : () -> ()
      %run_scoped3A_77 = arith.constant 4 : i32
      "tpu.region"() ({
        %run_scoped3A_133 = tpu.sem_alloc : memref<!tpu.dma_semaphore, #tpu.memory_space<semaphore_mem>>
        %dma_start3A_134 = arith.constant 0 : i32
        %dma_start3A_135 = tpu.memref_slice %arg4[%run_scoped3A_77, %add3A_20, %dma_start3A_134] : memref<8x200x200xi32, #tpu.memory_space<hbm>> -> memref<1x1x200xi32, #tpu.memory_space<hbm>>
        %dma_start3A_136 = tpu.memref_squeeze %dma_start3A_135 : memref<1x1x200xi32, #tpu.memory_space<hbm>> -> memref<200xi32, #tpu.memory_space<hbm>>
        %dma_start3A_137 = arith.constant 0 : i32
        %dma_start3A_138 = tpu.memref_slice %arg4[%run_scoped3A_77, %add3A_20, %dma_start3A_137] : memref<8x200x200xi32, #tpu.memory_space<hbm>> -> memref<1x1x200xi32, #tpu.memory_space<hbm>>
        %dma_start3A_139 = tpu.memref_squeeze %dma_start3A_138 : memref<1x1x200xi32, #tpu.memory_space<hbm>> -> memref<200xi32, #tpu.memory_space<hbm>>
        tpu.enqueue_dma source(%dma_start3A_139 : memref<200xi32, #tpu.memory_space<hbm>>) target(%arg8 : memref<200xi32, #tpu.memory_space<vmem>>) target_semaphore(%run_scoped3A_133 : memref<!tpu.dma_semaphore, #tpu.memory_space<semaphore_mem>>)
        %dma_wait3A_140 = arith.constant 0 : i32
        %dma_wait3A_141 = tpu.memref_slice %arg4[%run_scoped3A_77, %add3A_20, %dma_wait3A_140] : memref<8x200x200xi32, #tpu.memory_space<hbm>> -> memref<1x1x200xi32, #tpu.memory_space<hbm>>
        %dma_wait3A_142 = tpu.memref_squeeze %dma_wait3A_141 : memref<1x1x200xi32, #tpu.memory_space<hbm>> -> memref<200xi32, #tpu.memory_space<hbm>>
        %dma_wait3A_143 = arith.constant 0 : i32
        %dma_wait3A_144 = tpu.memref_slice %arg4[%run_scoped3A_77, %add3A_20, %dma_wait3A_143] : memref<8x200x200xi32, #tpu.memory_space<hbm>> -> memref<1x1x200xi32, #tpu.memory_space<hbm>>
        %dma_wait3A_145 = tpu.memref_squeeze %dma_wait3A_144 : memref<1x1x200xi32, #tpu.memory_space<hbm>> -> memref<200xi32, #tpu.memory_space<hbm>>
        tpu.wait_dma2 semaphore(%run_scoped3A_133 : memref<!tpu.dma_semaphore, #tpu.memory_space<semaphore_mem>>) src(%dma_wait3A_145 : memref<200xi32, #tpu.memory_space<hbm>>) dst(%arg8 : memref<200xi32, #tpu.memory_space<vmem>>)
        tpu.yield
      }) : () -> ()
      %dma_start3A_78 = arith.constant 0 : i32
      %dma_start3A_79 = arith.constant 0 : i32
      %dma_start3A_80 = tpu.memref_slice %arg2[%dma_start3A_78, %dma_start3A_79] : memref<10000x16xf32, #tpu.memory_space<hbm>> -> memref<10000x16xf32, #tpu.memory_space<hbm>>
      tpu.enqueue_indirect_dma source(%dma_start3A_80 : memref<10000x16xf32, #tpu.memory_space<hbm>>) target(%arg9 : memref<200x16xf32, #tpu.memory_space<vmem>>) offsets(%arg7 : memref<200xi32, #tpu.memory_space<vmem>>) semaphore(%arg11 : memref<!tpu.dma_semaphore, #tpu.memory_space<semaphore_mem>>)
      %dma_wait3A_81 = arith.constant 0 : i32
      %dma_wait3A_82 = arith.constant 0 : i32
      %dma_wait3A_83 = tpu.memref_slice %arg2[%dma_wait3A_81, %dma_wait3A_82] : memref<10000x16xf32, #tpu.memory_space<hbm>> -> memref<10000x16xf32, #tpu.memory_space<hbm>>
      tpu.wait_indirect_dma semaphore(%arg11 : memref<!tpu.dma_semaphore, #tpu.memory_space<semaphore_mem>>) src(%dma_wait3A_83 : memref<10000x16xf32, #tpu.memory_space<hbm>>) dst(%arg9 : memref<200x16xf32, #tpu.memory_space<vmem>>)
      %dma_start3A_84 = arith.constant 0 : i32
      %dma_start3A_85 = arith.constant 0 : i32
      %dma_start3A_86 = tpu.memref_slice %arg2[%dma_start3A_84, %dma_start3A_85] : memref<10000x16xf32, #tpu.memory_space<hbm>> -> memref<10000x16xf32, #tpu.memory_space<hbm>>
      tpu.enqueue_indirect_dma source(%dma_start3A_86 : memref<10000x16xf32, #tpu.memory_space<hbm>>) target(%arg10 : memref<200x16xf32, #tpu.memory_space<vmem>>) offsets(%arg8 : memref<200xi32, #tpu.memory_space<vmem>>) semaphore(%arg11 : memref<!tpu.dma_semaphore, #tpu.memory_space<semaphore_mem>>)
      %dma_wait3A_87 = arith.constant 0 : i32
      %dma_wait3A_88 = arith.constant 0 : i32
      %dma_wait3A_89 = tpu.memref_slice %arg2[%dma_wait3A_87, %dma_wait3A_88] : memref<10000x16xf32, #tpu.memory_space<hbm>> -> memref<10000x16xf32, #tpu.memory_space<hbm>>
      tpu.wait_indirect_dma semaphore(%arg11 : memref<!tpu.dma_semaphore, #tpu.memory_space<semaphore_mem>>) src(%dma_wait3A_89 : memref<10000x16xf32, #tpu.memory_space<hbm>>) dst(%arg10 : memref<200x16xf32, #tpu.memory_space<vmem>>)
      "tpu.region"() ({
        %run_scoped3A_133 = tpu.sem_alloc : memref<!tpu.dma_semaphore, #tpu.memory_space<semaphore_mem>>
        %dma_start3A_134 = arith.constant 64 : i32
        %dma_start3A_135 = tpu.memref_slice %arg5[%mul3A_22, %dma_start3A_134] : memref<40000x128xf32, #tpu.memory_space<hbm>> -> memref<200x16xf32, #tpu.memory_space<hbm>>
        %dma_start3A_136 = arith.constant 64 : i32
        %dma_start3A_137 = tpu.memref_slice %arg5[%mul3A_22, %dma_start3A_136] : memref<40000x128xf32, #tpu.memory_space<hbm>> -> memref<200x16xf32, #tpu.memory_space<hbm>>
        tpu.enqueue_dma source(%arg9 : memref<200x16xf32, #tpu.memory_space<vmem>>) target(%dma_start3A_137 : memref<200x16xf32, #tpu.memory_space<hbm>>) target_semaphore(%run_scoped3A_133 : memref<!tpu.dma_semaphore, #tpu.memory_space<semaphore_mem>>)
        %dma_wait3A_138 = arith.constant 64 : i32
        %dma_wait3A_139 = tpu.memref_slice %arg5[%mul3A_22, %dma_wait3A_138] : memref<40000x128xf32, #tpu.memory_space<hbm>> -> memref<200x16xf32, #tpu.memory_space<hbm>>
        %dma_wait3A_140 = arith.constant 64 : i32
        %dma_wait3A_141 = tpu.memref_slice %arg5[%mul3A_22, %dma_wait3A_140] : memref<40000x128xf32, #tpu.memory_space<hbm>> -> memref<200x16xf32, #tpu.memory_space<hbm>>
        tpu.wait_dma2 semaphore(%run_scoped3A_133 : memref<!tpu.dma_semaphore, #tpu.memory_space<semaphore_mem>>) src(%arg9 : memref<200x16xf32, #tpu.memory_space<vmem>>) dst(%dma_wait3A_141 : memref<200x16xf32, #tpu.memory_space<hbm>>)
        tpu.yield
      }) : () -> ()
      "tpu.region"() ({
        %run_scoped3A_133 = tpu.sem_alloc : memref<!tpu.dma_semaphore, #tpu.memory_space<semaphore_mem>>
        %dma_start3A_134 = arith.constant 64 : i32
        %dma_start3A_135 = tpu.memref_slice %arg6[%mul3A_22, %dma_start3A_134] : memref<40000x128xf32, #tpu.memory_space<hbm>> -> memref<200x16xf32, #tpu.memory_space<hbm>>
        %dma_start3A_136 = arith.constant 64 : i32
        %dma_start3A_137 = tpu.memref_slice %arg6[%mul3A_22, %dma_start3A_136] : memref<40000x128xf32, #tpu.memory_space<hbm>> -> memref<200x16xf32, #tpu.memory_space<hbm>>
        tpu.enqueue_dma source(%arg10 : memref<200x16xf32, #tpu.memory_space<vmem>>) target(%dma_start3A_137 : memref<200x16xf32, #tpu.memory_space<hbm>>) target_semaphore(%run_scoped3A_133 : memref<!tpu.dma_semaphore, #tpu.memory_space<semaphore_mem>>)
        %dma_wait3A_138 = arith.constant 64 : i32
        %dma_wait3A_139 = tpu.memref_slice %arg6[%mul3A_22, %dma_wait3A_138] : memref<40000x128xf32, #tpu.memory_space<hbm>> -> memref<200x16xf32, #tpu.memory_space<hbm>>
        %dma_wait3A_140 = arith.constant 64 : i32
        %dma_wait3A_141 = tpu.memref_slice %arg6[%mul3A_22, %dma_wait3A_140] : memref<40000x128xf32, #tpu.memory_space<hbm>> -> memref<200x16xf32, #tpu.memory_space<hbm>>
        tpu.wait_dma2 semaphore(%run_scoped3A_133 : memref<!tpu.dma_semaphore, #tpu.memory_space<semaphore_mem>>) src(%arg10 : memref<200x16xf32, #tpu.memory_space<vmem>>) dst(%dma_wait3A_141 : memref<200x16xf32, #tpu.memory_space<hbm>>)
        tpu.yield
      }) : () -> ()
      %run_scoped3A_90 = arith.constant 5 : i32
      "tpu.region"() ({
        %run_scoped3A_133 = tpu.sem_alloc : memref<!tpu.dma_semaphore, #tpu.memory_space<semaphore_mem>>
        %dma_start3A_134 = arith.constant 0 : i32
        %dma_start3A_135 = tpu.memref_slice %arg3[%run_scoped3A_90, %add3A_20, %dma_start3A_134] : memref<8x200x200xi32, #tpu.memory_space<hbm>> -> memref<1x1x200xi32, #tpu.memory_space<hbm>>
        %dma_start3A_136 = tpu.memref_squeeze %dma_start3A_135 : memref<1x1x200xi32, #tpu.memory_space<hbm>> -> memref<200xi32, #tpu.memory_space<hbm>>
        %dma_start3A_137 = arith.constant 0 : i32
        %dma_start3A_138 = tpu.memref_slice %arg3[%run_scoped3A_90, %add3A_20, %dma_start3A_137] : memref<8x200x200xi32, #tpu.memory_space<hbm>> -> memref<1x1x200xi32, #tpu.memory_space<hbm>>
        %dma_start3A_139 = tpu.memref_squeeze %dma_start3A_138 : memref<1x1x200xi32, #tpu.memory_space<hbm>> -> memref<200xi32, #tpu.memory_space<hbm>>
        tpu.enqueue_dma source(%dma_start3A_139 : memref<200xi32, #tpu.memory_space<hbm>>) target(%arg7 : memref<200xi32, #tpu.memory_space<vmem>>) target_semaphore(%run_scoped3A_133 : memref<!tpu.dma_semaphore, #tpu.memory_space<semaphore_mem>>)
        %dma_wait3A_140 = arith.constant 0 : i32
        %dma_wait3A_141 = tpu.memref_slice %arg3[%run_scoped3A_90, %add3A_20, %dma_wait3A_140] : memref<8x200x200xi32, #tpu.memory_space<hbm>> -> memref<1x1x200xi32, #tpu.memory_space<hbm>>
        %dma_wait3A_142 = tpu.memref_squeeze %dma_wait3A_141 : memref<1x1x200xi32, #tpu.memory_space<hbm>> -> memref<200xi32, #tpu.memory_space<hbm>>
        %dma_wait3A_143 = arith.constant 0 : i32
        %dma_wait3A_144 = tpu.memref_slice %arg3[%run_scoped3A_90, %add3A_20, %dma_wait3A_143] : memref<8x200x200xi32, #tpu.memory_space<hbm>> -> memref<1x1x200xi32, #tpu.memory_space<hbm>>
        %dma_wait3A_145 = tpu.memref_squeeze %dma_wait3A_144 : memref<1x1x200xi32, #tpu.memory_space<hbm>> -> memref<200xi32, #tpu.memory_space<hbm>>
        tpu.wait_dma2 semaphore(%run_scoped3A_133 : memref<!tpu.dma_semaphore, #tpu.memory_space<semaphore_mem>>) src(%dma_wait3A_145 : memref<200xi32, #tpu.memory_space<hbm>>) dst(%arg7 : memref<200xi32, #tpu.memory_space<vmem>>)
        tpu.yield
      }) : () -> ()
      %run_scoped3A_91 = arith.constant 5 : i32
      "tpu.region"() ({
        %run_scoped3A_133 = tpu.sem_alloc : memref<!tpu.dma_semaphore, #tpu.memory_space<semaphore_mem>>
        %dma_start3A_134 = arith.constant 0 : i32
        %dma_start3A_135 = tpu.memref_slice %arg4[%run_scoped3A_91, %add3A_20, %dma_start3A_134] : memref<8x200x200xi32, #tpu.memory_space<hbm>> -> memref<1x1x200xi32, #tpu.memory_space<hbm>>
        %dma_start3A_136 = tpu.memref_squeeze %dma_start3A_135 : memref<1x1x200xi32, #tpu.memory_space<hbm>> -> memref<200xi32, #tpu.memory_space<hbm>>
        %dma_start3A_137 = arith.constant 0 : i32
        %dma_start3A_138 = tpu.memref_slice %arg4[%run_scoped3A_91, %add3A_20, %dma_start3A_137] : memref<8x200x200xi32, #tpu.memory_space<hbm>> -> memref<1x1x200xi32, #tpu.memory_space<hbm>>
        %dma_start3A_139 = tpu.memref_squeeze %dma_start3A_138 : memref<1x1x200xi32, #tpu.memory_space<hbm>> -> memref<200xi32, #tpu.memory_space<hbm>>
        tpu.enqueue_dma source(%dma_start3A_139 : memref<200xi32, #tpu.memory_space<hbm>>) target(%arg8 : memref<200xi32, #tpu.memory_space<vmem>>) target_semaphore(%run_scoped3A_133 : memref<!tpu.dma_semaphore, #tpu.memory_space<semaphore_mem>>)
        %dma_wait3A_140 = arith.constant 0 : i32
        %dma_wait3A_141 = tpu.memref_slice %arg4[%run_scoped3A_91, %add3A_20, %dma_wait3A_140] : memref<8x200x200xi32, #tpu.memory_space<hbm>> -> memref<1x1x200xi32, #tpu.memory_space<hbm>>
        %dma_wait3A_142 = tpu.memref_squeeze %dma_wait3A_141 : memref<1x1x200xi32, #tpu.memory_space<hbm>> -> memref<200xi32, #tpu.memory_space<hbm>>
        %dma_wait3A_143 = arith.constant 0 : i32
        %dma_wait3A_144 = tpu.memref_slice %arg4[%run_scoped3A_91, %add3A_20, %dma_wait3A_143] : memref<8x200x200xi32, #tpu.memory_space<hbm>> -> memref<1x1x200xi32, #tpu.memory_space<hbm>>
        %dma_wait3A_145 = tpu.memref_squeeze %dma_wait3A_144 : memref<1x1x200xi32, #tpu.memory_space<hbm>> -> memref<200xi32, #tpu.memory_space<hbm>>
        tpu.wait_dma2 semaphore(%run_scoped3A_133 : memref<!tpu.dma_semaphore, #tpu.memory_space<semaphore_mem>>) src(%dma_wait3A_145 : memref<200xi32, #tpu.memory_space<hbm>>) dst(%arg8 : memref<200xi32, #tpu.memory_space<vmem>>)
        tpu.yield
      }) : () -> ()
      %dma_start3A_92 = arith.constant 0 : i32
      %dma_start3A_93 = arith.constant 0 : i32
      %dma_start3A_94 = tpu.memref_slice %arg2[%dma_start3A_92, %dma_start3A_93] : memref<10000x16xf32, #tpu.memory_space<hbm>> -> memref<10000x16xf32, #tpu.memory_space<hbm>>
      tpu.enqueue_indirect_dma source(%dma_start3A_94 : memref<10000x16xf32, #tpu.memory_space<hbm>>) target(%arg9 : memref<200x16xf32, #tpu.memory_space<vmem>>) offsets(%arg7 : memref<200xi32, #tpu.memory_space<vmem>>) semaphore(%arg11 : memref<!tpu.dma_semaphore, #tpu.memory_space<semaphore_mem>>)
      %dma_wait3A_95 = arith.constant 0 : i32
      %dma_wait3A_96 = arith.constant 0 : i32
      %dma_wait3A_97 = tpu.memref_slice %arg2[%dma_wait3A_95, %dma_wait3A_96] : memref<10000x16xf32, #tpu.memory_space<hbm>> -> memref<10000x16xf32, #tpu.memory_space<hbm>>
      tpu.wait_indirect_dma semaphore(%arg11 : memref<!tpu.dma_semaphore, #tpu.memory_space<semaphore_mem>>) src(%dma_wait3A_97 : memref<10000x16xf32, #tpu.memory_space<hbm>>) dst(%arg9 : memref<200x16xf32, #tpu.memory_space<vmem>>)
      %dma_start3A_98 = arith.constant 0 : i32
      %dma_start3A_99 = arith.constant 0 : i32
      %dma_start3A_100 = tpu.memref_slice %arg2[%dma_start3A_98, %dma_start3A_99] : memref<10000x16xf32, #tpu.memory_space<hbm>> -> memref<10000x16xf32, #tpu.memory_space<hbm>>
      tpu.enqueue_indirect_dma source(%dma_start3A_100 : memref<10000x16xf32, #tpu.memory_space<hbm>>) target(%arg10 : memref<200x16xf32, #tpu.memory_space<vmem>>) offsets(%arg8 : memref<200xi32, #tpu.memory_space<vmem>>) semaphore(%arg11 : memref<!tpu.dma_semaphore, #tpu.memory_space<semaphore_mem>>)
      %dma_wait3A_101 = arith.constant 0 : i32
      %dma_wait3A_102 = arith.constant 0 : i32
      %dma_wait3A_103 = tpu.memref_slice %arg2[%dma_wait3A_101, %dma_wait3A_102] : memref<10000x16xf32, #tpu.memory_space<hbm>> -> memref<10000x16xf32, #tpu.memory_space<hbm>>
      tpu.wait_indirect_dma semaphore(%arg11 : memref<!tpu.dma_semaphore, #tpu.memory_space<semaphore_mem>>) src(%dma_wait3A_103 : memref<10000x16xf32, #tpu.memory_space<hbm>>) dst(%arg10 : memref<200x16xf32, #tpu.memory_space<vmem>>)
      "tpu.region"() ({
        %run_scoped3A_133 = tpu.sem_alloc : memref<!tpu.dma_semaphore, #tpu.memory_space<semaphore_mem>>
        %dma_start3A_134 = arith.constant 80 : i32
        %dma_start3A_135 = tpu.memref_slice %arg5[%mul3A_22, %dma_start3A_134] : memref<40000x128xf32, #tpu.memory_space<hbm>> -> memref<200x16xf32, #tpu.memory_space<hbm>>
        %dma_start3A_136 = arith.constant 80 : i32
        %dma_start3A_137 = tpu.memref_slice %arg5[%mul3A_22, %dma_start3A_136] : memref<40000x128xf32, #tpu.memory_space<hbm>> -> memref<200x16xf32, #tpu.memory_space<hbm>>
        tpu.enqueue_dma source(%arg9 : memref<200x16xf32, #tpu.memory_space<vmem>>) target(%dma_start3A_137 : memref<200x16xf32, #tpu.memory_space<hbm>>) target_semaphore(%run_scoped3A_133 : memref<!tpu.dma_semaphore, #tpu.memory_space<semaphore_mem>>)
        %dma_wait3A_138 = arith.constant 80 : i32
        %dma_wait3A_139 = tpu.memref_slice %arg5[%mul3A_22, %dma_wait3A_138] : memref<40000x128xf32, #tpu.memory_space<hbm>> -> memref<200x16xf32, #tpu.memory_space<hbm>>
        %dma_wait3A_140 = arith.constant 80 : i32
        %dma_wait3A_141 = tpu.memref_slice %arg5[%mul3A_22, %dma_wait3A_140] : memref<40000x128xf32, #tpu.memory_space<hbm>> -> memref<200x16xf32, #tpu.memory_space<hbm>>
        tpu.wait_dma2 semaphore(%run_scoped3A_133 : memref<!tpu.dma_semaphore, #tpu.memory_space<semaphore_mem>>) src(%arg9 : memref<200x16xf32, #tpu.memory_space<vmem>>) dst(%dma_wait3A_141 : memref<200x16xf32, #tpu.memory_space<hbm>>)
        tpu.yield
      }) : () -> ()
      "tpu.region"() ({
        %run_scoped3A_133 = tpu.sem_alloc : memref<!tpu.dma_semaphore, #tpu.memory_space<semaphore_mem>>
        %dma_start3A_134 = arith.constant 80 : i32
        %dma_start3A_135 = tpu.memref_slice %arg6[%mul3A_22, %dma_start3A_134] : memref<40000x128xf32, #tpu.memory_space<hbm>> -> memref<200x16xf32, #tpu.memory_space<hbm>>
        %dma_start3A_136 = arith.constant 80 : i32
        %dma_start3A_137 = tpu.memref_slice %arg6[%mul3A_22, %dma_start3A_136] : memref<40000x128xf32, #tpu.memory_space<hbm>> -> memref<200x16xf32, #tpu.memory_space<hbm>>
        tpu.enqueue_dma source(%arg10 : memref<200x16xf32, #tpu.memory_space<vmem>>) target(%dma_start3A_137 : memref<200x16xf32, #tpu.memory_space<hbm>>) target_semaphore(%run_scoped3A_133 : memref<!tpu.dma_semaphore, #tpu.memory_space<semaphore_mem>>)
        %dma_wait3A_138 = arith.constant 80 : i32
        %dma_wait3A_139 = tpu.memref_slice %arg6[%mul3A_22, %dma_wait3A_138] : memref<40000x128xf32, #tpu.memory_space<hbm>> -> memref<200x16xf32, #tpu.memory_space<hbm>>
        %dma_wait3A_140 = arith.constant 80 : i32
        %dma_wait3A_141 = tpu.memref_slice %arg6[%mul3A_22, %dma_wait3A_140] : memref<40000x128xf32, #tpu.memory_space<hbm>> -> memref<200x16xf32, #tpu.memory_space<hbm>>
        tpu.wait_dma2 semaphore(%run_scoped3A_133 : memref<!tpu.dma_semaphore, #tpu.memory_space<semaphore_mem>>) src(%arg10 : memref<200x16xf32, #tpu.memory_space<vmem>>) dst(%dma_wait3A_141 : memref<200x16xf32, #tpu.memory_space<hbm>>)
        tpu.yield
      }) : () -> ()
      %run_scoped3A_104 = arith.constant 6 : i32
      "tpu.region"() ({
        %run_scoped3A_133 = tpu.sem_alloc : memref<!tpu.dma_semaphore, #tpu.memory_space<semaphore_mem>>
        %dma_start3A_134 = arith.constant 0 : i32
        %dma_start3A_135 = tpu.memref_slice %arg3[%run_scoped3A_104, %add3A_20, %dma_start3A_134] : memref<8x200x200xi32, #tpu.memory_space<hbm>> -> memref<1x1x200xi32, #tpu.memory_space<hbm>>
        %dma_start3A_136 = tpu.memref_squeeze %dma_start3A_135 : memref<1x1x200xi32, #tpu.memory_space<hbm>> -> memref<200xi32, #tpu.memory_space<hbm>>
        %dma_start3A_137 = arith.constant 0 : i32
        %dma_start3A_138 = tpu.memref_slice %arg3[%run_scoped3A_104, %add3A_20, %dma_start3A_137] : memref<8x200x200xi32, #tpu.memory_space<hbm>> -> memref<1x1x200xi32, #tpu.memory_space<hbm>>
        %dma_start3A_139 = tpu.memref_squeeze %dma_start3A_138 : memref<1x1x200xi32, #tpu.memory_space<hbm>> -> memref<200xi32, #tpu.memory_space<hbm>>
        tpu.enqueue_dma source(%dma_start3A_139 : memref<200xi32, #tpu.memory_space<hbm>>) target(%arg7 : memref<200xi32, #tpu.memory_space<vmem>>) target_semaphore(%run_scoped3A_133 : memref<!tpu.dma_semaphore, #tpu.memory_space<semaphore_mem>>)
        %dma_wait3A_140 = arith.constant 0 : i32
        %dma_wait3A_141 = tpu.memref_slice %arg3[%run_scoped3A_104, %add3A_20, %dma_wait3A_140] : memref<8x200x200xi32, #tpu.memory_space<hbm>> -> memref<1x1x200xi32, #tpu.memory_space<hbm>>
        %dma_wait3A_142 = tpu.memref_squeeze %dma_wait3A_141 : memref<1x1x200xi32, #tpu.memory_space<hbm>> -> memref<200xi32, #tpu.memory_space<hbm>>
        %dma_wait3A_143 = arith.constant 0 : i32
        %dma_wait3A_144 = tpu.memref_slice %arg3[%run_scoped3A_104, %add3A_20, %dma_wait3A_143] : memref<8x200x200xi32, #tpu.memory_space<hbm>> -> memref<1x1x200xi32, #tpu.memory_space<hbm>>
        %dma_wait3A_145 = tpu.memref_squeeze %dma_wait3A_144 : memref<1x1x200xi32, #tpu.memory_space<hbm>> -> memref<200xi32, #tpu.memory_space<hbm>>
        tpu.wait_dma2 semaphore(%run_scoped3A_133 : memref<!tpu.dma_semaphore, #tpu.memory_space<semaphore_mem>>) src(%dma_wait3A_145 : memref<200xi32, #tpu.memory_space<hbm>>) dst(%arg7 : memref<200xi32, #tpu.memory_space<vmem>>)
        tpu.yield
      }) : () -> ()
      %run_scoped3A_105 = arith.constant 6 : i32
      "tpu.region"() ({
        %run_scoped3A_133 = tpu.sem_alloc : memref<!tpu.dma_semaphore, #tpu.memory_space<semaphore_mem>>
        %dma_start3A_134 = arith.constant 0 : i32
        %dma_start3A_135 = tpu.memref_slice %arg4[%run_scoped3A_105, %add3A_20, %dma_start3A_134] : memref<8x200x200xi32, #tpu.memory_space<hbm>> -> memref<1x1x200xi32, #tpu.memory_space<hbm>>
        %dma_start3A_136 = tpu.memref_squeeze %dma_start3A_135 : memref<1x1x200xi32, #tpu.memory_space<hbm>> -> memref<200xi32, #tpu.memory_space<hbm>>
        %dma_start3A_137 = arith.constant 0 : i32
        %dma_start3A_138 = tpu.memref_slice %arg4[%run_scoped3A_105, %add3A_20, %dma_start3A_137] : memref<8x200x200xi32, #tpu.memory_space<hbm>> -> memref<1x1x200xi32, #tpu.memory_space<hbm>>
        %dma_start3A_139 = tpu.memref_squeeze %dma_start3A_138 : memref<1x1x200xi32, #tpu.memory_space<hbm>> -> memref<200xi32, #tpu.memory_space<hbm>>
        tpu.enqueue_dma source(%dma_start3A_139 : memref<200xi32, #tpu.memory_space<hbm>>) target(%arg8 : memref<200xi32, #tpu.memory_space<vmem>>) target_semaphore(%run_scoped3A_133 : memref<!tpu.dma_semaphore, #tpu.memory_space<semaphore_mem>>)
        %dma_wait3A_140 = arith.constant 0 : i32
        %dma_wait3A_141 = tpu.memref_slice %arg4[%run_scoped3A_105, %add3A_20, %dma_wait3A_140] : memref<8x200x200xi32, #tpu.memory_space<hbm>> -> memref<1x1x200xi32, #tpu.memory_space<hbm>>
        %dma_wait3A_142 = tpu.memref_squeeze %dma_wait3A_141 : memref<1x1x200xi32, #tpu.memory_space<hbm>> -> memref<200xi32, #tpu.memory_space<hbm>>
        %dma_wait3A_143 = arith.constant 0 : i32
        %dma_wait3A_144 = tpu.memref_slice %arg4[%run_scoped3A_105, %add3A_20, %dma_wait3A_143] : memref<8x200x200xi32, #tpu.memory_space<hbm>> -> memref<1x1x200xi32, #tpu.memory_space<hbm>>
        %dma_wait3A_145 = tpu.memref_squeeze %dma_wait3A_144 : memref<1x1x200xi32, #tpu.memory_space<hbm>> -> memref<200xi32, #tpu.memory_space<hbm>>
        tpu.wait_dma2 semaphore(%run_scoped3A_133 : memref<!tpu.dma_semaphore, #tpu.memory_space<semaphore_mem>>) src(%dma_wait3A_145 : memref<200xi32, #tpu.memory_space<hbm>>) dst(%arg8 : memref<200xi32, #tpu.memory_space<vmem>>)
        tpu.yield
      }) : () -> ()
      %dma_start3A_106 = arith.constant 0 : i32
      %dma_start3A_107 = arith.constant 0 : i32
      %dma_start3A_108 = tpu.memref_slice %arg2[%dma_start3A_106, %dma_start3A_107] : memref<10000x16xf32, #tpu.memory_space<hbm>> -> memref<10000x16xf32, #tpu.memory_space<hbm>>
      tpu.enqueue_indirect_dma source(%dma_start3A_108 : memref<10000x16xf32, #tpu.memory_space<hbm>>) target(%arg9 : memref<200x16xf32, #tpu.memory_space<vmem>>) offsets(%arg7 : memref<200xi32, #tpu.memory_space<vmem>>) semaphore(%arg11 : memref<!tpu.dma_semaphore, #tpu.memory_space<semaphore_mem>>)
      %dma_wait3A_109 = arith.constant 0 : i32
      %dma_wait3A_110 = arith.constant 0 : i32
      %dma_wait3A_111 = tpu.memref_slice %arg2[%dma_wait3A_109, %dma_wait3A_110] : memref<10000x16xf32, #tpu.memory_space<hbm>> -> memref<10000x16xf32, #tpu.memory_space<hbm>>
      tpu.wait_indirect_dma semaphore(%arg11 : memref<!tpu.dma_semaphore, #tpu.memory_space<semaphore_mem>>) src(%dma_wait3A_111 : memref<10000x16xf32, #tpu.memory_space<hbm>>) dst(%arg9 : memref<200x16xf32, #tpu.memory_space<vmem>>)
      %dma_start3A_112 = arith.constant 0 : i32
      %dma_start3A_113 = arith.constant 0 : i32
      %dma_start3A_114 = tpu.memref_slice %arg2[%dma_start3A_112, %dma_start3A_113] : memref<10000x16xf32, #tpu.memory_space<hbm>> -> memref<10000x16xf32, #tpu.memory_space<hbm>>
      tpu.enqueue_indirect_dma source(%dma_start3A_114 : memref<10000x16xf32, #tpu.memory_space<hbm>>) target(%arg10 : memref<200x16xf32, #tpu.memory_space<vmem>>) offsets(%arg8 : memref<200xi32, #tpu.memory_space<vmem>>) semaphore(%arg11 : memref<!tpu.dma_semaphore, #tpu.memory_space<semaphore_mem>>)
      %dma_wait3A_115 = arith.constant 0 : i32
      %dma_wait3A_116 = arith.constant 0 : i32
      %dma_wait3A_117 = tpu.memref_slice %arg2[%dma_wait3A_115, %dma_wait3A_116] : memref<10000x16xf32, #tpu.memory_space<hbm>> -> memref<10000x16xf32, #tpu.memory_space<hbm>>
      tpu.wait_indirect_dma semaphore(%arg11 : memref<!tpu.dma_semaphore, #tpu.memory_space<semaphore_mem>>) src(%dma_wait3A_117 : memref<10000x16xf32, #tpu.memory_space<hbm>>) dst(%arg10 : memref<200x16xf32, #tpu.memory_space<vmem>>)
      "tpu.region"() ({
        %run_scoped3A_133 = tpu.sem_alloc : memref<!tpu.dma_semaphore, #tpu.memory_space<semaphore_mem>>
        %dma_start3A_134 = arith.constant 96 : i32
        %dma_start3A_135 = tpu.memref_slice %arg5[%mul3A_22, %dma_start3A_134] : memref<40000x128xf32, #tpu.memory_space<hbm>> -> memref<200x16xf32, #tpu.memory_space<hbm>>
        %dma_start3A_136 = arith.constant 96 : i32
        %dma_start3A_137 = tpu.memref_slice %arg5[%mul3A_22, %dma_start3A_136] : memref<40000x128xf32, #tpu.memory_space<hbm>> -> memref<200x16xf32, #tpu.memory_space<hbm>>
        tpu.enqueue_dma source(%arg9 : memref<200x16xf32, #tpu.memory_space<vmem>>) target(%dma_start3A_137 : memref<200x16xf32, #tpu.memory_space<hbm>>) target_semaphore(%run_scoped3A_133 : memref<!tpu.dma_semaphore, #tpu.memory_space<semaphore_mem>>)
        %dma_wait3A_138 = arith.constant 96 : i32
        %dma_wait3A_139 = tpu.memref_slice %arg5[%mul3A_22, %dma_wait3A_138] : memref<40000x128xf32, #tpu.memory_space<hbm>> -> memref<200x16xf32, #tpu.memory_space<hbm>>
        %dma_wait3A_140 = arith.constant 96 : i32
        %dma_wait3A_141 = tpu.memref_slice %arg5[%mul3A_22, %dma_wait3A_140] : memref<40000x128xf32, #tpu.memory_space<hbm>> -> memref<200x16xf32, #tpu.memory_space<hbm>>
        tpu.wait_dma2 semaphore(%run_scoped3A_133 : memref<!tpu.dma_semaphore, #tpu.memory_space<semaphore_mem>>) src(%arg9 : memref<200x16xf32, #tpu.memory_space<vmem>>) dst(%dma_wait3A_141 : memref<200x16xf32, #tpu.memory_space<hbm>>)
        tpu.yield
      }) : () -> ()
      "tpu.region"() ({
        %run_scoped3A_133 = tpu.sem_alloc : memref<!tpu.dma_semaphore, #tpu.memory_space<semaphore_mem>>
        %dma_start3A_134 = arith.constant 96 : i32
        %dma_start3A_135 = tpu.memref_slice %arg6[%mul3A_22, %dma_start3A_134] : memref<40000x128xf32, #tpu.memory_space<hbm>> -> memref<200x16xf32, #tpu.memory_space<hbm>>
        %dma_start3A_136 = arith.constant 96 : i32
        %dma_start3A_137 = tpu.memref_slice %arg6[%mul3A_22, %dma_start3A_136] : memref<40000x128xf32, #tpu.memory_space<hbm>> -> memref<200x16xf32, #tpu.memory_space<hbm>>
        tpu.enqueue_dma source(%arg10 : memref<200x16xf32, #tpu.memory_space<vmem>>) target(%dma_start3A_137 : memref<200x16xf32, #tpu.memory_space<hbm>>) target_semaphore(%run_scoped3A_133 : memref<!tpu.dma_semaphore, #tpu.memory_space<semaphore_mem>>)
        %dma_wait3A_138 = arith.constant 96 : i32
        %dma_wait3A_139 = tpu.memref_slice %arg6[%mul3A_22, %dma_wait3A_138] : memref<40000x128xf32, #tpu.memory_space<hbm>> -> memref<200x16xf32, #tpu.memory_space<hbm>>
        %dma_wait3A_140 = arith.constant 96 : i32
        %dma_wait3A_141 = tpu.memref_slice %arg6[%mul3A_22, %dma_wait3A_140] : memref<40000x128xf32, #tpu.memory_space<hbm>> -> memref<200x16xf32, #tpu.memory_space<hbm>>
        tpu.wait_dma2 semaphore(%run_scoped3A_133 : memref<!tpu.dma_semaphore, #tpu.memory_space<semaphore_mem>>) src(%arg10 : memref<200x16xf32, #tpu.memory_space<vmem>>) dst(%dma_wait3A_141 : memref<200x16xf32, #tpu.memory_space<hbm>>)
        tpu.yield
      }) : () -> ()
      %run_scoped3A_118 = arith.constant 7 : i32
      "tpu.region"() ({
        %run_scoped3A_133 = tpu.sem_alloc : memref<!tpu.dma_semaphore, #tpu.memory_space<semaphore_mem>>
        %dma_start3A_134 = arith.constant 0 : i32
        %dma_start3A_135 = tpu.memref_slice %arg3[%run_scoped3A_118, %add3A_20, %dma_start3A_134] : memref<8x200x200xi32, #tpu.memory_space<hbm>> -> memref<1x1x200xi32, #tpu.memory_space<hbm>>
        %dma_start3A_136 = tpu.memref_squeeze %dma_start3A_135 : memref<1x1x200xi32, #tpu.memory_space<hbm>> -> memref<200xi32, #tpu.memory_space<hbm>>
        %dma_start3A_137 = arith.constant 0 : i32
        %dma_start3A_138 = tpu.memref_slice %arg3[%run_scoped3A_118, %add3A_20, %dma_start3A_137] : memref<8x200x200xi32, #tpu.memory_space<hbm>> -> memref<1x1x200xi32, #tpu.memory_space<hbm>>
        %dma_start3A_139 = tpu.memref_squeeze %dma_start3A_138 : memref<1x1x200xi32, #tpu.memory_space<hbm>> -> memref<200xi32, #tpu.memory_space<hbm>>
        tpu.enqueue_dma source(%dma_start3A_139 : memref<200xi32, #tpu.memory_space<hbm>>) target(%arg7 : memref<200xi32, #tpu.memory_space<vmem>>) target_semaphore(%run_scoped3A_133 : memref<!tpu.dma_semaphore, #tpu.memory_space<semaphore_mem>>)
        %dma_wait3A_140 = arith.constant 0 : i32
        %dma_wait3A_141 = tpu.memref_slice %arg3[%run_scoped3A_118, %add3A_20, %dma_wait3A_140] : memref<8x200x200xi32, #tpu.memory_space<hbm>> -> memref<1x1x200xi32, #tpu.memory_space<hbm>>
        %dma_wait3A_142 = tpu.memref_squeeze %dma_wait3A_141 : memref<1x1x200xi32, #tpu.memory_space<hbm>> -> memref<200xi32, #tpu.memory_space<hbm>>
        %dma_wait3A_143 = arith.constant 0 : i32
        %dma_wait3A_144 = tpu.memref_slice %arg3[%run_scoped3A_118, %add3A_20, %dma_wait3A_143] : memref<8x200x200xi32, #tpu.memory_space<hbm>> -> memref<1x1x200xi32, #tpu.memory_space<hbm>>
        %dma_wait3A_145 = tpu.memref_squeeze %dma_wait3A_144 : memref<1x1x200xi32, #tpu.memory_space<hbm>> -> memref<200xi32, #tpu.memory_space<hbm>>
        tpu.wait_dma2 semaphore(%run_scoped3A_133 : memref<!tpu.dma_semaphore, #tpu.memory_space<semaphore_mem>>) src(%dma_wait3A_145 : memref<200xi32, #tpu.memory_space<hbm>>) dst(%arg7 : memref<200xi32, #tpu.memory_space<vmem>>)
        tpu.yield
      }) : () -> ()
      %run_scoped3A_119 = arith.constant 7 : i32
      "tpu.region"() ({
        %run_scoped3A_133 = tpu.sem_alloc : memref<!tpu.dma_semaphore, #tpu.memory_space<semaphore_mem>>
        %dma_start3A_134 = arith.constant 0 : i32
        %dma_start3A_135 = tpu.memref_slice %arg4[%run_scoped3A_119, %add3A_20, %dma_start3A_134] : memref<8x200x200xi32, #tpu.memory_space<hbm>> -> memref<1x1x200xi32, #tpu.memory_space<hbm>>
        %dma_start3A_136 = tpu.memref_squeeze %dma_start3A_135 : memref<1x1x200xi32, #tpu.memory_space<hbm>> -> memref<200xi32, #tpu.memory_space<hbm>>
        %dma_start3A_137 = arith.constant 0 : i32
        %dma_start3A_138 = tpu.memref_slice %arg4[%run_scoped3A_119, %add3A_20, %dma_start3A_137] : memref<8x200x200xi32, #tpu.memory_space<hbm>> -> memref<1x1x200xi32, #tpu.memory_space<hbm>>
        %dma_start3A_139 = tpu.memref_squeeze %dma_start3A_138 : memref<1x1x200xi32, #tpu.memory_space<hbm>> -> memref<200xi32, #tpu.memory_space<hbm>>
        tpu.enqueue_dma source(%dma_start3A_139 : memref<200xi32, #tpu.memory_space<hbm>>) target(%arg8 : memref<200xi32, #tpu.memory_space<vmem>>) target_semaphore(%run_scoped3A_133 : memref<!tpu.dma_semaphore, #tpu.memory_space<semaphore_mem>>)
        %dma_wait3A_140 = arith.constant 0 : i32
        %dma_wait3A_141 = tpu.memref_slice %arg4[%run_scoped3A_119, %add3A_20, %dma_wait3A_140] : memref<8x200x200xi32, #tpu.memory_space<hbm>> -> memref<1x1x200xi32, #tpu.memory_space<hbm>>
        %dma_wait3A_142 = tpu.memref_squeeze %dma_wait3A_141 : memref<1x1x200xi32, #tpu.memory_space<hbm>> -> memref<200xi32, #tpu.memory_space<hbm>>
        %dma_wait3A_143 = arith.constant 0 : i32
        %dma_wait3A_144 = tpu.memref_slice %arg4[%run_scoped3A_119, %add3A_20, %dma_wait3A_143] : memref<8x200x200xi32, #tpu.memory_space<hbm>> -> memref<1x1x200xi32, #tpu.memory_space<hbm>>
        %dma_wait3A_145 = tpu.memref_squeeze %dma_wait3A_144 : memref<1x1x200xi32, #tpu.memory_space<hbm>> -> memref<200xi32, #tpu.memory_space<hbm>>
        tpu.wait_dma2 semaphore(%run_scoped3A_133 : memref<!tpu.dma_semaphore, #tpu.memory_space<semaphore_mem>>) src(%dma_wait3A_145 : memref<200xi32, #tpu.memory_space<hbm>>) dst(%arg8 : memref<200xi32, #tpu.memory_space<vmem>>)
        tpu.yield
      }) : () -> ()
      %dma_start3A_120 = arith.constant 0 : i32
      %dma_start3A_121 = arith.constant 0 : i32
      %dma_start3A_122 = tpu.memref_slice %arg2[%dma_start3A_120, %dma_start3A_121] : memref<10000x16xf32, #tpu.memory_space<hbm>> -> memref<10000x16xf32, #tpu.memory_space<hbm>>
      tpu.enqueue_indirect_dma source(%dma_start3A_122 : memref<10000x16xf32, #tpu.memory_space<hbm>>) target(%arg9 : memref<200x16xf32, #tpu.memory_space<vmem>>) offsets(%arg7 : memref<200xi32, #tpu.memory_space<vmem>>) semaphore(%arg11 : memref<!tpu.dma_semaphore, #tpu.memory_space<semaphore_mem>>)
      %dma_wait3A_123 = arith.constant 0 : i32
      %dma_wait3A_124 = arith.constant 0 : i32
      %dma_wait3A_125 = tpu.memref_slice %arg2[%dma_wait3A_123, %dma_wait3A_124] : memref<10000x16xf32, #tpu.memory_space<hbm>> -> memref<10000x16xf32, #tpu.memory_space<hbm>>
      tpu.wait_indirect_dma semaphore(%arg11 : memref<!tpu.dma_semaphore, #tpu.memory_space<semaphore_mem>>) src(%dma_wait3A_125 : memref<10000x16xf32, #tpu.memory_space<hbm>>) dst(%arg9 : memref<200x16xf32, #tpu.memory_space<vmem>>)
      %dma_start3A_126 = arith.constant 0 : i32
      %dma_start3A_127 = arith.constant 0 : i32
      %dma_start3A_128 = tpu.memref_slice %arg2[%dma_start3A_126, %dma_start3A_127] : memref<10000x16xf32, #tpu.memory_space<hbm>> -> memref<10000x16xf32, #tpu.memory_space<hbm>>
      tpu.enqueue_indirect_dma source(%dma_start3A_128 : memref<10000x16xf32, #tpu.memory_space<hbm>>) target(%arg10 : memref<200x16xf32, #tpu.memory_space<vmem>>) offsets(%arg8 : memref<200xi32, #tpu.memory_space<vmem>>) semaphore(%arg11 : memref<!tpu.dma_semaphore, #tpu.memory_space<semaphore_mem>>)
      %dma_wait3A_129 = arith.constant 0 : i32
      %dma_wait3A_130 = arith.constant 0 : i32
      %dma_wait3A_131 = tpu.memref_slice %arg2[%dma_wait3A_129, %dma_wait3A_130] : memref<10000x16xf32, #tpu.memory_space<hbm>> -> memref<10000x16xf32, #tpu.memory_space<hbm>>
      tpu.wait_indirect_dma semaphore(%arg11 : memref<!tpu.dma_semaphore, #tpu.memory_space<semaphore_mem>>) src(%dma_wait3A_131 : memref<10000x16xf32, #tpu.memory_space<hbm>>) dst(%arg10 : memref<200x16xf32, #tpu.memory_space<vmem>>)
      "tpu.region"() ({
        %run_scoped3A_133 = tpu.sem_alloc : memref<!tpu.dma_semaphore, #tpu.memory_space<semaphore_mem>>
        %dma_start3A_134 = arith.constant 112 : i32
        %dma_start3A_135 = tpu.memref_slice %arg5[%mul3A_22, %dma_start3A_134] : memref<40000x128xf32, #tpu.memory_space<hbm>> -> memref<200x16xf32, #tpu.memory_space<hbm>>
        %dma_start3A_136 = arith.constant 112 : i32
        %dma_start3A_137 = tpu.memref_slice %arg5[%mul3A_22, %dma_start3A_136] : memref<40000x128xf32, #tpu.memory_space<hbm>> -> memref<200x16xf32, #tpu.memory_space<hbm>>
        tpu.enqueue_dma source(%arg9 : memref<200x16xf32, #tpu.memory_space<vmem>>) target(%dma_start3A_137 : memref<200x16xf32, #tpu.memory_space<hbm>>) target_semaphore(%run_scoped3A_133 : memref<!tpu.dma_semaphore, #tpu.memory_space<semaphore_mem>>)
        %dma_wait3A_138 = arith.constant 112 : i32
        %dma_wait3A_139 = tpu.memref_slice %arg5[%mul3A_22, %dma_wait3A_138] : memref<40000x128xf32, #tpu.memory_space<hbm>> -> memref<200x16xf32, #tpu.memory_space<hbm>>
        %dma_wait3A_140 = arith.constant 112 : i32
        %dma_wait3A_141 = tpu.memref_slice %arg5[%mul3A_22, %dma_wait3A_140] : memref<40000x128xf32, #tpu.memory_space<hbm>> -> memref<200x16xf32, #tpu.memory_space<hbm>>
        tpu.wait_dma2 semaphore(%run_scoped3A_133 : memref<!tpu.dma_semaphore, #tpu.memory_space<semaphore_mem>>) src(%arg9 : memref<200x16xf32, #tpu.memory_space<vmem>>) dst(%dma_wait3A_141 : memref<200x16xf32, #tpu.memory_space<hbm>>)
        tpu.yield
      }) : () -> ()
      "tpu.region"() ({
        %run_scoped3A_133 = tpu.sem_alloc : memref<!tpu.dma_semaphore, #tpu.memory_space<semaphore_mem>>
        %dma_start3A_134 = arith.constant 112 : i32
        %dma_start3A_135 = tpu.memref_slice %arg6[%mul3A_22, %dma_start3A_134] : memref<40000x128xf32, #tpu.memory_space<hbm>> -> memref<200x16xf32, #tpu.memory_space<hbm>>
        %dma_start3A_136 = arith.constant 112 : i32
        %dma_start3A_137 = tpu.memref_slice %arg6[%mul3A_22, %dma_start3A_136] : memref<40000x128xf32, #tpu.memory_space<hbm>> -> memref<200x16xf32, #tpu.memory_space<hbm>>
        tpu.enqueue_dma source(%arg10 : memref<200x16xf32, #tpu.memory_space<vmem>>) target(%dma_start3A_137 : memref<200x16xf32, #tpu.memory_space<hbm>>) target_semaphore(%run_scoped3A_133 : memref<!tpu.dma_semaphore, #tpu.memory_space<semaphore_mem>>)
        %dma_wait3A_138 = arith.constant 112 : i32
        %dma_wait3A_139 = tpu.memref_slice %arg6[%mul3A_22, %dma_wait3A_138] : memref<40000x128xf32, #tpu.memory_space<hbm>> -> memref<200x16xf32, #tpu.memory_space<hbm>>
        %dma_wait3A_140 = arith.constant 112 : i32
        %dma_wait3A_141 = tpu.memref_slice %arg6[%mul3A_22, %dma_wait3A_140] : memref<40000x128xf32, #tpu.memory_space<hbm>> -> memref<200x16xf32, #tpu.memory_space<hbm>>
        tpu.wait_dma2 semaphore(%run_scoped3A_133 : memref<!tpu.dma_semaphore, #tpu.memory_space<semaphore_mem>>) src(%arg10 : memref<200x16xf32, #tpu.memory_space<vmem>>) dst(%dma_wait3A_141 : memref<200x16xf32, #tpu.memory_space<hbm>>)
        tpu.yield
      }) : () -> ()
      %while3A_132 = arith.constant 0 : i32
      scf.yield %while3A_132 : i32
    }
    %while3A_16 = arith.constant 1 : i32
    %while3A_17 = scf.for %while3A_18 = %while3A_13 to %while3A_9 step %while3A_16 iter_args(%while3A_19 = %while3A_15) -> (i32)  : i32 {
      %add3A_20 = arith.addi %add3A_6, %while3A_18 : i32
      %mul3A_21 = arith.constant 200 : i32
      %mul3A_22 = arith.muli %add3A_20, %mul3A_21 : i32
      %run_scoped3A = arith.constant 0 : i32
      "tpu.region"() ({
        %run_scoped3A_133 = tpu.sem_alloc : memref<!tpu.dma_semaphore, #tpu.memory_space<semaphore_mem>>
        %dma_start3A_134 = arith.constant 0 : i32
        %dma_start3A_135 = tpu.memref_slice %arg3[%run_scoped3A, %add3A_20, %dma_start3A_134] : memref<8x200x200xi32, #tpu.memory_space<hbm>> -> memref<1x1x200xi32, #tpu.memory_space<hbm>>
        %dma_start3A_136 = tpu.memref_squeeze %dma_start3A_135 : memref<1x1x200xi32, #tpu.memory_space<hbm>> -> memref<200xi32, #tpu.memory_space<hbm>>
        %dma_start3A_137 = arith.constant 0 : i32
        %dma_start3A_138 = tpu.memref_slice %arg3[%run_scoped3A, %add3A_20, %dma_start3A_137] : memref<8x200x200xi32, #tpu.memory_space<hbm>> -> memref<1x1x200xi32, #tpu.memory_space<hbm>>
        %dma_start3A_139 = tpu.memref_squeeze %dma_start3A_138 : memref<1x1x200xi32, #tpu.memory_space<hbm>> -> memref<200xi32, #tpu.memory_space<hbm>>
        tpu.enqueue_dma source(%dma_start3A_139 : memref<200xi32, #tpu.memory_space<hbm>>) target(%arg7 : memref<200xi32, #tpu.memory_space<vmem>>) target_semaphore(%run_scoped3A_133 : memref<!tpu.dma_semaphore, #tpu.memory_space<semaphore_mem>>)
        %dma_wait3A_140 = arith.constant 0 : i32
        %dma_wait3A_141 = tpu.memref_slice %arg3[%run_scoped3A, %add3A_20, %dma_wait3A_140] : memref<8x200x200xi32, #tpu.memory_space<hbm>> -> memref<1x1x200xi32, #tpu.memory_space<hbm>>
        %dma_wait3A_142 = tpu.memref_squeeze %dma_wait3A_141 : memref<1x1x200xi32, #tpu.memory_space<hbm>> -> memref<200xi32, #tpu.memory_space<hbm>>
        %dma_wait3A_143 = arith.constant 0 : i32
        %dma_wait3A_144 = tpu.memref_slice %arg3[%run_scoped3A, %add3A_20, %dma_wait3A_143] : memref<8x200x200xi32, #tpu.memory_space<hbm>> -> memref<1x1x200xi32, #tpu.memory_space<hbm>>
        %dma_wait3A_145 = tpu.memref_squeeze %dma_wait3A_144 : memref<1x1x200xi32, #tpu.memory_space<hbm>> -> memref<200xi32, #tpu.memory_space<hbm>>
        tpu.wait_dma2 semaphore(%run_scoped3A_133 : memref<!tpu.dma_semaphore, #tpu.memory_space<semaphore_mem>>) src(%dma_wait3A_145 : memref<200xi32, #tpu.memory_space<hbm>>) dst(%arg7 : memref<200xi32, #tpu.memory_space<vmem>>)
        tpu.yield
      }) : () -> ()
      %run_scoped3A_23 = arith.constant 0 : i32
      "tpu.region"() ({
        %run_scoped3A_133 = tpu.sem_alloc : memref<!tpu.dma_semaphore, #tpu.memory_space<semaphore_mem>>
        %dma_start3A_134 = arith.constant 0 : i32
        %dma_start3A_135 = tpu.memref_slice %arg4[%run_scoped3A_23, %add3A_20, %dma_start3A_134] : memref<8x200x200xi32, #tpu.memory_space<hbm>> -> memref<1x1x200xi32, #tpu.memory_space<hbm>>
        %dma_start3A_136 = tpu.memref_squeeze %dma_start3A_135 : memref<1x1x200xi32, #tpu.memory_space<hbm>> -> memref<200xi32, #tpu.memory_space<hbm>>
        %dma_start3A_137 = arith.constant 0 : i32
        %dma_start3A_138 = tpu.memref_slice %arg4[%run_scoped3A_23, %add3A_20, %dma_start3A_137] : memref<8x200x200xi32, #tpu.memory_space<hbm>> -> memref<1x1x200xi32, #tpu.memory_space<hbm>>
        %dma_start3A_139 = tpu.memref_squeeze %dma_start3A_138 : memref<1x1x200xi32, #tpu.memory_space<hbm>> -> memref<200xi32, #tpu.memory_space<hbm>>
        tpu.enqueue_dma source(%dma_start3A_139 : memref<200xi32, #tpu.memory_space<hbm>>) target(%arg8 : memref<200xi32, #tpu.memory_space<vmem>>) target_semaphore(%run_scoped3A_133 : memref<!tpu.dma_semaphore, #tpu.memory_space<semaphore_mem>>)
        %dma_wait3A_140 = arith.constant 0 : i32
        %dma_wait3A_141 = tpu.memref_slice %arg4[%run_scoped3A_23, %add3A_20, %dma_wait3A_140] : memref<8x200x200xi32, #tpu.memory_space<hbm>> -> memref<1x1x200xi32, #tpu.memory_space<hbm>>
        %dma_wait3A_142 = tpu.memref_squeeze %dma_wait3A_141 : memref<1x1x200xi32, #tpu.memory_space<hbm>> -> memref<200xi32, #tpu.memory_space<hbm>>
        %dma_wait3A_143 = arith.constant 0 : i32
        %dma_wait3A_144 = tpu.memref_slice %arg4[%run_scoped3A_23, %add3A_20, %dma_wait3A_143] : memref<8x200x200xi32, #tpu.memory_space<hbm>> -> memref<1x1x200xi32, #tpu.memory_space<hbm>>
        %dma_wait3A_145 = tpu.memref_squeeze %dma_wait3A_144 : memref<1x1x200xi32, #tpu.memory_space<hbm>> -> memref<200xi32, #tpu.memory_space<hbm>>
        tpu.wait_dma2 semaphore(%run_scoped3A_133 : memref<!tpu.dma_semaphore, #tpu.memory_space<semaphore_mem>>) src(%dma_wait3A_145 : memref<200xi32, #tpu.memory_space<hbm>>) dst(%arg8 : memref<200xi32, #tpu.memory_space<vmem>>)
        tpu.yield
      }) : () -> ()
      %dma_start3A = arith.constant 0 : i32
      %dma_start3A_24 = arith.constant 0 : i32
      %dma_start3A_25 = tpu.memref_slice %arg2[%dma_start3A, %dma_start3A_24] : memref<10000x16xf32, #tpu.memory_space<hbm>> -> memref<10000x16xf32, #tpu.memory_space<hbm>>
      tpu.enqueue_indirect_dma source(%dma_start3A_25 : memref<10000x16xf32, #tpu.memory_space<hbm>>) target(%arg9 : memref<200x16xf32, #tpu.memory_space<vmem>>) offsets(%arg7 : memref<200xi32, #tpu.memory_space<vmem>>) semaphore(%arg11 : memref<!tpu.dma_semaphore, #tpu.memory_space<semaphore_mem>>)
      %dma_wait3A = arith.constant 0 : i32
      %dma_wait3A_26 = arith.constant 0 : i32
      %dma_wait3A_27 = tpu.memref_slice %arg2[%dma_wait3A, %dma_wait3A_26] : memref<10000x16xf32, #tpu.memory_space<hbm>> -> memref<10000x16xf32, #tpu.memory_space<hbm>>
      tpu.wait_indirect_dma semaphore(%arg11 : memref<!tpu.dma_semaphore, #tpu.memory_space<semaphore_mem>>) src(%dma_wait3A_27 : memref<10000x16xf32, #tpu.memory_space<hbm>>) dst(%arg9 : memref<200x16xf32, #tpu.memory_space<vmem>>)
      %dma_start3A_28 = arith.constant 0 : i32
      %dma_start3A_29 = arith.constant 0 : i32
      %dma_start3A_30 = tpu.memref_slice %arg2[%dma_start3A_28, %dma_start3A_29] : memref<10000x16xf32, #tpu.memory_space<hbm>> -> memref<10000x16xf32, #tpu.memory_space<hbm>>
      tpu.enqueue_indirect_dma source(%dma_start3A_30 : memref<10000x16xf32, #tpu.memory_space<hbm>>) target(%arg10 : memref<200x16xf32, #tpu.memory_space<vmem>>) offsets(%arg8 : memref<200xi32, #tpu.memory_space<vmem>>) semaphore(%arg11 : memref<!tpu.dma_semaphore, #tpu.memory_space<semaphore_mem>>)
      %dma_wait3A_31 = arith.constant 0 : i32
      %dma_wait3A_32 = arith.constant 0 : i32
      %dma_wait3A_33 = tpu.memref_slice %arg2[%dma_wait3A_31, %dma_wait3A_32] : memref<10000x16xf32, #tpu.memory_space<hbm>> -> memref<10000x16xf32, #tpu.memory_space<hbm>>
      tpu.wait_indirect_dma semaphore(%arg11 : memref<!tpu.dma_semaphore, #tpu.memory_space<semaphore_mem>>) src(%dma_wait3A_33 : memref<10000x16xf32, #tpu.memory_space<hbm>>) dst(%arg10 : memref<200x16xf32, #tpu.memory_space<vmem>>)
      "tpu.region"() ({
        %run_scoped3A_133 = tpu.sem_alloc : memref<!tpu.dma_semaphore, #tpu.memory_space<semaphore_mem>>
        %dma_start3A_134 = arith.constant 0 : i32
        %dma_start3A_135 = tpu.memref_slice %arg5[%mul3A_22, %dma_start3A_134] : memref<40000x128xf32, #tpu.memory_space<hbm>> -> memref<200x16xf32, #tpu.memory_space<hbm>>
        %dma_start3A_136 = arith.constant 0 : i32
        %dma_start3A_137 = tpu.memref_slice %arg5[%mul3A_22, %dma_start3A_136] : memref<40000x128xf32, #tpu.memory_space<hbm>> -> memref<200x16xf32, #tpu.memory_space<hbm>>
        tpu.enqueue_dma source(%arg9 : memref<200x16xf32, #tpu.memory_space<vmem>>) target(%dma_start3A_137 : memref<200x16xf32, #tpu.memory_space<hbm>>) target_semaphore(%run_scoped3A_133 : memref<!tpu.dma_semaphore, #tpu.memory_space<semaphore_mem>>)
        %dma_wait3A_138 = arith.constant 0 : i32
        %dma_wait3A_139 = tpu.memref_slice %arg5[%mul3A_22, %dma_wait3A_138] : memref<40000x128xf32, #tpu.memory_space<hbm>> -> memref<200x16xf32, #tpu.memory_space<hbm>>
        %dma_wait3A_140 = arith.constant 0 : i32
        %dma_wait3A_141 = tpu.memref_slice %arg5[%mul3A_22, %dma_wait3A_140] : memref<40000x128xf32, #tpu.memory_space<hbm>> -> memref<200x16xf32, #tpu.memory_space<hbm>>
        tpu.wait_dma2 semaphore(%run_scoped3A_133 : memref<!tpu.dma_semaphore, #tpu.memory_space<semaphore_mem>>) src(%arg9 : memref<200x16xf32, #tpu.memory_space<vmem>>) dst(%dma_wait3A_141 : memref<200x16xf32, #tpu.memory_space<hbm>>)
        tpu.yield
      }) : () -> ()
      "tpu.region"() ({
        %run_scoped3A_133 = tpu.sem_alloc : memref<!tpu.dma_semaphore, #tpu.memory_space<semaphore_mem>>
        %dma_start3A_134 = arith.constant 0 : i32
        %dma_start3A_135 = tpu.memref_slice %arg6[%mul3A_22, %dma_start3A_134] : memref<40000x128xf32, #tpu.memory_space<hbm>> -> memref<200x16xf32, #tpu.memory_space<hbm>>
        %dma_start3A_136 = arith.constant 0 : i32
        %dma_start3A_137 = tpu.memref_slice %arg6[%mul3A_22, %dma_start3A_136] : memref<40000x128xf32, #tpu.memory_space<hbm>> -> memref<200x16xf32, #tpu.memory_space<hbm>>
        tpu.enqueue_dma source(%arg10 : memref<200x16xf32, #tpu.memory_space<vmem>>) target(%dma_start3A_137 : memref<200x16xf32, #tpu.memory_space<hbm>>) target_semaphore(%run_scoped3A_133 : memref<!tpu.dma_semaphore, #tpu.memory_space<semaphore_mem>>)
        %dma_wait3A_138 = arith.constant 0 : i32
        %dma_wait3A_139 = tpu.memref_slice %arg6[%mul3A_22, %dma_wait3A_138] : memref<40000x128xf32, #tpu.memory_space<hbm>> -> memref<200x16xf32, #tpu.memory_space<hbm>>
        %dma_wait3A_140 = arith.constant 0 : i32
        %dma_wait3A_141 = tpu.memref_slice %arg6[%mul3A_22, %dma_wait3A_140] : memref<40000x128xf32, #tpu.memory_space<hbm>> -> memref<200x16xf32, #tpu.memory_space<hbm>>
        tpu.wait_dma2 semaphore(%run_scoped3A_133 : memref<!tpu.dma_semaphore, #tpu.memory_space<semaphore_mem>>) src(%arg10 : memref<200x16xf32, #tpu.memory_space<vmem>>) dst(%dma_wait3A_141 : memref<200x16xf32, #tpu.memory_space<hbm>>)
        tpu.yield
      }) : () -> ()
      %run_scoped3A_34 = arith.constant 1 : i32
      "tpu.region"() ({
        %run_scoped3A_133 = tpu.sem_alloc : memref<!tpu.dma_semaphore, #tpu.memory_space<semaphore_mem>>
        %dma_start3A_134 = arith.constant 0 : i32
        %dma_start3A_135 = tpu.memref_slice %arg3[%run_scoped3A_34, %add3A_20, %dma_start3A_134] : memref<8x200x200xi32, #tpu.memory_space<hbm>> -> memref<1x1x200xi32, #tpu.memory_space<hbm>>
        %dma_start3A_136 = tpu.memref_squeeze %dma_start3A_135 : memref<1x1x200xi32, #tpu.memory_space<hbm>> -> memref<200xi32, #tpu.memory_space<hbm>>
        %dma_start3A_137 = arith.constant 0 : i32
        %dma_start3A_138 = tpu.memref_slice %arg3[%run_scoped3A_34, %add3A_20, %dma_start3A_137] : memref<8x200x200xi32, #tpu.memory_space<hbm>> -> memref<1x1x200xi32, #tpu.memory_space<hbm>>
        %dma_start3A_139 = tpu.memref_squeeze %dma_start3A_138 : memref<1x1x200xi32, #tpu.memory_space<hbm>> -> memref<200xi32, #tpu.memory_space<hbm>>
        tpu.enqueue_dma source(%dma_start3A_139 : memref<200xi32, #tpu.memory_space<hbm>>) target(%arg7 : memref<200xi32, #tpu.memory_space<vmem>>) target_semaphore(%run_scoped3A_133 : memref<!tpu.dma_semaphore, #tpu.memory_space<semaphore_mem>>)
        %dma_wait3A_140 = arith.constant 0 : i32
        %dma_wait3A_141 = tpu.memref_slice %arg3[%run_scoped3A_34, %add3A_20, %dma_wait3A_140] : memref<8x200x200xi32, #tpu.memory_space<hbm>> -> memref<1x1x200xi32, #tpu.memory_space<hbm>>
        %dma_wait3A_142 = tpu.memref_squeeze %dma_wait3A_141 : memref<1x1x200xi32, #tpu.memory_space<hbm>> -> memref<200xi32, #tpu.memory_space<hbm>>
        %dma_wait3A_143 = arith.constant 0 : i32
        %dma_wait3A_144 = tpu.memref_slice %arg3[%run_scoped3A_34, %add3A_20, %dma_wait3A_143] : memref<8x200x200xi32, #tpu.memory_space<hbm>> -> memref<1x1x200xi32, #tpu.memory_space<hbm>>
        %dma_wait3A_145 = tpu.memref_squeeze %dma_wait3A_144 : memref<1x1x200xi32, #tpu.memory_space<hbm>> -> memref<200xi32, #tpu.memory_space<hbm>>
        tpu.wait_dma2 semaphore(%run_scoped3A_133 : memref<!tpu.dma_semaphore, #tpu.memory_space<semaphore_mem>>) src(%dma_wait3A_145 : memref<200xi32, #tpu.memory_space<hbm>>) dst(%arg7 : memref<200xi32, #tpu.memory_space<vmem>>)
        tpu.yield
      }) : () -> ()
      %run_scoped3A_35 = arith.constant 1 : i32
      "tpu.region"() ({
        %run_scoped3A_133 = tpu.sem_alloc : memref<!tpu.dma_semaphore, #tpu.memory_space<semaphore_mem>>
        %dma_start3A_134 = arith.constant 0 : i32
        %dma_start3A_135 = tpu.memref_slice %arg4[%run_scoped3A_35, %add3A_20, %dma_start3A_134] : memref<8x200x200xi32, #tpu.memory_space<hbm>> -> memref<1x1x200xi32, #tpu.memory_space<hbm>>
        %dma_start3A_136 = tpu.memref_squeeze %dma_start3A_135 : memref<1x1x200xi32, #tpu.memory_space<hbm>> -> memref<200xi32, #tpu.memory_space<hbm>>
        %dma_start3A_137 = arith.constant 0 : i32
        %dma_start3A_138 = tpu.memref_slice %arg4[%run_scoped3A_35, %add3A_20, %dma_start3A_137] : memref<8x200x200xi32, #tpu.memory_space<hbm>> -> memref<1x1x200xi32, #tpu.memory_space<hbm>>
        %dma_start3A_139 = tpu.memref_squeeze %dma_start3A_138 : memref<1x1x200xi32, #tpu.memory_space<hbm>> -> memref<200xi32, #tpu.memory_space<hbm>>
        tpu.enqueue_dma source(%dma_start3A_139 : memref<200xi32, #tpu.memory_space<hbm>>) target(%arg8 : memref<200xi32, #tpu.memory_space<vmem>>) target_semaphore(%run_scoped3A_133 : memref<!tpu.dma_semaphore, #tpu.memory_space<semaphore_mem>>)
        %dma_wait3A_140 = arith.constant 0 : i32
        %dma_wait3A_141 = tpu.memref_slice %arg4[%run_scoped3A_35, %add3A_20, %dma_wait3A_140] : memref<8x200x200xi32, #tpu.memory_space<hbm>> -> memref<1x1x200xi32, #tpu.memory_space<hbm>>
        %dma_wait3A_142 = tpu.memref_squeeze %dma_wait3A_141 : memref<1x1x200xi32, #tpu.memory_space<hbm>> -> memref<200xi32, #tpu.memory_space<hbm>>
        %dma_wait3A_143 = arith.constant 0 : i32
        %dma_wait3A_144 = tpu.memref_slice %arg4[%run_scoped3A_35, %add3A_20, %dma_wait3A_143] : memref<8x200x200xi32, #tpu.memory_space<hbm>> -> memref<1x1x200xi32, #tpu.memory_space<hbm>>
        %dma_wait3A_145 = tpu.memref_squeeze %dma_wait3A_144 : memref<1x1x200xi32, #tpu.memory_space<hbm>> -> memref<200xi32, #tpu.memory_space<hbm>>
        tpu.wait_dma2 semaphore(%run_scoped3A_133 : memref<!tpu.dma_semaphore, #tpu.memory_space<semaphore_mem>>) src(%dma_wait3A_145 : memref<200xi32, #tpu.memory_space<hbm>>) dst(%arg8 : memref<200xi32, #tpu.memory_space<vmem>>)
        tpu.yield
      }) : () -> ()
      %dma_start3A_36 = arith.constant 0 : i32
      %dma_start3A_37 = arith.constant 0 : i32
      %dma_start3A_38 = tpu.memref_slice %arg2[%dma_start3A_36, %dma_start3A_37] : memref<10000x16xf32, #tpu.memory_space<hbm>> -> memref<10000x16xf32, #tpu.memory_space<hbm>>
      tpu.enqueue_indirect_dma source(%dma_start3A_38 : memref<10000x16xf32, #tpu.memory_space<hbm>>) target(%arg9 : memref<200x16xf32, #tpu.memory_space<vmem>>) offsets(%arg7 : memref<200xi32, #tpu.memory_space<vmem>>) semaphore(%arg11 : memref<!tpu.dma_semaphore, #tpu.memory_space<semaphore_mem>>)
      %dma_wait3A_39 = arith.constant 0 : i32
      %dma_wait3A_40 = arith.constant 0 : i32
      %dma_wait3A_41 = tpu.memref_slice %arg2[%dma_wait3A_39, %dma_wait3A_40] : memref<10000x16xf32, #tpu.memory_space<hbm>> -> memref<10000x16xf32, #tpu.memory_space<hbm>>
      tpu.wait_indirect_dma semaphore(%arg11 : memref<!tpu.dma_semaphore, #tpu.memory_space<semaphore_mem>>) src(%dma_wait3A_41 : memref<10000x16xf32, #tpu.memory_space<hbm>>) dst(%arg9 : memref<200x16xf32, #tpu.memory_space<vmem>>)
      %dma_start3A_42 = arith.constant 0 : i32
      %dma_start3A_43 = arith.constant 0 : i32
      %dma_start3A_44 = tpu.memref_slice %arg2[%dma_start3A_42, %dma_start3A_43] : memref<10000x16xf32, #tpu.memory_space<hbm>> -> memref<10000x16xf32, #tpu.memory_space<hbm>>
      tpu.enqueue_indirect_dma source(%dma_start3A_44 : memref<10000x16xf32, #tpu.memory_space<hbm>>) target(%arg10 : memref<200x16xf32, #tpu.memory_space<vmem>>) offsets(%arg8 : memref<200xi32, #tpu.memory_space<vmem>>) semaphore(%arg11 : memref<!tpu.dma_semaphore, #tpu.memory_space<semaphore_mem>>)
      %dma_wait3A_45 = arith.constant 0 : i32
      %dma_wait3A_46 = arith.constant 0 : i32
      %dma_wait3A_47 = tpu.memref_slice %arg2[%dma_wait3A_45, %dma_wait3A_46] : memref<10000x16xf32, #tpu.memory_space<hbm>> -> memref<10000x16xf32, #tpu.memory_space<hbm>>
      tpu.wait_indirect_dma semaphore(%arg11 : memref<!tpu.dma_semaphore, #tpu.memory_space<semaphore_mem>>) src(%dma_wait3A_47 : memref<10000x16xf32, #tpu.memory_space<hbm>>) dst(%arg10 : memref<200x16xf32, #tpu.memory_space<vmem>>)
      "tpu.region"() ({
        %run_scoped3A_133 = tpu.sem_alloc : memref<!tpu.dma_semaphore, #tpu.memory_space<semaphore_mem>>
        %dma_start3A_134 = arith.constant 16 : i32
        %dma_start3A_135 = tpu.memref_slice %arg5[%mul3A_22, %dma_start3A_134] : memref<40000x128xf32, #tpu.memory_space<hbm>> -> memref<200x16xf32, #tpu.memory_space<hbm>>
        %dma_start3A_136 = arith.constant 16 : i32
        %dma_start3A_137 = tpu.memref_slice %arg5[%mul3A_22, %dma_start3A_136] : memref<40000x128xf32, #tpu.memory_space<hbm>> -> memref<200x16xf32, #tpu.memory_space<hbm>>
        tpu.enqueue_dma source(%arg9 : memref<200x16xf32, #tpu.memory_space<vmem>>) target(%dma_start3A_137 : memref<200x16xf32, #tpu.memory_space<hbm>>) target_semaphore(%run_scoped3A_133 : memref<!tpu.dma_semaphore, #tpu.memory_space<semaphore_mem>>)
        %dma_wait3A_138 = arith.constant 16 : i32
        %dma_wait3A_139 = tpu.memref_slice %arg5[%mul3A_22, %dma_wait3A_138] : memref<40000x128xf32, #tpu.memory_space<hbm>> -> memref<200x16xf32, #tpu.memory_space<hbm>>
        %dma_wait3A_140 = arith.constant 16 : i32
        %dma_wait3A_141 = tpu.memref_slice %arg5[%mul3A_22, %dma_wait3A_140] : memref<40000x128xf32, #tpu.memory_space<hbm>> -> memref<200x16xf32, #tpu.memory_space<hbm>>
        tpu.wait_dma2 semaphore(%run_scoped3A_133 : memref<!tpu.dma_semaphore, #tpu.memory_space<semaphore_mem>>) src(%arg9 : memref<200x16xf32, #tpu.memory_space<vmem>>) dst(%dma_wait3A_141 : memref<200x16xf32, #tpu.memory_space<hbm>>)
        tpu.yield
      }) : () -> ()
      "tpu.region"() ({
        %run_scoped3A_133 = tpu.sem_alloc : memref<!tpu.dma_semaphore, #tpu.memory_space<semaphore_mem>>
        %dma_start3A_134 = arith.constant 16 : i32
        %dma_start3A_135 = tpu.memref_slice %arg6[%mul3A_22, %dma_start3A_134] : memref<40000x128xf32, #tpu.memory_space<hbm>> -> memref<200x16xf32, #tpu.memory_space<hbm>>
        %dma_start3A_136 = arith.constant 16 : i32
        %dma_start3A_137 = tpu.memref_slice %arg6[%mul3A_22, %dma_start3A_136] : memref<40000x128xf32, #tpu.memory_space<hbm>> -> memref<200x16xf32, #tpu.memory_space<hbm>>
        tpu.enqueue_dma source(%arg10 : memref<200x16xf32, #tpu.memory_space<vmem>>) target(%dma_start3A_137 : memref<200x16xf32, #tpu.memory_space<hbm>>) target_semaphore(%run_scoped3A_133 : memref<!tpu.dma_semaphore, #tpu.memory_space<semaphore_mem>>)
        %dma_wait3A_138 = arith.constant 16 : i32
        %dma_wait3A_139 = tpu.memref_slice %arg6[%mul3A_22, %dma_wait3A_138] : memref<40000x128xf32, #tpu.memory_space<hbm>> -> memref<200x16xf32, #tpu.memory_space<hbm>>
        %dma_wait3A_140 = arith.constant 16 : i32
        %dma_wait3A_141 = tpu.memref_slice %arg6[%mul3A_22, %dma_wait3A_140] : memref<40000x128xf32, #tpu.memory_space<hbm>> -> memref<200x16xf32, #tpu.memory_space<hbm>>
        tpu.wait_dma2 semaphore(%run_scoped3A_133 : memref<!tpu.dma_semaphore, #tpu.memory_space<semaphore_mem>>) src(%arg10 : memref<200x16xf32, #tpu.memory_space<vmem>>) dst(%dma_wait3A_141 : memref<200x16xf32, #tpu.memory_space<hbm>>)
        tpu.yield
      }) : () -> ()
      %run_scoped3A_48 = arith.constant 2 : i32
      "tpu.region"() ({
        %run_scoped3A_133 = tpu.sem_alloc : memref<!tpu.dma_semaphore, #tpu.memory_space<semaphore_mem>>
        %dma_start3A_134 = arith.constant 0 : i32
        %dma_start3A_135 = tpu.memref_slice %arg3[%run_scoped3A_48, %add3A_20, %dma_start3A_134] : memref<8x200x200xi32, #tpu.memory_space<hbm>> -> memref<1x1x200xi32, #tpu.memory_space<hbm>>
        %dma_start3A_136 = tpu.memref_squeeze %dma_start3A_135 : memref<1x1x200xi32, #tpu.memory_space<hbm>> -> memref<200xi32, #tpu.memory_space<hbm>>
        %dma_start3A_137 = arith.constant 0 : i32
        %dma_start3A_138 = tpu.memref_slice %arg3[%run_scoped3A_48, %add3A_20, %dma_start3A_137] : memref<8x200x200xi32, #tpu.memory_space<hbm>> -> memref<1x1x200xi32, #tpu.memory_space<hbm>>
        %dma_start3A_139 = tpu.memref_squeeze %dma_start3A_138 : memref<1x1x200xi32, #tpu.memory_space<hbm>> -> memref<200xi32, #tpu.memory_space<hbm>>
        tpu.enqueue_dma source(%dma_start3A_139 : memref<200xi32, #tpu.memory_space<hbm>>) target(%arg7 : memref<200xi32, #tpu.memory_space<vmem>>) target_semaphore(%run_scoped3A_133 : memref<!tpu.dma_semaphore, #tpu.memory_space<semaphore_mem>>)
        %dma_wait3A_140 = arith.constant 0 : i32
        %dma_wait3A_141 = tpu.memref_slice %arg3[%run_scoped3A_48, %add3A_20, %dma_wait3A_140] : memref<8x200x200xi32, #tpu.memory_space<hbm>> -> memref<1x1x200xi32, #tpu.memory_space<hbm>>
        %dma_wait3A_142 = tpu.memref_squeeze %dma_wait3A_141 : memref<1x1x200xi32, #tpu.memory_space<hbm>> -> memref<200xi32, #tpu.memory_space<hbm>>
        %dma_wait3A_143 = arith.constant 0 : i32
        %dma_wait3A_144 = tpu.memref_slice %arg3[%run_scoped3A_48, %add3A_20, %dma_wait3A_143] : memref<8x200x200xi32, #tpu.memory_space<hbm>> -> memref<1x1x200xi32, #tpu.memory_space<hbm>>
        %dma_wait3A_145 = tpu.memref_squeeze %dma_wait3A_144 : memref<1x1x200xi32, #tpu.memory_space<hbm>> -> memref<200xi32, #tpu.memory_space<hbm>>
        tpu.wait_dma2 semaphore(%run_scoped3A_133 : memref<!tpu.dma_semaphore, #tpu.memory_space<semaphore_mem>>) src(%dma_wait3A_145 : memref<200xi32, #tpu.memory_space<hbm>>) dst(%arg7 : memref<200xi32, #tpu.memory_space<vmem>>)
        tpu.yield
      }) : () -> ()
      %run_scoped3A_49 = arith.constant 2 : i32
      "tpu.region"() ({
        %run_scoped3A_133 = tpu.sem_alloc : memref<!tpu.dma_semaphore, #tpu.memory_space<semaphore_mem>>
        %dma_start3A_134 = arith.constant 0 : i32
        %dma_start3A_135 = tpu.memref_slice %arg4[%run_scoped3A_49, %add3A_20, %dma_start3A_134] : memref<8x200x200xi32, #tpu.memory_space<hbm>> -> memref<1x1x200xi32, #tpu.memory_space<hbm>>
        %dma_start3A_136 = tpu.memref_squeeze %dma_start3A_135 : memref<1x1x200xi32, #tpu.memory_space<hbm>> -> memref<200xi32, #tpu.memory_space<hbm>>
        %dma_start3A_137 = arith.constant 0 : i32
        %dma_start3A_138 = tpu.memref_slice %arg4[%run_scoped3A_49, %add3A_20, %dma_start3A_137] : memref<8x200x200xi32, #tpu.memory_space<hbm>> -> memref<1x1x200xi32, #tpu.memory_space<hbm>>
        %dma_start3A_139 = tpu.memref_squeeze %dma_start3A_138 : memref<1x1x200xi32, #tpu.memory_space<hbm>> -> memref<200xi32, #tpu.memory_space<hbm>>
        tpu.enqueue_dma source(%dma_start3A_139 : memref<200xi32, #tpu.memory_space<hbm>>) target(%arg8 : memref<200xi32, #tpu.memory_space<vmem>>) target_semaphore(%run_scoped3A_133 : memref<!tpu.dma_semaphore, #tpu.memory_space<semaphore_mem>>)
        %dma_wait3A_140 = arith.constant 0 : i32
        %dma_wait3A_141 = tpu.memref_slice %arg4[%run_scoped3A_49, %add3A_20, %dma_wait3A_140] : memref<8x200x200xi32, #tpu.memory_space<hbm>> -> memref<1x1x200xi32, #tpu.memory_space<hbm>>
        %dma_wait3A_142 = tpu.memref_squeeze %dma_wait3A_141 : memref<1x1x200xi32, #tpu.memory_space<hbm>> -> memref<200xi32, #tpu.memory_space<hbm>>
        %dma_wait3A_143 = arith.constant 0 : i32
        %dma_wait3A_144 = tpu.memref_slice %arg4[%run_scoped3A_49, %add3A_20, %dma_wait3A_143] : memref<8x200x200xi32, #tpu.memory_space<hbm>> -> memref<1x1x200xi32, #tpu.memory_space<hbm>>
        %dma_wait3A_145 = tpu.memref_squeeze %dma_wait3A_144 : memref<1x1x200xi32, #tpu.memory_space<hbm>> -> memref<200xi32, #tpu.memory_space<hbm>>
        tpu.wait_dma2 semaphore(%run_scoped3A_133 : memref<!tpu.dma_semaphore, #tpu.memory_space<semaphore_mem>>) src(%dma_wait3A_145 : memref<200xi32, #tpu.memory_space<hbm>>) dst(%arg8 : memref<200xi32, #tpu.memory_space<vmem>>)
        tpu.yield
      }) : () -> ()
      %dma_start3A_50 = arith.constant 0 : i32
      %dma_start3A_51 = arith.constant 0 : i32
      %dma_start3A_52 = tpu.memref_slice %arg2[%dma_start3A_50, %dma_start3A_51] : memref<10000x16xf32, #tpu.memory_space<hbm>> -> memref<10000x16xf32, #tpu.memory_space<hbm>>
      tpu.enqueue_indirect_dma source(%dma_start3A_52 : memref<10000x16xf32, #tpu.memory_space<hbm>>) target(%arg9 : memref<200x16xf32, #tpu.memory_space<vmem>>) offsets(%arg7 : memref<200xi32, #tpu.memory_space<vmem>>) semaphore(%arg11 : memref<!tpu.dma_semaphore, #tpu.memory_space<semaphore_mem>>)
      %dma_wait3A_53 = arith.constant 0 : i32
      %dma_wait3A_54 = arith.constant 0 : i32
      %dma_wait3A_55 = tpu.memref_slice %arg2[%dma_wait3A_53, %dma_wait3A_54] : memref<10000x16xf32, #tpu.memory_space<hbm>> -> memref<10000x16xf32, #tpu.memory_space<hbm>>
      tpu.wait_indirect_dma semaphore(%arg11 : memref<!tpu.dma_semaphore, #tpu.memory_space<semaphore_mem>>) src(%dma_wait3A_55 : memref<10000x16xf32, #tpu.memory_space<hbm>>) dst(%arg9 : memref<200x16xf32, #tpu.memory_space<vmem>>)
      %dma_start3A_56 = arith.constant 0 : i32
      %dma_start3A_57 = arith.constant 0 : i32
      %dma_start3A_58 = tpu.memref_slice %arg2[%dma_start3A_56, %dma_start3A_57] : memref<10000x16xf32, #tpu.memory_space<hbm>> -> memref<10000x16xf32, #tpu.memory_space<hbm>>
      tpu.enqueue_indirect_dma source(%dma_start3A_58 : memref<10000x16xf32, #tpu.memory_space<hbm>>) target(%arg10 : memref<200x16xf32, #tpu.memory_space<vmem>>) offsets(%arg8 : memref<200xi32, #tpu.memory_space<vmem>>) semaphore(%arg11 : memref<!tpu.dma_semaphore, #tpu.memory_space<semaphore_mem>>)
      %dma_wait3A_59 = arith.constant 0 : i32
      %dma_wait3A_60 = arith.constant 0 : i32
      %dma_wait3A_61 = tpu.memref_slice %arg2[%dma_wait3A_59, %dma_wait3A_60] : memref<10000x16xf32, #tpu.memory_space<hbm>> -> memref<10000x16xf32, #tpu.memory_space<hbm>>
      tpu.wait_indirect_dma semaphore(%arg11 : memref<!tpu.dma_semaphore, #tpu.memory_space<semaphore_mem>>) src(%dma_wait3A_61 : memref<10000x16xf32, #tpu.memory_space<hbm>>) dst(%arg10 : memref<200x16xf32, #tpu.memory_space<vmem>>)
      "tpu.region"() ({
        %run_scoped3A_133 = tpu.sem_alloc : memref<!tpu.dma_semaphore, #tpu.memory_space<semaphore_mem>>
        %dma_start3A_134 = arith.constant 32 : i32
        %dma_start3A_135 = tpu.memref_slice %arg5[%mul3A_22, %dma_start3A_134] : memref<40000x128xf32, #tpu.memory_space<hbm>> -> memref<200x16xf32, #tpu.memory_space<hbm>>
        %dma_start3A_136 = arith.constant 32 : i32
        %dma_start3A_137 = tpu.memref_slice %arg5[%mul3A_22, %dma_start3A_136] : memref<40000x128xf32, #tpu.memory_space<hbm>> -> memref<200x16xf32, #tpu.memory_space<hbm>>
        tpu.enqueue_dma source(%arg9 : memref<200x16xf32, #tpu.memory_space<vmem>>) target(%dma_start3A_137 : memref<200x16xf32, #tpu.memory_space<hbm>>) target_semaphore(%run_scoped3A_133 : memref<!tpu.dma_semaphore, #tpu.memory_space<semaphore_mem>>)
        %dma_wait3A_138 = arith.constant 32 : i32
        %dma_wait3A_139 = tpu.memref_slice %arg5[%mul3A_22, %dma_wait3A_138] : memref<40000x128xf32, #tpu.memory_space<hbm>> -> memref<200x16xf32, #tpu.memory_space<hbm>>
        %dma_wait3A_140 = arith.constant 32 : i32
        %dma_wait3A_141 = tpu.memref_slice %arg5[%mul3A_22, %dma_wait3A_140] : memref<40000x128xf32, #tpu.memory_space<hbm>> -> memref<200x16xf32, #tpu.memory_space<hbm>>
        tpu.wait_dma2 semaphore(%run_scoped3A_133 : memref<!tpu.dma_semaphore, #tpu.memory_space<semaphore_mem>>) src(%arg9 : memref<200x16xf32, #tpu.memory_space<vmem>>) dst(%dma_wait3A_141 : memref<200x16xf32, #tpu.memory_space<hbm>>)
        tpu.yield
      }) : () -> ()
      "tpu.region"() ({
        %run_scoped3A_133 = tpu.sem_alloc : memref<!tpu.dma_semaphore, #tpu.memory_space<semaphore_mem>>
        %dma_start3A_134 = arith.constant 32 : i32
        %dma_start3A_135 = tpu.memref_slice %arg6[%mul3A_22, %dma_start3A_134] : memref<40000x128xf32, #tpu.memory_space<hbm>> -> memref<200x16xf32, #tpu.memory_space<hbm>>
        %dma_start3A_136 = arith.constant 32 : i32
        %dma_start3A_137 = tpu.memref_slice %arg6[%mul3A_22, %dma_start3A_136] : memref<40000x128xf32, #tpu.memory_space<hbm>> -> memref<200x16xf32, #tpu.memory_space<hbm>>
        tpu.enqueue_dma source(%arg10 : memref<200x16xf32, #tpu.memory_space<vmem>>) target(%dma_start3A_137 : memref<200x16xf32, #tpu.memory_space<hbm>>) target_semaphore(%run_scoped3A_133 : memref<!tpu.dma_semaphore, #tpu.memory_space<semaphore_mem>>)
        %dma_wait3A_138 = arith.constant 32 : i32
        %dma_wait3A_139 = tpu.memref_slice %arg6[%mul3A_22, %dma_wait3A_138] : memref<40000x128xf32, #tpu.memory_space<hbm>> -> memref<200x16xf32, #tpu.memory_space<hbm>>
        %dma_wait3A_140 = arith.constant 32 : i32
        %dma_wait3A_141 = tpu.memref_slice %arg6[%mul3A_22, %dma_wait3A_140] : memref<40000x128xf32, #tpu.memory_space<hbm>> -> memref<200x16xf32, #tpu.memory_space<hbm>>
        tpu.wait_dma2 semaphore(%run_scoped3A_133 : memref<!tpu.dma_semaphore, #tpu.memory_space<semaphore_mem>>) src(%arg10 : memref<200x16xf32, #tpu.memory_space<vmem>>) dst(%dma_wait3A_141 : memref<200x16xf32, #tpu.memory_space<hbm>>)
        tpu.yield
      }) : () -> ()
      %run_scoped3A_62 = arith.constant 3 : i32
      "tpu.region"() ({
        %run_scoped3A_133 = tpu.sem_alloc : memref<!tpu.dma_semaphore, #tpu.memory_space<semaphore_mem>>
        %dma_start3A_134 = arith.constant 0 : i32
        %dma_start3A_135 = tpu.memref_slice %arg3[%run_scoped3A_62, %add3A_20, %dma_start3A_134] : memref<8x200x200xi32, #tpu.memory_space<hbm>> -> memref<1x1x200xi32, #tpu.memory_space<hbm>>
        %dma_start3A_136 = tpu.memref_squeeze %dma_start3A_135 : memref<1x1x200xi32, #tpu.memory_space<hbm>> -> memref<200xi32, #tpu.memory_space<hbm>>
        %dma_start3A_137 = arith.constant 0 : i32
        %dma_start3A_138 = tpu.memref_slice %arg3[%run_scoped3A_62, %add3A_20, %dma_start3A_137] : memref<8x200x200xi32, #tpu.memory_space<hbm>> -> memref<1x1x200xi32, #tpu.memory_space<hbm>>
        %dma_start3A_139 = tpu.memref_squeeze %dma_start3A_138 : memref<1x1x200xi32, #tpu.memory_space<hbm>> -> memref<200xi32, #tpu.memory_space<hbm>>
        tpu.enqueue_dma source(%dma_start3A_139 : memref<200xi32, #tpu.memory_space<hbm>>) target(%arg7 : memref<200xi32, #tpu.memory_space<vmem>>) target_semaphore(%run_scoped3A_133 : memref<!tpu.dma_semaphore, #tpu.memory_space<semaphore_mem>>)
        %dma_wait3A_140 = arith.constant 0 : i32
        %dma_wait3A_141 = tpu.memref_slice %arg3[%run_scoped3A_62, %add3A_20, %dma_wait3A_140] : memref<8x200x200xi32, #tpu.memory_space<hbm>> -> memref<1x1x200xi32, #tpu.memory_space<hbm>>
        %dma_wait3A_142 = tpu.memref_squeeze %dma_wait3A_141 : memref<1x1x200xi32, #tpu.memory_space<hbm>> -> memref<200xi32, #tpu.memory_space<hbm>>
        %dma_wait3A_143 = arith.constant 0 : i32
        %dma_wait3A_144 = tpu.memref_slice %arg3[%run_scoped3A_62, %add3A_20, %dma_wait3A_143] : memref<8x200x200xi32, #tpu.memory_space<hbm>> -> memref<1x1x200xi32, #tpu.memory_space<hbm>>
        %dma_wait3A_145 = tpu.memref_squeeze %dma_wait3A_144 : memref<1x1x200xi32, #tpu.memory_space<hbm>> -> memref<200xi32, #tpu.memory_space<hbm>>
        tpu.wait_dma2 semaphore(%run_scoped3A_133 : memref<!tpu.dma_semaphore, #tpu.memory_space<semaphore_mem>>) src(%dma_wait3A_145 : memref<200xi32, #tpu.memory_space<hbm>>) dst(%arg7 : memref<200xi32, #tpu.memory_space<vmem>>)
        tpu.yield
      }) : () -> ()
      %run_scoped3A_63 = arith.constant 3 : i32
      "tpu.region"() ({
        %run_scoped3A_133 = tpu.sem_alloc : memref<!tpu.dma_semaphore, #tpu.memory_space<semaphore_mem>>
        %dma_start3A_134 = arith.constant 0 : i32
        %dma_start3A_135 = tpu.memref_slice %arg4[%run_scoped3A_63, %add3A_20, %dma_start3A_134] : memref<8x200x200xi32, #tpu.memory_space<hbm>> -> memref<1x1x200xi32, #tpu.memory_space<hbm>>
        %dma_start3A_136 = tpu.memref_squeeze %dma_start3A_135 : memref<1x1x200xi32, #tpu.memory_space<hbm>> -> memref<200xi32, #tpu.memory_space<hbm>>
        %dma_start3A_137 = arith.constant 0 : i32
        %dma_start3A_138 = tpu.memref_slice %arg4[%run_scoped3A_63, %add3A_20, %dma_start3A_137] : memref<8x200x200xi32, #tpu.memory_space<hbm>> -> memref<1x1x200xi32, #tpu.memory_space<hbm>>
        %dma_start3A_139 = tpu.memref_squeeze %dma_start3A_138 : memref<1x1x200xi32, #tpu.memory_space<hbm>> -> memref<200xi32, #tpu.memory_space<hbm>>
        tpu.enqueue_dma source(%dma_start3A_139 : memref<200xi32, #tpu.memory_space<hbm>>) target(%arg8 : memref<200xi32, #tpu.memory_space<vmem>>) target_semaphore(%run_scoped3A_133 : memref<!tpu.dma_semaphore, #tpu.memory_space<semaphore_mem>>)
        %dma_wait3A_140 = arith.constant 0 : i32
        %dma_wait3A_141 = tpu.memref_slice %arg4[%run_scoped3A_63, %add3A_20, %dma_wait3A_140] : memref<8x200x200xi32, #tpu.memory_space<hbm>> -> memref<1x1x200xi32, #tpu.memory_space<hbm>>
        %dma_wait3A_142 = tpu.memref_squeeze %dma_wait3A_141 : memref<1x1x200xi32, #tpu.memory_space<hbm>> -> memref<200xi32, #tpu.memory_space<hbm>>
        %dma_wait3A_143 = arith.constant 0 : i32
        %dma_wait3A_144 = tpu.memref_slice %arg4[%run_scoped3A_63, %add3A_20, %dma_wait3A_143] : memref<8x200x200xi32, #tpu.memory_space<hbm>> -> memref<1x1x200xi32, #tpu.memory_space<hbm>>
        %dma_wait3A_145 = tpu.memref_squeeze %dma_wait3A_144 : memref<1x1x200xi32, #tpu.memory_space<hbm>> -> memref<200xi32, #tpu.memory_space<hbm>>
        tpu.wait_dma2 semaphore(%run_scoped3A_133 : memref<!tpu.dma_semaphore, #tpu.memory_space<semaphore_mem>>) src(%dma_wait3A_145 : memref<200xi32, #tpu.memory_space<hbm>>) dst(%arg8 : memref<200xi32, #tpu.memory_space<vmem>>)
        tpu.yield
      }) : () -> ()
      %dma_start3A_64 = arith.constant 0 : i32
      %dma_start3A_65 = arith.constant 0 : i32
      %dma_start3A_66 = tpu.memref_slice %arg2[%dma_start3A_64, %dma_start3A_65] : memref<10000x16xf32, #tpu.memory_space<hbm>> -> memref<10000x16xf32, #tpu.memory_space<hbm>>
      tpu.enqueue_indirect_dma source(%dma_start3A_66 : memref<10000x16xf32, #tpu.memory_space<hbm>>) target(%arg9 : memref<200x16xf32, #tpu.memory_space<vmem>>) offsets(%arg7 : memref<200xi32, #tpu.memory_space<vmem>>) semaphore(%arg11 : memref<!tpu.dma_semaphore, #tpu.memory_space<semaphore_mem>>)
      %dma_wait3A_67 = arith.constant 0 : i32
      %dma_wait3A_68 = arith.constant 0 : i32
      %dma_wait3A_69 = tpu.memref_slice %arg2[%dma_wait3A_67, %dma_wait3A_68] : memref<10000x16xf32, #tpu.memory_space<hbm>> -> memref<10000x16xf32, #tpu.memory_space<hbm>>
      tpu.wait_indirect_dma semaphore(%arg11 : memref<!tpu.dma_semaphore, #tpu.memory_space<semaphore_mem>>) src(%dma_wait3A_69 : memref<10000x16xf32, #tpu.memory_space<hbm>>) dst(%arg9 : memref<200x16xf32, #tpu.memory_space<vmem>>)
      %dma_start3A_70 = arith.constant 0 : i32
      %dma_start3A_71 = arith.constant 0 : i32
      %dma_start3A_72 = tpu.memref_slice %arg2[%dma_start3A_70, %dma_start3A_71] : memref<10000x16xf32, #tpu.memory_space<hbm>> -> memref<10000x16xf32, #tpu.memory_space<hbm>>
      tpu.enqueue_indirect_dma source(%dma_start3A_72 : memref<10000x16xf32, #tpu.memory_space<hbm>>) target(%arg10 : memref<200x16xf32, #tpu.memory_space<vmem>>) offsets(%arg8 : memref<200xi32, #tpu.memory_space<vmem>>) semaphore(%arg11 : memref<!tpu.dma_semaphore, #tpu.memory_space<semaphore_mem>>)
      %dma_wait3A_73 = arith.constant 0 : i32
      %dma_wait3A_74 = arith.constant 0 : i32
      %dma_wait3A_75 = tpu.memref_slice %arg2[%dma_wait3A_73, %dma_wait3A_74] : memref<10000x16xf32, #tpu.memory_space<hbm>> -> memref<10000x16xf32, #tpu.memory_space<hbm>>
      tpu.wait_indirect_dma semaphore(%arg11 : memref<!tpu.dma_semaphore, #tpu.memory_space<semaphore_mem>>) src(%dma_wait3A_75 : memref<10000x16xf32, #tpu.memory_space<hbm>>) dst(%arg10 : memref<200x16xf32, #tpu.memory_space<vmem>>)
      "tpu.region"() ({
        %run_scoped3A_133 = tpu.sem_alloc : memref<!tpu.dma_semaphore, #tpu.memory_space<semaphore_mem>>
        %dma_start3A_134 = arith.constant 48 : i32
        %dma_start3A_135 = tpu.memref_slice %arg5[%mul3A_22, %dma_start3A_134] : memref<40000x128xf32, #tpu.memory_space<hbm>> -> memref<200x16xf32, #tpu.memory_space<hbm>>
        %dma_start3A_136 = arith.constant 48 : i32
        %dma_start3A_137 = tpu.memref_slice %arg5[%mul3A_22, %dma_start3A_136] : memref<40000x128xf32, #tpu.memory_space<hbm>> -> memref<200x16xf32, #tpu.memory_space<hbm>>
        tpu.enqueue_dma source(%arg9 : memref<200x16xf32, #tpu.memory_space<vmem>>) target(%dma_start3A_137 : memref<200x16xf32, #tpu.memory_space<hbm>>) target_semaphore(%run_scoped3A_133 : memref<!tpu.dma_semaphore, #tpu.memory_space<semaphore_mem>>)
        %dma_wait3A_138 = arith.constant 48 : i32
        %dma_wait3A_139 = tpu.memref_slice %arg5[%mul3A_22, %dma_wait3A_138] : memref<40000x128xf32, #tpu.memory_space<hbm>> -> memref<200x16xf32, #tpu.memory_space<hbm>>
        %dma_wait3A_140 = arith.constant 48 : i32
        %dma_wait3A_141 = tpu.memref_slice %arg5[%mul3A_22, %dma_wait3A_140] : memref<40000x128xf32, #tpu.memory_space<hbm>> -> memref<200x16xf32, #tpu.memory_space<hbm>>
        tpu.wait_dma2 semaphore(%run_scoped3A_133 : memref<!tpu.dma_semaphore, #tpu.memory_space<semaphore_mem>>) src(%arg9 : memref<200x16xf32, #tpu.memory_space<vmem>>) dst(%dma_wait3A_141 : memref<200x16xf32, #tpu.memory_space<hbm>>)
        tpu.yield
      }) : () -> ()
      "tpu.region"() ({
        %run_scoped3A_133 = tpu.sem_alloc : memref<!tpu.dma_semaphore, #tpu.memory_space<semaphore_mem>>
        %dma_start3A_134 = arith.constant 48 : i32
        %dma_start3A_135 = tpu.memref_slice %arg6[%mul3A_22, %dma_start3A_134] : memref<40000x128xf32, #tpu.memory_space<hbm>> -> memref<200x16xf32, #tpu.memory_space<hbm>>
        %dma_start3A_136 = arith.constant 48 : i32
        %dma_start3A_137 = tpu.memref_slice %arg6[%mul3A_22, %dma_start3A_136] : memref<40000x128xf32, #tpu.memory_space<hbm>> -> memref<200x16xf32, #tpu.memory_space<hbm>>
        tpu.enqueue_dma source(%arg10 : memref<200x16xf32, #tpu.memory_space<vmem>>) target(%dma_start3A_137 : memref<200x16xf32, #tpu.memory_space<hbm>>) target_semaphore(%run_scoped3A_133 : memref<!tpu.dma_semaphore, #tpu.memory_space<semaphore_mem>>)
        %dma_wait3A_138 = arith.constant 48 : i32
        %dma_wait3A_139 = tpu.memref_slice %arg6[%mul3A_22, %dma_wait3A_138] : memref<40000x128xf32, #tpu.memory_space<hbm>> -> memref<200x16xf32, #tpu.memory_space<hbm>>
        %dma_wait3A_140 = arith.constant 48 : i32
        %dma_wait3A_141 = tpu.memref_slice %arg6[%mul3A_22, %dma_wait3A_140] : memref<40000x128xf32, #tpu.memory_space<hbm>> -> memref<200x16xf32, #tpu.memory_space<hbm>>
        tpu.wait_dma2 semaphore(%run_scoped3A_133 : memref<!tpu.dma_semaphore, #tpu.memory_space<semaphore_mem>>) src(%arg10 : memref<200x16xf32, #tpu.memory_space<vmem>>) dst(%dma_wait3A_141 : memref<200x16xf32, #tpu.memory_space<hbm>>)
        tpu.yield
      }) : () -> ()
      %run_scoped3A_76 = arith.constant 4 : i32
      "tpu.region"() ({
        %run_scoped3A_133 = tpu.sem_alloc : memref<!tpu.dma_semaphore, #tpu.memory_space<semaphore_mem>>
        %dma_start3A_134 = arith.constant 0 : i32
        %dma_start3A_135 = tpu.memref_slice %arg3[%run_scoped3A_76, %add3A_20, %dma_start3A_134] : memref<8x200x200xi32, #tpu.memory_space<hbm>> -> memref<1x1x200xi32, #tpu.memory_space<hbm>>
        %dma_start3A_136 = tpu.memref_squeeze %dma_start3A_135 : memref<1x1x200xi32, #tpu.memory_space<hbm>> -> memref<200xi32, #tpu.memory_space<hbm>>
        %dma_start3A_137 = arith.constant 0 : i32
        %dma_start3A_138 = tpu.memref_slice %arg3[%run_scoped3A_76, %add3A_20, %dma_start3A_137] : memref<8x200x200xi32, #tpu.memory_space<hbm>> -> memref<1x1x200xi32, #tpu.memory_space<hbm>>
        %dma_start3A_139 = tpu.memref_squeeze %dma_start3A_138 : memref<1x1x200xi32, #tpu.memory_space<hbm>> -> memref<200xi32, #tpu.memory_space<hbm>>
        tpu.enqueue_dma source(%dma_start3A_139 : memref<200xi32, #tpu.memory_space<hbm>>) target(%arg7 : memref<200xi32, #tpu.memory_space<vmem>>) target_semaphore(%run_scoped3A_133 : memref<!tpu.dma_semaphore, #tpu.memory_space<semaphore_mem>>)
        %dma_wait3A_140 = arith.constant 0 : i32
        %dma_wait3A_141 = tpu.memref_slice %arg3[%run_scoped3A_76, %add3A_20, %dma_wait3A_140] : memref<8x200x200xi32, #tpu.memory_space<hbm>> -> memref<1x1x200xi32, #tpu.memory_space<hbm>>
        %dma_wait3A_142 = tpu.memref_squeeze %dma_wait3A_141 : memref<1x1x200xi32, #tpu.memory_space<hbm>> -> memref<200xi32, #tpu.memory_space<hbm>>
        %dma_wait3A_143 = arith.constant 0 : i32
        %dma_wait3A_144 = tpu.memref_slice %arg3[%run_scoped3A_76, %add3A_20, %dma_wait3A_143] : memref<8x200x200xi32, #tpu.memory_space<hbm>> -> memref<1x1x200xi32, #tpu.memory_space<hbm>>
        %dma_wait3A_145 = tpu.memref_squeeze %dma_wait3A_144 : memref<1x1x200xi32, #tpu.memory_space<hbm>> -> memref<200xi32, #tpu.memory_space<hbm>>
        tpu.wait_dma2 semaphore(%run_scoped3A_133 : memref<!tpu.dma_semaphore, #tpu.memory_space<semaphore_mem>>) src(%dma_wait3A_145 : memref<200xi32, #tpu.memory_space<hbm>>) dst(%arg7 : memref<200xi32, #tpu.memory_space<vmem>>)
        tpu.yield
      }) : () -> ()
      %run_scoped3A_77 = arith.constant 4 : i32
      "tpu.region"() ({
        %run_scoped3A_133 = tpu.sem_alloc : memref<!tpu.dma_semaphore, #tpu.memory_space<semaphore_mem>>
        %dma_start3A_134 = arith.constant 0 : i32
        %dma_start3A_135 = tpu.memref_slice %arg4[%run_scoped3A_77, %add3A_20, %dma_start3A_134] : memref<8x200x200xi32, #tpu.memory_space<hbm>> -> memref<1x1x200xi32, #tpu.memory_space<hbm>>
        %dma_start3A_136 = tpu.memref_squeeze %dma_start3A_135 : memref<1x1x200xi32, #tpu.memory_space<hbm>> -> memref<200xi32, #tpu.memory_space<hbm>>
        %dma_start3A_137 = arith.constant 0 : i32
        %dma_start3A_138 = tpu.memref_slice %arg4[%run_scoped3A_77, %add3A_20, %dma_start3A_137] : memref<8x200x200xi32, #tpu.memory_space<hbm>> -> memref<1x1x200xi32, #tpu.memory_space<hbm>>
        %dma_start3A_139 = tpu.memref_squeeze %dma_start3A_138 : memref<1x1x200xi32, #tpu.memory_space<hbm>> -> memref<200xi32, #tpu.memory_space<hbm>>
        tpu.enqueue_dma source(%dma_start3A_139 : memref<200xi32, #tpu.memory_space<hbm>>) target(%arg8 : memref<200xi32, #tpu.memory_space<vmem>>) target_semaphore(%run_scoped3A_133 : memref<!tpu.dma_semaphore, #tpu.memory_space<semaphore_mem>>)
        %dma_wait3A_140 = arith.constant 0 : i32
        %dma_wait3A_141 = tpu.memref_slice %arg4[%run_scoped3A_77, %add3A_20, %dma_wait3A_140] : memref<8x200x200xi32, #tpu.memory_space<hbm>> -> memref<1x1x200xi32, #tpu.memory_space<hbm>>
        %dma_wait3A_142 = tpu.memref_squeeze %dma_wait3A_141 : memref<1x1x200xi32, #tpu.memory_space<hbm>> -> memref<200xi32, #tpu.memory_space<hbm>>
        %dma_wait3A_143 = arith.constant 0 : i32
        %dma_wait3A_144 = tpu.memref_slice %arg4[%run_scoped3A_77, %add3A_20, %dma_wait3A_143] : memref<8x200x200xi32, #tpu.memory_space<hbm>> -> memref<1x1x200xi32, #tpu.memory_space<hbm>>
        %dma_wait3A_145 = tpu.memref_squeeze %dma_wait3A_144 : memref<1x1x200xi32, #tpu.memory_space<hbm>> -> memref<200xi32, #tpu.memory_space<hbm>>
        tpu.wait_dma2 semaphore(%run_scoped3A_133 : memref<!tpu.dma_semaphore, #tpu.memory_space<semaphore_mem>>) src(%dma_wait3A_145 : memref<200xi32, #tpu.memory_space<hbm>>) dst(%arg8 : memref<200xi32, #tpu.memory_space<vmem>>)
        tpu.yield
      }) : () -> ()
      %dma_start3A_78 = arith.constant 0 : i32
      %dma_start3A_79 = arith.constant 0 : i32
      %dma_start3A_80 = tpu.memref_slice %arg2[%dma_start3A_78, %dma_start3A_79] : memref<10000x16xf32, #tpu.memory_space<hbm>> -> memref<10000x16xf32, #tpu.memory_space<hbm>>
      tpu.enqueue_indirect_dma source(%dma_start3A_80 : memref<10000x16xf32, #tpu.memory_space<hbm>>) target(%arg9 : memref<200x16xf32, #tpu.memory_space<vmem>>) offsets(%arg7 : memref<200xi32, #tpu.memory_space<vmem>>) semaphore(%arg11 : memref<!tpu.dma_semaphore, #tpu.memory_space<semaphore_mem>>)
      %dma_wait3A_81 = arith.constant 0 : i32
      %dma_wait3A_82 = arith.constant 0 : i32
      %dma_wait3A_83 = tpu.memref_slice %arg2[%dma_wait3A_81, %dma_wait3A_82] : memref<10000x16xf32, #tpu.memory_space<hbm>> -> memref<10000x16xf32, #tpu.memory_space<hbm>>
      tpu.wait_indirect_dma semaphore(%arg11 : memref<!tpu.dma_semaphore, #tpu.memory_space<semaphore_mem>>) src(%dma_wait3A_83 : memref<10000x16xf32, #tpu.memory_space<hbm>>) dst(%arg9 : memref<200x16xf32, #tpu.memory_space<vmem>>)
      %dma_start3A_84 = arith.constant 0 : i32
      %dma_start3A_85 = arith.constant 0 : i32
      %dma_start3A_86 = tpu.memref_slice %arg2[%dma_start3A_84, %dma_start3A_85] : memref<10000x16xf32, #tpu.memory_space<hbm>> -> memref<10000x16xf32, #tpu.memory_space<hbm>>
      tpu.enqueue_indirect_dma source(%dma_start3A_86 : memref<10000x16xf32, #tpu.memory_space<hbm>>) target(%arg10 : memref<200x16xf32, #tpu.memory_space<vmem>>) offsets(%arg8 : memref<200xi32, #tpu.memory_space<vmem>>) semaphore(%arg11 : memref<!tpu.dma_semaphore, #tpu.memory_space<semaphore_mem>>)
      %dma_wait3A_87 = arith.constant 0 : i32
      %dma_wait3A_88 = arith.constant 0 : i32
      %dma_wait3A_89 = tpu.memref_slice %arg2[%dma_wait3A_87, %dma_wait3A_88] : memref<10000x16xf32, #tpu.memory_space<hbm>> -> memref<10000x16xf32, #tpu.memory_space<hbm>>
      tpu.wait_indirect_dma semaphore(%arg11 : memref<!tpu.dma_semaphore, #tpu.memory_space<semaphore_mem>>) src(%dma_wait3A_89 : memref<10000x16xf32, #tpu.memory_space<hbm>>) dst(%arg10 : memref<200x16xf32, #tpu.memory_space<vmem>>)
      "tpu.region"() ({
        %run_scoped3A_133 = tpu.sem_alloc : memref<!tpu.dma_semaphore, #tpu.memory_space<semaphore_mem>>
        %dma_start3A_134 = arith.constant 64 : i32
        %dma_start3A_135 = tpu.memref_slice %arg5[%mul3A_22, %dma_start3A_134] : memref<40000x128xf32, #tpu.memory_space<hbm>> -> memref<200x16xf32, #tpu.memory_space<hbm>>
        %dma_start3A_136 = arith.constant 64 : i32
        %dma_start3A_137 = tpu.memref_slice %arg5[%mul3A_22, %dma_start3A_136] : memref<40000x128xf32, #tpu.memory_space<hbm>> -> memref<200x16xf32, #tpu.memory_space<hbm>>
        tpu.enqueue_dma source(%arg9 : memref<200x16xf32, #tpu.memory_space<vmem>>) target(%dma_start3A_137 : memref<200x16xf32, #tpu.memory_space<hbm>>) target_semaphore(%run_scoped3A_133 : memref<!tpu.dma_semaphore, #tpu.memory_space<semaphore_mem>>)
        %dma_wait3A_138 = arith.constant 64 : i32
        %dma_wait3A_139 = tpu.memref_slice %arg5[%mul3A_22, %dma_wait3A_138] : memref<40000x128xf32, #tpu.memory_space<hbm>> -> memref<200x16xf32, #tpu.memory_space<hbm>>
        %dma_wait3A_140 = arith.constant 64 : i32
        %dma_wait3A_141 = tpu.memref_slice %arg5[%mul3A_22, %dma_wait3A_140] : memref<40000x128xf32, #tpu.memory_space<hbm>> -> memref<200x16xf32, #tpu.memory_space<hbm>>
        tpu.wait_dma2 semaphore(%run_scoped3A_133 : memref<!tpu.dma_semaphore, #tpu.memory_space<semaphore_mem>>) src(%arg9 : memref<200x16xf32, #tpu.memory_space<vmem>>) dst(%dma_wait3A_141 : memref<200x16xf32, #tpu.memory_space<hbm>>)
        tpu.yield
      }) : () -> ()
      "tpu.region"() ({
        %run_scoped3A_133 = tpu.sem_alloc : memref<!tpu.dma_semaphore, #tpu.memory_space<semaphore_mem>>
        %dma_start3A_134 = arith.constant 64 : i32
        %dma_start3A_135 = tpu.memref_slice %arg6[%mul3A_22, %dma_start3A_134] : memref<40000x128xf32, #tpu.memory_space<hbm>> -> memref<200x16xf32, #tpu.memory_space<hbm>>
        %dma_start3A_136 = arith.constant 64 : i32
        %dma_start3A_137 = tpu.memref_slice %arg6[%mul3A_22, %dma_start3A_136] : memref<40000x128xf32, #tpu.memory_space<hbm>> -> memref<200x16xf32, #tpu.memory_space<hbm>>
        tpu.enqueue_dma source(%arg10 : memref<200x16xf32, #tpu.memory_space<vmem>>) target(%dma_start3A_137 : memref<200x16xf32, #tpu.memory_space<hbm>>) target_semaphore(%run_scoped3A_133 : memref<!tpu.dma_semaphore, #tpu.memory_space<semaphore_mem>>)
        %dma_wait3A_138 = arith.constant 64 : i32
        %dma_wait3A_139 = tpu.memref_slice %arg6[%mul3A_22, %dma_wait3A_138] : memref<40000x128xf32, #tpu.memory_space<hbm>> -> memref<200x16xf32, #tpu.memory_space<hbm>>
        %dma_wait3A_140 = arith.constant 64 : i32
        %dma_wait3A_141 = tpu.memref_slice %arg6[%mul3A_22, %dma_wait3A_140] : memref<40000x128xf32, #tpu.memory_space<hbm>> -> memref<200x16xf32, #tpu.memory_space<hbm>>
        tpu.wait_dma2 semaphore(%run_scoped3A_133 : memref<!tpu.dma_semaphore, #tpu.memory_space<semaphore_mem>>) src(%arg10 : memref<200x16xf32, #tpu.memory_space<vmem>>) dst(%dma_wait3A_141 : memref<200x16xf32, #tpu.memory_space<hbm>>)
        tpu.yield
      }) : () -> ()
      %run_scoped3A_90 = arith.constant 5 : i32
      "tpu.region"() ({
        %run_scoped3A_133 = tpu.sem_alloc : memref<!tpu.dma_semaphore, #tpu.memory_space<semaphore_mem>>
        %dma_start3A_134 = arith.constant 0 : i32
        %dma_start3A_135 = tpu.memref_slice %arg3[%run_scoped3A_90, %add3A_20, %dma_start3A_134] : memref<8x200x200xi32, #tpu.memory_space<hbm>> -> memref<1x1x200xi32, #tpu.memory_space<hbm>>
        %dma_start3A_136 = tpu.memref_squeeze %dma_start3A_135 : memref<1x1x200xi32, #tpu.memory_space<hbm>> -> memref<200xi32, #tpu.memory_space<hbm>>
        %dma_start3A_137 = arith.constant 0 : i32
        %dma_start3A_138 = tpu.memref_slice %arg3[%run_scoped3A_90, %add3A_20, %dma_start3A_137] : memref<8x200x200xi32, #tpu.memory_space<hbm>> -> memref<1x1x200xi32, #tpu.memory_space<hbm>>
        %dma_start3A_139 = tpu.memref_squeeze %dma_start3A_138 : memref<1x1x200xi32, #tpu.memory_space<hbm>> -> memref<200xi32, #tpu.memory_space<hbm>>
        tpu.enqueue_dma source(%dma_start3A_139 : memref<200xi32, #tpu.memory_space<hbm>>) target(%arg7 : memref<200xi32, #tpu.memory_space<vmem>>) target_semaphore(%run_scoped3A_133 : memref<!tpu.dma_semaphore, #tpu.memory_space<semaphore_mem>>)
        %dma_wait3A_140 = arith.constant 0 : i32
        %dma_wait3A_141 = tpu.memref_slice %arg3[%run_scoped3A_90, %add3A_20, %dma_wait3A_140] : memref<8x200x200xi32, #tpu.memory_space<hbm>> -> memref<1x1x200xi32, #tpu.memory_space<hbm>>
        %dma_wait3A_142 = tpu.memref_squeeze %dma_wait3A_141 : memref<1x1x200xi32, #tpu.memory_space<hbm>> -> memref<200xi32, #tpu.memory_space<hbm>>
        %dma_wait3A_143 = arith.constant 0 : i32
        %dma_wait3A_144 = tpu.memref_slice %arg3[%run_scoped3A_90, %add3A_20, %dma_wait3A_143] : memref<8x200x200xi32, #tpu.memory_space<hbm>> -> memref<1x1x200xi32, #tpu.memory_space<hbm>>
        %dma_wait3A_145 = tpu.memref_squeeze %dma_wait3A_144 : memref<1x1x200xi32, #tpu.memory_space<hbm>> -> memref<200xi32, #tpu.memory_space<hbm>>
        tpu.wait_dma2 semaphore(%run_scoped3A_133 : memref<!tpu.dma_semaphore, #tpu.memory_space<semaphore_mem>>) src(%dma_wait3A_145 : memref<200xi32, #tpu.memory_space<hbm>>) dst(%arg7 : memref<200xi32, #tpu.memory_space<vmem>>)
        tpu.yield
      }) : () -> ()
      %run_scoped3A_91 = arith.constant 5 : i32
      "tpu.region"() ({
        %run_scoped3A_133 = tpu.sem_alloc : memref<!tpu.dma_semaphore, #tpu.memory_space<semaphore_mem>>
        %dma_start3A_134 = arith.constant 0 : i32
        %dma_start3A_135 = tpu.memref_slice %arg4[%run_scoped3A_91, %add3A_20, %dma_start3A_134] : memref<8x200x200xi32, #tpu.memory_space<hbm>> -> memref<1x1x200xi32, #tpu.memory_space<hbm>>
        %dma_start3A_136 = tpu.memref_squeeze %dma_start3A_135 : memref<1x1x200xi32, #tpu.memory_space<hbm>> -> memref<200xi32, #tpu.memory_space<hbm>>
        %dma_start3A_137 = arith.constant 0 : i32
        %dma_start3A_138 = tpu.memref_slice %arg4[%run_scoped3A_91, %add3A_20, %dma_start3A_137] : memref<8x200x200xi32, #tpu.memory_space<hbm>> -> memref<1x1x200xi32, #tpu.memory_space<hbm>>
        %dma_start3A_139 = tpu.memref_squeeze %dma_start3A_138 : memref<1x1x200xi32, #tpu.memory_space<hbm>> -> memref<200xi32, #tpu.memory_space<hbm>>
        tpu.enqueue_dma source(%dma_start3A_139 : memref<200xi32, #tpu.memory_space<hbm>>) target(%arg8 : memref<200xi32, #tpu.memory_space<vmem>>) target_semaphore(%run_scoped3A_133 : memref<!tpu.dma_semaphore, #tpu.memory_space<semaphore_mem>>)
        %dma_wait3A_140 = arith.constant 0 : i32
        %dma_wait3A_141 = tpu.memref_slice %arg4[%run_scoped3A_91, %add3A_20, %dma_wait3A_140] : memref<8x200x200xi32, #tpu.memory_space<hbm>> -> memref<1x1x200xi32, #tpu.memory_space<hbm>>
        %dma_wait3A_142 = tpu.memref_squeeze %dma_wait3A_141 : memref<1x1x200xi32, #tpu.memory_space<hbm>> -> memref<200xi32, #tpu.memory_space<hbm>>
        %dma_wait3A_143 = arith.constant 0 : i32
        %dma_wait3A_144 = tpu.memref_slice %arg4[%run_scoped3A_91, %add3A_20, %dma_wait3A_143] : memref<8x200x200xi32, #tpu.memory_space<hbm>> -> memref<1x1x200xi32, #tpu.memory_space<hbm>>
        %dma_wait3A_145 = tpu.memref_squeeze %dma_wait3A_144 : memref<1x1x200xi32, #tpu.memory_space<hbm>> -> memref<200xi32, #tpu.memory_space<hbm>>
        tpu.wait_dma2 semaphore(%run_scoped3A_133 : memref<!tpu.dma_semaphore, #tpu.memory_space<semaphore_mem>>) src(%dma_wait3A_145 : memref<200xi32, #tpu.memory_space<hbm>>) dst(%arg8 : memref<200xi32, #tpu.memory_space<vmem>>)
        tpu.yield
      }) : () -> ()
      %dma_start3A_92 = arith.constant 0 : i32
      %dma_start3A_93 = arith.constant 0 : i32
      %dma_start3A_94 = tpu.memref_slice %arg2[%dma_start3A_92, %dma_start3A_93] : memref<10000x16xf32, #tpu.memory_space<hbm>> -> memref<10000x16xf32, #tpu.memory_space<hbm>>
      tpu.enqueue_indirect_dma source(%dma_start3A_94 : memref<10000x16xf32, #tpu.memory_space<hbm>>) target(%arg9 : memref<200x16xf32, #tpu.memory_space<vmem>>) offsets(%arg7 : memref<200xi32, #tpu.memory_space<vmem>>) semaphore(%arg11 : memref<!tpu.dma_semaphore, #tpu.memory_space<semaphore_mem>>)
      %dma_wait3A_95 = arith.constant 0 : i32
      %dma_wait3A_96 = arith.constant 0 : i32
      %dma_wait3A_97 = tpu.memref_slice %arg2[%dma_wait3A_95, %dma_wait3A_96] : memref<10000x16xf32, #tpu.memory_space<hbm>> -> memref<10000x16xf32, #tpu.memory_space<hbm>>
      tpu.wait_indirect_dma semaphore(%arg11 : memref<!tpu.dma_semaphore, #tpu.memory_space<semaphore_mem>>) src(%dma_wait3A_97 : memref<10000x16xf32, #tpu.memory_space<hbm>>) dst(%arg9 : memref<200x16xf32, #tpu.memory_space<vmem>>)
      %dma_start3A_98 = arith.constant 0 : i32
      %dma_start3A_99 = arith.constant 0 : i32
      %dma_start3A_100 = tpu.memref_slice %arg2[%dma_start3A_98, %dma_start3A_99] : memref<10000x16xf32, #tpu.memory_space<hbm>> -> memref<10000x16xf32, #tpu.memory_space<hbm>>
      tpu.enqueue_indirect_dma source(%dma_start3A_100 : memref<10000x16xf32, #tpu.memory_space<hbm>>) target(%arg10 : memref<200x16xf32, #tpu.memory_space<vmem>>) offsets(%arg8 : memref<200xi32, #tpu.memory_space<vmem>>) semaphore(%arg11 : memref<!tpu.dma_semaphore, #tpu.memory_space<semaphore_mem>>)
      %dma_wait3A_101 = arith.constant 0 : i32
      %dma_wait3A_102 = arith.constant 0 : i32
      %dma_wait3A_103 = tpu.memref_slice %arg2[%dma_wait3A_101, %dma_wait3A_102] : memref<10000x16xf32, #tpu.memory_space<hbm>> -> memref<10000x16xf32, #tpu.memory_space<hbm>>
      tpu.wait_indirect_dma semaphore(%arg11 : memref<!tpu.dma_semaphore, #tpu.memory_space<semaphore_mem>>) src(%dma_wait3A_103 : memref<10000x16xf32, #tpu.memory_space<hbm>>) dst(%arg10 : memref<200x16xf32, #tpu.memory_space<vmem>>)
      "tpu.region"() ({
        %run_scoped3A_133 = tpu.sem_alloc : memref<!tpu.dma_semaphore, #tpu.memory_space<semaphore_mem>>
        %dma_start3A_134 = arith.constant 80 : i32
        %dma_start3A_135 = tpu.memref_slice %arg5[%mul3A_22, %dma_start3A_134] : memref<40000x128xf32, #tpu.memory_space<hbm>> -> memref<200x16xf32, #tpu.memory_space<hbm>>
        %dma_start3A_136 = arith.constant 80 : i32
        %dma_start3A_137 = tpu.memref_slice %arg5[%mul3A_22, %dma_start3A_136] : memref<40000x128xf32, #tpu.memory_space<hbm>> -> memref<200x16xf32, #tpu.memory_space<hbm>>
        tpu.enqueue_dma source(%arg9 : memref<200x16xf32, #tpu.memory_space<vmem>>) target(%dma_start3A_137 : memref<200x16xf32, #tpu.memory_space<hbm>>) target_semaphore(%run_scoped3A_133 : memref<!tpu.dma_semaphore, #tpu.memory_space<semaphore_mem>>)
        %dma_wait3A_138 = arith.constant 80 : i32
        %dma_wait3A_139 = tpu.memref_slice %arg5[%mul3A_22, %dma_wait3A_138] : memref<40000x128xf32, #tpu.memory_space<hbm>> -> memref<200x16xf32, #tpu.memory_space<hbm>>
        %dma_wait3A_140 = arith.constant 80 : i32
        %dma_wait3A_141 = tpu.memref_slice %arg5[%mul3A_22, %dma_wait3A_140] : memref<40000x128xf32, #tpu.memory_space<hbm>> -> memref<200x16xf32, #tpu.memory_space<hbm>>
        tpu.wait_dma2 semaphore(%run_scoped3A_133 : memref<!tpu.dma_semaphore, #tpu.memory_space<semaphore_mem>>) src(%arg9 : memref<200x16xf32, #tpu.memory_space<vmem>>) dst(%dma_wait3A_141 : memref<200x16xf32, #tpu.memory_space<hbm>>)
        tpu.yield
      }) : () -> ()
      "tpu.region"() ({
        %run_scoped3A_133 = tpu.sem_alloc : memref<!tpu.dma_semaphore, #tpu.memory_space<semaphore_mem>>
        %dma_start3A_134 = arith.constant 80 : i32
        %dma_start3A_135 = tpu.memref_slice %arg6[%mul3A_22, %dma_start3A_134] : memref<40000x128xf32, #tpu.memory_space<hbm>> -> memref<200x16xf32, #tpu.memory_space<hbm>>
        %dma_start3A_136 = arith.constant 80 : i32
        %dma_start3A_137 = tpu.memref_slice %arg6[%mul3A_22, %dma_start3A_136] : memref<40000x128xf32, #tpu.memory_space<hbm>> -> memref<200x16xf32, #tpu.memory_space<hbm>>
        tpu.enqueue_dma source(%arg10 : memref<200x16xf32, #tpu.memory_space<vmem>>) target(%dma_start3A_137 : memref<200x16xf32, #tpu.memory_space<hbm>>) target_semaphore(%run_scoped3A_133 : memref<!tpu.dma_semaphore, #tpu.memory_space<semaphore_mem>>)
        %dma_wait3A_138 = arith.constant 80 : i32
        %dma_wait3A_139 = tpu.memref_slice %arg6[%mul3A_22, %dma_wait3A_138] : memref<40000x128xf32, #tpu.memory_space<hbm>> -> memref<200x16xf32, #tpu.memory_space<hbm>>
        %dma_wait3A_140 = arith.constant 80 : i32
        %dma_wait3A_141 = tpu.memref_slice %arg6[%mul3A_22, %dma_wait3A_140] : memref<40000x128xf32, #tpu.memory_space<hbm>> -> memref<200x16xf32, #tpu.memory_space<hbm>>
        tpu.wait_dma2 semaphore(%run_scoped3A_133 : memref<!tpu.dma_semaphore, #tpu.memory_space<semaphore_mem>>) src(%arg10 : memref<200x16xf32, #tpu.memory_space<vmem>>) dst(%dma_wait3A_141 : memref<200x16xf32, #tpu.memory_space<hbm>>)
        tpu.yield
      }) : () -> ()
      %run_scoped3A_104 = arith.constant 6 : i32
      "tpu.region"() ({
        %run_scoped3A_133 = tpu.sem_alloc : memref<!tpu.dma_semaphore, #tpu.memory_space<semaphore_mem>>
        %dma_start3A_134 = arith.constant 0 : i32
        %dma_start3A_135 = tpu.memref_slice %arg3[%run_scoped3A_104, %add3A_20, %dma_start3A_134] : memref<8x200x200xi32, #tpu.memory_space<hbm>> -> memref<1x1x200xi32, #tpu.memory_space<hbm>>
        %dma_start3A_136 = tpu.memref_squeeze %dma_start3A_135 : memref<1x1x200xi32, #tpu.memory_space<hbm>> -> memref<200xi32, #tpu.memory_space<hbm>>
        %dma_start3A_137 = arith.constant 0 : i32
        %dma_start3A_138 = tpu.memref_slice %arg3[%run_scoped3A_104, %add3A_20, %dma_start3A_137] : memref<8x200x200xi32, #tpu.memory_space<hbm>> -> memref<1x1x200xi32, #tpu.memory_space<hbm>>
        %dma_start3A_139 = tpu.memref_squeeze %dma_start3A_138 : memref<1x1x200xi32, #tpu.memory_space<hbm>> -> memref<200xi32, #tpu.memory_space<hbm>>
        tpu.enqueue_dma source(%dma_start3A_139 : memref<200xi32, #tpu.memory_space<hbm>>) target(%arg7 : memref<200xi32, #tpu.memory_space<vmem>>) target_semaphore(%run_scoped3A_133 : memref<!tpu.dma_semaphore, #tpu.memory_space<semaphore_mem>>)
        %dma_wait3A_140 = arith.constant 0 : i32
        %dma_wait3A_141 = tpu.memref_slice %arg3[%run_scoped3A_104, %add3A_20, %dma_wait3A_140] : memref<8x200x200xi32, #tpu.memory_space<hbm>> -> memref<1x1x200xi32, #tpu.memory_space<hbm>>
        %dma_wait3A_142 = tpu.memref_squeeze %dma_wait3A_141 : memref<1x1x200xi32, #tpu.memory_space<hbm>> -> memref<200xi32, #tpu.memory_space<hbm>>
        %dma_wait3A_143 = arith.constant 0 : i32
        %dma_wait3A_144 = tpu.memref_slice %arg3[%run_scoped3A_104, %add3A_20, %dma_wait3A_143] : memref<8x200x200xi32, #tpu.memory_space<hbm>> -> memref<1x1x200xi32, #tpu.memory_space<hbm>>
        %dma_wait3A_145 = tpu.memref_squeeze %dma_wait3A_144 : memref<1x1x200xi32, #tpu.memory_space<hbm>> -> memref<200xi32, #tpu.memory_space<hbm>>
        tpu.wait_dma2 semaphore(%run_scoped3A_133 : memref<!tpu.dma_semaphore, #tpu.memory_space<semaphore_mem>>) src(%dma_wait3A_145 : memref<200xi32, #tpu.memory_space<hbm>>) dst(%arg7 : memref<200xi32, #tpu.memory_space<vmem>>)
        tpu.yield
      }) : () -> ()
      %run_scoped3A_105 = arith.constant 6 : i32
      "tpu.region"() ({
        %run_scoped3A_133 = tpu.sem_alloc : memref<!tpu.dma_semaphore, #tpu.memory_space<semaphore_mem>>
        %dma_start3A_134 = arith.constant 0 : i32
        %dma_start3A_135 = tpu.memref_slice %arg4[%run_scoped3A_105, %add3A_20, %dma_start3A_134] : memref<8x200x200xi32, #tpu.memory_space<hbm>> -> memref<1x1x200xi32, #tpu.memory_space<hbm>>
        %dma_start3A_136 = tpu.memref_squeeze %dma_start3A_135 : memref<1x1x200xi32, #tpu.memory_space<hbm>> -> memref<200xi32, #tpu.memory_space<hbm>>
        %dma_start3A_137 = arith.constant 0 : i32
        %dma_start3A_138 = tpu.memref_slice %arg4[%run_scoped3A_105, %add3A_20, %dma_start3A_137] : memref<8x200x200xi32, #tpu.memory_space<hbm>> -> memref<1x1x200xi32, #tpu.memory_space<hbm>>
        %dma_start3A_139 = tpu.memref_squeeze %dma_start3A_138 : memref<1x1x200xi32, #tpu.memory_space<hbm>> -> memref<200xi32, #tpu.memory_space<hbm>>
        tpu.enqueue_dma source(%dma_start3A_139 : memref<200xi32, #tpu.memory_space<hbm>>) target(%arg8 : memref<200xi32, #tpu.memory_space<vmem>>) target_semaphore(%run_scoped3A_133 : memref<!tpu.dma_semaphore, #tpu.memory_space<semaphore_mem>>)
        %dma_wait3A_140 = arith.constant 0 : i32
        %dma_wait3A_141 = tpu.memref_slice %arg4[%run_scoped3A_105, %add3A_20, %dma_wait3A_140] : memref<8x200x200xi32, #tpu.memory_space<hbm>> -> memref<1x1x200xi32, #tpu.memory_space<hbm>>
        %dma_wait3A_142 = tpu.memref_squeeze %dma_wait3A_141 : memref<1x1x200xi32, #tpu.memory_space<hbm>> -> memref<200xi32, #tpu.memory_space<hbm>>
        %dma_wait3A_143 = arith.constant 0 : i32
        %dma_wait3A_144 = tpu.memref_slice %arg4[%run_scoped3A_105, %add3A_20, %dma_wait3A_143] : memref<8x200x200xi32, #tpu.memory_space<hbm>> -> memref<1x1x200xi32, #tpu.memory_space<hbm>>
        %dma_wait3A_145 = tpu.memref_squeeze %dma_wait3A_144 : memref<1x1x200xi32, #tpu.memory_space<hbm>> -> memref<200xi32, #tpu.memory_space<hbm>>
        tpu.wait_dma2 semaphore(%run_scoped3A_133 : memref<!tpu.dma_semaphore, #tpu.memory_space<semaphore_mem>>) src(%dma_wait3A_145 : memref<200xi32, #tpu.memory_space<hbm>>) dst(%arg8 : memref<200xi32, #tpu.memory_space<vmem>>)
        tpu.yield
      }) : () -> ()
      %dma_start3A_106 = arith.constant 0 : i32
      %dma_start3A_107 = arith.constant 0 : i32
      %dma_start3A_108 = tpu.memref_slice %arg2[%dma_start3A_106, %dma_start3A_107] : memref<10000x16xf32, #tpu.memory_space<hbm>> -> memref<10000x16xf32, #tpu.memory_space<hbm>>
      tpu.enqueue_indirect_dma source(%dma_start3A_108 : memref<10000x16xf32, #tpu.memory_space<hbm>>) target(%arg9 : memref<200x16xf32, #tpu.memory_space<vmem>>) offsets(%arg7 : memref<200xi32, #tpu.memory_space<vmem>>) semaphore(%arg11 : memref<!tpu.dma_semaphore, #tpu.memory_space<semaphore_mem>>)
      %dma_wait3A_109 = arith.constant 0 : i32
      %dma_wait3A_110 = arith.constant 0 : i32
      %dma_wait3A_111 = tpu.memref_slice %arg2[%dma_wait3A_109, %dma_wait3A_110] : memref<10000x16xf32, #tpu.memory_space<hbm>> -> memref<10000x16xf32, #tpu.memory_space<hbm>>
      tpu.wait_indirect_dma semaphore(%arg11 : memref<!tpu.dma_semaphore, #tpu.memory_space<semaphore_mem>>) src(%dma_wait3A_111 : memref<10000x16xf32, #tpu.memory_space<hbm>>) dst(%arg9 : memref<200x16xf32, #tpu.memory_space<vmem>>)
      %dma_start3A_112 = arith.constant 0 : i32
      %dma_start3A_113 = arith.constant 0 : i32
      %dma_start3A_114 = tpu.memref_slice %arg2[%dma_start3A_112, %dma_start3A_113] : memref<10000x16xf32, #tpu.memory_space<hbm>> -> memref<10000x16xf32, #tpu.memory_space<hbm>>
      tpu.enqueue_indirect_dma source(%dma_start3A_114 : memref<10000x16xf32, #tpu.memory_space<hbm>>) target(%arg10 : memref<200x16xf32, #tpu.memory_space<vmem>>) offsets(%arg8 : memref<200xi32, #tpu.memory_space<vmem>>) semaphore(%arg11 : memref<!tpu.dma_semaphore, #tpu.memory_space<semaphore_mem>>)
      %dma_wait3A_115 = arith.constant 0 : i32
      %dma_wait3A_116 = arith.constant 0 : i32
      %dma_wait3A_117 = tpu.memref_slice %arg2[%dma_wait3A_115, %dma_wait3A_116] : memref<10000x16xf32, #tpu.memory_space<hbm>> -> memref<10000x16xf32, #tpu.memory_space<hbm>>
      tpu.wait_indirect_dma semaphore(%arg11 : memref<!tpu.dma_semaphore, #tpu.memory_space<semaphore_mem>>) src(%dma_wait3A_117 : memref<10000x16xf32, #tpu.memory_space<hbm>>) dst(%arg10 : memref<200x16xf32, #tpu.memory_space<vmem>>)
      "tpu.region"() ({
        %run_scoped3A_133 = tpu.sem_alloc : memref<!tpu.dma_semaphore, #tpu.memory_space<semaphore_mem>>
        %dma_start3A_134 = arith.constant 96 : i32
        %dma_start3A_135 = tpu.memref_slice %arg5[%mul3A_22, %dma_start3A_134] : memref<40000x128xf32, #tpu.memory_space<hbm>> -> memref<200x16xf32, #tpu.memory_space<hbm>>
        %dma_start3A_136 = arith.constant 96 : i32
        %dma_start3A_137 = tpu.memref_slice %arg5[%mul3A_22, %dma_start3A_136] : memref<40000x128xf32, #tpu.memory_space<hbm>> -> memref<200x16xf32, #tpu.memory_space<hbm>>
        tpu.enqueue_dma source(%arg9 : memref<200x16xf32, #tpu.memory_space<vmem>>) target(%dma_start3A_137 : memref<200x16xf32, #tpu.memory_space<hbm>>) target_semaphore(%run_scoped3A_133 : memref<!tpu.dma_semaphore, #tpu.memory_space<semaphore_mem>>)
        %dma_wait3A_138 = arith.constant 96 : i32
        %dma_wait3A_139 = tpu.memref_slice %arg5[%mul3A_22, %dma_wait3A_138] : memref<40000x128xf32, #tpu.memory_space<hbm>> -> memref<200x16xf32, #tpu.memory_space<hbm>>
        %dma_wait3A_140 = arith.constant 96 : i32
        %dma_wait3A_141 = tpu.memref_slice %arg5[%mul3A_22, %dma_wait3A_140] : memref<40000x128xf32, #tpu.memory_space<hbm>> -> memref<200x16xf32, #tpu.memory_space<hbm>>
        tpu.wait_dma2 semaphore(%run_scoped3A_133 : memref<!tpu.dma_semaphore, #tpu.memory_space<semaphore_mem>>) src(%arg9 : memref<200x16xf32, #tpu.memory_space<vmem>>) dst(%dma_wait3A_141 : memref<200x16xf32, #tpu.memory_space<hbm>>)
        tpu.yield
      }) : () -> ()
      "tpu.region"() ({
        %run_scoped3A_133 = tpu.sem_alloc : memref<!tpu.dma_semaphore, #tpu.memory_space<semaphore_mem>>
        %dma_start3A_134 = arith.constant 96 : i32
        %dma_start3A_135 = tpu.memref_slice %arg6[%mul3A_22, %dma_start3A_134] : memref<40000x128xf32, #tpu.memory_space<hbm>> -> memref<200x16xf32, #tpu.memory_space<hbm>>
        %dma_start3A_136 = arith.constant 96 : i32
        %dma_start3A_137 = tpu.memref_slice %arg6[%mul3A_22, %dma_start3A_136] : memref<40000x128xf32, #tpu.memory_space<hbm>> -> memref<200x16xf32, #tpu.memory_space<hbm>>
        tpu.enqueue_dma source(%arg10 : memref<200x16xf32, #tpu.memory_space<vmem>>) target(%dma_start3A_137 : memref<200x16xf32, #tpu.memory_space<hbm>>) target_semaphore(%run_scoped3A_133 : memref<!tpu.dma_semaphore, #tpu.memory_space<semaphore_mem>>)
        %dma_wait3A_138 = arith.constant 96 : i32
        %dma_wait3A_139 = tpu.memref_slice %arg6[%mul3A_22, %dma_wait3A_138] : memref<40000x128xf32, #tpu.memory_space<hbm>> -> memref<200x16xf32, #tpu.memory_space<hbm>>
        %dma_wait3A_140 = arith.constant 96 : i32
        %dma_wait3A_141 = tpu.memref_slice %arg6[%mul3A_22, %dma_wait3A_140] : memref<40000x128xf32, #tpu.memory_space<hbm>> -> memref<200x16xf32, #tpu.memory_space<hbm>>
        tpu.wait_dma2 semaphore(%run_scoped3A_133 : memref<!tpu.dma_semaphore, #tpu.memory_space<semaphore_mem>>) src(%arg10 : memref<200x16xf32, #tpu.memory_space<vmem>>) dst(%dma_wait3A_141 : memref<200x16xf32, #tpu.memory_space<hbm>>)
        tpu.yield
      }) : () -> ()
      %run_scoped3A_118 = arith.constant 7 : i32
      "tpu.region"() ({
        %run_scoped3A_133 = tpu.sem_alloc : memref<!tpu.dma_semaphore, #tpu.memory_space<semaphore_mem>>
        %dma_start3A_134 = arith.constant 0 : i32
        %dma_start3A_135 = tpu.memref_slice %arg3[%run_scoped3A_118, %add3A_20, %dma_start3A_134] : memref<8x200x200xi32, #tpu.memory_space<hbm>> -> memref<1x1x200xi32, #tpu.memory_space<hbm>>
        %dma_start3A_136 = tpu.memref_squeeze %dma_start3A_135 : memref<1x1x200xi32, #tpu.memory_space<hbm>> -> memref<200xi32, #tpu.memory_space<hbm>>
        %dma_start3A_137 = arith.constant 0 : i32
        %dma_start3A_138 = tpu.memref_slice %arg3[%run_scoped3A_118, %add3A_20, %dma_start3A_137] : memref<8x200x200xi32, #tpu.memory_space<hbm>> -> memref<1x1x200xi32, #tpu.memory_space<hbm>>
        %dma_start3A_139 = tpu.memref_squeeze %dma_start3A_138 : memref<1x1x200xi32, #tpu.memory_space<hbm>> -> memref<200xi32, #tpu.memory_space<hbm>>
        tpu.enqueue_dma source(%dma_start3A_139 : memref<200xi32, #tpu.memory_space<hbm>>) target(%arg7 : memref<200xi32, #tpu.memory_space<vmem>>) target_semaphore(%run_scoped3A_133 : memref<!tpu.dma_semaphore, #tpu.memory_space<semaphore_mem>>)
        %dma_wait3A_140 = arith.constant 0 : i32
        %dma_wait3A_141 = tpu.memref_slice %arg3[%run_scoped3A_118, %add3A_20, %dma_wait3A_140] : memref<8x200x200xi32, #tpu.memory_space<hbm>> -> memref<1x1x200xi32, #tpu.memory_space<hbm>>
        %dma_wait3A_142 = tpu.memref_squeeze %dma_wait3A_141 : memref<1x1x200xi32, #tpu.memory_space<hbm>> -> memref<200xi32, #tpu.memory_space<hbm>>
        %dma_wait3A_143 = arith.constant 0 : i32
        %dma_wait3A_144 = tpu.memref_slice %arg3[%run_scoped3A_118, %add3A_20, %dma_wait3A_143] : memref<8x200x200xi32, #tpu.memory_space<hbm>> -> memref<1x1x200xi32, #tpu.memory_space<hbm>>
        %dma_wait3A_145 = tpu.memref_squeeze %dma_wait3A_144 : memref<1x1x200xi32, #tpu.memory_space<hbm>> -> memref<200xi32, #tpu.memory_space<hbm>>
        tpu.wait_dma2 semaphore(%run_scoped3A_133 : memref<!tpu.dma_semaphore, #tpu.memory_space<semaphore_mem>>) src(%dma_wait3A_145 : memref<200xi32, #tpu.memory_space<hbm>>) dst(%arg7 : memref<200xi32, #tpu.memory_space<vmem>>)
        tpu.yield
      }) : () -> ()
      %run_scoped3A_119 = arith.constant 7 : i32
      "tpu.region"() ({
        %run_scoped3A_133 = tpu.sem_alloc : memref<!tpu.dma_semaphore, #tpu.memory_space<semaphore_mem>>
        %dma_start3A_134 = arith.constant 0 : i32
        %dma_start3A_135 = tpu.memref_slice %arg4[%run_scoped3A_119, %add3A_20, %dma_start3A_134] : memref<8x200x200xi32, #tpu.memory_space<hbm>> -> memref<1x1x200xi32, #tpu.memory_space<hbm>>
        %dma_start3A_136 = tpu.memref_squeeze %dma_start3A_135 : memref<1x1x200xi32, #tpu.memory_space<hbm>> -> memref<200xi32, #tpu.memory_space<hbm>>
        %dma_start3A_137 = arith.constant 0 : i32
        %dma_start3A_138 = tpu.memref_slice %arg4[%run_scoped3A_119, %add3A_20, %dma_start3A_137] : memref<8x200x200xi32, #tpu.memory_space<hbm>> -> memref<1x1x200xi32, #tpu.memory_space<hbm>>
        %dma_start3A_139 = tpu.memref_squeeze %dma_start3A_138 : memref<1x1x200xi32, #tpu.memory_space<hbm>> -> memref<200xi32, #tpu.memory_space<hbm>>
        tpu.enqueue_dma source(%dma_start3A_139 : memref<200xi32, #tpu.memory_space<hbm>>) target(%arg8 : memref<200xi32, #tpu.memory_space<vmem>>) target_semaphore(%run_scoped3A_133 : memref<!tpu.dma_semaphore, #tpu.memory_space<semaphore_mem>>)
        %dma_wait3A_140 = arith.constant 0 : i32
        %dma_wait3A_141 = tpu.memref_slice %arg4[%run_scoped3A_119, %add3A_20, %dma_wait3A_140] : memref<8x200x200xi32, #tpu.memory_space<hbm>> -> memref<1x1x200xi32, #tpu.memory_space<hbm>>
        %dma_wait3A_142 = tpu.memref_squeeze %dma_wait3A_141 : memref<1x1x200xi32, #tpu.memory_space<hbm>> -> memref<200xi32, #tpu.memory_space<hbm>>
        %dma_wait3A_143 = arith.constant 0 : i32
        %dma_wait3A_144 = tpu.memref_slice %arg4[%run_scoped3A_119, %add3A_20, %dma_wait3A_143] : memref<8x200x200xi32, #tpu.memory_space<hbm>> -> memref<1x1x200xi32, #tpu.memory_space<hbm>>
        %dma_wait3A_145 = tpu.memref_squeeze %dma_wait3A_144 : memref<1x1x200xi32, #tpu.memory_space<hbm>> -> memref<200xi32, #tpu.memory_space<hbm>>
        tpu.wait_dma2 semaphore(%run_scoped3A_133 : memref<!tpu.dma_semaphore, #tpu.memory_space<semaphore_mem>>) src(%dma_wait3A_145 : memref<200xi32, #tpu.memory_space<hbm>>) dst(%arg8 : memref<200xi32, #tpu.memory_space<vmem>>)
        tpu.yield
      }) : () -> ()
      %dma_start3A_120 = arith.constant 0 : i32
      %dma_start3A_121 = arith.constant 0 : i32
      %dma_start3A_122 = tpu.memref_slice %arg2[%dma_start3A_120, %dma_start3A_121] : memref<10000x16xf32, #tpu.memory_space<hbm>> -> memref<10000x16xf32, #tpu.memory_space<hbm>>
      tpu.enqueue_indirect_dma source(%dma_start3A_122 : memref<10000x16xf32, #tpu.memory_space<hbm>>) target(%arg9 : memref<200x16xf32, #tpu.memory_space<vmem>>) offsets(%arg7 : memref<200xi32, #tpu.memory_space<vmem>>) semaphore(%arg11 : memref<!tpu.dma_semaphore, #tpu.memory_space<semaphore_mem>>)
      %dma_wait3A_123 = arith.constant 0 : i32
      %dma_wait3A_124 = arith.constant 0 : i32
      %dma_wait3A_125 = tpu.memref_slice %arg2[%dma_wait3A_123, %dma_wait3A_124] : memref<10000x16xf32, #tpu.memory_space<hbm>> -> memref<10000x16xf32, #tpu.memory_space<hbm>>
      tpu.wait_indirect_dma semaphore(%arg11 : memref<!tpu.dma_semaphore, #tpu.memory_space<semaphore_mem>>) src(%dma_wait3A_125 : memref<10000x16xf32, #tpu.memory_space<hbm>>) dst(%arg9 : memref<200x16xf32, #tpu.memory_space<vmem>>)
      %dma_start3A_126 = arith.constant 0 : i32
      %dma_start3A_127 = arith.constant 0 : i32
      %dma_start3A_128 = tpu.memref_slice %arg2[%dma_start3A_126, %dma_start3A_127] : memref<10000x16xf32, #tpu.memory_space<hbm>> -> memref<10000x16xf32, #tpu.memory_space<hbm>>
      tpu.enqueue_indirect_dma source(%dma_start3A_128 : memref<10000x16xf32, #tpu.memory_space<hbm>>) target(%arg10 : memref<200x16xf32, #tpu.memory_space<vmem>>) offsets(%arg8 : memref<200xi32, #tpu.memory_space<vmem>>) semaphore(%arg11 : memref<!tpu.dma_semaphore, #tpu.memory_space<semaphore_mem>>)
      %dma_wait3A_129 = arith.constant 0 : i32
      %dma_wait3A_130 = arith.constant 0 : i32
      %dma_wait3A_131 = tpu.memref_slice %arg2[%dma_wait3A_129, %dma_wait3A_130] : memref<10000x16xf32, #tpu.memory_space<hbm>> -> memref<10000x16xf32, #tpu.memory_space<hbm>>
      tpu.wait_indirect_dma semaphore(%arg11 : memref<!tpu.dma_semaphore, #tpu.memory_space<semaphore_mem>>) src(%dma_wait3A_131 : memref<10000x16xf32, #tpu.memory_space<hbm>>) dst(%arg10 : memref<200x16xf32, #tpu.memory_space<vmem>>)
      "tpu.region"() ({
        %run_scoped3A_133 = tpu.sem_alloc : memref<!tpu.dma_semaphore, #tpu.memory_space<semaphore_mem>>
        %dma_start3A_134 = arith.constant 112 : i32
        %dma_start3A_135 = tpu.memref_slice %arg5[%mul3A_22, %dma_start3A_134] : memref<40000x128xf32, #tpu.memory_space<hbm>> -> memref<200x16xf32, #tpu.memory_space<hbm>>
        %dma_start3A_136 = arith.constant 112 : i32
        %dma_start3A_137 = tpu.memref_slice %arg5[%mul3A_22, %dma_start3A_136] : memref<40000x128xf32, #tpu.memory_space<hbm>> -> memref<200x16xf32, #tpu.memory_space<hbm>>
        tpu.enqueue_dma source(%arg9 : memref<200x16xf32, #tpu.memory_space<vmem>>) target(%dma_start3A_137 : memref<200x16xf32, #tpu.memory_space<hbm>>) target_semaphore(%run_scoped3A_133 : memref<!tpu.dma_semaphore, #tpu.memory_space<semaphore_mem>>)
        %dma_wait3A_138 = arith.constant 112 : i32
        %dma_wait3A_139 = tpu.memref_slice %arg5[%mul3A_22, %dma_wait3A_138] : memref<40000x128xf32, #tpu.memory_space<hbm>> -> memref<200x16xf32, #tpu.memory_space<hbm>>
        %dma_wait3A_140 = arith.constant 112 : i32
        %dma_wait3A_141 = tpu.memref_slice %arg5[%mul3A_22, %dma_wait3A_140] : memref<40000x128xf32, #tpu.memory_space<hbm>> -> memref<200x16xf32, #tpu.memory_space<hbm>>
        tpu.wait_dma2 semaphore(%run_scoped3A_133 : memref<!tpu.dma_semaphore, #tpu.memory_space<semaphore_mem>>) src(%arg9 : memref<200x16xf32, #tpu.memory_space<vmem>>) dst(%dma_wait3A_141 : memref<200x16xf32, #tpu.memory_space<hbm>>)
        tpu.yield
      }) : () -> ()
      "tpu.region"() ({
        %run_scoped3A_133 = tpu.sem_alloc : memref<!tpu.dma_semaphore, #tpu.memory_space<semaphore_mem>>
        %dma_start3A_134 = arith.constant 112 : i32
        %dma_start3A_135 = tpu.memref_slice %arg6[%mul3A_22, %dma_start3A_134] : memref<40000x128xf32, #tpu.memory_space<hbm>> -> memref<200x16xf32, #tpu.memory_space<hbm>>
        %dma_start3A_136 = arith.constant 112 : i32
        %dma_start3A_137 = tpu.memref_slice %arg6[%mul3A_22, %dma_start3A_136] : memref<40000x128xf32, #tpu.memory_space<hbm>> -> memref<200x16xf32, #tpu.memory_space<hbm>>
        tpu.enqueue_dma source(%arg10 : memref<200x16xf32, #tpu.memory_space<vmem>>) target(%dma_start3A_137 : memref<200x16xf32, #tpu.memory_space<hbm>>) target_semaphore(%run_scoped3A_133 : memref<!tpu.dma_semaphore, #tpu.memory_space<semaphore_mem>>)
        %dma_wait3A_138 = arith.constant 112 : i32
        %dma_wait3A_139 = tpu.memref_slice %arg6[%mul3A_22, %dma_wait3A_138] : memref<40000x128xf32, #tpu.memory_space<hbm>> -> memref<200x16xf32, #tpu.memory_space<hbm>>
        %dma_wait3A_140 = arith.constant 112 : i32
        %dma_wait3A_141 = tpu.memref_slice %arg6[%mul3A_22, %dma_wait3A_140] : memref<40000x128xf32, #tpu.memory_space<hbm>> -> memref<200x16xf32, #tpu.memory_space<hbm>>
        tpu.wait_dma2 semaphore(%run_scoped3A_133 : memref<!tpu.dma_semaphore, #tpu.memory_space<semaphore_mem>>) src(%arg10 : memref<200x16xf32, #tpu.memory_space<vmem>>) dst(%dma_wait3A_141 : memref<200x16xf32, #tpu.memory_space<hbm>>)
        tpu.yield
      }) : () -> ()
      %while3A_132 = arith.constant 0 : i32
      scf.yield %while3A_132 : i32
    }
    return
  }
}

#map = affine_map<(d0, d1) -> (0, 0)>
#map1 = affine_map<(d0, d1) -> (0, 0, 0)>
module attributes {stable_mosaic.version = 14 : i64} {
  func.func @_sc_gather_grad(%arg0: i32, %arg1: i32, %arg2: memref<10000x128xf32, #tpu.memory_space<hbm>>, %arg3: memref<8x200x200xi32, #tpu.memory_space<hbm>>, %arg4: memref<8x40000x128xf32, #tpu.memory_space<hbm>>, %arg5: memref<200xi32, #tpu.memory_space<vmem>>, %arg6: memref<200x128xf32, #tpu.memory_space<vmem>>, %arg7: memref<!tpu.dma_semaphore, #tpu.memory_space<semaphore_mem>>) attributes {dimension_semantics = [#tpu.dimension_semantics<core_parallel>, #tpu.dimension_semantics<subcore_parallel>], iteration_bounds = array<i64: 2, 16>, scalar_prefetch = 0 : i64, scratch_operands = 3 : i64, tpu.core_type = #tpu.core_type<sc_vector_subcore>, window_params = [{transform_indices = #map}, {transform_indices = #map1}, {transform_indices = #map1}]} {
    %mul3A = arith.constant 2 : i32
    %mul3A_0 = arith.muli %arg1, %mul3A : i32
    %add3A = arith.addi %mul3A_0, %arg0 : i32
    %lt3A = arith.constant 8 : i32
    %lt3A_1 = arith.cmpi slt, %add3A, %lt3A : i32
    %jit3A = arith.constant 7 : i32
    %jit3A_2 = arith.constant 6 : i32
    %select_n3A = arith.select %lt3A_1, %jit3A, %jit3A_2 : i32
    %mul3A_3 = arith.constant 6 : i32
    %mul3A_4 = arith.muli %mul3A_3, %add3A : i32
    %min3A = arith.constant 8 : i32
    %min3A_5 = arith.minsi %add3A, %min3A : i32
    %add3A_6 = arith.addi %mul3A_4, %min3A_5 : i32
    %mul3A_7 = arith.constant 8 : i32
    %mul3A_8 = arith.muli %select_n3A, %mul3A_7 : i32
    %while3A = arith.constant 0 : i32
    %while3A_9 = arith.constant 0 : i32
    %while3A_10 = arith.subi %mul3A_8, %while3A : i32
    %while3A_11 = arith.addi %while3A, %while3A_10 : i32
    %while3A_12 = arith.constant 1 : i32
    %while3A_13 = arith.divsi %while3A_10, %while3A_12 : i32
    %while3A_14 = arith.muli %while3A_13, %while3A_12 : i32
    %while3A_15 = arith.addi %while3A, %while3A_14 : i32
    %while3A_16 = arith.constant 1 : i32
    %while3A_17 = scf.for %while3A_20 = %while3A to %while3A_15 step %while3A_16 iter_args(%while3A_21 = %while3A_9) -> (i32)  : i32 {
      %jit3A_22 = arith.constant 8 : i32
      %div3A = arith.divsi %while3A_20, %jit3A_22 : i32
      %sign3A = arith.constant 0 : i32
      %sign3A_23 = arith.cmpi sgt, %while3A_20, %sign3A : i32
      %sign3A_24 = arith.extui %sign3A_23 : i1 to i32
      %sign3A_25 = arith.constant 0 : i32
      %sign3A_26 = arith.cmpi slt, %while3A_20, %sign3A_25 : i32
      %sign3A_27 = arith.extui %sign3A_26 : i1 to i32
      %sign3A_28 = arith.subi %sign3A_24, %sign3A_27 : i32
      %sign3A_29 = arith.constant 0 : i32
      %sign3A_30 = arith.cmpi sgt, %jit3A_22, %sign3A_29 : i32
      %sign3A_31 = arith.extui %sign3A_30 : i1 to i32
      %sign3A_32 = arith.constant 0 : i32
      %sign3A_33 = arith.cmpi slt, %jit3A_22, %sign3A_32 : i32
      %sign3A_34 = arith.extui %sign3A_33 : i1 to i32
      %sign3A_35 = arith.subi %sign3A_31, %sign3A_34 : i32
      %ne3A = arith.cmpi ne, %sign3A_28, %sign3A_35 : i32
      %rem3A = arith.remsi %while3A_20, %jit3A_22 : i32
      %ne3A_36 = arith.constant 0 : i32
      %ne3A_37 = arith.cmpi ne, %rem3A, %ne3A_36 : i32
      %and3A = arith.andi %ne3A, %ne3A_37 : i1
      %sub3A = arith.constant 1 : i32
      %sub3A_38 = arith.subi %div3A, %sub3A : i32
      %select_n3A_39 = arith.select %and3A, %sub3A_38, %div3A : i32
      %add3A_40 = arith.addi %add3A_6, %select_n3A_39 : i32
      %jit3A_41 = arith.constant 8 : i32
      %eq3A = arith.constant 0 : i32
      %eq3A_42 = arith.cmpi eq, %jit3A_41, %eq3A : i32
      %jit3A_43 = arith.constant 1 : i32
      %select_n3A_44 = arith.select %eq3A_42, %jit3A_43, %jit3A_41 : i32
      %rem3A_45 = arith.remsi %while3A_20, %select_n3A_44 : i32
      %ne3A_46 = arith.constant 0 : i32
      %ne3A_47 = arith.cmpi ne, %rem3A_45, %ne3A_46 : i32
      %lt3A_48 = arith.constant 0 : i32
      %lt3A_49 = arith.cmpi slt, %rem3A_45, %lt3A_48 : i32
      %lt3A_50 = arith.constant 0 : i32
      %lt3A_51 = arith.cmpi slt, %select_n3A_44, %lt3A_50 : i32
      %ne3A_52 = arith.xori %lt3A_49, %lt3A_51 : i1
      %and3A_53 = arith.andi %ne3A_52, %ne3A_47 : i1
      %add3A_54 = arith.addi %rem3A_45, %select_n3A_44 : i32
      %select_n3A_55 = arith.select %and3A_53, %add3A_54, %rem3A_45 : i32
      %mul3A_56 = arith.constant 200 : i32
      %mul3A_57 = arith.muli %add3A_40, %mul3A_56 : i32
      "tpu.region"() ({
        %run_scoped3A = tpu.sem_alloc : memref<!tpu.dma_semaphore, #tpu.memory_space<semaphore_mem>>
        %dma_start3A_63 = arith.constant 0 : i32
        %dma_start3A_64 = tpu.memref_slice %arg3[%select_n3A_55, %add3A_40, %dma_start3A_63] : memref<8x200x200xi32, #tpu.memory_space<hbm>> -> memref<1x1x200xi32, #tpu.memory_space<hbm>>
        %dma_start3A_65 = tpu.memref_squeeze %dma_start3A_64 : memref<1x1x200xi32, #tpu.memory_space<hbm>> -> memref<200xi32, #tpu.memory_space<hbm>>
        %dma_start3A_66 = arith.constant 0 : i32
        %dma_start3A_67 = tpu.memref_slice %arg3[%select_n3A_55, %add3A_40, %dma_start3A_66] : memref<8x200x200xi32, #tpu.memory_space<hbm>> -> memref<1x1x200xi32, #tpu.memory_space<hbm>>
        %dma_start3A_68 = tpu.memref_squeeze %dma_start3A_67 : memref<1x1x200xi32, #tpu.memory_space<hbm>> -> memref<200xi32, #tpu.memory_space<hbm>>
        tpu.enqueue_dma source(%dma_start3A_68 : memref<200xi32, #tpu.memory_space<hbm>>) target(%arg5 : memref<200xi32, #tpu.memory_space<vmem>>) target_semaphore(%run_scoped3A : memref<!tpu.dma_semaphore, #tpu.memory_space<semaphore_mem>>)
        %dma_wait3A_69 = arith.constant 0 : i32
        %dma_wait3A_70 = tpu.memref_slice %arg3[%select_n3A_55, %add3A_40, %dma_wait3A_69] : memref<8x200x200xi32, #tpu.memory_space<hbm>> -> memref<1x1x200xi32, #tpu.memory_space<hbm>>
        %dma_wait3A_71 = tpu.memref_squeeze %dma_wait3A_70 : memref<1x1x200xi32, #tpu.memory_space<hbm>> -> memref<200xi32, #tpu.memory_space<hbm>>
        %dma_wait3A_72 = arith.constant 0 : i32
        %dma_wait3A_73 = tpu.memref_slice %arg3[%select_n3A_55, %add3A_40, %dma_wait3A_72] : memref<8x200x200xi32, #tpu.memory_space<hbm>> -> memref<1x1x200xi32, #tpu.memory_space<hbm>>
        %dma_wait3A_74 = tpu.memref_squeeze %dma_wait3A_73 : memref<1x1x200xi32, #tpu.memory_space<hbm>> -> memref<200xi32, #tpu.memory_space<hbm>>
        tpu.wait_dma2 semaphore(%run_scoped3A : memref<!tpu.dma_semaphore, #tpu.memory_space<semaphore_mem>>) src(%dma_wait3A_74 : memref<200xi32, #tpu.memory_space<hbm>>) dst(%arg5 : memref<200xi32, #tpu.memory_space<vmem>>)
        tpu.yield
      }) : () -> ()
      %dma_start3A = arith.constant 0 : i32
      %dma_start3A_58 = arith.constant 0 : i32
      %dma_start3A_59 = tpu.memref_slice %arg2[%dma_start3A, %dma_start3A_58] : memref<10000x128xf32, #tpu.memory_space<hbm>> -> memref<10000x128xf32, #tpu.memory_space<hbm>>
      tpu.enqueue_indirect_dma source(%dma_start3A_59 : memref<10000x128xf32, #tpu.memory_space<hbm>>) target(%arg6 : memref<200x128xf32, #tpu.memory_space<vmem>>) offsets(%arg5 : memref<200xi32, #tpu.memory_space<vmem>>) semaphore(%arg7 : memref<!tpu.dma_semaphore, #tpu.memory_space<semaphore_mem>>)
      %dma_wait3A = arith.constant 0 : i32
      %dma_wait3A_60 = arith.constant 0 : i32
      %dma_wait3A_61 = tpu.memref_slice %arg2[%dma_wait3A, %dma_wait3A_60] : memref<10000x128xf32, #tpu.memory_space<hbm>> -> memref<10000x128xf32, #tpu.memory_space<hbm>>
      tpu.wait_indirect_dma semaphore(%arg7 : memref<!tpu.dma_semaphore, #tpu.memory_space<semaphore_mem>>) src(%dma_wait3A_61 : memref<10000x128xf32, #tpu.memory_space<hbm>>) dst(%arg6 : memref<200x128xf32, #tpu.memory_space<vmem>>)
      "tpu.region"() ({
        %run_scoped3A = tpu.sem_alloc : memref<!tpu.dma_semaphore, #tpu.memory_space<semaphore_mem>>
        %dma_start3A_63 = arith.constant 0 : i32
        %dma_start3A_64 = tpu.memref_slice %arg4[%select_n3A_55, %mul3A_57, %dma_start3A_63] : memref<8x40000x128xf32, #tpu.memory_space<hbm>> -> memref<1x200x128xf32, #tpu.memory_space<hbm>>
        %dma_start3A_65 = tpu.memref_squeeze %dma_start3A_64 : memref<1x200x128xf32, #tpu.memory_space<hbm>> -> memref<200x128xf32, #tpu.memory_space<hbm>>
        %dma_start3A_66 = arith.constant 0 : i32
        %dma_start3A_67 = tpu.memref_slice %arg4[%select_n3A_55, %mul3A_57, %dma_start3A_66] : memref<8x40000x128xf32, #tpu.memory_space<hbm>> -> memref<1x200x128xf32, #tpu.memory_space<hbm>>
        %dma_start3A_68 = tpu.memref_squeeze %dma_start3A_67 : memref<1x200x128xf32, #tpu.memory_space<hbm>> -> memref<200x128xf32, #tpu.memory_space<hbm>>
        tpu.enqueue_dma source(%arg6 : memref<200x128xf32, #tpu.memory_space<vmem>>) target(%dma_start3A_68 : memref<200x128xf32, #tpu.memory_space<hbm>>) target_semaphore(%run_scoped3A : memref<!tpu.dma_semaphore, #tpu.memory_space<semaphore_mem>>)
        %dma_wait3A_69 = arith.constant 0 : i32
        %dma_wait3A_70 = tpu.memref_slice %arg4[%select_n3A_55, %mul3A_57, %dma_wait3A_69] : memref<8x40000x128xf32, #tpu.memory_space<hbm>> -> memref<1x200x128xf32, #tpu.memory_space<hbm>>
        %dma_wait3A_71 = tpu.memref_squeeze %dma_wait3A_70 : memref<1x200x128xf32, #tpu.memory_space<hbm>> -> memref<200x128xf32, #tpu.memory_space<hbm>>
        %dma_wait3A_72 = arith.constant 0 : i32
        %dma_wait3A_73 = tpu.memref_slice %arg4[%select_n3A_55, %mul3A_57, %dma_wait3A_72] : memref<8x40000x128xf32, #tpu.memory_space<hbm>> -> memref<1x200x128xf32, #tpu.memory_space<hbm>>
        %dma_wait3A_74 = tpu.memref_squeeze %dma_wait3A_73 : memref<1x200x128xf32, #tpu.memory_space<hbm>> -> memref<200x128xf32, #tpu.memory_space<hbm>>
        tpu.wait_dma2 semaphore(%run_scoped3A : memref<!tpu.dma_semaphore, #tpu.memory_space<semaphore_mem>>) src(%arg6 : memref<200x128xf32, #tpu.memory_space<vmem>>) dst(%dma_wait3A_74 : memref<200x128xf32, #tpu.memory_space<hbm>>)
        tpu.yield
      }) : () -> ()
      %while3A_62 = arith.constant 0 : i32
      scf.yield %while3A_62 : i32
    }
    %while3A_18 = arith.constant 1 : i32
    %while3A_19 = scf.for %while3A_20 = %while3A_15 to %while3A_11 step %while3A_18 iter_args(%while3A_21 = %while3A_17) -> (i32)  : i32 {
      %jit3A_22 = arith.constant 8 : i32
      %div3A = arith.divsi %while3A_20, %jit3A_22 : i32
      %sign3A = arith.constant 0 : i32
      %sign3A_23 = arith.cmpi sgt, %while3A_20, %sign3A : i32
      %sign3A_24 = arith.extui %sign3A_23 : i1 to i32
      %sign3A_25 = arith.constant 0 : i32
      %sign3A_26 = arith.cmpi slt, %while3A_20, %sign3A_25 : i32
      %sign3A_27 = arith.extui %sign3A_26 : i1 to i32
      %sign3A_28 = arith.subi %sign3A_24, %sign3A_27 : i32
      %sign3A_29 = arith.constant 0 : i32
      %sign3A_30 = arith.cmpi sgt, %jit3A_22, %sign3A_29 : i32
      %sign3A_31 = arith.extui %sign3A_30 : i1 to i32
      %sign3A_32 = arith.constant 0 : i32
      %sign3A_33 = arith.cmpi slt, %jit3A_22, %sign3A_32 : i32
      %sign3A_34 = arith.extui %sign3A_33 : i1 to i32
      %sign3A_35 = arith.subi %sign3A_31, %sign3A_34 : i32
      %ne3A = arith.cmpi ne, %sign3A_28, %sign3A_35 : i32
      %rem3A = arith.remsi %while3A_20, %jit3A_22 : i32
      %ne3A_36 = arith.constant 0 : i32
      %ne3A_37 = arith.cmpi ne, %rem3A, %ne3A_36 : i32
      %and3A = arith.andi %ne3A, %ne3A_37 : i1
      %sub3A = arith.constant 1 : i32
      %sub3A_38 = arith.subi %div3A, %sub3A : i32
      %select_n3A_39 = arith.select %and3A, %sub3A_38, %div3A : i32
      %add3A_40 = arith.addi %add3A_6, %select_n3A_39 : i32
      %jit3A_41 = arith.constant 8 : i32
      %eq3A = arith.constant 0 : i32
      %eq3A_42 = arith.cmpi eq, %jit3A_41, %eq3A : i32
      %jit3A_43 = arith.constant 1 : i32
      %select_n3A_44 = arith.select %eq3A_42, %jit3A_43, %jit3A_41 : i32
      %rem3A_45 = arith.remsi %while3A_20, %select_n3A_44 : i32
      %ne3A_46 = arith.constant 0 : i32
      %ne3A_47 = arith.cmpi ne, %rem3A_45, %ne3A_46 : i32
      %lt3A_48 = arith.constant 0 : i32
      %lt3A_49 = arith.cmpi slt, %rem3A_45, %lt3A_48 : i32
      %lt3A_50 = arith.constant 0 : i32
      %lt3A_51 = arith.cmpi slt, %select_n3A_44, %lt3A_50 : i32
      %ne3A_52 = arith.xori %lt3A_49, %lt3A_51 : i1
      %and3A_53 = arith.andi %ne3A_52, %ne3A_47 : i1
      %add3A_54 = arith.addi %rem3A_45, %select_n3A_44 : i32
      %select_n3A_55 = arith.select %and3A_53, %add3A_54, %rem3A_45 : i32
      %mul3A_56 = arith.constant 200 : i32
      %mul3A_57 = arith.muli %add3A_40, %mul3A_56 : i32
      "tpu.region"() ({
        %run_scoped3A = tpu.sem_alloc : memref<!tpu.dma_semaphore, #tpu.memory_space<semaphore_mem>>
        %dma_start3A_63 = arith.constant 0 : i32
        %dma_start3A_64 = tpu.memref_slice %arg3[%select_n3A_55, %add3A_40, %dma_start3A_63] : memref<8x200x200xi32, #tpu.memory_space<hbm>> -> memref<1x1x200xi32, #tpu.memory_space<hbm>>
        %dma_start3A_65 = tpu.memref_squeeze %dma_start3A_64 : memref<1x1x200xi32, #tpu.memory_space<hbm>> -> memref<200xi32, #tpu.memory_space<hbm>>
        %dma_start3A_66 = arith.constant 0 : i32
        %dma_start3A_67 = tpu.memref_slice %arg3[%select_n3A_55, %add3A_40, %dma_start3A_66] : memref<8x200x200xi32, #tpu.memory_space<hbm>> -> memref<1x1x200xi32, #tpu.memory_space<hbm>>
        %dma_start3A_68 = tpu.memref_squeeze %dma_start3A_67 : memref<1x1x200xi32, #tpu.memory_space<hbm>> -> memref<200xi32, #tpu.memory_space<hbm>>
        tpu.enqueue_dma source(%dma_start3A_68 : memref<200xi32, #tpu.memory_space<hbm>>) target(%arg5 : memref<200xi32, #tpu.memory_space<vmem>>) target_semaphore(%run_scoped3A : memref<!tpu.dma_semaphore, #tpu.memory_space<semaphore_mem>>)
        %dma_wait3A_69 = arith.constant 0 : i32
        %dma_wait3A_70 = tpu.memref_slice %arg3[%select_n3A_55, %add3A_40, %dma_wait3A_69] : memref<8x200x200xi32, #tpu.memory_space<hbm>> -> memref<1x1x200xi32, #tpu.memory_space<hbm>>
        %dma_wait3A_71 = tpu.memref_squeeze %dma_wait3A_70 : memref<1x1x200xi32, #tpu.memory_space<hbm>> -> memref<200xi32, #tpu.memory_space<hbm>>
        %dma_wait3A_72 = arith.constant 0 : i32
        %dma_wait3A_73 = tpu.memref_slice %arg3[%select_n3A_55, %add3A_40, %dma_wait3A_72] : memref<8x200x200xi32, #tpu.memory_space<hbm>> -> memref<1x1x200xi32, #tpu.memory_space<hbm>>
        %dma_wait3A_74 = tpu.memref_squeeze %dma_wait3A_73 : memref<1x1x200xi32, #tpu.memory_space<hbm>> -> memref<200xi32, #tpu.memory_space<hbm>>
        tpu.wait_dma2 semaphore(%run_scoped3A : memref<!tpu.dma_semaphore, #tpu.memory_space<semaphore_mem>>) src(%dma_wait3A_74 : memref<200xi32, #tpu.memory_space<hbm>>) dst(%arg5 : memref<200xi32, #tpu.memory_space<vmem>>)
        tpu.yield
      }) : () -> ()
      %dma_start3A = arith.constant 0 : i32
      %dma_start3A_58 = arith.constant 0 : i32
      %dma_start3A_59 = tpu.memref_slice %arg2[%dma_start3A, %dma_start3A_58] : memref<10000x128xf32, #tpu.memory_space<hbm>> -> memref<10000x128xf32, #tpu.memory_space<hbm>>
      tpu.enqueue_indirect_dma source(%dma_start3A_59 : memref<10000x128xf32, #tpu.memory_space<hbm>>) target(%arg6 : memref<200x128xf32, #tpu.memory_space<vmem>>) offsets(%arg5 : memref<200xi32, #tpu.memory_space<vmem>>) semaphore(%arg7 : memref<!tpu.dma_semaphore, #tpu.memory_space<semaphore_mem>>)
      %dma_wait3A = arith.constant 0 : i32
      %dma_wait3A_60 = arith.constant 0 : i32
      %dma_wait3A_61 = tpu.memref_slice %arg2[%dma_wait3A, %dma_wait3A_60] : memref<10000x128xf32, #tpu.memory_space<hbm>> -> memref<10000x128xf32, #tpu.memory_space<hbm>>
      tpu.wait_indirect_dma semaphore(%arg7 : memref<!tpu.dma_semaphore, #tpu.memory_space<semaphore_mem>>) src(%dma_wait3A_61 : memref<10000x128xf32, #tpu.memory_space<hbm>>) dst(%arg6 : memref<200x128xf32, #tpu.memory_space<vmem>>)
      "tpu.region"() ({
        %run_scoped3A = tpu.sem_alloc : memref<!tpu.dma_semaphore, #tpu.memory_space<semaphore_mem>>
        %dma_start3A_63 = arith.constant 0 : i32
        %dma_start3A_64 = tpu.memref_slice %arg4[%select_n3A_55, %mul3A_57, %dma_start3A_63] : memref<8x40000x128xf32, #tpu.memory_space<hbm>> -> memref<1x200x128xf32, #tpu.memory_space<hbm>>
        %dma_start3A_65 = tpu.memref_squeeze %dma_start3A_64 : memref<1x200x128xf32, #tpu.memory_space<hbm>> -> memref<200x128xf32, #tpu.memory_space<hbm>>
        %dma_start3A_66 = arith.constant 0 : i32
        %dma_start3A_67 = tpu.memref_slice %arg4[%select_n3A_55, %mul3A_57, %dma_start3A_66] : memref<8x40000x128xf32, #tpu.memory_space<hbm>> -> memref<1x200x128xf32, #tpu.memory_space<hbm>>
        %dma_start3A_68 = tpu.memref_squeeze %dma_start3A_67 : memref<1x200x128xf32, #tpu.memory_space<hbm>> -> memref<200x128xf32, #tpu.memory_space<hbm>>
        tpu.enqueue_dma source(%arg6 : memref<200x128xf32, #tpu.memory_space<vmem>>) target(%dma_start3A_68 : memref<200x128xf32, #tpu.memory_space<hbm>>) target_semaphore(%run_scoped3A : memref<!tpu.dma_semaphore, #tpu.memory_space<semaphore_mem>>)
        %dma_wait3A_69 = arith.constant 0 : i32
        %dma_wait3A_70 = tpu.memref_slice %arg4[%select_n3A_55, %mul3A_57, %dma_wait3A_69] : memref<8x40000x128xf32, #tpu.memory_space<hbm>> -> memref<1x200x128xf32, #tpu.memory_space<hbm>>
        %dma_wait3A_71 = tpu.memref_squeeze %dma_wait3A_70 : memref<1x200x128xf32, #tpu.memory_space<hbm>> -> memref<200x128xf32, #tpu.memory_space<hbm>>
        %dma_wait3A_72 = arith.constant 0 : i32
        %dma_wait3A_73 = tpu.memref_slice %arg4[%select_n3A_55, %mul3A_57, %dma_wait3A_72] : memref<8x40000x128xf32, #tpu.memory_space<hbm>> -> memref<1x200x128xf32, #tpu.memory_space<hbm>>
        %dma_wait3A_74 = tpu.memref_squeeze %dma_wait3A_73 : memref<1x200x128xf32, #tpu.memory_space<hbm>> -> memref<200x128xf32, #tpu.memory_space<hbm>>
        tpu.wait_dma2 semaphore(%run_scoped3A : memref<!tpu.dma_semaphore, #tpu.memory_space<semaphore_mem>>) src(%arg6 : memref<200x128xf32, #tpu.memory_space<vmem>>) dst(%dma_wait3A_74 : memref<200x128xf32, #tpu.memory_space<hbm>>)
        tpu.yield
      }) : () -> ()
      %while3A_62 = arith.constant 0 : i32
      scf.yield %while3A_62 : i32
    }
    return
  }
}

module attributes {stable_mosaic.version = 14 : i64} {
  func.func @_tc_edge_fwd_body(%arg0: i32, %arg1: memref<800x128xf32, #tpu.memory_space<vmem>>, %arg2: memref<800x128xf32, #tpu.memory_space<vmem>>, %arg3: memref<800x24xf32, #tpu.memory_space<vmem>>, %arg4: memref<24x128xf32, #tpu.memory_space<vmem>>, %arg5: memref<128x1024xf32, #tpu.memory_space<vmem>>, %arg6: memref<128x1024xf32, #tpu.memory_space<vmem>>, %arg7: memref<128x1024xf32, #tpu.memory_space<vmem>>, %arg8: memref<8x800x128xf32, #tpu.memory_space<vmem>>) attributes {dimension_semantics = [#tpu.dimension_semantics<arbitrary>], iteration_bounds = array<i64: 50>, scalar_prefetch = 0 : i64, scratch_operands = 0 : i64, tpu.core_type = #tpu.core_type<tc>, window_params = [{transform_indices = @transform_0, window_bounds = array<i64: 800, 128>}, {transform_indices = @transform_1, window_bounds = array<i64: 800, 128>}, {transform_indices = @transform_2, window_bounds = array<i64: 800, 24>}, {pipeline_mode = #tpu.pipeline_mode<synchronous>, transform_indices = @transform_3, window_bounds = array<i64: 24, 128>}, {pipeline_mode = #tpu.pipeline_mode<synchronous>, transform_indices = @transform_4, window_bounds = array<i64: 128, 1024>}, {pipeline_mode = #tpu.pipeline_mode<synchronous>, transform_indices = @transform_5, window_bounds = array<i64: 128, 1024>}, {pipeline_mode = #tpu.pipeline_mode<synchronous>, transform_indices = @transform_6, window_bounds = array<i64: 128, 1024>}, {transform_indices = @transform_7, window_bounds = array<i64: 8, 800, 128>}]} {
    %get3A = arith.constant 0 : index
    %get3A_0 = arith.constant 0 : index
    %get3A_1 = vector.load %arg1[%get3A, %get3A_0] : memref<800x128xf32, #tpu.memory_space<vmem>>, vector<800x128xf32>
    %get3A_2 = arith.constant 0 : index
    %get3A_3 = arith.constant 0 : index
    %get3A_4 = vector.load %arg2[%get3A_2, %get3A_3] : memref<800x128xf32, #tpu.memory_space<vmem>>, vector<800x128xf32>
    %sub3A = arith.subf %get3A_4, %get3A_1 : vector<800x128xf32>
    %get3A_5 = arith.constant 0 : index
    %get3A_6 = arith.constant 0 : index
    %get3A_7 = vector.load %arg3[%get3A_5, %get3A_6] : memref<800x24xf32, #tpu.memory_space<vmem>>, vector<800x24xf32>
    %get3A_8 = arith.constant 0 : index
    %get3A_9 = arith.constant 0 : index
    %get3A_10 = vector.load %arg4[%get3A_8, %get3A_9] : memref<24x128xf32, #tpu.memory_space<vmem>>, vector<24x128xf32>
    %dot_general3A = arith.constant dense<0.000000e+00> : vector<800x128xf32>
    %dot_general3A_11 = tpu.matmul %get3A_7, %get3A_10, %dot_general3A {dimension_numbers = #tpu.dot_dimension_numbers<[1], [0], [0], [1], [0, 0, 1, 1], [], []>, transpose_lhs_hint = false} : vector<800x24xf32>, vector<24x128xf32>, vector<800x128xf32> -> vector<800x128xf32>
    %add3A = arith.addf %sub3A, %dot_general3A_11 : vector<800x128xf32>
    %get3A_12 = arith.constant 0 : index
    %get3A_13 = arith.constant 0 : index
    %get3A_14 = vector.load %arg5[%get3A_12, %get3A_13] : memref<128x1024xf32, #tpu.memory_space<vmem>>, vector<128x1024xf32>
    %dot_general3A_15 = arith.constant dense<0.000000e+00> : vector<800x1024xf32>
    %dot_general3A_16 = tpu.matmul %add3A, %get3A_14, %dot_general3A_15 {dimension_numbers = #tpu.dot_dimension_numbers<[1], [0], [0], [1], [0, 0, 1, 1], [], []>, transpose_lhs_hint = false} : vector<800x128xf32>, vector<128x1024xf32>, vector<800x1024xf32> -> vector<800x1024xf32>
    %add3A_17 = arith.addf %get3A_1, %get3A_4 : vector<800x128xf32>
    %get3A_18 = arith.constant 0 : index
    %get3A_19 = arith.constant 0 : index
    %get3A_20 = vector.load %arg6[%get3A_18, %get3A_19] : memref<128x1024xf32, #tpu.memory_space<vmem>>, vector<128x1024xf32>
    %dot_general3A_21 = arith.constant dense<0.000000e+00> : vector<800x1024xf32>
    %dot_general3A_22 = tpu.matmul %add3A_17, %get3A_20, %dot_general3A_21 {dimension_numbers = #tpu.dot_dimension_numbers<[1], [0], [0], [1], [0, 0, 1, 1], [], []>, transpose_lhs_hint = false} : vector<800x128xf32>, vector<128x1024xf32>, vector<800x1024xf32> -> vector<800x1024xf32>
    %add3A_23 = arith.addf %dot_general3A_16, %dot_general3A_22 : vector<800x1024xf32>
    %get3A_24 = arith.constant 0 : index
    %get3A_25 = arith.constant 0 : index
    %get3A_26 = vector.load %arg7[%get3A_24, %get3A_25] : memref<128x1024xf32, #tpu.memory_space<vmem>>, vector<128x1024xf32>
    %dot_general3A_27 = arith.constant dense<0.000000e+00> : vector<800x1024xf32>
    %dot_general3A_28 = tpu.matmul %add3A_17, %get3A_26, %dot_general3A_27 {dimension_numbers = #tpu.dot_dimension_numbers<[1], [0], [0], [1], [0, 0, 1, 1], [], []>, transpose_lhs_hint = false} : vector<800x128xf32>, vector<128x1024xf32>, vector<800x1024xf32> -> vector<800x1024xf32>
    %add3A_29 = arith.addf %add3A_23, %dot_general3A_28 : vector<800x1024xf32>
    %logistic3A = arith.negf %add3A_29 : vector<800x1024xf32>
    %logistic3A_30 = math.exp %logistic3A : vector<800x1024xf32>
    %logistic3A_31 = arith.constant 1.000000e+00 : f32
    %logistic3A_32 = vector.broadcast %logistic3A_31 : f32 to vector<800x1024xf32>
    %logistic3A_33 = arith.addf %logistic3A_32, %logistic3A_30 : vector<800x1024xf32>
    %logistic3A_34 = arith.divf %logistic3A_32, %logistic3A_33 : vector<800x1024xf32>
    %mul3A = arith.mulf %add3A_29, %logistic3A_34 : vector<800x1024xf32>
    %slice3A = vector.extract_strided_slice %mul3A {offsets = [0, 0], sizes = [800, 128], strides = [1, 1]} : vector<800x1024xf32> to vector<800x128xf32>
    %swap3A = arith.constant 0 : index
    %swap3A_35 = arith.constant 0 : index
    %swap3A_36 = arith.constant 0 : index
    %swap3A_37 = vector.load %arg8[%swap3A, %swap3A_35, %swap3A_36] : memref<8x800x128xf32, #tpu.memory_space<vmem>>, vector<1x800x128xf32>
    %swap3A_38 = vector.shape_cast %swap3A_37 : vector<1x800x128xf32> to vector<800x128xf32>
    %swap3A_39 = vector.shape_cast %slice3A : vector<800x128xf32> to vector<1x800x128xf32>
    tpu.vector_store %arg8[%swap3A, %swap3A_35, %swap3A_36], %swap3A_39 {strides = array<i32>} : memref<8x800x128xf32, #tpu.memory_space<vmem>>, vector<1x800x128xf32>,
    %slice3A_40 = vector.extract_strided_slice %mul3A {offsets = [0, 128], sizes = [800, 128], strides = [1, 1]} : vector<800x1024xf32> to vector<800x128xf32>
    %swap3A_41 = arith.constant 1 : index
    %swap3A_42 = arith.constant 0 : index
    %swap3A_43 = arith.constant 0 : index
    %swap3A_44 = vector.load %arg8[%swap3A_41, %swap3A_42, %swap3A_43] : memref<8x800x128xf32, #tpu.memory_space<vmem>>, vector<1x800x128xf32>
    %swap3A_45 = vector.shape_cast %swap3A_44 : vector<1x800x128xf32> to vector<800x128xf32>
    %swap3A_46 = vector.shape_cast %slice3A_40 : vector<800x128xf32> to vector<1x800x128xf32>
    tpu.vector_store %arg8[%swap3A_41, %swap3A_42, %swap3A_43], %swap3A_46 {strides = array<i32>} : memref<8x800x128xf32, #tpu.memory_space<vmem>>, vector<1x800x128xf32>,
    %slice3A_47 = vector.extract_strided_slice %mul3A {offsets = [0, 256], sizes = [800, 128], strides = [1, 1]} : vector<800x1024xf32> to vector<800x128xf32>
    %swap3A_48 = arith.constant 2 : index
    %swap3A_49 = arith.constant 0 : index
    %swap3A_50 = arith.constant 0 : index
    %swap3A_51 = vector.load %arg8[%swap3A_48, %swap3A_49, %swap3A_50] : memref<8x800x128xf32, #tpu.memory_space<vmem>>, vector<1x800x128xf32>
    %swap3A_52 = vector.shape_cast %swap3A_51 : vector<1x800x128xf32> to vector<800x128xf32>
    %swap3A_53 = vector.shape_cast %slice3A_47 : vector<800x128xf32> to vector<1x800x128xf32>
    tpu.vector_store %arg8[%swap3A_48, %swap3A_49, %swap3A_50], %swap3A_53 {strides = array<i32>} : memref<8x800x128xf32, #tpu.memory_space<vmem>>, vector<1x800x128xf32>,
    %slice3A_54 = vector.extract_strided_slice %mul3A {offsets = [0, 384], sizes = [800, 128], strides = [1, 1]} : vector<800x1024xf32> to vector<800x128xf32>
    %swap3A_55 = arith.constant 3 : index
    %swap3A_56 = arith.constant 0 : index
    %swap3A_57 = arith.constant 0 : index
    %swap3A_58 = vector.load %arg8[%swap3A_55, %swap3A_56, %swap3A_57] : memref<8x800x128xf32, #tpu.memory_space<vmem>>, vector<1x800x128xf32>
    %swap3A_59 = vector.shape_cast %swap3A_58 : vector<1x800x128xf32> to vector<800x128xf32>
    %swap3A_60 = vector.shape_cast %slice3A_54 : vector<800x128xf32> to vector<1x800x128xf32>
    tpu.vector_store %arg8[%swap3A_55, %swap3A_56, %swap3A_57], %swap3A_60 {strides = array<i32>} : memref<8x800x128xf32, #tpu.memory_space<vmem>>, vector<1x800x128xf32>,
    %slice3A_61 = vector.extract_strided_slice %mul3A {offsets = [0, 512], sizes = [800, 128], strides = [1, 1]} : vector<800x1024xf32> to vector<800x128xf32>
    %swap3A_62 = arith.constant 4 : index
    %swap3A_63 = arith.constant 0 : index
    %swap3A_64 = arith.constant 0 : index
    %swap3A_65 = vector.load %arg8[%swap3A_62, %swap3A_63, %swap3A_64] : memref<8x800x128xf32, #tpu.memory_space<vmem>>, vector<1x800x128xf32>
    %swap3A_66 = vector.shape_cast %swap3A_65 : vector<1x800x128xf32> to vector<800x128xf32>
    %swap3A_67 = vector.shape_cast %slice3A_61 : vector<800x128xf32> to vector<1x800x128xf32>
    tpu.vector_store %arg8[%swap3A_62, %swap3A_63, %swap3A_64], %swap3A_67 {strides = array<i32>} : memref<8x800x128xf32, #tpu.memory_space<vmem>>, vector<1x800x128xf32>,
    %slice3A_68 = vector.extract_strided_slice %mul3A {offsets = [0, 640], sizes = [800, 128], strides = [1, 1]} : vector<800x1024xf32> to vector<800x128xf32>
    %swap3A_69 = arith.constant 5 : index
    %swap3A_70 = arith.constant 0 : index
    %swap3A_71 = arith.constant 0 : index
    %swap3A_72 = vector.load %arg8[%swap3A_69, %swap3A_70, %swap3A_71] : memref<8x800x128xf32, #tpu.memory_space<vmem>>, vector<1x800x128xf32>
    %swap3A_73 = vector.shape_cast %swap3A_72 : vector<1x800x128xf32> to vector<800x128xf32>
    %swap3A_74 = vector.shape_cast %slice3A_68 : vector<800x128xf32> to vector<1x800x128xf32>
    tpu.vector_store %arg8[%swap3A_69, %swap3A_70, %swap3A_71], %swap3A_74 {strides = array<i32>} : memref<8x800x128xf32, #tpu.memory_space<vmem>>, vector<1x800x128xf32>,
    %slice3A_75 = vector.extract_strided_slice %mul3A {offsets = [0, 768], sizes = [800, 128], strides = [1, 1]} : vector<800x1024xf32> to vector<800x128xf32>
    %swap3A_76 = arith.constant 6 : index
    %swap3A_77 = arith.constant 0 : index
    %swap3A_78 = arith.constant 0 : index
    %swap3A_79 = vector.load %arg8[%swap3A_76, %swap3A_77, %swap3A_78] : memref<8x800x128xf32, #tpu.memory_space<vmem>>, vector<1x800x128xf32>
    %swap3A_80 = vector.shape_cast %swap3A_79 : vector<1x800x128xf32> to vector<800x128xf32>
    %swap3A_81 = vector.shape_cast %slice3A_75 : vector<800x128xf32> to vector<1x800x128xf32>
    tpu.vector_store %arg8[%swap3A_76, %swap3A_77, %swap3A_78], %swap3A_81 {strides = array<i32>} : memref<8x800x128xf32, #tpu.memory_space<vmem>>, vector<1x800x128xf32>,
    %slice3A_82 = vector.extract_strided_slice %mul3A {offsets = [0, 896], sizes = [800, 128], strides = [1, 1]} : vector<800x1024xf32> to vector<800x128xf32>
    %swap3A_83 = arith.constant 7 : index
    %swap3A_84 = arith.constant 0 : index
    %swap3A_85 = arith.constant 0 : index
    %swap3A_86 = vector.load %arg8[%swap3A_83, %swap3A_84, %swap3A_85] : memref<8x800x128xf32, #tpu.memory_space<vmem>>, vector<1x800x128xf32>
    %swap3A_87 = vector.shape_cast %swap3A_86 : vector<1x800x128xf32> to vector<800x128xf32>
    %swap3A_88 = vector.shape_cast %slice3A_82 : vector<800x128xf32> to vector<1x800x128xf32>
    tpu.vector_store %arg8[%swap3A_83, %swap3A_84, %swap3A_85], %swap3A_88 {strides = array<i32>} : memref<8x800x128xf32, #tpu.memory_space<vmem>>, vector<1x800x128xf32>,
    return
  }
  func.func @transform_0(%arg0: i32) -> (i32, i32) {
    %c0_i32 = arith.constant 0 : i32
    %c0_i32_0 = arith.constant 0 : i32
    return %arg0, %c0_i32 : i32, i32
  }
  func.func @transform_1(%arg0: i32) -> (i32, i32) {
    %c0_i32 = arith.constant 0 : i32
    %c0_i32_0 = arith.constant 0 : i32
    return %arg0, %c0_i32 : i32, i32
  }
  func.func @transform_2(%arg0: i32) -> (i32, i32) {
    %c0_i32 = arith.constant 0 : i32
    %c0_i32_0 = arith.constant 0 : i32
    return %arg0, %c0_i32 : i32, i32
  }
  func.func @transform_3(%arg0: i32) -> (i32, i32) {
    %c0_i32 = arith.constant 0 : i32
    %c0_i32_0 = arith.constant 0 : i32
    %c0_i32_1 = arith.constant 0 : i32
    return %c0_i32, %c0_i32_0 : i32, i32
  }
  func.func @transform_4(%arg0: i32) -> (i32, i32) {
    %c0_i32 = arith.constant 0 : i32
    %c0_i32_0 = arith.constant 0 : i32
    %c0_i32_1 = arith.constant 0 : i32
    return %c0_i32, %c0_i32_0 : i32, i32
  }
  func.func @transform_5(%arg0: i32) -> (i32, i32) {
    %c0_i32 = arith.constant 0 : i32
    %c0_i32_0 = arith.constant 0 : i32
    %c0_i32_1 = arith.constant 0 : i32
    return %c0_i32, %c0_i32_0 : i32, i32
  }
  func.func @transform_6(%arg0: i32) -> (i32, i32) {
    %c0_i32 = arith.constant 0 : i32
    %c0_i32_0 = arith.constant 0 : i32
    %c0_i32_1 = arith.constant 0 : i32
    return %c0_i32, %c0_i32_0 : i32, i32
  }
  func.func @transform_7(%arg0: i32) -> (i32, i32, i32) {
    %c0_i32 = arith.constant 0 : i32
    %c0_i32_0 = arith.constant 0 : i32
    %c0_i32_1 = arith.constant 0 : i32
    return %c0_i32, %arg0, %c0_i32_0 : i32, i32, i32
  }
}

module attributes {stable_mosaic.version = 14 : i64} {
  func.func @_tc_node_body(%arg0: i32, %arg1: memref<2000x128xf32, #tpu.memory_space<vmem>>, %arg2: memref<2000x128xf32, #tpu.memory_space<vmem>>, %arg3: memref<128x128xf32, #tpu.memory_space<vmem>>, %arg4: memref<128x128xf32, #tpu.memory_space<vmem>>, %arg5: memref<1x128xf32, #tpu.memory_space<vmem>>, %arg6: memref<1x1xf32, #tpu.memory_space<vmem>>, %arg7: memref<2000x128xf32, #tpu.memory_space<vmem>>) attributes {dimension_semantics = [#tpu.dimension_semantics<arbitrary>], iteration_bounds = array<i64: 5>, scalar_prefetch = 0 : i64, scratch_operands = 0 : i64, tpu.core_type = #tpu.core_type<tc>, window_params = [{transform_indices = @transform_0, window_bounds = array<i64: 2000, 128>}, {transform_indices = @transform_1, window_bounds = array<i64: 2000, 128>}, {pipeline_mode = #tpu.pipeline_mode<synchronous>, transform_indices = @transform_2, window_bounds = array<i64: 128, 128>}, {pipeline_mode = #tpu.pipeline_mode<synchronous>, transform_indices = @transform_3, window_bounds = array<i64: 128, 128>}, {pipeline_mode = #tpu.pipeline_mode<synchronous>, transform_indices = @transform_4, window_bounds = array<i64: 1, 128>}, {pipeline_mode = #tpu.pipeline_mode<synchronous>, transform_indices = @transform_5, window_bounds = array<i64: 1, 1>}, {transform_indices = @transform_6, window_bounds = array<i64: 2000, 128>}]} {
    %get3A = arith.constant 0 : index
    %get3A_0 = arith.constant 0 : index
    %get3A_1 = vector.load %arg1[%get3A, %get3A_0] : memref<2000x128xf32, #tpu.memory_space<vmem>>, vector<2000x128xf32>
    %get3A_2 = arith.constant 0 : index
    %get3A_3 = arith.constant 0 : index
    %get3A_4 = vector.load %arg2[%get3A_2, %get3A_3] : memref<2000x128xf32, #tpu.memory_space<vmem>>, vector<2000x128xf32>
    %add3A = arith.addf %get3A_1, %get3A_4 : vector<2000x128xf32>
    %get3A_5 = arith.constant 0 : index
    %get3A_6 = arith.constant 0 : index
    %get3A_7 = vector.load %arg3[%get3A_5, %get3A_6] : memref<128x128xf32, #tpu.memory_space<vmem>>, vector<128x128xf32>
    %dot_general3A = arith.constant dense<0.000000e+00> : vector<2000x128xf32>
    %dot_general3A_8 = tpu.matmul %add3A, %get3A_7, %dot_general3A {dimension_numbers = #tpu.dot_dimension_numbers<[1], [0], [0], [1], [0, 0, 1, 1], [], []>, transpose_lhs_hint = false} : vector<2000x128xf32>, vector<128x128xf32>, vector<2000x128xf32> -> vector<2000x128xf32>
    %logistic3A = arith.negf %dot_general3A_8 : vector<2000x128xf32>
    %logistic3A_9 = math.exp %logistic3A : vector<2000x128xf32>
    %logistic3A_10 = arith.constant 1.000000e+00 : f32
    %logistic3A_11 = vector.broadcast %logistic3A_10 : f32 to vector<2000x128xf32>
    %logistic3A_12 = arith.addf %logistic3A_11, %logistic3A_9 : vector<2000x128xf32>
    %logistic3A_13 = arith.divf %logistic3A_11, %logistic3A_12 : vector<2000x128xf32>
    %mul3A = arith.mulf %dot_general3A_8, %logistic3A_13 : vector<2000x128xf32>
    %get3A_14 = arith.constant 0 : index
    %get3A_15 = arith.constant 0 : index
    %get3A_16 = vector.load %arg5[%get3A_14, %get3A_15] : memref<1x128xf32, #tpu.memory_space<vmem>>, vector<1x128xf32>
    %eq3A = arith.constant 0 : i32
    %eq3A_17 = arith.cmpi eq, %arg0, %eq3A : i32
    %convert_element_type3A = arith.extui %eq3A_17 : i1 to i32
    %cond3A = arith.constant 0 : i32
    %cond3A_18 = arith.cmpi ne, %convert_element_type3A, %cond3A : i32
    scf.if %cond3A_18 {
      %broadcast_in_dim3A = arith.constant 0.000000e+00 : f32
      %broadcast_in_dim3A_52 = vector.broadcast %broadcast_in_dim3A : f32 to vector<1x1xf32>
      %swap3A_53 = arith.constant 0 : index
      %swap3A_54 = arith.constant 0 : index
      %swap3A_55 = vector.load %arg6[%swap3A_53, %swap3A_54] : memref<1x1xf32, #tpu.memory_space<vmem>>, vector<1x1xf32>
      tpu.vector_store %arg6[%swap3A_53, %swap3A_54], %broadcast_in_dim3A_52 {strides = array<i32>} : memref<1x1xf32, #tpu.memory_space<vmem>>, vector<1x1xf32>,
    } else {
    }
    %convert_element_type3A_19 = arith.truncf %mul3A : vector<2000x128xf32> to vector<2000x128xbf16>
    %convert_element_type3A_20 = arith.extf %convert_element_type3A_19 : vector<2000x128xbf16> to vector<2000x128xf32>
    %convert_element_type3A_21 = arith.truncf %get3A_16 : vector<1x128xf32> to vector<1x128xbf16>
    %convert_element_type3A_22 = arith.extf %convert_element_type3A_21 : vector<1x128xbf16> to vector<1x128xf32>
    %get3A_23 = arith.constant 0 : index
    %get3A_24 = arith.constant 0 : index
    %get3A_25 = vector.load %arg6[%get3A_23, %get3A_24] : memref<1x1xf32, #tpu.memory_space<vmem>>, vector<1x1xf32>
    %mul3A_26 = vector.broadcast %convert_element_type3A_22 : vector<1x128xf32> to vector<2000x128xf32>
    %mul3A_27 = arith.mulf %convert_element_type3A_20, %mul3A_26 : vector<2000x128xf32>
    %reduce_sum3A = vector.shape_cast %mul3A_27 : vector<2000x128xf32> to vector<1x2000x128xf32>
    %reduce_sum3A_28 = arith.constant dense<0.000000e+00> : vector<1xf32>
    %reduce_sum3A_29 = vector.multi_reduction <add>, %reduce_sum3A, %reduce_sum3A_28 [1, 2] : vector<1x2000x128xf32> to vector<1xf32>
    %reduce_sum3A_30 = vector.shape_cast %reduce_sum3A_29 : vector<1xf32> to vector<1x1x1xf32>
    %reduce_sum3A_31 = vector.extract %reduce_sum3A_30[0, 0, 0] : f32 from vector<1x1x1xf32>
    %reshape3A = vector.broadcast %reduce_sum3A_31 : f32 to vector<1x1xf32>
    %add3A_32 = arith.addf %get3A_25, %reshape3A : vector<1x1xf32>
    %swap3A = arith.constant 0 : index
    %swap3A_33 = arith.constant 0 : index
    %swap3A_34 = vector.load %arg6[%swap3A, %swap3A_33] : memref<1x1xf32, #tpu.memory_space<vmem>>, vector<1x1xf32>
    tpu.vector_store %arg6[%swap3A, %swap3A_33], %add3A_32 {strides = array<i32>} : memref<1x1xf32, #tpu.memory_space<vmem>>, vector<1x1xf32>,
    %sub3A = arith.constant 1.000000e+00 : f32
    %sub3A_35 = vector.broadcast %sub3A : f32 to vector<2000x128xf32>
    %sub3A_36 = arith.subf %sub3A_35, %logistic3A_13 : vector<2000x128xf32>
    %mul3A_37 = arith.mulf %dot_general3A_8, %sub3A_36 : vector<2000x128xf32>
    %add3A_38 = arith.constant 1.000000e+00 : f32
    %add3A_39 = vector.broadcast %add3A_38 : f32 to vector<2000x128xf32>
    %add3A_40 = arith.addf %add3A_39, %mul3A_37 : vector<2000x128xf32>
    %mul3A_41 = arith.mulf %logistic3A_13, %add3A_40 : vector<2000x128xf32>
    %mul3A_42 = vector.broadcast %get3A_16 : vector<1x128xf32> to vector<2000x128xf32>
    %mul3A_43 = arith.mulf %mul3A_42, %mul3A_41 : vector<2000x128xf32>
    %get3A_44 = arith.constant 0 : index
    %get3A_45 = arith.constant 0 : index
    %get3A_46 = vector.load %arg4[%get3A_44, %get3A_45] : memref<128x128xf32, #tpu.memory_space<vmem>>, vector<128x128xf32>
    %dot_general3A_47 = arith.constant dense<0.000000e+00> : vector<2000x128xf32>
    %dot_general3A_48 = tpu.matmul %mul3A_43, %get3A_46, %dot_general3A_47 {dimension_numbers = #tpu.dot_dimension_numbers<[1], [0], [0], [1], [0, 0, 1, 1], [], []>, transpose_lhs_hint = false} : vector<2000x128xf32>, vector<128x128xf32>, vector<2000x128xf32> -> vector<2000x128xf32>
    %swap3A_49 = arith.constant 0 : index
    %swap3A_50 = arith.constant 0 : index
    %swap3A_51 = vector.load %arg7[%swap3A_49, %swap3A_50] : memref<2000x128xf32, #tpu.memory_space<vmem>>, vector<2000x128xf32>
    tpu.vector_store %arg7[%swap3A_49, %swap3A_50], %dot_general3A_48 {strides = array<i32>} : memref<2000x128xf32, #tpu.memory_space<vmem>>, vector<2000x128xf32>,
    return
  }
  func.func @transform_0(%arg0: i32) -> (i32, i32) {
    %c0_i32 = arith.constant 0 : i32
    %c0_i32_0 = arith.constant 0 : i32
    return %arg0, %c0_i32 : i32, i32
  }
  func.func @transform_1(%arg0: i32) -> (i32, i32) {
    %c0_i32 = arith.constant 0 : i32
    %c0_i32_0 = arith.constant 0 : i32
    return %arg0, %c0_i32 : i32, i32
  }
  func.func @transform_2(%arg0: i32) -> (i32, i32) {
    %c0_i32 = arith.constant 0 : i32
    %c0_i32_0 = arith.constant 0 : i32
    %c0_i32_1 = arith.constant 0 : i32
    return %c0_i32, %c0_i32_0 : i32, i32
  }
  func.func @transform_3(%arg0: i32) -> (i32, i32) {
    %c0_i32 = arith.constant 0 : i32
    %c0_i32_0 = arith.constant 0 : i32
    %c0_i32_1 = arith.constant 0 : i32
    return %c0_i32, %c0_i32_0 : i32, i32
  }
  func.func @transform_4(%arg0: i32) -> (i32, i32) {
    %c0_i32 = arith.constant 0 : i32
    %c0_i32_0 = arith.constant 0 : i32
    %c0_i32_1 = arith.constant 0 : i32
    return %c0_i32, %c0_i32_0 : i32, i32
  }
  func.func @transform_5(%arg0: i32) -> (i32, i32) {
    %c0_i32 = arith.constant 0 : i32
    %c0_i32_0 = arith.constant 0 : i32
    %c0_i32_1 = arith.constant 0 : i32
    return %c0_i32, %c0_i32_0 : i32, i32
  }
  func.func @transform_6(%arg0: i32) -> (i32, i32) {
    %c0_i32 = arith.constant 0 : i32
    %c0_i32_0 = arith.constant 0 : i32
    return %arg0, %c0_i32 : i32, i32
  }
}

module attributes {stable_mosaic.version = 14 : i64} {
  func.func @_tc_edge_bwd_body(%arg0: i32, %arg1: memref<8x800x128xf32, #tpu.memory_space<vmem>>, %arg2: memref<800x128xf32, #tpu.memory_space<vmem>>, %arg3: memref<800x128xf32, #tpu.memory_space<vmem>>, %arg4: memref<800x24xf32, #tpu.memory_space<vmem>>, %arg5: memref<24x128xf32, #tpu.memory_space<vmem>>, %arg6: memref<128x1024xf32, #tpu.memory_space<vmem>>, %arg7: memref<128x1024xf32, #tpu.memory_space<vmem>>, %arg8: memref<128x1024xf32, #tpu.memory_space<vmem>>, %arg9: memref<1024x128xf32, #tpu.memory_space<vmem>>, %arg10: memref<800x128xf32, #tpu.memory_space<vmem>>, %arg11: memref<24x128xf32, #tpu.memory_space<vmem>>) attributes {dimension_semantics = [#tpu.dimension_semantics<arbitrary>], iteration_bounds = array<i64: 50>, scalar_prefetch = 0 : i64, scratch_operands = 0 : i64, tpu.core_type = #tpu.core_type<tc>, window_params = [{transform_indices = @transform_0, window_bounds = array<i64: 8, 800, 128>}, {transform_indices = @transform_1, window_bounds = array<i64: 800, 128>}, {transform_indices = @transform_2, window_bounds = array<i64: 800, 128>}, {transform_indices = @transform_3, window_bounds = array<i64: 800, 24>}, {pipeline_mode = #tpu.pipeline_mode<synchronous>, transform_indices = @transform_4, window_bounds = array<i64: 24, 128>}, {pipeline_mode = #tpu.pipeline_mode<synchronous>, transform_indices = @transform_5, window_bounds = array<i64: 128, 1024>}, {pipeline_mode = #tpu.pipeline_mode<synchronous>, transform_indices = @transform_6, window_bounds = array<i64: 128, 1024>}, {pipeline_mode = #tpu.pipeline_mode<synchronous>, transform_indices = @transform_7, window_bounds = array<i64: 128, 1024>}, {pipeline_mode = #tpu.pipeline_mode<synchronous>, transform_indices = @transform_8, window_bounds = array<i64: 1024, 128>}, {transform_indices = @transform_9, window_bounds = array<i64: 800, 128>}, {pipeline_mode = #tpu.pipeline_mode<synchronous>, transform_indices = @transform_10, window_bounds = array<i64: 24, 128>}]} {
    %get3A = arith.constant 0 : index
    %get3A_0 = arith.constant 0 : index
    %get3A_1 = vector.load %arg2[%get3A, %get3A_0] : memref<800x128xf32, #tpu.memory_space<vmem>>, vector<800x128xf32>
    %get3A_2 = arith.constant 0 : index
    %get3A_3 = arith.constant 0 : index
    %get3A_4 = vector.load %arg3[%get3A_2, %get3A_3] : memref<800x128xf32, #tpu.memory_space<vmem>>, vector<800x128xf32>
    %sub3A = arith.subf %get3A_4, %get3A_1 : vector<800x128xf32>
    %get3A_5 = arith.constant 0 : index
    %get3A_6 = arith.constant 0 : index
    %get3A_7 = vector.load %arg4[%get3A_5, %get3A_6] : memref<800x24xf32, #tpu.memory_space<vmem>>, vector<800x24xf32>
    %get3A_8 = arith.constant 0 : index
    %get3A_9 = arith.constant 0 : index
    %get3A_10 = vector.load %arg5[%get3A_8, %get3A_9] : memref<24x128xf32, #tpu.memory_space<vmem>>, vector<24x128xf32>
    %dot_general3A = arith.constant dense<0.000000e+00> : vector<800x128xf32>
    %dot_general3A_11 = tpu.matmul %get3A_7, %get3A_10, %dot_general3A {dimension_numbers = #tpu.dot_dimension_numbers<[1], [0], [0], [1], [0, 0, 1, 1], [], []>, transpose_lhs_hint = false} : vector<800x24xf32>, vector<24x128xf32>, vector<800x128xf32> -> vector<800x128xf32>
    %add3A = arith.addf %sub3A, %dot_general3A_11 : vector<800x128xf32>
    %get3A_12 = arith.constant 0 : index
    %get3A_13 = arith.constant 0 : index
    %get3A_14 = vector.load %arg6[%get3A_12, %get3A_13] : memref<128x1024xf32, #tpu.memory_space<vmem>>, vector<128x1024xf32>
    %dot_general3A_15 = arith.constant dense<0.000000e+00> : vector<800x1024xf32>
    %dot_general3A_16 = tpu.matmul %add3A, %get3A_14, %dot_general3A_15 {dimension_numbers = #tpu.dot_dimension_numbers<[1], [0], [0], [1], [0, 0, 1, 1], [], []>, transpose_lhs_hint = false} : vector<800x128xf32>, vector<128x1024xf32>, vector<800x1024xf32> -> vector<800x1024xf32>
    %add3A_17 = arith.addf %get3A_1, %get3A_4 : vector<800x128xf32>
    %get3A_18 = arith.constant 0 : index
    %get3A_19 = arith.constant 0 : index
    %get3A_20 = vector.load %arg7[%get3A_18, %get3A_19] : memref<128x1024xf32, #tpu.memory_space<vmem>>, vector<128x1024xf32>
    %dot_general3A_21 = arith.constant dense<0.000000e+00> : vector<800x1024xf32>
    %dot_general3A_22 = tpu.matmul %add3A_17, %get3A_20, %dot_general3A_21 {dimension_numbers = #tpu.dot_dimension_numbers<[1], [0], [0], [1], [0, 0, 1, 1], [], []>, transpose_lhs_hint = false} : vector<800x128xf32>, vector<128x1024xf32>, vector<800x1024xf32> -> vector<800x1024xf32>
    %add3A_23 = arith.addf %dot_general3A_16, %dot_general3A_22 : vector<800x1024xf32>
    %get3A_24 = arith.constant 0 : index
    %get3A_25 = arith.constant 0 : index
    %get3A_26 = vector.load %arg8[%get3A_24, %get3A_25] : memref<128x1024xf32, #tpu.memory_space<vmem>>, vector<128x1024xf32>
    %dot_general3A_27 = arith.constant dense<0.000000e+00> : vector<800x1024xf32>
    %dot_general3A_28 = tpu.matmul %add3A_17, %get3A_26, %dot_general3A_27 {dimension_numbers = #tpu.dot_dimension_numbers<[1], [0], [0], [1], [0, 0, 1, 1], [], []>, transpose_lhs_hint = false} : vector<800x128xf32>, vector<128x1024xf32>, vector<800x1024xf32> -> vector<800x1024xf32>
    %add3A_29 = arith.addf %add3A_23, %dot_general3A_28 : vector<800x1024xf32>
    %logistic3A = arith.negf %add3A_29 : vector<800x1024xf32>
    %logistic3A_30 = math.exp %logistic3A : vector<800x1024xf32>
    %logistic3A_31 = arith.constant 1.000000e+00 : f32
    %logistic3A_32 = vector.broadcast %logistic3A_31 : f32 to vector<800x1024xf32>
    %logistic3A_33 = arith.addf %logistic3A_32, %logistic3A_30 : vector<800x1024xf32>
    %logistic3A_34 = arith.divf %logistic3A_32, %logistic3A_33 : vector<800x1024xf32>
    %get3A_35 = arith.constant 0 : index
    %get3A_36 = arith.constant 0 : index
    %get3A_37 = arith.constant 0 : index
    %get3A_38 = vector.load %arg1[%get3A_35, %get3A_36, %get3A_37] : memref<8x800x128xf32, #tpu.memory_space<vmem>>, vector<1x800x128xf32>
    %get3A_39 = vector.shape_cast %get3A_38 : vector<1x800x128xf32> to vector<800x128xf32>
    %get3A_40 = arith.constant 1 : index
    %get3A_41 = arith.constant 0 : index
    %get3A_42 = arith.constant 0 : index
    %get3A_43 = vector.load %arg1[%get3A_40, %get3A_41, %get3A_42] : memref<8x800x128xf32, #tpu.memory_space<vmem>>, vector<1x800x128xf32>
    %get3A_44 = vector.shape_cast %get3A_43 : vector<1x800x128xf32> to vector<800x128xf32>
    %get3A_45 = arith.constant 2 : index
    %get3A_46 = arith.constant 0 : index
    %get3A_47 = arith.constant 0 : index
    %get3A_48 = vector.load %arg1[%get3A_45, %get3A_46, %get3A_47] : memref<8x800x128xf32, #tpu.memory_space<vmem>>, vector<1x800x128xf32>
    %get3A_49 = vector.shape_cast %get3A_48 : vector<1x800x128xf32> to vector<800x128xf32>
    %get3A_50 = arith.constant 3 : index
    %get3A_51 = arith.constant 0 : index
    %get3A_52 = arith.constant 0 : index
    %get3A_53 = vector.load %arg1[%get3A_50, %get3A_51, %get3A_52] : memref<8x800x128xf32, #tpu.memory_space<vmem>>, vector<1x800x128xf32>
    %get3A_54 = vector.shape_cast %get3A_53 : vector<1x800x128xf32> to vector<800x128xf32>
    %get3A_55 = arith.constant 4 : index
    %get3A_56 = arith.constant 0 : index
    %get3A_57 = arith.constant 0 : index
    %get3A_58 = vector.load %arg1[%get3A_55, %get3A_56, %get3A_57] : memref<8x800x128xf32, #tpu.memory_space<vmem>>, vector<1x800x128xf32>
    %get3A_59 = vector.shape_cast %get3A_58 : vector<1x800x128xf32> to vector<800x128xf32>
    %get3A_60 = arith.constant 5 : index
    %get3A_61 = arith.constant 0 : index
    %get3A_62 = arith.constant 0 : index
    %get3A_63 = vector.load %arg1[%get3A_60, %get3A_61, %get3A_62] : memref<8x800x128xf32, #tpu.memory_space<vmem>>, vector<1x800x128xf32>
    %get3A_64 = vector.shape_cast %get3A_63 : vector<1x800x128xf32> to vector<800x128xf32>
    %get3A_65 = arith.constant 6 : index
    %get3A_66 = arith.constant 0 : index
    %get3A_67 = arith.constant 0 : index
    %get3A_68 = vector.load %arg1[%get3A_65, %get3A_66, %get3A_67] : memref<8x800x128xf32, #tpu.memory_space<vmem>>, vector<1x800x128xf32>
    %get3A_69 = vector.shape_cast %get3A_68 : vector<1x800x128xf32> to vector<800x128xf32>
    %get3A_70 = arith.constant 7 : index
    %get3A_71 = arith.constant 0 : index
    %get3A_72 = arith.constant 0 : index
    %get3A_73 = vector.load %arg1[%get3A_70, %get3A_71, %get3A_72] : memref<8x800x128xf32, #tpu.memory_space<vmem>>, vector<1x800x128xf32>
    %get3A_74 = vector.shape_cast %get3A_73 : vector<1x800x128xf32> to vector<800x128xf32>
    %concatenate3A = tpu.concatenate %get3A_39, %get3A_44, %get3A_49, %get3A_54, %get3A_59, %get3A_64, %get3A_69, %get3A_74 in 1 : vector<800x128xf32>, vector<800x128xf32>, vector<800x128xf32>, vector<800x128xf32>, vector<800x128xf32>, vector<800x128xf32>, vector<800x128xf32>, vector<800x128xf32> -> vector<800x1024xf32>
    %sub3A_75 = arith.constant 1.000000e+00 : f32
    %sub3A_76 = vector.broadcast %sub3A_75 : f32 to vector<800x1024xf32>
    %sub3A_77 = arith.subf %sub3A_76, %logistic3A_34 : vector<800x1024xf32>
    %mul3A = arith.mulf %add3A_29, %sub3A_77 : vector<800x1024xf32>
    %add3A_78 = arith.constant 1.000000e+00 : f32
    %add3A_79 = vector.broadcast %add3A_78 : f32 to vector<800x1024xf32>
    %add3A_80 = arith.addf %add3A_79, %mul3A : vector<800x1024xf32>
    %mul3A_81 = arith.mulf %logistic3A_34, %add3A_80 : vector<800x1024xf32>
    %mul3A_82 = arith.mulf %concatenate3A, %mul3A_81 : vector<800x1024xf32>
    %get3A_83 = arith.constant 0 : index
    %get3A_84 = arith.constant 0 : index
    %get3A_85 = vector.load %arg9[%get3A_83, %get3A_84] : memref<1024x128xf32, #tpu.memory_space<vmem>>, vector<1024x128xf32>
    %dot_general3A_86 = arith.constant dense<0.000000e+00> : vector<800x128xf32>
    %dot_general3A_87 = tpu.matmul %mul3A_82, %get3A_85, %dot_general3A_86 {dimension_numbers = #tpu.dot_dimension_numbers<[1], [0], [0], [1], [0, 0, 1, 1], [], []>, transpose_lhs_hint = false} : vector<800x1024xf32>, vector<1024x128xf32>, vector<800x128xf32> -> vector<800x128xf32>
    %swap3A = arith.constant 0 : index
    %swap3A_88 = arith.constant 0 : index
    %swap3A_89 = vector.load %arg10[%swap3A, %swap3A_88] : memref<800x128xf32, #tpu.memory_space<vmem>>, vector<800x128xf32>
    tpu.vector_store %arg10[%swap3A, %swap3A_88], %dot_general3A_87 {strides = array<i32>} : memref<800x128xf32, #tpu.memory_space<vmem>>, vector<800x128xf32>,
    %eq3A = arith.constant 0 : i32
    %eq3A_90 = arith.cmpi eq, %arg0, %eq3A : i32
    %convert_element_type3A = arith.extui %eq3A_90 : i1 to i32
    %cond3A = arith.constant 0 : i32
    %cond3A_91 = arith.cmpi ne, %convert_element_type3A, %cond3A : i32
    scf.if %cond3A_91 {
      %broadcast_in_dim3A = arith.constant 0.000000e+00 : f32
      %broadcast_in_dim3A_104 = vector.broadcast %broadcast_in_dim3A : f32 to vector<24x128xf32>
      %swap3A_105 = arith.constant 0 : index
      %swap3A_106 = arith.constant 0 : index
      %swap3A_107 = vector.load %arg11[%swap3A_105, %swap3A_106] : memref<24x128xf32, #tpu.memory_space<vmem>>, vector<24x128xf32>
      tpu.vector_store %arg11[%swap3A_105, %swap3A_106], %broadcast_in_dim3A_104 {strides = array<i32>} : memref<24x128xf32, #tpu.memory_space<vmem>>, vector<24x128xf32>,
    } else {
    }
    %get3A_92 = arith.constant 0 : index
    %get3A_93 = arith.constant 0 : index
    %get3A_94 = vector.load %arg11[%get3A_92, %get3A_93] : memref<24x128xf32, #tpu.memory_space<vmem>>, vector<24x128xf32>
    %get3A_95 = arith.constant 0 : index
    %get3A_96 = arith.constant 0 : index
    %get3A_97 = vector.load %arg4[%get3A_95, %get3A_96] : memref<800x24xf32, #tpu.memory_space<vmem>>, vector<800x24xf32>
    %dot_general3A_98 = arith.constant dense<0.000000e+00> : vector<24x128xf32>
    %dot_general3A_99 = tpu.matmul %get3A_97, %dot_general3A_87, %dot_general3A_98 {dimension_numbers = #tpu.dot_dimension_numbers<[0], [0], [1], [1], [0, 1, 1, 1], [], []>, transpose_lhs_hint = false} : vector<800x24xf32>, vector<800x128xf32>, vector<24x128xf32> -> vector<24x128xf32>
    %add3A_100 = arith.addf %get3A_94, %dot_general3A_99 : vector<24x128xf32>
    %swap3A_101 = arith.constant 0 : index
    %swap3A_102 = arith.constant 0 : index
    %swap3A_103 = vector.load %arg11[%swap3A_101, %swap3A_102] : memref<24x128xf32, #tpu.memory_space<vmem>>, vector<24x128xf32>
    tpu.vector_store %arg11[%swap3A_101, %swap3A_102], %add3A_100 {strides = array<i32>} : memref<24x128xf32, #tpu.memory_space<vmem>>, vector<24x128xf32>,
    return
  }
  func.func @transform_0(%arg0: i32) -> (i32, i32, i32) {
    %c0_i32 = arith.constant 0 : i32
    %c0_i32_0 = arith.constant 0 : i32
    %c0_i32_1 = arith.constant 0 : i32
    return %c0_i32, %arg0, %c0_i32_0 : i32, i32, i32
  }
  func.func @transform_1(%arg0: i32) -> (i32, i32) {
    %c0_i32 = arith.constant 0 : i32
    %c0_i32_0 = arith.constant 0 : i32
    return %arg0, %c0_i32 : i32, i32
  }
  func.func @transform_2(%arg0: i32) -> (i32, i32) {
    %c0_i32 = arith.constant 0 : i32
    %c0_i32_0 = arith.constant 0 : i32
    return %arg0, %c0_i32 : i32, i32
  }
  func.func @transform_3(%arg0: i32) -> (i32, i32) {
    %c0_i32 = arith.constant 0 : i32
    %c0_i32_0 = arith.constant 0 : i32
    return %arg0, %c0_i32 : i32, i32
  }
  func.func @transform_4(%arg0: i32) -> (i32, i32) {
    %c0_i32 = arith.constant 0 : i32
    %c0_i32_0 = arith.constant 0 : i32
    %c0_i32_1 = arith.constant 0 : i32
    return %c0_i32, %c0_i32_0 : i32, i32
  }
  func.func @transform_5(%arg0: i32) -> (i32, i32) {
    %c0_i32 = arith.constant 0 : i32
    %c0_i32_0 = arith.constant 0 : i32
    %c0_i32_1 = arith.constant 0 : i32
    return %c0_i32, %c0_i32_0 : i32, i32
  }
  func.func @transform_6(%arg0: i32) -> (i32, i32) {
    %c0_i32 = arith.constant 0 : i32
    %c0_i32_0 = arith.constant 0 : i32
    %c0_i32_1 = arith.constant 0 : i32
    return %c0_i32, %c0_i32_0 : i32, i32
  }
  func.func @transform_7(%arg0: i32) -> (i32, i32) {
    %c0_i32 = arith.constant 0 : i32
    %c0_i32_0 = arith.constant 0 : i32
    %c0_i32_1 = arith.constant 0 : i32
    return %c0_i32, %c0_i32_0 : i32, i32
  }
  func.func @transform_8(%arg0: i32) -> (i32, i32) {
    %c0_i32 = arith.constant 0 : i32
    %c0_i32_0 = arith.constant 0 : i32
    %c0_i32_1 = arith.constant 0 : i32
    return %c0_i32, %c0_i32_0 : i32, i32
  }
  func.func @transform_9(%arg0: i32) -> (i32, i32) {
    %c0_i32 = arith.constant 0 : i32
    %c0_i32_0 = arith.constant 0 : i32
    return %arg0, %c0_i32 : i32, i32
  }
  func.func @transform_10(%arg0: i32) -> (i32, i32) {
    %c0_i32 = arith.constant 0 : i32
    %c0_i32_0 = arith.constant 0 : i32
    %c0_i32_1 = arith.constant 0 : i32
    return %c0_i32, %c0_i32_0 : i32, i32
  }
}

module attributes {stable_mosaic.version = 14 : i64} {
  func.func @_tc_final_body(%arg0: i32, %arg1: memref<1250x128xf32, #tpu.memory_space<vmem>>, %arg2: memref<1250x128xf32, #tpu.memory_space<vmem>>, %arg3: memref<1250x128xf32, #tpu.memory_space<vmem>>, %arg4: memref<1250x128xf32, #tpu.memory_space<vmem>>, %arg5: memref<1250x128xf32, #tpu.memory_space<vmem>>, %arg6: memref<1250x128xf32, #tpu.memory_space<vmem>>, %arg7: memref<128x128xf32, #tpu.memory_space<vmem>>) attributes {dimension_semantics = [#tpu.dimension_semantics<arbitrary>], iteration_bounds = array<i64: 1>, scalar_prefetch = 0 : i64, scratch_operands = 0 : i64, tpu.core_type = #tpu.core_type<tc>, window_params = [{pipeline_mode = #tpu.pipeline_mode<synchronous>, transform_indices = @transform_0, window_bounds = array<i64: 1250, 128>}, {pipeline_mode = #tpu.pipeline_mode<synchronous>, transform_indices = @transform_1, window_bounds = array<i64: 1250, 128>}, {pipeline_mode = #tpu.pipeline_mode<synchronous>, transform_indices = @transform_2, window_bounds = array<i64: 1250, 128>}, {pipeline_mode = #tpu.pipeline_mode<synchronous>, transform_indices = @transform_3, window_bounds = array<i64: 1250, 128>}, {pipeline_mode = #tpu.pipeline_mode<synchronous>, transform_indices = @transform_4, window_bounds = array<i64: 1250, 128>}, {pipeline_mode = #tpu.pipeline_mode<synchronous>, transform_indices = @transform_5, window_bounds = array<i64: 1250, 128>}, {pipeline_mode = #tpu.pipeline_mode<synchronous>, transform_indices = @transform_6, window_bounds = array<i64: 128, 128>}]} {
    %get3A = arith.constant 0 : index
    %get3A_0 = arith.constant 0 : index
    %get3A_1 = vector.load %arg1[%get3A, %get3A_0] : memref<1250x128xf32, #tpu.memory_space<vmem>>, vector<1250x128xf32>
    %get3A_2 = arith.constant 0 : index
    %get3A_3 = arith.constant 0 : index
    %get3A_4 = vector.load %arg2[%get3A_2, %get3A_3] : memref<1250x128xf32, #tpu.memory_space<vmem>>, vector<1250x128xf32>
    %add3A = arith.addf %get3A_1, %get3A_4 : vector<1250x128xf32>
    %get3A_5 = arith.constant 0 : index
    %get3A_6 = arith.constant 0 : index
    %get3A_7 = vector.load %arg3[%get3A_5, %get3A_6] : memref<1250x128xf32, #tpu.memory_space<vmem>>, vector<1250x128xf32>
    %get3A_8 = arith.constant 0 : index
    %get3A_9 = arith.constant 0 : index
    %get3A_10 = vector.load %arg4[%get3A_8, %get3A_9] : memref<1250x128xf32, #tpu.memory_space<vmem>>, vector<1250x128xf32>
    %add3A_11 = arith.addf %get3A_7, %get3A_10 : vector<1250x128xf32>
    %sub3A = arith.subf %add3A, %add3A_11 : vector<1250x128xf32>
    %neg3A = arith.constant 0.000000e+00 : f32
    %neg3A_12 = vector.broadcast %neg3A : f32 to vector<1250x128xf32>
    %neg3A_13 = arith.subf %neg3A_12, %sub3A : vector<1250x128xf32>
    %swap3A = arith.constant 0 : index
    %swap3A_14 = arith.constant 0 : index
    %swap3A_15 = vector.load %arg6[%swap3A, %swap3A_14] : memref<1250x128xf32, #tpu.memory_space<vmem>>, vector<1250x128xf32>
    tpu.vector_store %arg6[%swap3A, %swap3A_14], %neg3A_13 {strides = array<i32>} : memref<1250x128xf32, #tpu.memory_space<vmem>>, vector<1250x128xf32>,
    %get3A_16 = arith.constant 0 : index
    %get3A_17 = arith.constant 0 : index
    %get3A_18 = vector.load %arg5[%get3A_16, %get3A_17] : memref<1250x128xf32, #tpu.memory_space<vmem>>, vector<1250x128xf32>
    %dot_general3A = arith.constant dense<0.000000e+00> : vector<128x128xf32>
    %dot_general3A_19 = tpu.matmul %sub3A, %get3A_18, %dot_general3A {dimension_numbers = #tpu.dot_dimension_numbers<[0], [0], [1], [1], [0, 1, 1, 1], [], []>, precision = #tpu.contract_precision<fp32>, transpose_lhs_hint = false} : vector<1250x128xf32>, vector<1250x128xf32>, vector<128x128xf32> -> vector<128x128xf32>
    %swap3A_20 = arith.constant 0 : index
    %swap3A_21 = arith.constant 0 : index
    %swap3A_22 = vector.load %arg7[%swap3A_20, %swap3A_21] : memref<128x128xf32, #tpu.memory_space<vmem>>, vector<128x128xf32>
    tpu.vector_store %arg7[%swap3A_20, %swap3A_21], %dot_general3A_19 {strides = array<i32>} : memref<128x128xf32, #tpu.memory_space<vmem>>, vector<128x128xf32>,
    return
  }
  func.func @transform_0(%arg0: i32) -> (i32, i32) {
    %c0_i32 = arith.constant 0 : i32
    %c0_i32_0 = arith.constant 0 : i32
    %c0_i32_1 = arith.constant 0 : i32
    return %c0_i32, %c0_i32_0 : i32, i32
  }
  func.func @transform_1(%arg0: i32) -> (i32, i32) {
    %c0_i32 = arith.constant 0 : i32
    %c0_i32_0 = arith.constant 0 : i32
    %c0_i32_1 = arith.constant 0 : i32
    return %c0_i32, %c0_i32_0 : i32, i32
  }
  func.func @transform_2(%arg0: i32) -> (i32, i32) {
    %c0_i32 = arith.constant 0 : i32
    %c0_i32_0 = arith.constant 0 : i32
    %c0_i32_1 = arith.constant 0 : i32
    return %c0_i32, %c0_i32_0 : i32, i32
  }
  func.func @transform_3(%arg0: i32) -> (i32, i32) {
    %c0_i32 = arith.constant 0 : i32
    %c0_i32_0 = arith.constant 0 : i32
    %c0_i32_1 = arith.constant 0 : i32
    return %c0_i32, %c0_i32_0 : i32, i32
  }
  func.func @transform_4(%arg0: i32) -> (i32, i32) {
    %c0_i32 = arith.constant 0 : i32
    %c0_i32_0 = arith.constant 0 : i32
    %c0_i32_1 = arith.constant 0 : i32
    return %c0_i32, %c0_i32_0 : i32, i32
  }
  func.func @transform_5(%arg0: i32) -> (i32, i32) {
    %c0_i32 = arith.constant 0 : i32
    %c0_i32_0 = arith.constant 0 : i32
    %c0_i32_1 = arith.constant 0 : i32
    return %c0_i32, %c0_i32_0 : i32, i32
  }
  func.func @transform_6(%arg0: i32) -> (i32, i32) {
    %c0_i32 = arith.constant 0 : i32
    %c0_i32_0 = arith.constant 0 : i32
    %c0_i32_1 = arith.constant 0 : i32
    return %c0_i32, %c0_i32_0 : i32, i32
  }
}

</mosaic_0001>

<sc_bundles>
// kernel: kernel.10.cloned.1.call-start
scs
__scs_entry_jumppad:
0x0: {  	(pc) =	sbr.rel $0x88, $3  }
0x1: {  	(tag) =	ssettag $0x0;
	lr =	simm.s32 $0x1  }
0x2: {  	[smem:$0x3F97] =	sst lr;
	_ =	strace $0xD0000000  }
0x3: {  	_ = 	snop  }
0x4: {  	_ = 	snop  }
0x5: {  	_ = 	snop  }
0x6: {  	_ = 	snop  }
0x7: {  	_ = 	snop  }
__scs_overlays_trampoline_lowered:
0x8: {  	[smem:$0x3FA6] =	sst s0  }
0x9: {  	[smem:$0x3FA7] =	sst s1  }
0xa: {  	[smem:$0x3FA8] =	sst s2  }
0xb: {  	[smem:$0x3FA9] =	sst s3  }
0xc: {  	[smem:$0x3FAA] =	sst s4  }
0xd: {  	[smem:$0x3FAB] =	sst s5  }
0xe: {  	[smem:$0x3FAC] =	sst s6  }
0xf: {  	[smem:$0x3FAD] =	sst s7  }
0x10: {  	[smem:$0x3FAE] =	sst s8  }
0x11: {  	[smem:$0x3FAF] =	sst s9;
	s0 =	simm.s32 @!p0 $0x0  }
0x12: {  	s1 =	sld [smem:$0x3F95];
	s0 =	simm.s32 @p0 $0x1  }
0x13: {  	[smem:$0x3FB0] =	sst s0;
	s0 =	simm.s32 @!p1 $0x0  }
0x14: {  	s2 =	sld [smem:$0x3F94];
	s0 =	simm.s32 @p1 $0x1  }
0x15: {  	[smem:$0x3FB1] =	sst s0;
	s0 =	simm.s32 @!p2 $0x0  }
0x16: {  	s3 =	sld [smem:$0x3FDB];
	s0 =	simm.s32 @p2 $0x1  }
0x17: {  	s4 =	simm.s32 $0x1BF5;
	[smem:$0x3FB3] =	sst s0  }
0x18: {  	s0 =	sld [smem:$0x3F96];
	_ =	swait.ge [sflag:s4], $0x0  }
0x19: {  	s7 =	sld [smem:$0x3F97]  }
0x1a: {  	s8 =	sadd.s32 $0xFFFFE003, lr  }
0x1b: {  	s9 =	sadd.s32 $0xFFFFFEF7, lr;
	s5 =	simm.s32 $0xFFFFFFFF;
	p2 =	slt.u32 s8, $0xFFFFF086  }
0x1c: {  	p1 =	slt.u32 s9, $0xF7A;
	s5 =	simm.s32 @!p2 $0x0  }
0x1d: {  	s5 =	simm.s32 @p1 $0x1;
	p0 =	seq.s32 s7, s2  }
0x1e: {  	s7 =	smul.u32 @!p0 $0xF7A, s2;
	p2 =	seq.s32 @!p0 s5, $0x0  }
0x1f: {  	s9 =	smul.u32 $0xF7A, s1;
	s8 =	simm.s32 @!p0 $0x1BF5;
	p2 =	por !p2, p0  }
0x20: {  	[sflag:s8] =	ssyncset.s32 @!p0 $0xFFFFF086;
	s6 =	sadd.s32 @!p0 s3, s7;
	s7 =	simm.s32 @!p0 $0x108  }
0x21: {  	s3 =	sadd.s32 s3, s9;
	s6 =	sadd.s32 @!p0 $0x88, s6;
	s7 =	simm.s32 @p2 $0x1082  }
0x22: {  	[simem:s7], [sflag:s8] =	dma.local @!p0 [hbm:s6], $0xF7A  }
0x23: {  	s9 =	sor.u32 $0xD0000000, s2;
	s6 =	simm.s32 $0x108;
	_ =	swait.ge @!p0 [sflag:s8], $0x0  }
0x24: {  	s3 =	sadd.s32 $0x88, s3;
	s6 =	simm.s32 @!p1 $0x1082;
	[sflag:s4] =	ssyncset.s32 $0xFFFFF086  }
0x25: {  	[simem:s6], [sflag:s4] =	dma.local [hbm:s3], $0xF7A  }
0x26: {  	[smem:$0x3F97] =	sst s1;
	(tag) =	ssettag s2;
	_ =	strace s9  }
0x27: {  	s1 =	sld [smem:$0x3FA7]  }
0x28: {  	s2 =	sld [smem:$0x3FA8]  }
0x29: {  	s4 =	sld [smem:$0x3FAA]  }
0x2a: {  	p0 =	seq.s32 s5, $0x0;
	s5 =	sld [smem:$0x3FAB]  }
0x2b: {  	s6 =	sld [smem:$0x3FAC]  }
0x2c: {  	s7 =	sld [smem:$0x3FAD]  }
0x2d: {  	s3 =	simm.s32 $0x108;
	s8 =	sld [smem:$0x3FAE]  }
0x2e: {  	s3 =	simm.s32 @!p0 $0x1082;
	s9 =	sld [smem:$0x3FAF]  }
0x2f: {  	lr =	sadd.s32 s0, s3;
	s0 =	sld [smem:$0x3FA6]  }
0x30: {  	s3 =	sld [smem:$0x3FA9]  }
0x31: {  	[smem:$0x3FB2] =	sst s10  }
0x32: {  	s10 =	sld [smem:$0x3FB0];
	_ =	sdelay $0x3  }
0x33: {  	p0 =	seq.s32 s10, $0x1;
	s10 =	sld [smem:$0x3FB2];
	_ =	sdelay $0x3  }
0x34: {  	[smem:$0x3FB2] =	sst s10  }
0x35: {  	s10 =	sld [smem:$0x3FB1];
	_ =	sdelay $0x3  }
0x36: {  	p1 =	seq.s32 s10, $0x1;
	s10 =	sld [smem:$0x3FB2];
	_ =	sdelay $0x3  }
0x37: {  	[smem:$0x3FB2] =	sst s10  }
0x38: {  	s10 =	sld [smem:$0x3FB3]  }
0x39: {  	_ = 	snop;
	(pc) =	sbr.ind lr, $3  }
0x3a: {  	_ = 	snop  }
0x3b: {  	_ = 	snop  }
0x3c: {  	p2 =	seq.s32 s10, $0x1;
	s10 =	sld [smem:$0x3FB2]  }
0x3d: {  	_ =	shalt  }
0x3e: {  	_ =	shalt  }
0x3f: {  	_ =	shalt  }
0x40: {  	_ =	shalt  }
0x41: {  	_ =	shalt  }
0x42: {  	_ =	shalt  }
0x43: {  	_ =	shalt  }
0x44: {  	_ =	shalt  }
0x45: {  	_ =	shalt  }
0x46: {  	_ =	shalt  }
0x47: {  	_ =	shalt  }
0x48: {  	_ =	shalt  }
0x49: {  	_ =	shalt  }
0x4a: {  	_ =	shalt  }
0x4b: {  	_ =	shalt  }
0x4c: {  	_ =	shalt  }
0x4d: {  	_ =	shalt  }
0x4e: {  	_ =	shalt  }
0x4f: {  	_ =	shalt  }
0x50: {  	_ =	shalt  }
0x51: {  	_ =	shalt  }
0x52: {  	_ =	shalt  }
0x53: {  	_ =	shalt  }
0x54: {  	_ =	shalt  }
0x55: {  	_ =	shalt  }
0x56: {  	_ =	shalt  }
0x57: {  	_ =	shalt  }
0x58: {  	_ =	shalt  }
0x59: {  	_ =	shalt  }
0x5a: {  	_ =	shalt  }
0x5b: {  	_ =	shalt  }
0x5c: {  	_ =	shalt  }
0x5d: {  	_ =	shalt  }
0x5e: {  	_ =	shalt  }
0x5f: {  	_ =	shalt  }
0x60: {  	_ =	shalt  }
0x61: {  	_ =	shalt  }
0x62: {  	_ =	shalt  }
0x63: {  	_ =	shalt  }
0x64: {  	_ =	shalt  }
0x65: {  	_ =	shalt  }
0x66: {  	_ =	shalt  }
0x67: {  	_ =	shalt  }
0x68: {  	_ =	shalt  }
0x69: {  	_ =	shalt  }
0x6a: {  	_ =	shalt  }
0x6b: {  	_ =	shalt  }
0x6c: {  	_ =	shalt  }
0x6d: {  	_ =	shalt  }
0x6e: {  	_ =	shalt  }
0x6f: {  	_ =	shalt  }
0x70: {  	_ =	shalt  }
0x71: {  	_ =	shalt  }
0x72: {  	_ =	shalt  }
0x73: {  	_ =	shalt  }
0x74: {  	_ =	shalt  }
0x75: {  	_ =	shalt  }
0x76: {  	_ =	shalt  }
0x77: {  	_ =	shalt  }
0x78: {  	_ =	shalt  }
0x79: {  	_ =	shalt  }
0x7a: {  	_ =	shalt  }
0x7b: {  	_ =	shalt  }
0x7c: {  	_ =	shalt  }
0x7d: {  	_ =	shalt  }
0x7e: {  	_ =	shalt  }
0x7f: {  	_ =	shalt  }
0x80: {  	_ =	shalt  }
0x81: {  	_ =	shalt  }
0x82: {  	_ =	shalt  }
0x83: {  	_ =	shalt  }
0x84: {  	_ =	shalt  }
0x85: {  	_ =	shalt  }
0x86: {  	_ =	shalt  }
0x87: {  	_ =	shalt  }
.Lfunc_end0:
.L_simem_size_0:
called_computation_lowered:
.L_overlay_start_0:
0x88: {  	s2 =	sld [smem:$0x3FD9]  }
0x89: {  	s3 =	sld [smem:$0x3FFE];
	_ =	sdelay $0x1  }
0x8a: {  	s1 =	srdreg.scid  }
0x8b: {  	s0 =	sand.u32 $0x1, s1  }
0x8c: {  	s16 =	sshll.u32 s0, $0xA;
	s2 =	sadd.s32 s3, s2  }
0x8d: {  	s2 =	sadd.s32 s2, s16  }
0x8e: {  	[smem:$0x3FBE] =	sst s2  }
0x8f: {  	_ = 	snop  }
0x90: {  	(tm) =	ssettm $0x1  }
0x91: {  	s17 =	sld [smem:$0x3FFB];
	_ =	sdelay $0x3  }
0x92: {  	_ =	strace s17  }
0x93: {  	s2 =	sld [smem:$0x3FFC];
	_ =	sdelay $0x3  }
0x94: {  	_ =	strace s2  }
0x95: {  	s2 =	sld [smem:$0x3FFD];
	_ =	sdelay $0x3  }
0x96: {  	_ =	strace s2  }
0x97: {  	_ =	strace $0x8FFFFFFF  }
0x98: {  	s18 =	sld [smem:$0x3FDB];
	_ =	sdelay $0x1  }
0x99: {  	s19 =	simm.s32 $_scs_section_size  }
0x9a: {  	s4 =	simm.s32 $_size__tile_overlayer_lowered;
	s5 =	simm.s32 $_tile_overlayer_lowered  }
0x9b: {  	s22 =	simm.s32 $0x1BFF;
	s21 =	sshll.u32 s5, $0x1;
	s2 =	sadd.s32 s19, s18  }
0x9c: {  	s6 =	simm.s32 $0x0;
	s20 =	sshll.u32 s4, $0x1;
	s4 =	sadd.s32 s21, s2  }
0x9d: {  	[timem:s6], [sflag:s22] =	dma.local [hbm:s4], s20  }
0x9e: {  	_ =	swait.ge [sflag:s22], s20  }
0x9f: {  	s3 =	ssub.s32 $0x0, s20;
	[sflag:s22] =	ssyncset.done $0x0  }
0xa0: {  	[sflag:s22] =	ssyncadd.s32 s3;
	_ =	sdelay $0x1  }
0xa1: {  	s23 =	simm.s32 $0x1B8B  }
0xa2: {  	_ =	swait.ge [sflag:s23], $0x1  }
0xa3: {  	[sflag:s23] =	ssyncset.done $0x0  }
0xa4: {  	s25 =	simm.s32 $0x1B8E;
	s24 =	sld [smem:$0x3FFE];
	[sflag:s23] =	ssyncadd.s32 $0xFFFFFFFF  }
0xa5: {  	s26 =	simm.s32 $execute0_lowered;
	[smem:$0x3FD2] =	sst s25  }
0xa6: {  	s4 =	sshll.u32 s26, $0x1;
	_ =	strace $0x80000046;
	[dreg:$0x1] =	wrdreg $0xFFFFFFFF  }
0xa7: {  	s28 =	simm.s32 $_size_execute0_lowered;
	s2 =	sadd.s32 s2, s4;
	[dreg:$0x0] =	wrdreg $0x0  }
0xa8: {  	s4 =	sshll.u32 s28, $0x1;
	[dreg:$0x2] =	wrdreg s2  }
0xa9: {  	[dreg:$0x3] =	wrdreg s4  }
0xaa: {  	[dreg:$0x4] =	wrdreg $0xC0  }
0xab: {  	_ =	task [dreg:s6], $0x5FFFF  }
0xac: {  	[dreg:$0x1] =	wrdreg $0xFFFFFFFF  }
0xad: {  	[dreg:$0x0] =	wrdreg $0x60  }
0xae: {  	[dreg:$0x2] =	wrdreg s24  }
0xaf: {  	[dreg:$0x3] =	wrdreg $0x9  }
0xb0: {  	_ =	task.clear_ibuf [dreg:s6], $0x4FFFF;
	_ =	strace $0x90000046  }
0xb1: {  	s29 =	simm.s32 $0x9;
	_ =	strace $0x80000048  }
0xb2: {  	_ =	swait.ge [sflag:s29], $0x1  }
0xb3: {  	[sflag:s29] =	ssyncadd.s32 $0xFFFFFFFF  }
0xb4: {  	_ =	strace $0x90000048  }
0xb5: {  	_ =	sfence  }
0xb6: {  	s30 =	sld [smem:$0x0];
	_ =	sdelay $0x2  }
0xb7: {  	s31 =	sshll.u32 s1, $0xD;
	s1 =	sshrl.u32 s1, $0x2  }
0xb8: {  	s3 =	sand.u32 $0x4000, s31;
	s1 =	sadd.s32 s1, s30  }
0xb9: {  	s0 =	sor.u32 s3, s0;
	s1 =	sshll.u32 s1, $0x11  }
0xba: {  	s0 =	sor.u32 s1, s0  }
0xbb: {  	s0 =	sadd.s32 $0x8F2B, s0  }
0xbc: {  	[sflag:s0] =	ssyncadd.remote.s32 $0x1  }
0xbd: {  	_ =	sfence.sel $0xFFFF  }
0xbe: {  	[dreg:$0x0] =	wrdreg $0xFFFFFFFF;
	(pc) =	sbr.abs _section_cstart, $3  }
0xbf: {  	[dreg:$0x1] =	wrdreg $0xFFFFFFFF  }
0xc0: {  	_ =	task.clear_ibuf [dreg:s6], $0x2FFFF;
	_ =	strace $0x9FFFFFFF  }
0xc1: {  	(tm) =	ssettm $0x7FFFFFFF  }
tec
execute0_lowered:
.L_overlay_start_1:
0x0: {  	(tag) =	ssettag $0x1  }
0x1: {  	s6 =	rddreg [dreg:$0x0]  }
0x2: {  	s0 =	rddreg [dreg:$0x1];
	s1 =	simm.s32 $0x0  }
0x3: {  	s2 =	stileid.u32;
	s7 =	srdreg.scid;
	s13 =	simm.s32 $0x10  }
0x4: {  	s14 =	simm.s32 $0x80;
	s15 =	simm.s32 $0x0;
	[smem:$0x7FF] =	sst s1  }
0x5: {  	s3 =	sadd.s32 $0x4E00, s6;
	s4 =	sadd.s32 $0x9E00, s6;
	s5 =	sadd.s32 $0x13C00, s6  }
0x6: {  	s7 =	sand.u32 $0x1, s7;
	s8 =	sshll.u32 s2, $0x1;
	s9 =	smul.u32 $0x9600, s2  }
0x7: {  	p0 =	sgt.u32 s2, $0x3;
	s29 =	smul.u32 $0xC, s2;
	_ =	strace $0x80000047  }
0x8: {  	s10 =	ssub.s32 $0x2, s7;
	s8 =	sor.u32 s7, s8;
	s12 =	smul.u32 $0x4B00, s7  }
0x9: {  	s7 =	smul.u32 $0x6, s7;
	s11 =	sshrl.u32 s10, $0x1;
	s8 =	smin.u32 s8, $0x8  }
0xa: {  	s6 =	sadd.s32 s9, s6;
	s9 =	simm.s32 $0xC8;
	s26 =	ssub.s32 s10, s11  }
0xb: {  	s28 =	smul.u32 $0xC80, s8;
	s11 =	simm.s32 $0x4B00;
	s6 =	sadd.s32 s12, s6  }
0xc: {  	s8 =	sadd.s32 s29, s8;
	s10 =	simm.s32 $0x190;
	s12 =	simm.s32 $0xE10  }
0xd: {  	s11 =	simm.s32 @!p0 $0x5780;
	s7 =	sadd.s32 s7, s8;
	s6 =	sadd.s32 s28, s6  }
0xe: {  	s8 =	simm.s32 $0x2;
	[dreg:$0x4] =	wrdreg s11;
	s30 =	sadd.s32 $0x1DA00, s6  }
0xf: {  	s7 =	smul.u32 $0x19, s7;
	s31 =	sadd.s32 $0xB9E00, s6;
	[dreg:$0x2] =	wrdreg s30  }
0x10: {  	s11 =	simm.s32 $0x1;
	s6 =	smax.u32 s26, $0x1;
	[dreg:$0x3] =	wrdreg s31  }
.LBB2_1:
0x11: {  	s16 =	smov.u32 s4;
	s17 =	smov.u32 s5;
	s18 =	simm.s32 $0x0  }
.LBB2_2:
0x12: {  	s19 =	sadd.s32 s16, s7  }
0x13: {  	[tilespmem:s1], [sflag:$0x2] =	stream.linear.gather [hbm4b:s19+s1], $0xC8, $0x38;
	[tilespmem:$0x1A90] =	vst v63  }
0x14: {  	_ =	swait.ge [sflag:s8], $0xC8  }
0x15: {  	[sflag:s8] =	ssyncset.done $0x0  }
0x16: {  	s20 =	sadd.s32 s17, s7;
	[sflag:s8] =	ssyncadd.s32 $0xFFFFFF38  }
0x17: {  	[tilespmem:s9], [sflag:$0x2] =	stream.linear.gather [hbm4b:s20+s1], $0xC8, $0x38;
	[tilespmem:$0x1A90] =	vst v63  }
0x18: {  	_ =	swait.ge [sflag:s8], $0xC8  }
0x19: {  	[sflag:s8] =	ssyncset.done $0x0  }
0x1a: {  	[sflag:s8] =	ssyncadd.s32 $0xFFFFFF38  }
0x1b: {  	[tilespmem:s10], [sflag:$0x1] =	stream.indirect.gather [hbm4b:s3+s9], $0x10, s1, s9, $0xb8;
	[tilespmem:$0x1A90] =	vst v63  }
0x1c: {  	_ =	swait.ge [sflag:s11], $0xC80  }
0x1d: {  	[sflag:s11] =	ssyncset.done $0x0  }
0x1e: {  	[sflag:s11] =	ssyncadd.s32 $0xFFFFF380  }
0x1f: {  	[tilespmem:s12], [sflag:$0x1] =	stream.indirect.gather [hbm4b:s3+s9], $0x10, s9, s9, $0xb8;
	[tilespmem:$0x1A90] =	vst v63  }
0x20: {  	_ =	swait.ge [sflag:s11], $0xC80  }
0x21: {  	s21 =	rddreg [dreg:$0x2];
	[sflag:s11] =	ssyncset.done $0x0  }
0x22: {  	[sflag:s11] =	ssyncadd.s32 $0xFFFFF380;
	s21 =	sadd.s32 s18, s21  }
0x23: {  	[hbm4b:s21+s13] =	stream.strided.scatter [tilespmem:s10], [sflag:$0x2], $0xC80, s14, s13, $0x38;
	[tilespmem:$0x1A90] =	vst v63  }
0x24: {  	_ =	swait.ge [sflag:s8], $0xC80  }
0x25: {  	s22 =	rddreg [dreg:$0x3];
	[sflag:s8] =	ssyncset.done $0x0  }
0x26: {  	[sflag:s8] =	ssyncadd.s32 $0xFFFFF380;
	s22 =	sadd.s32 s18, s22  }
0x27: {  	[hbm4b:s22+s13] =	stream.strided.scatter [tilespmem:s12], [sflag:$0x2], $0xC80, s14, s13, $0x38;
	[tilespmem:$0x1A90] =	vst v63  }
0x28: {  	_ =	swait.ge [sflag:s8], $0xC80  }
0x29: {  	[sflag:s8] =	ssyncset.done $0x0  }
0x2a: {  	s23 =	sadd.s32 $0x1388, s19;
	[sflag:s8] =	ssyncadd.s32 $0xFFFFF380  }
0x2b: {  	[tilespmem:s1], [sflag:$0x2] =	stream.linear.gather [hbm4b:s23+s1], $0xC8, $0x38;
	[tilespmem:$0x1A90] =	vst v63  }
0x2c: {  	_ =	swait.ge [sflag:s8], $0xC8  }
0x2d: {  	[sflag:s8] =	ssyncset.done $0x0  }
0x2e: {  	s25 =	sadd.s32 $0x1388, s20;
	[sflag:s8] =	ssyncadd.s32 $0xFFFFFF38  }
0x2f: {  	[tilespmem:s9], [sflag:$0x2] =	stream.linear.gather [hbm4b:s25+s1], $0xC8, $0x38;
	[tilespmem:$0x1A90] =	vst v63  }
0x30: {  	_ =	swait.ge [sflag:s8], $0xC8  }
0x31: {  	[sflag:s8] =	ssyncset.done $0x0  }
0x32: {  	[sflag:s8] =	ssyncadd.s32 $0xFFFFFF38  }
0x33: {  	[tilespmem:s10], [sflag:$0x1] =	stream.indirect.gather [hbm4b:s3+s9], $0x10, s1, s9, $0xb8;
	[tilespmem:$0x1A90] =	vst v63  }
0x34: {  	_ =	swait.ge [sflag:s11], $0xC80  }
0x35: {  	[sflag:s11] =	ssyncset.done $0x0  }
0x36: {  	[sflag:s11] =	ssyncadd.s32 $0xFFFFF380  }
0x37: {  	[tilespmem:s12], [sflag:$0x1] =	stream.indirect.gather [hbm4b:s3+s9], $0x10, s9, s9, $0xb8;
	[tilespmem:$0x1A90] =	vst v63  }
0x38: {  	_ =	swait.ge [sflag:s11], $0xC80  }
0x39: {  	[sflag:s11] =	ssyncset.done $0x0  }
0x3a: {  	s26 =	sadd.s32 $0x2, s21;
	[sflag:s11] =	ssyncadd.s32 $0xFFFFF380  }
0x3b: {  	[hbm4b:s26+s13] =	stream.strided.scatter [tilespmem:s10], [sflag:$0x2], $0xC80, s14, s13, $0x38;
	[tilespmem:$0x1A90] =	vst v63  }
0x3c: {  	_ =	swait.ge [sflag:s8], $0xC80  }
0x3d: {  	[sflag:s8] =	ssyncset.done $0x0  }
0x3e: {  	s28 =	sadd.s32 $0x2, s22;
	[sflag:s8] =	ssyncadd.s32 $0xFFFFF380  }
0x3f: {  	[hbm4b:s28+s13] =	stream.strided.scatter [tilespmem:s12], [sflag:$0x2], $0xC80, s14, s13, $0x38;
	[tilespmem:$0x1A90] =	vst v63  }
0x40: {  	_ =	swait.ge [sflag:s8], $0xC80  }
0x41: {  	[sflag:s8] =	ssyncset.done $0x0  }
0x42: {  	s29 =	sadd.s32 $0x2710, s19;
	[sflag:s8] =	ssyncadd.s32 $0xFFFFF380  }
0x43: {  	[tilespmem:s1], [sflag:$0x2] =	stream.linear.gather [hbm4b:s29+s1], $0xC8, $0x38;
	[tilespmem:$0x1A90] =	vst v63  }
0x44: {  	_ =	swait.ge [sflag:s8], $0xC8  }
0x45: {  	[sflag:s8] =	ssyncset.done $0x0  }
0x46: {  	s30 =	sadd.s32 $0x2710, s20;
	[sflag:s8] =	ssyncadd.s32 $0xFFFFFF38  }
0x47: {  	[tilespmem:s9], [sflag:$0x2] =	stream.linear.gather [hbm4b:s30+s1], $0xC8, $0x38;
	[tilespmem:$0x1A90] =	vst v63  }
0x48: {  	_ =	swait.ge [sflag:s8], $0xC8  }
0x49: {  	[sflag:s8] =	ssyncset.done $0x0  }
0x4a: {  	[sflag:s8] =	ssyncadd.s32 $0xFFFFFF38  }
0x4b: {  	[tilespmem:s10], [sflag:$0x1] =	stream.indirect.gather [hbm4b:s3+s9], $0x10, s1, s9, $0xb8;
	[tilespmem:$0x1A90] =	vst v63  }
0x4c: {  	_ =	swait.ge [sflag:s11], $0xC80  }
0x4d: {  	[sflag:s11] =	ssyncset.done $0x0  }
0x4e: {  	[sflag:s11] =	ssyncadd.s32 $0xFFFFF380  }
0x4f: {  	[tilespmem:s12], [sflag:$0x1] =	stream.indirect.gather [hbm4b:s3+s9], $0x10, s9, s9, $0xb8;
	[tilespmem:$0x1A90] =	vst v63  }
0x50: {  	_ =	swait.ge [sflag:s11], $0xC80  }
0x51: {  	[sflag:s11] =	ssyncset.done $0x0  }
0x52: {  	s31 =	sadd.s32 $0x4, s21;
	[sflag:s11] =	ssyncadd.s32 $0xFFFFF380  }
0x53: {  	[hbm4b:s31+s13] =	stream.strided.scatter [tilespmem:s10], [sflag:$0x2], $0xC80, s14, s13, $0x38;
	[tilespmem:$0x1A90] =	vst v63  }
0x54: {  	_ =	swait.ge [sflag:s8], $0xC80  }
0x55: {  	[sflag:s8] =	ssyncset.done $0x0  }
0x56: {  	s24 =	sadd.s32 $0x4, s22;
	[sflag:s8] =	ssyncadd.s32 $0xFFFFF380  }
0x57: {  	[hbm4b:s24+s13] =	stream.strided.scatter [tilespmem:s12], [sflag:$0x2], $0xC80, s14, s13, $0x38;
	[tilespmem:$0x1A90] =	vst v63  }
0x58: {  	_ =	swait.ge [sflag:s8], $0xC80  }
0x59: {  	[sflag:s8] =	ssyncset.done $0x0  }
0x5a: {  	s25 =	sadd.s32 $0x3A98, s19;
	[sflag:s8] =	ssyncadd.s32 $0xFFFFF380  }
0x5b: {  	[tilespmem:s1], [sflag:$0x2] =	stream.linear.gather [hbm4b:s25+s1], $0xC8, $0x38;
	[tilespmem:$0x1A90] =	vst v63  }
0x5c: {  	_ =	swait.ge [sflag:s8], $0xC8  }
0x5d: {  	[sflag:s8] =	ssyncset.done $0x0  }
0x5e: {  	s26 =	sadd.s32 $0x3A98, s20;
	[sflag:s8] =	ssyncadd.s32 $0xFFFFFF38  }
0x5f: {  	[tilespmem:s9], [sflag:$0x2] =	stream.linear.gather [hbm4b:s26+s1], $0xC8, $0x38;
	[tilespmem:$0x1A90] =	vst v63  }
0x60: {  	_ =	swait.ge [sflag:s8], $0xC8  }
0x61: {  	[sflag:s8] =	ssyncset.done $0x0  }
0x62: {  	[sflag:s8] =	ssyncadd.s32 $0xFFFFFF38  }
0x63: {  	[tilespmem:s10], [sflag:$0x1] =	stream.indirect.gather [hbm4b:s3+s9], $0x10, s1, s9, $0xb8;
	[tilespmem:$0x1A90] =	vst v63  }
0x64: {  	_ =	swait.ge [sflag:s11], $0xC80  }
0x65: {  	[sflag:s11] =	ssyncset.done $0x0  }
0x66: {  	[sflag:s11] =	ssyncadd.s32 $0xFFFFF380  }
0x67: {  	[tilespmem:s12], [sflag:$0x1] =	stream.indirect.gather [hbm4b:s3+s9], $0x10, s9, s9, $0xb8;
	[tilespmem:$0x1A90] =	vst v63  }
0x68: {  	_ =	swait.ge [sflag:s11], $0xC80  }
0x69: {  	[sflag:s11] =	ssyncset.done $0x0  }
0x6a: {  	s28 =	sadd.s32 $0x6, s21;
	[sflag:s11] =	ssyncadd.s32 $0xFFFFF380  }
0x6b: {  	[hbm4b:s28+s13] =	stream.strided.scatter [tilespmem:s10], [sflag:$0x2], $0xC80, s14, s13, $0x38;
	[tilespmem:$0x1A90] =	vst v63  }
0x6c: {  	_ =	swait.ge [sflag:s8], $0xC80  }
0x6d: {  	[sflag:s8] =	ssyncset.done $0x0  }
0x6e: {  	s29 =	sadd.s32 $0x6, s22;
	[sflag:s8] =	ssyncadd.s32 $0xFFFFF380  }
0x6f: {  	[hbm4b:s29+s13] =	stream.strided.scatter [tilespmem:s12], [sflag:$0x2], $0xC80, s14, s13, $0x38;
	[tilespmem:$0x1A90] =	vst v63  }
0x70: {  	_ =	swait.ge [sflag:s8], $0xC80  }
0x71: {  	[sflag:s8] =	ssyncset.done $0x0  }
0x72: {  	s30 =	sadd.s32 $0x4E20, s19;
	[sflag:s8] =	ssyncadd.s32 $0xFFFFF380  }
0x73: {  	[tilespmem:s1], [sflag:$0x2] =	stream.linear.gather [hbm4b:s30+s1], $0xC8, $0x38;
	[tilespmem:$0x1A90] =	vst v63  }
0x74: {  	_ =	swait.ge [sflag:s8], $0xC8  }
0x75: {  	[sflag:s8] =	ssyncset.done $0x0  }
0x76: {  	s31 =	sadd.s32 $0x4E20, s20;
	[sflag:s8] =	ssyncadd.s32 $0xFFFFFF38  }
0x77: {  	[tilespmem:s9], [sflag:$0x2] =	stream.linear.gather [hbm4b:s31+s1], $0xC8, $0x38;
	[tilespmem:$0x1A90] =	vst v63  }
0x78: {  	_ =	swait.ge [sflag:s8], $0xC8  }
0x79: {  	[sflag:s8] =	ssyncset.done $0x0  }
0x7a: {  	[sflag:s8] =	ssyncadd.s32 $0xFFFFFF38  }
0x7b: {  	[tilespmem:s10], [sflag:$0x1] =	stream.indirect.gather [hbm4b:s3+s9], $0x10, s1, s9, $0xb8;
	[tilespmem:$0x1A90] =	vst v63  }
0x7c: {  	_ =	swait.ge [sflag:s11], $0xC80  }
0x7d: {  	[sflag:s11] =	ssyncset.done $0x0  }
0x7e: {  	[sflag:s11] =	ssyncadd.s32 $0xFFFFF380  }
0x7f: {  	[tilespmem:s12], [sflag:$0x1] =	stream.indirect.gather [hbm4b:s3+s9], $0x10, s9, s9, $0xb8;
	[tilespmem:$0x1A90] =	vst v63  }
0x80: {  	_ =	swait.ge [sflag:s11], $0xC80  }
0x81: {  	[sflag:s11] =	ssyncset.done $0x0  }
0x82: {  	s24 =	sadd.s32 $0x8, s21;
	[sflag:s11] =	ssyncadd.s32 $0xFFFFF380  }
0x83: {  	[hbm4b:s24+s13] =	stream.strided.scatter [tilespmem:s10], [sflag:$0x2], $0xC80, s14, s13, $0x38;
	[tilespmem:$0x1A90] =	vst v63  }
0x84: {  	_ =	swait.ge [sflag:s8], $0xC80  }
0x85: {  	[sflag:s8] =	ssyncset.done $0x0  }
0x86: {  	s25 =	sadd.s32 $0x8, s22;
	[sflag:s8] =	ssyncadd.s32 $0xFFFFF380  }
0x87: {  	[hbm4b:s25+s13] =	stream.strided.scatter [tilespmem:s12], [sflag:$0x2], $0xC80, s14, s13, $0x38;
	[tilespmem:$0x1A90] =	vst v63  }
0x88: {  	_ =	swait.ge [sflag:s8], $0xC80  }
0x89: {  	[sflag:s8] =	ssyncset.done $0x0  }
0x8a: {  	s26 =	sadd.s32 $0x61A8, s19;
	[sflag:s8] =	ssyncadd.s32 $0xFFFFF380  }
0x8b: {  	[tilespmem:s1], [sflag:$0x2] =	stream.linear.gather [hbm4b:s26+s1], $0xC8, $0x38;
	[tilespmem:$0x1A90] =	vst v63  }
0x8c: {  	_ =	swait.ge [sflag:s8], $0xC8  }
0x8d: {  	[sflag:s8] =	ssyncset.done $0x0  }
0x8e: {  	s28 =	sadd.s32 $0x61A8, s20;
	[sflag:s8] =	ssyncadd.s32 $0xFFFFFF38  }
0x8f: {  	[tilespmem:s9], [sflag:$0x2] =	stream.linear.gather [hbm4b:s28+s1], $0xC8, $0x38;
	[tilespmem:$0x1A90] =	vst v63  }
0x90: {  	_ =	swait.ge [sflag:s8], $0xC8  }
0x91: {  	[sflag:s8] =	ssyncset.done $0x0  }
0x92: {  	[sflag:s8] =	ssyncadd.s32 $0xFFFFFF38  }
0x93: {  	[tilespmem:s10], [sflag:$0x1] =	stream.indirect.gather [hbm4b:s3+s9], $0x10, s1, s9, $0xb8;
	[tilespmem:$0x1A90] =	vst v63  }
0x94: {  	_ =	swait.ge [sflag:s11], $0xC80  }
0x95: {  	[sflag:s11] =	ssyncset.done $0x0  }
0x96: {  	[sflag:s11] =	ssyncadd.s32 $0xFFFFF380  }
0x97: {  	[tilespmem:s12], [sflag:$0x1] =	stream.indirect.gather [hbm4b:s3+s9], $0x10, s9, s9, $0xb8;
	[tilespmem:$0x1A90] =	vst v63  }
0x98: {  	_ =	swait.ge [sflag:s11], $0xC80  }
0x99: {  	[sflag:s11] =	ssyncset.done $0x0  }
0x9a: {  	s29 =	sadd.s32 $0xA, s21;
	[sflag:s11] =	ssyncadd.s32 $0xFFFFF380  }
0x9b: {  	[hbm4b:s29+s13] =	stream.strided.scatter [tilespmem:s10], [sflag:$0x2], $0xC80, s14, s13, $0x38;
	[tilespmem:$0x1A90] =	vst v63  }
0x9c: {  	_ =	swait.ge [sflag:s8], $0xC80  }
0x9d: {  	[sflag:s8] =	ssyncset.done $0x0  }
0x9e: {  	s30 =	sadd.s32 $0xA, s22;
	[sflag:s8] =	ssyncadd.s32 $0xFFFFF380  }
0x9f: {  	[hbm4b:s30+s13] =	stream.strided.scatter [tilespmem:s12], [sflag:$0x2], $0xC80, s14, s13, $0x38;
	[tilespmem:$0x1A90] =	vst v63  }
0xa0: {  	_ =	swait.ge [sflag:s8], $0xC80  }
0xa1: {  	[sflag:s8] =	ssyncset.done $0x0  }
0xa2: {  	s31 =	sadd.s32 $0x7530, s19;
	[sflag:s8] =	ssyncadd.s32 $0xFFFFF380  }
0xa3: {  	[tilespmem:s1], [sflag:$0x2] =	stream.linear.gather [hbm4b:s31+s1], $0xC8, $0x38;
	[tilespmem:$0x1A90] =	vst v63  }
0xa4: {  	_ =	swait.ge [sflag:s8], $0xC8  }
0xa5: {  	[sflag:s8] =	ssyncset.done $0x0  }
0xa6: {  	s24 =	sadd.s32 $0x7530, s20;
	[sflag:s8] =	ssyncadd.s32 $0xFFFFFF38  }
0xa7: {  	[tilespmem:s9], [sflag:$0x2] =	stream.linear.gather [hbm4b:s24+s1], $0xC8, $0x38;
	[tilespmem:$0x1A90] =	vst v63  }
0xa8: {  	_ =	swait.ge [sflag:s8], $0xC8  }
0xa9: {  	[sflag:s8] =	ssyncset.done $0x0  }
0xaa: {  	[sflag:s8] =	ssyncadd.s32 $0xFFFFFF38  }
0xab: {  	[tilespmem:s10], [sflag:$0x1] =	stream.indirect.gather [hbm4b:s3+s9], $0x10, s1, s9, $0xb8;
	[tilespmem:$0x1A90] =	vst v63  }
0xac: {  	_ =	swait.ge [sflag:s11], $0xC80  }
0xad: {  	[sflag:s11] =	ssyncset.done $0x0  }
0xae: {  	[sflag:s11] =	ssyncadd.s32 $0xFFFFF380  }
0xaf: {  	[tilespmem:s12], [sflag:$0x1] =	stream.indirect.gather [hbm4b:s3+s9], $0x10, s9, s9, $0xb8;
	[tilespmem:$0x1A90] =	vst v63  }
0xb0: {  	_ =	swait.ge [sflag:s11], $0xC80  }
0xb1: {  	[sflag:s11] =	ssyncset.done $0x0  }
0xb2: {  	s25 =	sadd.s32 $0xC, s21;
	[sflag:s11] =	ssyncadd.s32 $0xFFFFF380  }
0xb3: {  	[hbm4b:s25+s13] =	stream.strided.scatter [tilespmem:s10], [sflag:$0x2], $0xC80, s14, s13, $0x38;
	[tilespmem:$0x1A90] =	vst v63  }
0xb4: {  	_ =	swait.ge [sflag:s8], $0xC80  }
0xb5: {  	[sflag:s8] =	ssyncset.done $0x0  }
0xb6: {  	s26 =	sadd.s32 $0xC, s22;
	[sflag:s8] =	ssyncadd.s32 $0xFFFFF380  }
0xb7: {  	[hbm4b:s26+s13] =	stream.strided.scatter [tilespmem:s12], [sflag:$0x2], $0xC80, s14, s13, $0x38;
	[tilespmem:$0x1A90] =	vst v63  }
0xb8: {  	_ =	swait.ge [sflag:s8], $0xC80  }
0xb9: {  	[sflag:s8] =	ssyncset.done $0x0  }
0xba: {  	s19 =	sadd.s32 $0x88B8, s19;
	[sflag:s8] =	ssyncadd.s32 $0xFFFFF380  }
0xbb: {  	[tilespmem:s1], [sflag:$0x2] =	stream.linear.gather [hbm4b:s19+s1], $0xC8, $0x38;
	[tilespmem:$0x1A90] =	vst v63  }
0xbc: {  	_ =	swait.ge [sflag:s8], $0xC8  }
0xbd: {  	[sflag:s8] =	ssyncset.done $0x0  }
0xbe: {  	s28 =	sadd.s32 $0x88B8, s20;
	[sflag:s8] =	ssyncadd.s32 $0xFFFFFF38  }
0xbf: {  	[tilespmem:s9], [sflag:$0x2] =	stream.linear.gather [hbm4b:s28+s1], $0xC8, $0x38;
	[tilespmem:$0x1A90] =	vst v63  }
0xc0: {  	_ =	swait.ge [sflag:s8], $0xC8  }
0xc1: {  	[sflag:s8] =	ssyncset.done $0x0  }
0xc2: {  	[sflag:s8] =	ssyncadd.s32 $0xFFFFFF38  }
0xc3: {  	[tilespmem:s10], [sflag:$0x1] =	stream.indirect.gather [hbm4b:s3+s9], $0x10, s1, s9, $0xb8;
	[tilespmem:$0x1A90] =	vst v63  }
0xc4: {  	_ =	swait.ge [sflag:s11], $0xC80  }
0xc5: {  	[sflag:s11] =	ssyncset.done $0x0  }
0xc6: {  	[sflag:s11] =	ssyncadd.s32 $0xFFFFF380  }
0xc7: {  	[tilespmem:s12], [sflag:$0x1] =	stream.indirect.gather [hbm4b:s3+s9], $0x10, s9, s9, $0xb8;
	[tilespmem:$0x1A90] =	vst v63  }
0xc8: {  	_ =	swait.ge [sflag:s11], $0xC80  }
0xc9: {  	[sflag:s11] =	ssyncset.done $0x0  }
0xca: {  	s29 =	sadd.s32 $0xE, s21;
	[sflag:s11] =	ssyncadd.s32 $0xFFFFF380  }
0xcb: {  	[hbm4b:s29+s13] =	stream.strided.scatter [tilespmem:s10], [sflag:$0x2], $0xC80, s14, s13, $0x38;
	[tilespmem:$0x1A90] =	vst v63  }
0xcc: {  	_ =	swait.ge [sflag:s8], $0xC80  }
0xcd: {  	[sflag:s8] =	ssyncset.done $0x0  }
0xce: {  	s30 =	sadd.s32 $0xE, s22;
	[sflag:s8] =	ssyncadd.s32 $0xFFFFF380  }
0xcf: {  	[hbm4b:s30+s13] =	stream.strided.scatter [tilespmem:s12], [sflag:$0x2], $0xC80, s14, s13, $0x38;
	[tilespmem:$0x1A90] =	vst v63  }
0xd0: {  	_ =	swait.ge [sflag:s8], $0xC80  }
0xd1: {  	s18 =	sadd.s32 $0xC80, s18;
	s31 =	rddreg [dreg:$0x4]  }
0xd2: {  	p0 =	sne.s32 s31, s18  }
.Ltmp0:
0xd3: {  	_ = 	snop;
	(pc) =	sbr.rel @p0 .LBB2_2-.Ltmp0, $3  }
0xd4: {  	_ =	sdelay $0x1  }
0xd5: {  	[sflag:s8] =	ssyncset.done $0x0  }
0xd6: {  	s17 =	sadd.s32 $0x19, s17;
	s16 =	sadd.s32 $0x19, s16;
	[sflag:s8] =	ssyncadd.s32 $0xFFFFF380  }
0xd7: {  	s15 =	sadd.s32 $0x1, s15  }
0xd8: {  	p0 =	sne.s32 s15, s6  }
.Ltmp1:
0xd9: {  	_ = 	snop;
	(pc) =	sbr.rel @p0 .LBB2_1-.Ltmp1, $1  }
0xda: {  	_ =	sdelay $0x3  }
0xdb: {  	_ =	sfence.sel $0x180000  }
0xdc: {  	[bflag:$0x0] =	sbarrier.arrive $0xFFFF  }
0xdd: {  	p0 =	sne.s32 s2, $0x0;
	_ =	strace $0x90000047  }
0xde: {  	s0 =	sadd.s32 @!p0 $0x100000, s0;
	[bflag:$0x2] =	sbarrier.arrive $0xFFFF  }
0xdf: {  	[sflag:s0] =	ssyncadd.tile.s32 @!p0 $0x1;
	_ =	shalt  }
.Lfunc_end2:
_tile_overlayer_lowered:
.L_overlay_start_2:
0xe0: {  	(tag) =	ssettag $0x2  }
0xe1: {  	s0 =	rddreg [dreg:$0x0];
	s2 =	stileid.u32  }
0xe2: {  	s1 =	rddreg [dreg:$0x1];
	p0 =	sne.s32 s2, $0x0  }
0xe3: {  	s3 =	rddreg [dreg:$0x2];
	[bflag:$0x3] =	sbarrier.arrive $0xFFFF;
	s2 =	simm.s32 @!p0 $0x1C02  }
0xe4: {  	[timem:s3], [sflag:s2] =	dma.local @!p0 [hbm:s0], s1  }
0xe5: {  	s0 =	simm.s32 @!p0 $0x2  }
0xe6: {  	_ =	swait.ge @!p0 [sflag:s0], s1  }
0xe7: {  	s1 =	ssub.s32 @!p0 $0x0, s1;
	[sflag:s0] =	ssyncset.done @!p0 $0x0  }
0xe8: {  	[sflag:s0] =	ssyncadd.s32 @!p0 s1  }
0xe9: {  	[bflag:$0x3] =	sbarrier.arrive $0xFFFF  }
0xea: {  	_ =	shalt  }

// kernel: kernel.13.cloned.1.call-start
scs
__scs_entry_jumppad:
0x0: {  	(pc) =	sbr.rel $0x88, $3  }
0x1: {  	(tag) =	ssettag $0x0;
	lr =	simm.s32 $0x1  }
0x2: {  	[smem:$0x3F97] =	sst lr;
	_ =	strace $0xD0000000  }
0x3: {  	_ = 	snop  }
0x4: {  	_ = 	snop  }
0x5: {  	_ = 	snop  }
0x6: {  	_ = 	snop  }
0x7: {  	_ = 	snop  }
__scs_overlays_trampoline_lowered:
0x8: {  	[smem:$0x3FA6] =	sst s0  }
0x9: {  	[smem:$0x3FA7] =	sst s1  }
0xa: {  	[smem:$0x3FA8] =	sst s2  }
0xb: {  	[smem:$0x3FA9] =	sst s3  }
0xc: {  	[smem:$0x3FAA] =	sst s4  }
0xd: {  	[smem:$0x3FAB] =	sst s5  }
0xe: {  	[smem:$0x3FAC] =	sst s6  }
0xf: {  	[smem:$0x3FAD] =	sst s7  }
0x10: {  	[smem:$0x3FAE] =	sst s8  }
0x11: {  	[smem:$0x3FAF] =	sst s9;
	s0 =	simm.s32 @!p0 $0x0  }
0x12: {  	s1 =	sld [smem:$0x3F95];
	s0 =	simm.s32 @p0 $0x1  }
0x13: {  	[smem:$0x3FB0] =	sst s0;
	s0 =	simm.s32 @!p1 $0x0  }
0x14: {  	s2 =	sld [smem:$0x3F94];
	s0 =	simm.s32 @p1 $0x1  }
0x15: {  	[smem:$0x3FB1] =	sst s0;
	s0 =	simm.s32 @!p2 $0x0  }
0x16: {  	s3 =	sld [smem:$0x3FDB];
	s0 =	simm.s32 @p2 $0x1  }
0x17: {  	s4 =	simm.s32 $0x1BF5;
	[smem:$0x3FB3] =	sst s0  }
0x18: {  	s0 =	sld [smem:$0x3F96];
	_ =	swait.ge [sflag:s4], $0x0  }
0x19: {  	s7 =	sld [smem:$0x3F97]  }
0x1a: {  	s8 =	sadd.s32 $0xFFFFE003, lr  }
0x1b: {  	s9 =	sadd.s32 $0xFFFFFEF7, lr;
	s5 =	simm.s32 $0xFFFFFFFF;
	p2 =	slt.u32 s8, $0xFFFFF086  }
0x1c: {  	p1 =	slt.u32 s9, $0xF7A;
	s5 =	simm.s32 @!p2 $0x0  }
0x1d: {  	s5 =	simm.s32 @p1 $0x1;
	p0 =	seq.s32 s7, s2  }
0x1e: {  	s7 =	smul.u32 @!p0 $0xF7A, s2;
	p2 =	seq.s32 @!p0 s5, $0x0  }
0x1f: {  	s9 =	smul.u32 $0xF7A, s1;
	s8 =	simm.s32 @!p0 $0x1BF5;
	p2 =	por !p2, p0  }
0x20: {  	[sflag:s8] =	ssyncset.s32 @!p0 $0xFFFFF086;
	s6 =	sadd.s32 @!p0 s3, s7;
	s7 =	simm.s32 @!p0 $0x108  }
0x21: {  	s3 =	sadd.s32 s3, s9;
	s6 =	sadd.s32 @!p0 $0x88, s6;
	s7 =	simm.s32 @p2 $0x1082  }
0x22: {  	[simem:s7], [sflag:s8] =	dma.local @!p0 [hbm:s6], $0xF7A  }
0x23: {  	s9 =	sor.u32 $0xD0000000, s2;
	s6 =	simm.s32 $0x108;
	_ =	swait.ge @!p0 [sflag:s8], $0x0  }
0x24: {  	s3 =	sadd.s32 $0x88, s3;
	s6 =	simm.s32 @!p1 $0x1082;
	[sflag:s4] =	ssyncset.s32 $0xFFFFF086  }
0x25: {  	[simem:s6], [sflag:s4] =	dma.local [hbm:s3], $0xF7A  }
0x26: {  	[smem:$0x3F97] =	sst s1;
	(tag) =	ssettag s2;
	_ =	strace s9  }
0x27: {  	s1 =	sld [smem:$0x3FA7]  }
0x28: {  	s2 =	sld [smem:$0x3FA8]  }
0x29: {  	s4 =	sld [smem:$0x3FAA]  }
0x2a: {  	p0 =	seq.s32 s5, $0x0;
	s5 =	sld [smem:$0x3FAB]  }
0x2b: {  	s6 =	sld [smem:$0x3FAC]  }
0x2c: {  	s7 =	sld [smem:$0x3FAD]  }
0x2d: {  	s3 =	simm.s32 $0x108;
	s8 =	sld [smem:$0x3FAE]  }
0x2e: {  	s3 =	simm.s32 @!p0 $0x1082;
	s9 =	sld [smem:$0x3FAF]  }
0x2f: {  	lr =	sadd.s32 s0, s3;
	s0 =	sld [smem:$0x3FA6]  }
0x30: {  	s3 =	sld [smem:$0x3FA9]  }
0x31: {  	[smem:$0x3FB2] =	sst s10  }
0x32: {  	s10 =	sld [smem:$0x3FB0];
	_ =	sdelay $0x3  }
0x33: {  	p0 =	seq.s32 s10, $0x1;
	s10 =	sld [smem:$0x3FB2];
	_ =	sdelay $0x3  }
0x34: {  	[smem:$0x3FB2] =	sst s10  }
0x35: {  	s10 =	sld [smem:$0x3FB1];
	_ =	sdelay $0x3  }
0x36: {  	p1 =	seq.s32 s10, $0x1;
	s10 =	sld [smem:$0x3FB2];
	_ =	sdelay $0x3  }
0x37: {  	[smem:$0x3FB2] =	sst s10  }
0x38: {  	s10 =	sld [smem:$0x3FB3]  }
0x39: {  	_ = 	snop;
	(pc) =	sbr.ind lr, $3  }
0x3a: {  	_ = 	snop  }
0x3b: {  	_ = 	snop  }
0x3c: {  	p2 =	seq.s32 s10, $0x1;
	s10 =	sld [smem:$0x3FB2]  }
0x3d: {  	_ =	shalt  }
0x3e: {  	_ =	shalt  }
0x3f: {  	_ =	shalt  }
0x40: {  	_ =	shalt  }
0x41: {  	_ =	shalt  }
0x42: {  	_ =	shalt  }
0x43: {  	_ =	shalt  }
0x44: {  	_ =	shalt  }
0x45: {  	_ =	shalt  }
0x46: {  	_ =	shalt  }
0x47: {  	_ =	shalt  }
0x48: {  	_ =	shalt  }
0x49: {  	_ =	shalt  }
0x4a: {  	_ =	shalt  }
0x4b: {  	_ =	shalt  }
0x4c: {  	_ =	shalt  }
0x4d: {  	_ =	shalt  }
0x4e: {  	_ =	shalt  }
0x4f: {  	_ =	shalt  }
0x50: {  	_ =	shalt  }
0x51: {  	_ =	shalt  }
0x52: {  	_ =	shalt  }
0x53: {  	_ =	shalt  }
0x54: {  	_ =	shalt  }
0x55: {  	_ =	shalt  }
0x56: {  	_ =	shalt  }
0x57: {  	_ =	shalt  }
0x58: {  	_ =	shalt  }
0x59: {  	_ =	shalt  }
0x5a: {  	_ =	shalt  }
0x5b: {  	_ =	shalt  }
0x5c: {  	_ =	shalt  }
0x5d: {  	_ =	shalt  }
0x5e: {  	_ =	shalt  }
0x5f: {  	_ =	shalt  }
0x60: {  	_ =	shalt  }
0x61: {  	_ =	shalt  }
0x62: {  	_ =	shalt  }
0x63: {  	_ =	shalt  }
0x64: {  	_ =	shalt  }
0x65: {  	_ =	shalt  }
0x66: {  	_ =	shalt  }
0x67: {  	_ =	shalt  }
0x68: {  	_ =	shalt  }
0x69: {  	_ =	shalt  }
0x6a: {  	_ =	shalt  }
0x6b: {  	_ =	shalt  }
0x6c: {  	_ =	shalt  }
0x6d: {  	_ =	shalt  }
0x6e: {  	_ =	shalt  }
0x6f: {  	_ =	shalt  }
0x70: {  	_ =	shalt  }
0x71: {  	_ =	shalt  }
0x72: {  	_ =	shalt  }
0x73: {  	_ =	shalt  }
0x74: {  	_ =	shalt  }
0x75: {  	_ =	shalt  }
0x76: {  	_ =	shalt  }
0x77: {  	_ =	shalt  }
0x78: {  	_ =	shalt  }
0x79: {  	_ =	shalt  }
0x7a: {  	_ =	shalt  }
0x7b: {  	_ =	shalt  }
0x7c: {  	_ =	shalt  }
0x7d: {  	_ =	shalt  }
0x7e: {  	_ =	shalt  }
0x7f: {  	_ =	shalt  }
0x80: {  	_ =	shalt  }
0x81: {  	_ =	shalt  }
0x82: {  	_ =	shalt  }
0x83: {  	_ =	shalt  }
0x84: {  	_ =	shalt  }
0x85: {  	_ =	shalt  }
0x86: {  	_ =	shalt  }
0x87: {  	_ =	shalt  }
.Lfunc_end0:
.L_simem_size_0:
called_computation.1_lowered:
.L_overlay_start_0:
0x88: {  	s2 =	sld [smem:$0x3FD9]  }
0x89: {  	s3 =	sld [smem:$0x3FFE];
	_ =	sdelay $0x1  }
0x8a: {  	s1 =	srdreg.scid  }
0x8b: {  	s0 =	sand.u32 $0x1, s1  }
0x8c: {  	s16 =	sshll.u32 s0, $0xA;
	s2 =	sadd.s32 s3, s2  }
0x8d: {  	s2 =	sadd.s32 s2, s16  }
0x8e: {  	[smem:$0x3FBE] =	sst s2  }
0x8f: {  	_ = 	snop  }
0x90: {  	(tm) =	ssettm $0x1  }
0x91: {  	s17 =	sld [smem:$0x3FFB];
	_ =	sdelay $0x3  }
0x92: {  	_ =	strace s17  }
0x93: {  	s2 =	sld [smem:$0x3FFC];
	_ =	sdelay $0x3  }
0x94: {  	_ =	strace s2  }
0x95: {  	s2 =	sld [smem:$0x3FFD];
	_ =	sdelay $0x3  }
0x96: {  	_ =	strace s2  }
0x97: {  	_ =	strace $0x8FFFFFFF  }
0x98: {  	s18 =	sld [smem:$0x3FDB];
	_ =	sdelay $0x1  }
0x99: {  	s19 =	simm.s32 $_scs_section_size  }
0x9a: {  	s4 =	simm.s32 $_size__tile_overlayer_lowered;
	s5 =	simm.s32 $_tile_overlayer_lowered  }
0x9b: {  	s22 =	simm.s32 $0x1BFF;
	s21 =	sshll.u32 s5, $0x1;
	s2 =	sadd.s32 s19, s18  }
0x9c: {  	s6 =	simm.s32 $0x0;
	s20 =	sshll.u32 s4, $0x1;
	s4 =	sadd.s32 s21, s2  }
0x9d: {  	[timem:s6], [sflag:s22] =	dma.local [hbm:s4], s20  }
0x9e: {  	_ =	swait.ge [sflag:s22], s20  }
0x9f: {  	s3 =	ssub.s32 $0x0, s20;
	[sflag:s22] =	ssyncset.done $0x0  }
0xa0: {  	[sflag:s22] =	ssyncadd.s32 s3;
	_ =	sdelay $0x1  }
0xa1: {  	s23 =	simm.s32 $0x1B8B  }
0xa2: {  	_ =	swait.ge [sflag:s23], $0x1  }
0xa3: {  	[sflag:s23] =	ssyncset.done $0x0  }
0xa4: {  	s25 =	simm.s32 $0x1B8E;
	s24 =	sld [smem:$0x3FFE];
	[sflag:s23] =	ssyncadd.s32 $0xFFFFFFFF  }
0xa5: {  	s26 =	simm.s32 $execute0_lowered;
	[smem:$0x3FD2] =	sst s25  }
0xa6: {  	s4 =	sshll.u32 s26, $0x1;
	_ =	strace $0x80000049;
	[dreg:$0x1] =	wrdreg $0xFFFFFFFF  }
0xa7: {  	s28 =	simm.s32 $_size_execute0_lowered;
	s2 =	sadd.s32 s2, s4;
	[dreg:$0x0] =	wrdreg $0x0  }
0xa8: {  	s4 =	sshll.u32 s28, $0x1;
	[dreg:$0x2] =	wrdreg s2  }
0xa9: {  	[dreg:$0x3] =	wrdreg s4  }
0xaa: {  	[dreg:$0x4] =	wrdreg $0xC0  }
0xab: {  	_ =	task [dreg:s6], $0x5FFFF  }
0xac: {  	[dreg:$0x1] =	wrdreg $0xFFFFFFFF  }
0xad: {  	[dreg:$0x0] =	wrdreg $0x60  }
0xae: {  	[dreg:$0x2] =	wrdreg s24  }
0xaf: {  	[dreg:$0x3] =	wrdreg $0x0  }
0xb0: {  	[dreg:$0x4] =	wrdreg $0x9  }
0xb1: {  	_ =	task.clear_ibuf [dreg:s6], $0x5FFFF;
	_ =	strace $0x90000049  }
0xb2: {  	s29 =	simm.s32 $0x9;
	_ =	strace $0x8000004B  }
0xb3: {  	_ =	swait.ge [sflag:s29], $0x1  }
0xb4: {  	[sflag:s29] =	ssyncadd.s32 $0xFFFFFFFF  }
0xb5: {  	_ =	strace $0x9000004B  }
0xb6: {  	_ =	sfence  }
0xb7: {  	s30 =	sld [smem:$0x0];
	_ =	sdelay $0x2  }
0xb8: {  	s31 =	sshll.u32 s1, $0xD;
	s1 =	sshrl.u32 s1, $0x2  }
0xb9: {  	s3 =	sand.u32 $0x4000, s31;
	s1 =	sadd.s32 s1, s30  }
0xba: {  	s0 =	sor.u32 s3, s0;
	s1 =	sshll.u32 s1, $0x11  }
0xbb: {  	s0 =	sor.u32 s1, s0  }
0xbc: {  	s0 =	sadd.s32 $0x8F2B, s0  }
0xbd: {  	[sflag:s0] =	ssyncadd.remote.s32 $0x1  }
0xbe: {  	_ =	sfence.sel $0xFFFF  }
0xbf: {  	[dreg:$0x0] =	wrdreg $0xFFFFFFFF;
	(pc) =	sbr.abs _section_cstart, $3  }
0xc0: {  	[dreg:$0x1] =	wrdreg $0xFFFFFFFF  }
0xc1: {  	_ =	task.clear_ibuf [dreg:s6], $0x2FFFF;
	_ =	strace $0x9FFFFFFF  }
0xc2: {  	(tm) =	ssettm $0x7FFFFFFF  }
0xc3: {  	_ =	shalt  }
tec
execute0_lowered:
.L_overlay_start_1:
0x0: {  	(tag) =	ssettag $0x1  }
0x1: {  	s6 =	rddreg [dreg:$0x0]  }
0x2: {  	s2 =	rddreg [dreg:$0x1]  }
0x3: {  	s0 =	rddreg [dreg:$0x2];
	s3 =	simm.s32 $0x0;
	s1 =	stileid.u32  }
0x4: {  	s4 =	srdreg.scid;
	s15 =	simm.s32 $0x13948;
	s16 =	simm.s32 $0xC8  }
0x5: {  	s17 =	simm.s32 $0x0;
	[smem:$0x7FF] =	sst s3;
	s7 =	smul.u32 $0x13880, s1  }
0x6: {  	s8 =	sand.u32 $0x1, s4;
	s4 =	sadd.s32 $0x6D4600, s6;
	s5 =	sadd.s32 $0x13C00, s6  }
0x7: {  	s13 =	sshll.u32 s1, $0x1;
	s30 =	sshll.u32 s1, $0x6;
	p0 =	sgt.u32 s1, $0x3  }
0x8: {  	_ =	strace $0x8000004A;
	s9 =	smul.u32 $0x138800, s8;
	s11 =	ssub.s32 $0x2, s8  }
0x9: {  	s8 =	sor.u32 s8, s13;
	s13 =	simm.s32 $0x1;
	s10 =	sshrl.u32 s7, $0x3  }
0xa: {  	s12 =	sshrl.u32 s11, $0x1;
	s29 =	sadd.s32 s7, s2;
	s31 =	smul.u32 $0x6, s8  }
0xb: {  	s8 =	smin.u32 s8, $0x8;
	s10 =	sadd.s32 s10, s6;
	s9 =	sadd.s32 s7, s9  }
0xc: {  	s11 =	ssub.s32 s11, s12;
	s7 =	sor.u32 $0x1C01, s30;
	s12 =	sshrl.u32 s29, $0x3  }
0xd: {  	s9 =	sshrl.u32 s9, $0x3;
	s8 =	sadd.s32 s8, s31;
	s11 =	smax.u32 s11, $0x1  }
0xe: {  	s14 =	sadd.s32 s9, s6;
	s6 =	sadd.s32 $0x162600, s10;
	s9 =	simm.s32 $0x30  }
0xf: {  	s9 =	simm.s32 @!p0 $0x38;
	s10 =	sadd.s32 $0x189800, s14;
	s14 =	simm.s32 $0x13880  }
.LBB2_1:
0x10: {  	[spmem:s12], [sflag:s7] =	dma.local [hbm:s6], $0x2710  }
0x11: {  	p1 =	sne.s32 s9, $0x1  }
.Ltmp0:
0x12: {  	_ =	swait.ge [sflag:s13], $0x2710;
	(pc) =	sbr.rel @!p1 .LBB2_4-.Ltmp0, $4  }
0x13: {  	[sflag:s13] =	ssyncset.done $0x0  }
0x14: {  	s20 =	sand.u32 $0x7, s3;
	[sflag:s13] =	ssyncadd.s32 $0xFFFFD8F0  }
0x15: {  	s19 =	simm.s32 $0x1;
	s18 =	smul.u32 $0x4E2000, s20;
	[bflag:$0x0] =	sbarrier.arrive $0xFFFF  }
0x16: {  	s21 =	sadd.s32 $0x0, s8;
	p0 =	por $0x0, $0x0;
	s20 =	smul.u32 $0x9C40, s20  }
0x17: {  	s22 =	smul.u32 $0xC8, s21;
	_ =	sdelay $0x1  }
0x18: {  	s20 =	sadd.s32 s20, s22  }
0x19: {  	s20 =	sshrl.u32 s20, $0x3  }
0x1a: {  	s30 =	smul.u32 $0x6400, s21;
	s31 =	sand.u32 $0x7, s19;
	s20 =	sadd.s32 s5, s20  }
0x1b: {  	[tilespmem:s14], [sflag:$0x1] =	stream.linear.gather [hbm4b:s20+s3], $0xC8, $0x38;
	[tilespmem:$0x19D48] =	vst v63  }
0x1c: {  	p1 =	sne.s32 s9, $0x2;
	s18 =	sadd.s32 s18, s30;
	_ =	swait.ge [sflag:s13], $0xC8  }
.Ltmp1:
0x1d: {  	s18 =	sshrl.u32 s18, $0x3;
	[sflag:s13] =	ssyncset.done $0x0;
	(pc) =	sbr.rel @!p1 .LBB2_4-.Ltmp1, $4  }
0x1e: {  	s19 =	simm.s32 $0x2;
	s18 =	sadd.s32 s4, s18;
	[sflag:s13] =	ssyncadd.s32 $0xFFFFFF38  }
0x1f: {  	[tilespmem:s15], [sflag:$0x1] =	stream.linear.gather [hbm4b:s18+s3], $0x6400, $0x38;
	[tilespmem:$0x19D48] =	vst v63  }
0x20: {  	s21 =	sadd.s32 $0x0, s8;
	s20 =	smul.u32 $0x9C40, s31;
	_ =	swait.ge [sflag:s13], $0x6400  }
0x21: {  	p0 =	por $0x1, $0x1;
	s18 =	smul.u32 $0x4E2000, s31;
	[sflag:s13] =	ssyncset.done $0x0  }
.LBB2_3:
0x22: {  	s22 =	smul.u32 $0xC8, s21  }
0x23: {  	[sflag:s13] =	ssyncadd.s32 $0xFFFF9C00;
	s23 =	smov.u32 s19;
	s19 =	sadd.s32 $0x1, s19  }
0x24: {  	[spmem:s2] =	stream.indirect.scatter.add.f32 [tilespmem:s15], [sflag:$0x1], $0x80, s14, s16, $0xb8;
	[tilespmem:$0x19D48] =	vst v63  }
0x25: {  	s21 =	smul.u32 $0x6400, s21;
	p1 =	sne.s32 s9, s19;
	_ =	swait.ge [sflag:s13], $0x6400  }
0x26: {  	s20 =	sadd.s32 s20, s22;
	[sflag:s13] =	ssyncset.done $0x0  }
0x27: {  	s18 =	sadd.s32 s18, s21;
	s20 =	sshrl.u32 s20, $0x3;
	[sflag:s13] =	ssyncadd.s32 $0xFFFF9C00  }
0x28: {  	s18 =	sshrl.u32 s18, $0x3;
	s20 =	sadd.s32 s5, s20  }
0x29: {  	[tilespmem:s14], [sflag:$0x1] =	stream.linear.gather [hbm4b:s20+s3], $0xC8, $0x38;
	[tilespmem:$0x19D48] =	vst v63  }
0x2a: {  	s18 =	sadd.s32 s4, s18;
	_ =	swait.ge [sflag:s13], $0xC8  }
.Ltmp2:
0x2b: {  	s20 =	sand.u32 $0x7, s23;
	[sflag:s13] =	ssyncset.done $0x0;
	(pc) =	sbr.rel @p1 .LBB2_3-.Ltmp2, $4  }
0x2c: {  	[sflag:s13] =	ssyncadd.s32 $0xFFFFFF38  }
0x2d: {  	[tilespmem:s15], [sflag:$0x1] =	stream.linear.gather [hbm4b:s18+s3], $0x6400, $0x38;
	[tilespmem:$0x19D48] =	vst v63  }
0x2e: {  	s21 =	sshrl.u32 s23, $0x3;
	s18 =	smul.u32 $0x4E2000, s20;
	_ =	swait.ge [sflag:s13], $0x6400  }
0x2f: {  	s21 =	sadd.s32 s21, s8;
	s20 =	smul.u32 $0x9C40, s20;
	[sflag:s13] =	ssyncset.done $0x0  }
.LBB2_4:
0x30: {  	s19 =	smul.u32 $0xC8, s21;
	[sflag:s13] =	ssyncadd.s32 @p0 $0xFFFF9C00  }
0x31: {  	[spmem:s2] =	stream.indirect.scatter.add.f32 @p0 [tilespmem:s15], [sflag:$0x1], $0x80, s14, s16, $0xb8;
	[tilespmem:$0x19D48] =	vst v63  }
0x32: {  	_ =	swait.ge @p0 [sflag:s13], $0x6400;
	s19 =	sadd.s32 s20, s19  }
0x33: {  	[sflag:s13] =	ssyncset.done @p0 $0x0;
	s19 =	sshrl.u32 s19, $0x3  }
0x34: {  	s31 =	smul.u32 $0x6400, s21;
	[sflag:s13] =	ssyncadd.s32 @p0 $0xFFFF9C00;
	s19 =	sadd.s32 s5, s19  }
0x35: {  	[tilespmem:s14], [sflag:$0x1] =	stream.linear.gather [hbm4b:s19+s3], $0xC8, $0x38;
	[tilespmem:$0x19D48] =	vst v63  }
0x36: {  	s18 =	sadd.s32 s18, s31;
	_ =	swait.ge [sflag:s13], $0xC8  }
0x37: {  	s18 =	sshrl.u32 s18, $0x3;
	[sflag:s13] =	ssyncset.done $0x0  }
0x38: {  	s18 =	sadd.s32 s4, s18;
	[sflag:s13] =	ssyncadd.s32 $0xFFFFFF38  }
0x39: {  	[tilespmem:s15], [sflag:$0x1] =	stream.linear.gather [hbm4b:s18+s3], $0x6400, $0x38;
	[tilespmem:$0x19D48] =	vst v63  }
0x3a: {  	_ =	swait.ge [sflag:s13], $0x6400  }
0x3b: {  	[sflag:s13] =	ssyncset.done $0x0  }
0x3c: {  	[sflag:s13] =	ssyncadd.s32 $0xFFFF9C00  }
0x3d: {  	[spmem:s2] =	stream.indirect.scatter.add.f32 [tilespmem:s15], [sflag:$0x1], $0x80, s14, s16, $0xb8;
	[tilespmem:$0x19D48] =	vst v63  }
0x3e: {  	_ =	swait.ge [sflag:s13], $0x6400  }
0x3f: {  	s17 =	sadd.s32 $0x1, s17;
	[sflag:s13] =	ssyncset.done $0x0  }
0x40: {  	p0 =	sne.s32 s17, s11;
	[sflag:s13] =	ssyncadd.s32 $0xFFFF9C00  }
.Ltmp3:
0x41: {  	[bflag:$0x0] =	sbarrier.arrive $0xFFFF;
	(pc) =	sbr.rel @p0 .LBB2_1-.Ltmp3, $4  }
0x42: {  	[hbm:s10], [sflag:s7] =	dma.local [spmem:s12], $0x2710  }
0x43: {  	_ =	swait.ge [sflag:s13], $0x2710  }
0x44: {  	[sflag:s13] =	ssyncset.done $0x0  }
0x45: {  	[sflag:s13] =	ssyncadd.s32 $0xFFFFD8F0  }
0x46: {  	_ =	sfence.sel $0x180000  }
0x47: {  	[bflag:$0x0] =	sbarrier.arrive $0xFFFF  }
0x48: {  	p0 =	sne.s32 s1, $0x0;
	_ =	strace $0x9000004A  }
0x49: {  	s0 =	sadd.s32 @!p0 $0x100000, s0;
	[bflag:$0x2] =	sbarrier.arrive $0xFFFF  }
0x4a: {  	[sflag:s0] =	ssyncadd.tile.s32 @!p0 $0x1;
	_ =	shalt  }
.Lfunc_end2:
_tile_overlayer_lowered:
.L_overlay_start_2:
0x4b: {  	(tag) =	ssettag $0x2  }
0x4c: {  	s0 =	rddreg [dreg:$0x0];
	s2 =	stileid.u32  }
0x4d: {  	s1 =	rddreg [dreg:$0x1];
	p0 =	sne.s32 s2, $0x0  }
0x4e: {  	s3 =	rddreg [dreg:$0x2];
	[bflag:$0x3] =	sbarrier.arrive $0xFFFF;
	s2 =	simm.s32 @!p0 $0x1C01  }
0x4f: {  	[timem:s3], [sflag:s2] =	dma.local @!p0 [hbm:s0], s1  }
0x50: {  	s0 =	simm.s32 @!p0 $0x1  }
0x51: {  	_ =	swait.ge @!p0 [sflag:s0], s1  }
0x52: {  	s1 =	ssub.s32 @!p0 $0x0, s1;
	[sflag:s0] =	ssyncset.done @!p0 $0x0  }
0x53: {  	[sflag:s0] =	ssyncadd.s32 @!p0 s1  }
0x54: {  	[bflag:$0x3] =	sbarrier.arrive $0xFFFF  }
0x55: {  	_ =	shalt  }

// kernel: kernel.16.cloned.1.call-start
scs
__scs_entry_jumppad:
0x0: {  	(pc) =	sbr.rel $0x88, $3  }
0x1: {  	(tag) =	ssettag $0x0;
	lr =	simm.s32 $0x1  }
0x2: {  	[smem:$0x3F97] =	sst lr;
	_ =	strace $0xD0000000  }
0x3: {  	_ = 	snop  }
0x4: {  	_ = 	snop  }
0x5: {  	_ = 	snop  }
0x6: {  	_ = 	snop  }
0x7: {  	_ = 	snop  }
__scs_overlays_trampoline_lowered:
0x8: {  	[smem:$0x3FA6] =	sst s0  }
0x9: {  	[smem:$0x3FA7] =	sst s1  }
0xa: {  	[smem:$0x3FA8] =	sst s2  }
0xb: {  	[smem:$0x3FA9] =	sst s3  }
0xc: {  	[smem:$0x3FAA] =	sst s4  }
0xd: {  	[smem:$0x3FAB] =	sst s5  }
0xe: {  	[smem:$0x3FAC] =	sst s6  }
0xf: {  	[smem:$0x3FAD] =	sst s7  }
0x10: {  	[smem:$0x3FAE] =	sst s8  }
0x11: {  	[smem:$0x3FAF] =	sst s9;
	s0 =	simm.s32 @!p0 $0x0  }
0x12: {  	s1 =	sld [smem:$0x3F95];
	s0 =	simm.s32 @p0 $0x1  }
0x13: {  	[smem:$0x3FB0] =	sst s0;
	s0 =	simm.s32 @!p1 $0x0  }
0x14: {  	s2 =	sld [smem:$0x3F94];
	s0 =	simm.s32 @p1 $0x1  }
0x15: {  	[smem:$0x3FB1] =	sst s0;
	s0 =	simm.s32 @!p2 $0x0  }
0x16: {  	s3 =	sld [smem:$0x3FDB];
	s0 =	simm.s32 @p2 $0x1  }
0x17: {  	s4 =	simm.s32 $0x1BF5;
	[smem:$0x3FB3] =	sst s0  }
0x18: {  	s0 =	sld [smem:$0x3F96];
	_ =	swait.ge [sflag:s4], $0x0  }
0x19: {  	s7 =	sld [smem:$0x3F97]  }
0x1a: {  	s8 =	sadd.s32 $0xFFFFE003, lr  }
0x1b: {  	s9 =	sadd.s32 $0xFFFFFEF7, lr;
	s5 =	simm.s32 $0xFFFFFFFF;
	p2 =	slt.u32 s8, $0xFFFFF086  }
0x1c: {  	p1 =	slt.u32 s9, $0xF7A;
	s5 =	simm.s32 @!p2 $0x0  }
0x1d: {  	s5 =	simm.s32 @p1 $0x1;
	p0 =	seq.s32 s7, s2  }
0x1e: {  	s7 =	smul.u32 @!p0 $0xF7A, s2;
	p2 =	seq.s32 @!p0 s5, $0x0  }
0x1f: {  	s9 =	smul.u32 $0xF7A, s1;
	s8 =	simm.s32 @!p0 $0x1BF5;
	p2 =	por !p2, p0  }
0x20: {  	[sflag:s8] =	ssyncset.s32 @!p0 $0xFFFFF086;
	s6 =	sadd.s32 @!p0 s3, s7;
	s7 =	simm.s32 @!p0 $0x108  }
0x21: {  	s3 =	sadd.s32 s3, s9;
	s6 =	sadd.s32 @!p0 $0x88, s6;
	s7 =	simm.s32 @p2 $0x1082  }
0x22: {  	[simem:s7], [sflag:s8] =	dma.local @!p0 [hbm:s6], $0xF7A  }
0x23: {  	s9 =	sor.u32 $0xD0000000, s2;
	s6 =	simm.s32 $0x108;
	_ =	swait.ge @!p0 [sflag:s8], $0x0  }
0x24: {  	s3 =	sadd.s32 $0x88, s3;
	s6 =	simm.s32 @!p1 $0x1082;
	[sflag:s4] =	ssyncset.s32 $0xFFFFF086  }
0x25: {  	[simem:s6], [sflag:s4] =	dma.local [hbm:s3], $0xF7A  }
0x26: {  	[smem:$0x3F97] =	sst s1;
	(tag) =	ssettag s2;
	_ =	strace s9  }
0x27: {  	s1 =	sld [smem:$0x3FA7]  }
0x28: {  	s2 =	sld [smem:$0x3FA8]  }
0x29: {  	s4 =	sld [smem:$0x3FAA]  }
0x2a: {  	p0 =	seq.s32 s5, $0x0;
	s5 =	sld [smem:$0x3FAB]  }
0x2b: {  	s6 =	sld [smem:$0x3FAC]  }
0x2c: {  	s7 =	sld [smem:$0x3FAD]  }
0x2d: {  	s3 =	simm.s32 $0x108;
	s8 =	sld [smem:$0x3FAE]  }
0x2e: {  	s3 =	simm.s32 @!p0 $0x1082;
	s9 =	sld [smem:$0x3FAF]  }
0x2f: {  	lr =	sadd.s32 s0, s3;
	s0 =	sld [smem:$0x3FA6]  }
0x30: {  	s3 =	sld [smem:$0x3FA9]  }
0x31: {  	[smem:$0x3FB2] =	sst s10  }
0x32: {  	s10 =	sld [smem:$0x3FB0];
	_ =	sdelay $0x3  }
0x33: {  	p0 =	seq.s32 s10, $0x1;
	s10 =	sld [smem:$0x3FB2];
	_ =	sdelay $0x3  }
0x34: {  	[smem:$0x3FB2] =	sst s10  }
0x35: {  	s10 =	sld [smem:$0x3FB1];
	_ =	sdelay $0x3  }
0x36: {  	p1 =	seq.s32 s10, $0x1;
	s10 =	sld [smem:$0x3FB2];
	_ =	sdelay $0x3  }
0x37: {  	[smem:$0x3FB2] =	sst s10  }
0x38: {  	s10 =	sld [smem:$0x3FB3]  }
0x39: {  	_ = 	snop;
	(pc) =	sbr.ind lr, $3  }
0x3a: {  	_ = 	snop  }
0x3b: {  	_ = 	snop  }
0x3c: {  	p2 =	seq.s32 s10, $0x1;
	s10 =	sld [smem:$0x3FB2]  }
0x3d: {  	_ =	shalt  }
0x3e: {  	_ =	shalt  }
0x3f: {  	_ =	shalt  }
0x40: {  	_ =	shalt  }
0x41: {  	_ =	shalt  }
0x42: {  	_ =	shalt  }
0x43: {  	_ =	shalt  }
0x44: {  	_ =	shalt  }
0x45: {  	_ =	shalt  }
0x46: {  	_ =	shalt  }
0x47: {  	_ =	shalt  }
0x48: {  	_ =	shalt  }
0x49: {  	_ =	shalt  }
0x4a: {  	_ =	shalt  }
0x4b: {  	_ =	shalt  }
0x4c: {  	_ =	shalt  }
0x4d: {  	_ =	shalt  }
0x4e: {  	_ =	shalt  }
0x4f: {  	_ =	shalt  }
0x50: {  	_ =	shalt  }
0x51: {  	_ =	shalt  }
0x52: {  	_ =	shalt  }
0x53: {  	_ =	shalt  }
0x54: {  	_ =	shalt  }
0x55: {  	_ =	shalt  }
0x56: {  	_ =	shalt  }
0x57: {  	_ =	shalt  }
0x58: {  	_ =	shalt  }
0x59: {  	_ =	shalt  }
0x5a: {  	_ =	shalt  }
0x5b: {  	_ =	shalt  }
0x5c: {  	_ =	shalt  }
0x5d: {  	_ =	shalt  }
0x5e: {  	_ =	shalt  }
0x5f: {  	_ =	shalt  }
0x60: {  	_ =	shalt  }
0x61: {  	_ =	shalt  }
0x62: {  	_ =	shalt  }
0x63: {  	_ =	shalt  }
0x64: {  	_ =	shalt  }
0x65: {  	_ =	shalt  }
0x66: {  	_ =	shalt  }
0x67: {  	_ =	shalt  }
0x68: {  	_ =	shalt  }
0x69: {  	_ =	shalt  }
0x6a: {  	_ =	shalt  }
0x6b: {  	_ =	shalt  }
0x6c: {  	_ =	shalt  }
0x6d: {  	_ =	shalt  }
0x6e: {  	_ =	shalt  }
0x6f: {  	_ =	shalt  }
0x70: {  	_ =	shalt  }
0x71: {  	_ =	shalt  }
0x72: {  	_ =	shalt  }
0x73: {  	_ =	shalt  }
0x74: {  	_ =	shalt  }
0x75: {  	_ =	shalt  }
0x76: {  	_ =	shalt  }
0x77: {  	_ =	shalt  }
0x78: {  	_ =	shalt  }
0x79: {  	_ =	shalt  }
0x7a: {  	_ =	shalt  }
0x7b: {  	_ =	shalt  }
0x7c: {  	_ =	shalt  }
0x7d: {  	_ =	shalt  }
0x7e: {  	_ =	shalt  }
0x7f: {  	_ =	shalt  }
0x80: {  	_ =	shalt  }
0x81: {  	_ =	shalt  }
0x82: {  	_ =	shalt  }
0x83: {  	_ =	shalt  }
0x84: {  	_ =	shalt  }
0x85: {  	_ =	shalt  }
0x86: {  	_ =	shalt  }
0x87: {  	_ =	shalt  }
.Lfunc_end0:
.L_simem_size_0:
called_computation.2_lowered:
.L_overlay_start_0:
0x88: {  	s2 =	sld [smem:$0x3FD9]  }
0x89: {  	s3 =	sld [smem:$0x3FFE];
	_ =	sdelay $0x1  }
0x8a: {  	s1 =	srdreg.scid  }
0x8b: {  	s0 =	sand.u32 $0x1, s1  }
0x8c: {  	s16 =	sshll.u32 s0, $0xA;
	s2 =	sadd.s32 s3, s2  }
0x8d: {  	s2 =	sadd.s32 s2, s16  }
0x8e: {  	[smem:$0x3FBE] =	sst s2  }
0x8f: {  	_ = 	snop  }
0x90: {  	(tm) =	ssettm $0x1  }
0x91: {  	s17 =	sld [smem:$0x3FFB];
	_ =	sdelay $0x3  }
0x92: {  	_ =	strace s17  }
0x93: {  	s2 =	sld [smem:$0x3FFC];
	_ =	sdelay $0x3  }
0x94: {  	_ =	strace s2  }
0x95: {  	s2 =	sld [smem:$0x3FFD];
	_ =	sdelay $0x3  }
0x96: {  	_ =	strace s2  }
0x97: {  	_ =	strace $0x8FFFFFFF  }
0x98: {  	s18 =	sld [smem:$0x3FDB];
	_ =	sdelay $0x1  }
0x99: {  	s19 =	simm.s32 $_scs_section_size  }
0x9a: {  	s4 =	simm.s32 $_size__tile_overlayer_lowered;
	s5 =	simm.s32 $_tile_overlayer_lowered  }
0x9b: {  	s22 =	simm.s32 $0x1BFF;
	s21 =	sshll.u32 s5, $0x1;
	s2 =	sadd.s32 s19, s18  }
0x9c: {  	s6 =	simm.s32 $0x0;
	s20 =	sshll.u32 s4, $0x1;
	s4 =	sadd.s32 s21, s2  }
0x9d: {  	[timem:s6], [sflag:s22] =	dma.local [hbm:s4], s20  }
0x9e: {  	_ =	swait.ge [sflag:s22], s20  }
0x9f: {  	s3 =	ssub.s32 $0x0, s20;
	[sflag:s22] =	ssyncset.done $0x0  }
0xa0: {  	[sflag:s22] =	ssyncadd.s32 s3;
	_ =	sdelay $0x1  }
0xa1: {  	s23 =	simm.s32 $0x1B8B  }
0xa2: {  	_ =	swait.ge [sflag:s23], $0x1  }
0xa3: {  	[sflag:s23] =	ssyncset.done $0x0  }
0xa4: {  	s25 =	simm.s32 $0x1B8E;
	s24 =	sld [smem:$0x3FFE];
	[sflag:s23] =	ssyncadd.s32 $0xFFFFFFFF  }
0xa5: {  	s26 =	simm.s32 $execute0_lowered;
	[smem:$0x3FD2] =	sst s25  }
0xa6: {  	s4 =	sshll.u32 s26, $0x1;
	_ =	strace $0x8000004C;
	[dreg:$0x1] =	wrdreg $0xFFFFFFFF  }
0xa7: {  	s28 =	simm.s32 $_size_execute0_lowered;
	s2 =	sadd.s32 s2, s4;
	[dreg:$0x0] =	wrdreg $0x0  }
0xa8: {  	s4 =	sshll.u32 s28, $0x1;
	[dreg:$0x2] =	wrdreg s2  }
0xa9: {  	[dreg:$0x3] =	wrdreg s4  }
0xaa: {  	[dreg:$0x4] =	wrdreg $0xC0  }
0xab: {  	_ =	task [dreg:s6], $0x5FFFF  }
0xac: {  	[dreg:$0x1] =	wrdreg $0xFFFFFFFF  }
0xad: {  	[dreg:$0x0] =	wrdreg $0x60  }
0xae: {  	[dreg:$0x2] =	wrdreg s24  }
0xaf: {  	[dreg:$0x3] =	wrdreg $0x9  }
0xb0: {  	_ =	task.clear_ibuf [dreg:s6], $0x4FFFF;
	_ =	strace $0x9000004C  }
0xb1: {  	s29 =	simm.s32 $0x9;
	_ =	strace $0x8000004E  }
0xb2: {  	_ =	swait.ge [sflag:s29], $0x1  }
0xb3: {  	[sflag:s29] =	ssyncadd.s32 $0xFFFFFFFF  }
0xb4: {  	_ =	strace $0x9000004E  }
0xb5: {  	_ =	sfence  }
0xb6: {  	s30 =	sld [smem:$0x0];
	_ =	sdelay $0x2  }
0xb7: {  	s31 =	sshll.u32 s1, $0xD;
	s1 =	sshrl.u32 s1, $0x2  }
0xb8: {  	s3 =	sand.u32 $0x4000, s31;
	s1 =	sadd.s32 s1, s30  }
0xb9: {  	s0 =	sor.u32 s3, s0;
	s1 =	sshll.u32 s1, $0x11  }
0xba: {  	s0 =	sor.u32 s1, s0  }
0xbb: {  	s0 =	sadd.s32 $0x8F2B, s0  }
0xbc: {  	[sflag:s0] =	ssyncadd.remote.s32 $0x1  }
0xbd: {  	_ =	sfence.sel $0xFFFF  }
0xbe: {  	[dreg:$0x0] =	wrdreg $0xFFFFFFFF;
	(pc) =	sbr.abs _section_cstart, $3  }
0xbf: {  	[dreg:$0x1] =	wrdreg $0xFFFFFFFF  }
0xc0: {  	_ =	task.clear_ibuf [dreg:s6], $0x2FFFF;
	_ =	strace $0x9FFFFFFF  }
0xc1: {  	(tm) =	ssettm $0x7FFFFFFF  }
tec
execute0_lowered:
.L_overlay_start_1:
0x0: {  	(tag) =	ssettag $0x1  }
0x1: {  	s5 =	rddreg [dreg:$0x0]  }
0x2: {  	s0 =	rddreg [dreg:$0x1];
	s2 =	simm.s32 $0x0  }
0x3: {  	s3 =	srdreg.scid;
	s1 =	stileid.u32;
	s10 =	simm.s32 $0xC8  }
0x4: {  	s11 =	simm.s32 $0x1;
	s12 =	simm.s32 $0x0;
	[smem:$0x7FF] =	sst s2  }
0x5: {  	s4 =	sand.u32 $0x1, s3;
	s6 =	sshll.u32 s1, $0x1;
	s3 =	sadd.s32 $0x162600, s5  }
0x6: {  	p0 =	sgt.u32 s1, $0x3;
	_ =	strace $0x8000004D;
	s6 =	sor.u32 s4, s6  }
0x7: {  	s7 =	ssub.s32 $0x2, s4;
	s4 =	sadd.s32 $0x13C00, s5;
	s9 =	smul.u32 $0x6, s6  }
0x8: {  	s5 =	sadd.s32 $0x6D4600, s5;
	s8 =	sshrl.u32 s7, $0x1;
	s6 =	smin.u32 s6, $0x8  }
0x9: {  	s8 =	ssub.s32 s7, s8;
	s7 =	simm.s32 $0x30;
	s6 =	sadd.s32 s6, s9  }
0xa: {  	s7 =	simm.s32 @!p0 $0x38;
	s8 =	smax.u32 s8, $0x1;
	s9 =	simm.s32 $0x2  }
.LBB2_1:
0xb: {  	p1 =	sne.s32 s7, $0x1  }
.Ltmp0:
0xc: {  	_ = 	snop;
	(pc) =	sbr.rel @!p1 .LBB2_2-.Ltmp0, $4  }
0xd: {  	s15 =	sadd.s32 $0x0, s6  }
0xe: {  	s14 =	sand.u32 $0x7, s2;
	s13 =	smul.u32 $0x6400, s15  }
0xf: {  	s17 =	smul.u32 $0x9C40, s14  }
0x10: {  	s18 =	simm.s32 $0x1;
	p0 =	por $0x0, $0x0;
	s16 =	smul.u32 $0x4E2000, s14  }
0x11: {  	s14 =	smul.u32 $0xC8, s15;
	_ =	sdelay $0x1  }
0x12: {  	s14 =	sadd.s32 s17, s14  }
0x13: {  	s14 =	sshrl.u32 s14, $0x3  }
0x14: {  	s14 =	sadd.s32 s4, s14  }
0x15: {  	[tilespmem:s2], [sflag:$0x2] =	stream.linear.gather [hbm4b:s14+s2], $0xC8, $0x38;
	[tilespmem:$0x64C8] =	vst v63  }
0x16: {  	s15 =	sadd.s32 $0x0, s6;
	p1 =	sne.s32 s7, $0x2;
	_ =	swait.ge [sflag:s9], $0xC8  }
0x17: {  	s16 =	sadd.s32 s16, s13;
	s13 =	smul.u32 $0x6400, s15;
	[sflag:s9] =	ssyncset.done $0x0  }
.Ltmp1:
0x18: {  	s18 =	sand.u32 $0x7, s18;
	[sflag:s9] =	ssyncadd.s32 $0xFFFFFF38;
	(pc) =	sbr.rel @!p1 .LBB2_5-.Ltmp1, $4  }
0x19: {  	[tilespmem:s10], [sflag:$0x1] =	stream.indirect.gather [hbm4b:s3+s10], $0x80, s2, s10, $0xb8;
	[tilespmem:$0x64C8] =	vst v63  }
0x1a: {  	p0 =	por $0x1, $0x1;
	s17 =	smul.u32 $0x9C40, s18;
	_ =	swait.ge [sflag:s11], $0x6400  }
0x1b: {  	s19 =	sshrl.u32 s16, $0x3;
	s16 =	smul.u32 $0x4E2000, s18;
	[sflag:s11] =	ssyncset.done $0x0  }
0x1c: {  	s18 =	sadd.s32 s5, s19;
	s14 =	simm.s32 $0x2;
	[sflag:s11] =	ssyncadd.s32 $0xFFFF9C00  }
.LBB2_4:
0x1d: {  	s15 =	smul.u32 $0xC8, s15;
	s19 =	smov.u32 s14;
	s14 =	sadd.s32 $0x1, s14  }
0x1e: {  	[hbm4b:s18+s2] =	stream.linear.scatter [tilespmem:s10], [sflag:$0x2], $0x6400, $0x38;
	[tilespmem:$0x64C8] =	vst v63  }
0x1f: {  	s13 =	sadd.s32 s16, s13;
	s15 =	sadd.s32 s17, s15;
	_ =	swait.ge [sflag:s9], $0x6400  }
0x20: {  	s18 =	sshrl.u32 s13, $0x3;
	s15 =	sshrl.u32 s15, $0x3;
	[sflag:s9] =	ssyncset.done $0x0  }
0x21: {  	p1 =	sne.s32 s7, s14;
	s13 =	sadd.s32 s4, s15;
	[sflag:s9] =	ssyncadd.s32 $0xFFFF9C00  }
0x22: {  	[tilespmem:s2], [sflag:$0x2] =	stream.linear.gather [hbm4b:s13+s2], $0xC8, $0x38;
	[tilespmem:$0x64C8] =	vst v63  }
0x23: {  	_ =	swait.ge [sflag:s9], $0xC8  }
0x24: {  	s13 =	sshrl.u32 s19, $0x3;
	[sflag:s9] =	ssyncset.done $0x0  }
.Ltmp2:
0x25: {  	s15 =	sadd.s32 s13, s6;
	[sflag:s9] =	ssyncadd.s32 $0xFFFFFF38;
	(pc) =	sbr.rel @p1 .LBB2_4-.Ltmp2, $4  }
0x26: {  	[tilespmem:s10], [sflag:$0x1] =	stream.indirect.gather [hbm4b:s3+s10], $0x80, s2, s10, $0xb8;
	[tilespmem:$0x64C8] =	vst v63  }
0x27: {  	s16 =	sand.u32 $0x7, s19;
	s13 =	smul.u32 $0x6400, s15;
	_ =	swait.ge [sflag:s11], $0x6400  }
0x28: {  	s17 =	smul.u32 $0x9C40, s16;
	[sflag:s11] =	ssyncset.done $0x0  }
0x29: {  	s16 =	smul.u32 $0x4E2000, s16;
	s18 =	sadd.s32 s5, s18;
	[sflag:s11] =	ssyncadd.s32 $0xFFFF9C00  }
.LBB2_5:
0x2a: {  	s14 =	smul.u32 $0xC8, s15  }
0x2b: {  	[hbm4b:s18+s2] =	stream.linear.scatter @p0 [tilespmem:s10], [sflag:$0x2], $0x6400, $0x38;
	[tilespmem:$0x64C8] =	vst v63  }
0x2c: {  	_ =	swait.ge @p0 [sflag:s9], $0x6400;
	s14 =	sadd.s32 s17, s14  }
0x2d: {  	[sflag:s9] =	ssyncset.done @p0 $0x0;
	s14 =	sshrl.u32 s14, $0x3  }
0x2e: {  	[sflag:s9] =	ssyncadd.s32 @p0 $0xFFFF9C00;
	s14 =	sadd.s32 s4, s14  }
0x2f: {  	[tilespmem:s2], [sflag:$0x2] =	stream.linear.gather [hbm4b:s14+s2], $0xC8, $0x38;
	[tilespmem:$0x64C8] =	vst v63  }
0x30: {  	_ =	swait.ge [sflag:s9], $0xC8  }
0x31: {  	[sflag:s9] =	ssyncset.done $0x0  }
0x32: {  	[sflag:s9] =	ssyncadd.s32 $0xFFFFFF38  }
0x33: {  	[tilespmem:s10], [sflag:$0x1] =	stream.indirect.gather [hbm4b:s3+s10], $0x80, s2, s10, $0xb8;
	[tilespmem:$0x64C8] =	vst v63  }
0x34: {  	s13 =	sadd.s32 s16, s13;
	_ =	swait.ge [sflag:s11], $0x6400  }
0x35: {  	s12 =	sadd.s32 $0x1, s12;
	s13 =	sshrl.u32 s13, $0x3;
	[sflag:s11] =	ssyncset.done $0x0  }
0x36: {  	s13 =	sadd.s32 s5, s13;
	p0 =	sne.s32 s12, s8;
	[sflag:s11] =	ssyncadd.s32 $0xFFFF9C00  }
0x37: {  	[hbm4b:s13+s2] =	stream.linear.scatter [tilespmem:s10], [sflag:$0x2], $0x6400, $0x38;
	[tilespmem:$0x64C8] =	vst v63  }
.Ltmp3:
0x38: {  	_ = 	snop;
	(pc) =	sbr.rel @p0 .LBB2_1-.Ltmp3, $4  }
.Ltmp4:
0x39: {  	_ = 	snop;
	(pc) =	sbr.rel @!p0 .LBB2_6-.Ltmp4, $4  }
0x3a: {  	_ =	swait.ge [sflag:s9], $0x6400  }
0x3b: {  	[sflag:s9] =	ssyncset.done $0x0  }
0x3c: {  	[sflag:s9] =	ssyncadd.s32 $0xFFFF9C00  }
0x3d: {  	_ = 	snop  }
.LBB2_2:
.Ltmp5:
0x3e: {  	(pc) =	sbr.rel .LBB2_5-.Ltmp5, $2  }
0x3f: {  	_ =	sdelay $0x2  }
0x40: {  	_ = 	snop  }
.LBB2_6:
0x41: {  	_ =	sfence.sel $0x180000  }
0x42: {  	[bflag:$0x0] =	sbarrier.arrive $0xFFFF  }
0x43: {  	p0 =	sne.s32 s1, $0x0;
	_ =	strace $0x9000004D  }
0x44: {  	s0 =	sadd.s32 @!p0 $0x100000, s0;
	[bflag:$0x2] =	sbarrier.arrive $0xFFFF  }
0x45: {  	[sflag:s0] =	ssyncadd.tile.s32 @!p0 $0x1;
	_ =	shalt  }
.Lfunc_end2:
_tile_overlayer_lowered:
.L_overlay_start_2:
0x46: {  	(tag) =	ssettag $0x2  }
0x47: {  	s0 =	rddreg [dreg:$0x0];
	s2 =	stileid.u32  }
0x48: {  	s1 =	rddreg [dreg:$0x1];
	p0 =	sne.s32 s2, $0x0  }
0x49: {  	s3 =	rddreg [dreg:$0x2];
	[bflag:$0x3] =	sbarrier.arrive $0xFFFF;
	s2 =	simm.s32 @!p0 $0x1C02  }
0x4a: {  	[timem:s3], [sflag:s2] =	dma.local @!p0 [hbm:s0], s1  }
0x4b: {  	s0 =	simm.s32 @!p0 $0x2  }
0x4c: {  	_ =	swait.ge @!p0 [sflag:s0], s1  }
0x4d: {  	s1 =	ssub.s32 @!p0 $0x0, s1;
	[sflag:s0] =	ssyncset.done @!p0 $0x0  }
0x4e: {  	[sflag:s0] =	ssyncadd.s32 @!p0 s1  }
0x4f: {  	[bflag:$0x3] =	sbarrier.arrive $0xFFFF  }
0x50: {  	_ =	shalt  }

// kernel: kernel.19.cloned.1.call-start
scs
__scs_entry_jumppad:
0x0: {  	(pc) =	sbr.rel $0x88, $3  }
0x1: {  	(tag) =	ssettag $0x0;
	lr =	simm.s32 $0x1  }
0x2: {  	[smem:$0x3F97] =	sst lr;
	_ =	strace $0xD0000000  }
0x3: {  	_ = 	snop  }
0x4: {  	_ = 	snop  }
0x5: {  	_ = 	snop  }
0x6: {  	_ = 	snop  }
0x7: {  	_ = 	snop  }
__scs_overlays_trampoline_lowered:
0x8: {  	[smem:$0x3FA6] =	sst s0  }
0x9: {  	[smem:$0x3FA7] =	sst s1  }
0xa: {  	[smem:$0x3FA8] =	sst s2  }
0xb: {  	[smem:$0x3FA9] =	sst s3  }
0xc: {  	[smem:$0x3FAA] =	sst s4  }
0xd: {  	[smem:$0x3FAB] =	sst s5  }
0xe: {  	[smem:$0x3FAC] =	sst s6  }
0xf: {  	[smem:$0x3FAD] =	sst s7  }
0x10: {  	[smem:$0x3FAE] =	sst s8  }
0x11: {  	[smem:$0x3FAF] =	sst s9;
	s0 =	simm.s32 @!p0 $0x0  }
0x12: {  	s1 =	sld [smem:$0x3F95];
	s0 =	simm.s32 @p0 $0x1  }
0x13: {  	[smem:$0x3FB0] =	sst s0;
	s0 =	simm.s32 @!p1 $0x0  }
0x14: {  	s2 =	sld [smem:$0x3F94];
	s0 =	simm.s32 @p1 $0x1  }
0x15: {  	[smem:$0x3FB1] =	sst s0;
	s0 =	simm.s32 @!p2 $0x0  }
0x16: {  	s3 =	sld [smem:$0x3FDB];
	s0 =	simm.s32 @p2 $0x1  }
0x17: {  	s4 =	simm.s32 $0x1BF5;
	[smem:$0x3FB3] =	sst s0  }
0x18: {  	s0 =	sld [smem:$0x3F96];
	_ =	swait.ge [sflag:s4], $0x0  }
0x19: {  	s7 =	sld [smem:$0x3F97]  }
0x1a: {  	s8 =	sadd.s32 $0xFFFFE003, lr  }
0x1b: {  	s9 =	sadd.s32 $0xFFFFFEF7, lr;
	s5 =	simm.s32 $0xFFFFFFFF;
	p2 =	slt.u32 s8, $0xFFFFF086  }
0x1c: {  	p1 =	slt.u32 s9, $0xF7A;
	s5 =	simm.s32 @!p2 $0x0  }
0x1d: {  	s5 =	simm.s32 @p1 $0x1;
	p0 =	seq.s32 s7, s2  }
0x1e: {  	s7 =	smul.u32 @!p0 $0xF7A, s2;
	p2 =	seq.s32 @!p0 s5, $0x0  }
0x1f: {  	s9 =	smul.u32 $0xF7A, s1;
	s8 =	simm.s32 @!p0 $0x1BF5;
	p2 =	por !p2, p0  }
0x20: {  	[sflag:s8] =	ssyncset.s32 @!p0 $0xFFFFF086;
	s6 =	sadd.s32 @!p0 s3, s7;
	s7 =	simm.s32 @!p0 $0x108  }
0x21: {  	s3 =	sadd.s32 s3, s9;
	s6 =	sadd.s32 @!p0 $0x88, s6;
	s7 =	simm.s32 @p2 $0x1082  }
0x22: {  	[simem:s7], [sflag:s8] =	dma.local @!p0 [hbm:s6], $0xF7A  }
0x23: {  	s9 =	sor.u32 $0xD0000000, s2;
	s6 =	simm.s32 $0x108;
	_ =	swait.ge @!p0 [sflag:s8], $0x0  }
0x24: {  	s3 =	sadd.s32 $0x88, s3;
	s6 =	simm.s32 @!p1 $0x1082;
	[sflag:s4] =	ssyncset.s32 $0xFFFFF086  }
0x25: {  	[simem:s6], [sflag:s4] =	dma.local [hbm:s3], $0xF7A  }
0x26: {  	[smem:$0x3F97] =	sst s1;
	(tag) =	ssettag s2;
	_ =	strace s9  }
0x27: {  	s1 =	sld [smem:$0x3FA7]  }
0x28: {  	s2 =	sld [smem:$0x3FA8]  }
0x29: {  	s4 =	sld [smem:$0x3FAA]  }
0x2a: {  	p0 =	seq.s32 s5, $0x0;
	s5 =	sld [smem:$0x3FAB]  }
0x2b: {  	s6 =	sld [smem:$0x3FAC]  }
0x2c: {  	s7 =	sld [smem:$0x3FAD]  }
0x2d: {  	s3 =	simm.s32 $0x108;
	s8 =	sld [smem:$0x3FAE]  }
0x2e: {  	s3 =	simm.s32 @!p0 $0x1082;
	s9 =	sld [smem:$0x3FAF]  }
0x2f: {  	lr =	sadd.s32 s0, s3;
	s0 =	sld [smem:$0x3FA6]  }
0x30: {  	s3 =	sld [smem:$0x3FA9]  }
0x31: {  	[smem:$0x3FB2] =	sst s10  }
0x32: {  	s10 =	sld [smem:$0x3FB0];
	_ =	sdelay $0x3  }
0x33: {  	p0 =	seq.s32 s10, $0x1;
	s10 =	sld [smem:$0x3FB2];
	_ =	sdelay $0x3  }
0x34: {  	[smem:$0x3FB2] =	sst s10  }
0x35: {  	s10 =	sld [smem:$0x3FB1];
	_ =	sdelay $0x3  }
0x36: {  	p1 =	seq.s32 s10, $0x1;
	s10 =	sld [smem:$0x3FB2];
	_ =	sdelay $0x3  }
0x37: {  	[smem:$0x3FB2] =	sst s10  }
0x38: {  	s10 =	sld [smem:$0x3FB3]  }
0x39: {  	_ = 	snop;
	(pc) =	sbr.ind lr, $3  }
0x3a: {  	_ = 	snop  }
0x3b: {  	_ = 	snop  }
0x3c: {  	p2 =	seq.s32 s10, $0x1;
	s10 =	sld [smem:$0x3FB2]  }
0x3d: {  	_ =	shalt  }
0x3e: {  	_ =	shalt  }
0x3f: {  	_ =	shalt  }
0x40: {  	_ =	shalt  }
0x41: {  	_ =	shalt  }
0x42: {  	_ =	shalt  }
0x43: {  	_ =	shalt  }
0x44: {  	_ =	shalt  }
0x45: {  	_ =	shalt  }
0x46: {  	_ =	shalt  }
0x47: {  	_ =	shalt  }
0x48: {  	_ =	shalt  }
0x49: {  	_ =	shalt  }
0x4a: {  	_ =	shalt  }
0x4b: {  	_ =	shalt  }
0x4c: {  	_ =	shalt  }
0x4d: {  	_ =	shalt  }
0x4e: {  	_ =	shalt  }
0x4f: {  	_ =	shalt  }
0x50: {  	_ =	shalt  }
0x51: {  	_ =	shalt  }
0x52: {  	_ =	shalt  }
0x53: {  	_ =	shalt  }
0x54: {  	_ =	shalt  }
0x55: {  	_ =	shalt  }
0x56: {  	_ =	shalt  }
0x57: {  	_ =	shalt  }
0x58: {  	_ =	shalt  }
0x59: {  	_ =	shalt  }
0x5a: {  	_ =	shalt  }
0x5b: {  	_ =	shalt  }
0x5c: {  	_ =	shalt  }
0x5d: {  	_ =	shalt  }
0x5e: {  	_ =	shalt  }
0x5f: {  	_ =	shalt  }
0x60: {  	_ =	shalt  }
0x61: {  	_ =	shalt  }
0x62: {  	_ =	shalt  }
0x63: {  	_ =	shalt  }
0x64: {  	_ =	shalt  }
0x65: {  	_ =	shalt  }
0x66: {  	_ =	shalt  }
0x67: {  	_ =	shalt  }
0x68: {  	_ =	shalt  }
0x69: {  	_ =	shalt  }
0x6a: {  	_ =	shalt  }
0x6b: {  	_ =	shalt  }
0x6c: {  	_ =	shalt  }
0x6d: {  	_ =	shalt  }
0x6e: {  	_ =	shalt  }
0x6f: {  	_ =	shalt  }
0x70: {  	_ =	shalt  }
0x71: {  	_ =	shalt  }
0x72: {  	_ =	shalt  }
0x73: {  	_ =	shalt  }
0x74: {  	_ =	shalt  }
0x75: {  	_ =	shalt  }
0x76: {  	_ =	shalt  }
0x77: {  	_ =	shalt  }
0x78: {  	_ =	shalt  }
0x79: {  	_ =	shalt  }
0x7a: {  	_ =	shalt  }
0x7b: {  	_ =	shalt  }
0x7c: {  	_ =	shalt  }
0x7d: {  	_ =	shalt  }
0x7e: {  	_ =	shalt  }
0x7f: {  	_ =	shalt  }
0x80: {  	_ =	shalt  }
0x81: {  	_ =	shalt  }
0x82: {  	_ =	shalt  }
0x83: {  	_ =	shalt  }
0x84: {  	_ =	shalt  }
0x85: {  	_ =	shalt  }
0x86: {  	_ =	shalt  }
0x87: {  	_ =	shalt  }
.Lfunc_end0:
.L_simem_size_0:
called_computation.3_lowered:
.L_overlay_start_0:
0x88: {  	s2 =	sld [smem:$0x3FD9]  }
0x89: {  	s3 =	sld [smem:$0x3FFE];
	_ =	sdelay $0x1  }
0x8a: {  	s1 =	srdreg.scid  }
0x8b: {  	s0 =	sand.u32 $0x1, s1  }
0x8c: {  	s17 =	sshll.u32 s0, $0xA;
	s2 =	sadd.s32 s3, s2  }
0x8d: {  	s2 =	sadd.s32 s2, s17  }
0x8e: {  	[smem:$0x3FBE] =	sst s2  }
0x8f: {  	_ = 	snop  }
0x90: {  	s2 =	sld [smem:$0x3FC6]  }
0x91: {  	s18 =	sld [smem:$0x3FC5];
	(tm) =	ssettm $0x1  }
0x92: {  	s4 =	sld [smem:$0x3FFB];
	_ =	sdelay $0x3  }
0x93: {  	_ =	strace s4  }
0x94: {  	s4 =	sld [smem:$0x3FFC];
	_ =	sdelay $0x3  }
0x95: {  	_ =	strace s4  }
0x96: {  	s4 =	sld [smem:$0x3FFD];
	_ =	sdelay $0x3  }
0x97: {  	_ =	strace s4  }
0x98: {  	_ =	strace $0x8FFFFFFF  }
0x99: {  	s19 =	sld [smem:$0x3FDB];
	_ =	sdelay $0x1  }
0x9a: {  	s5 =	simm.s32 $_scs_section_size  }
0x9b: {  	s6 =	simm.s32 $_size__tile_overlayer_lowered;
	s7 =	simm.s32 $_tile_overlayer_lowered  }
0x9c: {  	s22 =	simm.s32 $0x1BFF;
	s21 =	sshll.u32 s7, $0x1;
	s4 =	sadd.s32 s5, s19  }
0x9d: {  	s8 =	simm.s32 $0x0;
	s20 =	sshll.u32 s6, $0x1;
	s6 =	sadd.s32 s21, s4  }
0x9e: {  	[timem:s8], [sflag:s22] =	dma.local [hbm:s6], s20  }
0x9f: {  	_ =	swait.ge [sflag:s22], s20  }
0xa0: {  	s5 =	ssub.s32 $0x0, s20;
	[sflag:s22] =	ssyncset.done $0x0  }
0xa1: {  	[sflag:s22] =	ssyncadd.s32 s5;
	_ =	sdelay $0x1  }
0xa2: {  	s23 =	simm.s32 $0x1B8B  }
0xa3: {  	_ =	swait.ge [sflag:s23], $0x1  }
0xa4: {  	[sflag:s23] =	ssyncset.done $0x0  }
0xa5: {  	s25 =	simm.s32 $0x1B8E;
	s24 =	sld [smem:$0x3FFE];
	[sflag:s23] =	ssyncadd.s32 $0xFFFFFFFF  }
0xa6: {  	s26 =	simm.s32 $execute0_lowered;
	[smem:$0x3FD2] =	sst s25  }
0xa7: {  	s6 =	sshll.u32 s26, $0x1;
	_ =	strace $0x8000004F;
	[dreg:$0x1] =	wrdreg $0xFFFFFFFF  }
0xa8: {  	s28 =	simm.s32 $_size_execute0_lowered;
	s4 =	sadd.s32 s4, s6;
	[dreg:$0x0] =	wrdreg $0x0  }
0xa9: {  	s6 =	sshll.u32 s28, $0x1;
	[dreg:$0x2] =	wrdreg s4  }
0xaa: {  	[dreg:$0x3] =	wrdreg s6  }
0xab: {  	[dreg:$0x4] =	wrdreg $0xC0  }
0xac: {  	_ =	task [dreg:s8], $0x5FFFF  }
0xad: {  	[dreg:$0x1] =	wrdreg $0xFFFFFFFF  }
0xae: {  	[dreg:$0x0] =	wrdreg $0x60  }
0xaf: {  	[dreg:$0x2] =	wrdreg s24  }
0xb0: {  	[dreg:$0x3] =	wrdreg s2  }
0xb1: {  	[dreg:$0x4] =	wrdreg s18  }
0xb2: {  	[dreg:$0x5] =	wrdreg $0x0  }
0xb3: {  	[dreg:$0x6] =	wrdreg $0x27100  }
0xb4: {  	[dreg:$0x7] =	wrdreg $0x9  }
0xb5: {  	_ =	task.clear_ibuf [dreg:s8], $0x8FFFF;
	_ =	strace $0x9000004F  }
0xb6: {  	s29 =	simm.s32 $0x9;
	_ =	strace $0x80000051  }
0xb7: {  	_ =	swait.ge [sflag:s29], $0x1  }
0xb8: {  	[sflag:s29] =	ssyncadd.s32 $0xFFFFFFFF  }
0xb9: {  	_ =	strace $0x90000051  }
0xba: {  	_ =	sfence  }
0xbb: {  	s30 =	sld [smem:$0x0];
	_ =	sdelay $0x2  }
0xbc: {  	s31 =	sshll.u32 s1, $0xD;
	s1 =	sshrl.u32 s1, $0x2  }
0xbd: {  	s3 =	sand.u32 $0x4000, s31;
	s1 =	sadd.s32 s1, s30  }
0xbe: {  	s0 =	sor.u32 s3, s0;
	s1 =	sshll.u32 s1, $0x11  }
0xbf: {  	s0 =	sor.u32 s1, s0  }
0xc0: {  	s0 =	sadd.s32 $0x8F2B, s0  }
0xc1: {  	[sflag:s0] =	ssyncadd.remote.s32 $0x1  }
0xc2: {  	_ =	sfence.sel $0xFFFF  }
0xc3: {  	[dreg:$0x0] =	wrdreg $0xFFFFFFFF;
	(pc) =	sbr.abs _section_cstart, $3  }
0xc4: {  	[dreg:$0x1] =	wrdreg $0xFFFFFFFF  }
0xc5: {  	_ =	task.clear_ibuf [dreg:s8], $0x2FFFF;
	_ =	strace $0x9FFFFFFF  }
0xc6: {  	(tm) =	ssettm $0x7FFFFFFF  }
0xc7: {  	_ =	shalt  }
tec
execute0_lowered:
.L_overlay_start_1:
0x0: {  	(tag) =	ssettag $0x1  }
0x1: {  	s29 =	rddreg [dreg:$0x0]  }
0x2: {  	s26 =	rddreg [dreg:$0x1]  }
0x3: {  	s25 =	rddreg [dreg:$0x2]  }
0x4: {  	s2 =	rddreg [dreg:$0x3]  }
0x5: {  	s0 =	stileid.u32;
	s1 =	srdreg.scid  }
0x6: {  	s3 =	rddreg [dreg:$0x4];
	s30 =	sand.u32 $0x1, s1;
	s24 =	sshll.u32 s0, $0x1  }
0x7: {  	s4 =	simm.s32 $0x0;
	s31 =	smul.u32 $0x2710, s0;
	s1 =	sor.u32 s30, s24  }
0x8: {  	[smem:$0x7FF] =	sst s4;
	s28 =	smul.u32 $0x2710, s1  }
0x9: {  	s6 =	sshll.u32 s0, $0x6;
	_ =	strace $0x80000050;
	s5 =	sshrl.u32 s31, $0x3  }
0xa: {  	s6 =	sor.u32 $0x1C01, s6;
	s5 =	sadd.s32 s5, s29;
	s11 =	sshrl.u32 s28, $0x3  }
0xb: {  	s7 =	sadd.s32 s31, s2;
	s5 =	sadd.s32 $0xA1200, s5;
	s8 =	sadd.s32 s25, s11  }
0xc: {  	[dreg:$0x6] =	wrdreg s8;
	s8 =	sshrl.u32 s7, $0x3;
	s7 =	simm.s32 $0x1  }
0xd: {  	[spmem:s8], [sflag:s6] =	dma.local [hbm:s5], $0x4E2  }
0xe: {  	_ =	swait.ge [sflag:s7], $0x4E2  }
0xf: {  	s9 =	sadd.s32 s31, s3;
	[sflag:s7] =	ssyncset.done $0x0  }
0x10: {  	s9 =	sshrl.u32 s9, $0x3;
	[sflag:s7] =	ssyncadd.s32 $0xFFFFFB1E  }
0x11: {  	[spmem:s9], [sflag:s6] =	dma.local [hbm:s5], $0x4E2  }
0x12: {  	_ =	swait.ge [sflag:s7], $0x4E2  }
0x13: {  	[sflag:s7] =	ssyncset.done $0x0  }
0x14: {  	[sflag:s7] =	ssyncadd.s32 $0xFFFFFB1E  }
0x15: {  	[bflag:$0x0] =	sbarrier.arrive $0xFFFF  }
0x16: {  	s10 =	simm.s32 $0x55F0;
	s12 =	rddreg [dreg:$0x6]  }
0x17: {  	[tilespmem:s10], [sflag:$0x1] =	stream.linear.gather [hbm4b:s12+s4], $0x7D0, $0x38;
	[tilespmem:$0xDAC0] =	vst v63  }
0x18: {  	_ =	swait.ge [sflag:s7], $0x7D0  }
0x19: {  	[sflag:s7] =	ssyncset.done $0x0  }
0x1a: {  	s11 =	sadd.s32 s26, s11;
	s12 =	simm.s32 $0x4E20;
	[sflag:s7] =	ssyncadd.s32 $0xFFFFF830  }
0x1b: {  	[tilespmem:s12], [sflag:$0x1] =	stream.linear.gather [hbm4b:s11+s4], $0x7D0, $0x38;
	[tilespmem:$0xDAC0] =	vst v63  }
0x1c: {  	s13 =	smul.u32 $0x4E20, s1;
	_ =	swait.ge [sflag:s7], $0x7D0  }
0x1d: {  	s1 =	sadd.s32 $0x4E00, s29;
	[sflag:s7] =	ssyncset.done $0x0  }
0x1e: {  	s14 =	simm.s32 $0x5DC0;
	s13 =	sadd.s32 s1, s13;
	[sflag:s7] =	ssyncadd.s32 $0xFFFFF830  }
0x1f: {  	[tilespmem:s14], [sflag:$0x1] =	stream.linear.gather [hbm4b:s13+s4], $0x7D00, $0x38;
	[tilespmem:$0xDAC0] =	vst v63  }
0x20: {  	_ =	swait.ge [sflag:s7], $0x7D00  }
0x21: {  	[sflag:s7] =	ssyncset.done $0x0  }
0x22: {  	s15 =	simm.s32 $0x7D0;
	[sflag:s7] =	ssyncadd.s32 $0xFFFF8300  }
0x23: {  	[spmem:s2] =	stream.indirect.scatter.add.f32 [tilespmem:s14], [sflag:$0x1], $0x10, s10, s15, $0xb8;
	[tilespmem:$0xDAC0] =	vst v63  }
0x24: {  	_ =	swait.ge [sflag:s7], $0x7D00  }
0x25: {  	[sflag:s7] =	ssyncset.done $0x0  }
0x26: {  	[sflag:s7] =	ssyncadd.s32 $0xFFFF8300  }
0x27: {  	[spmem:s3] =	stream.indirect.scatter.add.f32 [tilespmem:s14], [sflag:$0x1], $0x10, s12, s15, $0xb8;
	[tilespmem:$0xDAC0] =	vst v63  }
0x28: {  	s18 =	sadd.s32 $0x7D0, s28;
	_ =	swait.ge [sflag:s7], $0x7D00  }
0x29: {  	s17 =	sshrl.u32 s18, $0x3;
	[sflag:s7] =	ssyncset.done $0x0  }
0x2a: {  	s16 =	sadd.s32 s25, s17;
	[sflag:s7] =	ssyncadd.s32 $0xFFFF8300  }
0x2b: {  	[tilespmem:s10], [sflag:$0x1] =	stream.linear.gather [hbm4b:s16+s4], $0x7D0, $0x38;
	[tilespmem:$0xDAC0] =	vst v63  }
0x2c: {  	_ =	swait.ge [sflag:s7], $0x7D0  }
0x2d: {  	[sflag:s7] =	ssyncset.done $0x0  }
0x2e: {  	s17 =	sadd.s32 s26, s17;
	[sflag:s7] =	ssyncadd.s32 $0xFFFFF830  }
0x2f: {  	[tilespmem:s12], [sflag:$0x1] =	stream.linear.gather [hbm4b:s17+s4], $0x7D0, $0x38;
	[tilespmem:$0xDAC0] =	vst v63  }
0x30: {  	_ =	swait.ge [sflag:s7], $0x7D0  }
0x31: {  	s18 =	sshll.u32 s18, $0x1;
	[sflag:s7] =	ssyncset.done $0x0  }
0x32: {  	s18 =	sadd.s32 s1, s18;
	[sflag:s7] =	ssyncadd.s32 $0xFFFFF830  }
0x33: {  	[tilespmem:s14], [sflag:$0x1] =	stream.linear.gather [hbm4b:s18+s4], $0x7D00, $0x38;
	[tilespmem:$0xDAC0] =	vst v63  }
0x34: {  	_ =	swait.ge [sflag:s7], $0x7D00  }
0x35: {  	[sflag:s7] =	ssyncset.done $0x0  }
0x36: {  	[sflag:s7] =	ssyncadd.s32 $0xFFFF8300  }
0x37: {  	[spmem:s2] =	stream.indirect.scatter.add.f32 [tilespmem:s14], [sflag:$0x1], $0x10, s10, s15, $0xb8;
	[tilespmem:$0xDAC0] =	vst v63  }
0x38: {  	_ =	swait.ge [sflag:s7], $0x7D00  }
0x39: {  	[sflag:s7] =	ssyncset.done $0x0  }
0x3a: {  	[sflag:s7] =	ssyncadd.s32 $0xFFFF8300  }
0x3b: {  	[spmem:s3] =	stream.indirect.scatter.add.f32 [tilespmem:s14], [sflag:$0x1], $0x10, s12, s15, $0xb8;
	[tilespmem:$0xDAC0] =	vst v63  }
0x3c: {  	s21 =	sadd.s32 $0xFA0, s28;
	_ =	swait.ge [sflag:s7], $0x7D00  }
0x3d: {  	s20 =	sshrl.u32 s21, $0x3;
	[sflag:s7] =	ssyncset.done $0x0  }
0x3e: {  	s19 =	sadd.s32 s25, s20;
	[sflag:s7] =	ssyncadd.s32 $0xFFFF8300  }
0x3f: {  	[tilespmem:s10], [sflag:$0x1] =	stream.linear.gather [hbm4b:s19+s4], $0x7D0, $0x38;
	[tilespmem:$0xDAC0] =	vst v63  }
0x40: {  	_ =	swait.ge [sflag:s7], $0x7D0  }
0x41: {  	[sflag:s7] =	ssyncset.done $0x0  }
0x42: {  	s20 =	sadd.s32 s26, s20;
	[sflag:s7] =	ssyncadd.s32 $0xFFFFF830  }
0x43: {  	[tilespmem:s12], [sflag:$0x1] =	stream.linear.gather [hbm4b:s20+s4], $0x7D0, $0x38;
	[tilespmem:$0xDAC0] =	vst v63  }
0x44: {  	_ =	swait.ge [sflag:s7], $0x7D0  }
0x45: {  	s21 =	sshll.u32 s21, $0x1;
	[sflag:s7] =	ssyncset.done $0x0  }
0x46: {  	s21 =	sadd.s32 s1, s21;
	[sflag:s7] =	ssyncadd.s32 $0xFFFFF830  }
0x47: {  	[tilespmem:s14], [sflag:$0x1] =	stream.linear.gather [hbm4b:s21+s4], $0x7D00, $0x38;
	[tilespmem:$0xDAC0] =	vst v63  }
0x48: {  	_ =	swait.ge [sflag:s7], $0x7D00  }
0x49: {  	[sflag:s7] =	ssyncset.done $0x0  }
0x4a: {  	[sflag:s7] =	ssyncadd.s32 $0xFFFF8300  }
0x4b: {  	[spmem:s2] =	stream.indirect.scatter.add.f32 [tilespmem:s14], [sflag:$0x1], $0x10, s10, s15, $0xb8;
	[tilespmem:$0xDAC0] =	vst v63  }
0x4c: {  	_ =	swait.ge [sflag:s7], $0x7D00  }
0x4d: {  	[sflag:s7] =	ssyncset.done $0x0  }
0x4e: {  	[sflag:s7] =	ssyncadd.s32 $0xFFFF8300  }
0x4f: {  	[spmem:s3] =	stream.indirect.scatter.add.f32 [tilespmem:s14], [sflag:$0x1], $0x10, s12, s15, $0xb8;
	[tilespmem:$0xDAC0] =	vst v63  }
0x50: {  	s24 =	sadd.s32 $0x1770, s28;
	_ =	swait.ge [sflag:s7], $0x7D00  }
0x51: {  	s23 =	sshrl.u32 s24, $0x3;
	[sflag:s7] =	ssyncset.done $0x0  }
0x52: {  	s22 =	sadd.s32 s25, s23;
	[sflag:s7] =	ssyncadd.s32 $0xFFFF8300  }
0x53: {  	[tilespmem:s10], [sflag:$0x1] =	stream.linear.gather [hbm4b:s22+s4], $0x7D0, $0x38;
	[tilespmem:$0xDAC0] =	vst v63  }
0x54: {  	_ =	swait.ge [sflag:s7], $0x7D0  }
0x55: {  	[sflag:s7] =	ssyncset.done $0x0  }
0x56: {  	s23 =	sadd.s32 s26, s23;
	[sflag:s7] =	ssyncadd.s32 $0xFFFFF830  }
0x57: {  	[tilespmem:s12], [sflag:$0x1] =	stream.linear.gather [hbm4b:s23+s4], $0x7D0, $0x38;
	[tilespmem:$0xDAC0] =	vst v63  }
0x58: {  	_ =	swait.ge [sflag:s7], $0x7D0  }
0x59: {  	s24 =	sshll.u32 s24, $0x1;
	[sflag:s7] =	ssyncset.done $0x0  }
0x5a: {  	s24 =	sadd.s32 s1, s24;
	[sflag:s7] =	ssyncadd.s32 $0xFFFFF830  }
0x5b: {  	[tilespmem:s14], [sflag:$0x1] =	stream.linear.gather [hbm4b:s24+s4], $0x7D00, $0x38;
	[tilespmem:$0xDAC0] =	vst v63  }
0x5c: {  	_ =	swait.ge [sflag:s7], $0x7D00  }
0x5d: {  	[sflag:s7] =	ssyncset.done $0x0  }
0x5e: {  	[sflag:s7] =	ssyncadd.s32 $0xFFFF8300  }
0x5f: {  	[spmem:s2] =	stream.indirect.scatter.add.f32 [tilespmem:s14], [sflag:$0x1], $0x10, s10, s15, $0xb8;
	[tilespmem:$0xDAC0] =	vst v63  }
0x60: {  	_ =	swait.ge [sflag:s7], $0x7D00  }
0x61: {  	[sflag:s7] =	ssyncset.done $0x0  }
0x62: {  	[sflag:s7] =	ssyncadd.s32 $0xFFFF8300  }
0x63: {  	[spmem:s3] =	stream.indirect.scatter.add.f32 [tilespmem:s14], [sflag:$0x1], $0x10, s12, s15, $0xb8;
	[tilespmem:$0xDAC0] =	vst v63  }
0x64: {  	s28 =	sadd.s32 $0x1F40, s28;
	_ =	swait.ge [sflag:s7], $0x7D00  }
0x65: {  	s0 =	sshrl.u32 s28, $0x3;
	[sflag:s7] =	ssyncset.done $0x0  }
0x66: {  	s25 =	sadd.s32 s25, s0;
	[sflag:s7] =	ssyncadd.s32 $0xFFFF8300  }
0x67: {  	[tilespmem:s10], [sflag:$0x1] =	stream.linear.gather [hbm4b:s25+s4], $0x7D0, $0x38;
	[tilespmem:$0xDAC0] =	vst v63  }
0x68: {  	_ =	swait.ge [sflag:s7], $0x7D0  }
0x69: {  	[sflag:s7] =	ssyncset.done $0x0  }
0x6a: {  	s26 =	sadd.s32 s26, s0;
	[sflag:s7] =	ssyncadd.s32 $0xFFFFF830  }
0x6b: {  	[tilespmem:s12], [sflag:$0x1] =	stream.linear.gather [hbm4b:s26+s4], $0x7D0, $0x38;
	[tilespmem:$0xDAC0] =	vst v63  }
0x6c: {  	_ =	swait.ge [sflag:s7], $0x7D0  }
0x6d: {  	s0 =	sshll.u32 s28, $0x1;
	[sflag:s7] =	ssyncset.done $0x0  }
0x6e: {  	s28 =	sadd.s32 s1, s0;
	[sflag:s7] =	ssyncadd.s32 $0xFFFFF830  }
0x6f: {  	[tilespmem:s14], [sflag:$0x1] =	stream.linear.gather [hbm4b:s28+s4], $0x7D00, $0x38;
	[tilespmem:$0xDAC0] =	vst v63  }
0x70: {  	_ =	swait.ge [sflag:s7], $0x7D00  }
0x71: {  	[sflag:s7] =	ssyncset.done $0x0  }
0x72: {  	[sflag:s7] =	ssyncadd.s32 $0xFFFF8300  }
0x73: {  	[spmem:s2] =	stream.indirect.scatter.add.f32 [tilespmem:s14], [sflag:$0x1], $0x10, s10, s15, $0xb8;
	[tilespmem:$0xDAC0] =	vst v63  }
0x74: {  	_ =	swait.ge [sflag:s7], $0x7D00  }
0x75: {  	[sflag:s7] =	ssyncset.done $0x0  }
0x76: {  	s1 =	smul.u32 $0x4E200, s30;
	[sflag:s7] =	ssyncadd.s32 $0xFFFF8300  }
0x77: {  	[spmem:s3] =	stream.indirect.scatter.add.f32 [tilespmem:s14], [sflag:$0x1], $0x10, s12, s15, $0xb8;
	[tilespmem:$0xDAC0] =	vst v63  }
0x78: {  	s0 =	sadd.s32 s31, s1;
	s1 =	ssub.s32 $0x2, s30;
	_ =	swait.ge [sflag:s7], $0x7D00  }
0x79: {  	s0 =	sshrl.u32 s0, $0x3;
	s30 =	sshrl.u32 s1, $0x1;
	[sflag:s7] =	ssyncset.done $0x0  }
0x7a: {  	s0 =	sadd.s32 s0, s29;
	s1 =	ssub.s32 s1, s30;
	[sflag:s7] =	ssyncadd.s32 $0xFFFF8300  }
0x7b: {  	s29 =	sadd.s32 $0xA6200, s0;
	s1 =	smax.u32 s1, $0x1;
	[bflag:$0x0] =	sbarrier.arrive $0xFFFF  }
0x7c: {  	[hbm:s29], [sflag:s6] =	dma.local [spmem:s8], $0x4E2  }
0x7d: {  	p0 =	sne.s32 s1, $0x1;
	_ =	swait.ge [sflag:s7], $0x4E2  }
.Ltmp0:
0x7e: {  	[sflag:s7] =	ssyncset.done $0x0;
	(pc) =	sbr.rel @!p0 .LBB2_2-.Ltmp0, $4  }
0x7f: {  	s30 =	sadd.s32 $0xAB020, s0;
	[sflag:s7] =	ssyncadd.s32 $0xFFFFFB1E  }
0x80: {  	[hbm:s30], [sflag:s6] =	dma.local [spmem:s9], $0x4E2  }
0x81: {  	_ =	swait.ge [sflag:s7], $0x4E2  }
0x82: {  	s31 =	sadd.s32 $0xFFFFFFFF, s1;
	[sflag:s7] =	ssyncset.done $0x0  }
.LBB2_1:
0x83: {  	[sflag:s7] =	ssyncadd.s32 $0xFFFFFB1E  }
0x84: {  	[spmem:s8], [sflag:s6] =	dma.local [hbm:s5], $0x4E2  }
0x85: {  	_ =	swait.ge [sflag:s7], $0x4E2  }
0x86: {  	[sflag:s7] =	ssyncset.done $0x0  }
0x87: {  	[sflag:s7] =	ssyncadd.s32 $0xFFFFFB1E  }
0x88: {  	[spmem:s9], [sflag:s6] =	dma.local [hbm:s5], $0x4E2  }
0x89: {  	_ =	swait.ge [sflag:s7], $0x4E2  }
0x8a: {  	[sflag:s7] =	ssyncset.done $0x0  }
0x8b: {  	[sflag:s7] =	ssyncadd.s32 $0xFFFFFB1E  }
0x8c: {  	[bflag:$0x0] =	sbarrier.arrive $0xFFFF  }
0x8d: {  	s0 =	rddreg [dreg:$0x6]  }
0x8e: {  	[tilespmem:s10], [sflag:$0x1] =	stream.linear.gather [hbm4b:s0+s4], $0x7D0, $0x38;
	[tilespmem:$0xDAC0] =	vst v63  }
0x8f: {  	_ =	swait.ge [sflag:s7], $0x7D0  }
0x90: {  	[sflag:s7] =	ssyncset.done $0x0  }
0x91: {  	[sflag:s7] =	ssyncadd.s32 $0xFFFFF830  }
0x92: {  	[tilespmem:s12], [sflag:$0x1] =	stream.linear.gather [hbm4b:s11+s4], $0x7D0, $0x38;
	[tilespmem:$0xDAC0] =	vst v63  }
0x93: {  	_ =	swait.ge [sflag:s7], $0x7D0  }
0x94: {  	[sflag:s7] =	ssyncset.done $0x0  }
0x95: {  	[sflag:s7] =	ssyncadd.s32 $0xFFFFF830  }
0x96: {  	[tilespmem:s14], [sflag:$0x1] =	stream.linear.gather [hbm4b:s13+s4], $0x7D00, $0x38;
	[tilespmem:$0xDAC0] =	vst v63  }
0x97: {  	_ =	swait.ge [sflag:s7], $0x7D00  }
0x98: {  	[sflag:s7] =	ssyncset.done $0x0  }
0x99: {  	[sflag:s7] =	ssyncadd.s32 $0xFFFF8300  }
0x9a: {  	[spmem:s2] =	stream.indirect.scatter.add.f32 [tilespmem:s14], [sflag:$0x1], $0x10, s10, s15, $0xb8;
	[tilespmem:$0xDAC0] =	vst v63  }
0x9b: {  	_ =	swait.ge [sflag:s7], $0x7D00  }
0x9c: {  	[sflag:s7] =	ssyncset.done $0x0  }
0x9d: {  	[sflag:s7] =	ssyncadd.s32 $0xFFFF8300  }
0x9e: {  	[spmem:s3] =	stream.indirect.scatter.add.f32 [tilespmem:s14], [sflag:$0x1], $0x10, s12, s15, $0xb8;
	[tilespmem:$0xDAC0] =	vst v63  }
0x9f: {  	_ =	swait.ge [sflag:s7], $0x7D00  }
0xa0: {  	[sflag:s7] =	ssyncset.done $0x0  }
0xa1: {  	[sflag:s7] =	ssyncadd.s32 $0xFFFF8300  }
0xa2: {  	[tilespmem:s10], [sflag:$0x1] =	stream.linear.gather [hbm4b:s16+s4], $0x7D0, $0x38;
	[tilespmem:$0xDAC0] =	vst v63  }
0xa3: {  	_ =	swait.ge [sflag:s7], $0x7D0  }
0xa4: {  	[sflag:s7] =	ssyncset.done $0x0  }
0xa5: {  	[sflag:s7] =	ssyncadd.s32 $0xFFFFF830  }
0xa6: {  	[tilespmem:s12], [sflag:$0x1] =	stream.linear.gather [hbm4b:s17+s4], $0x7D0, $0x38;
	[tilespmem:$0xDAC0] =	vst v63  }
0xa7: {  	_ =	swait.ge [sflag:s7], $0x7D0  }
0xa8: {  	[sflag:s7] =	ssyncset.done $0x0  }
0xa9: {  	[sflag:s7] =	ssyncadd.s32 $0xFFFFF830  }
0xaa: {  	[tilespmem:s14], [sflag:$0x1] =	stream.linear.gather [hbm4b:s18+s4], $0x7D00, $0x38;
	[tilespmem:$0xDAC0] =	vst v63  }
0xab: {  	_ =	swait.ge [sflag:s7], $0x7D00  }
0xac: {  	[sflag:s7] =	ssyncset.done $0x0  }
0xad: {  	[sflag:s7] =	ssyncadd.s32 $0xFFFF8300  }
0xae: {  	[spmem:s2] =	stream.indirect.scatter.add.f32 [tilespmem:s14], [sflag:$0x1], $0x10, s10, s15, $0xb8;
	[tilespmem:$0xDAC0] =	vst v63  }
0xaf: {  	_ =	swait.ge [sflag:s7], $0x7D00  }
0xb0: {  	[sflag:s7] =	ssyncset.done $0x0  }
0xb1: {  	[sflag:s7] =	ssyncadd.s32 $0xFFFF8300  }
0xb2: {  	[spmem:s3] =	stream.indirect.scatter.add.f32 [tilespmem:s14], [sflag:$0x1], $0x10, s12, s15, $0xb8;
	[tilespmem:$0xDAC0] =	vst v63  }
0xb3: {  	_ =	swait.ge [sflag:s7], $0x7D00  }
0xb4: {  	[sflag:s7] =	ssyncset.done $0x0  }
0xb5: {  	[sflag:s7] =	ssyncadd.s32 $0xFFFF8300  }
0xb6: {  	[tilespmem:s10], [sflag:$0x1] =	stream.linear.gather [hbm4b:s19+s4], $0x7D0, $0x38;
	[tilespmem:$0xDAC0] =	vst v63  }
0xb7: {  	_ =	swait.ge [sflag:s7], $0x7D0  }
0xb8: {  	[sflag:s7] =	ssyncset.done $0x0  }
0xb9: {  	[sflag:s7] =	ssyncadd.s32 $0xFFFFF830  }
0xba: {  	[tilespmem:s12], [sflag:$0x1] =	stream.linear.gather [hbm4b:s20+s4], $0x7D0, $0x38;
	[tilespmem:$0xDAC0] =	vst v63  }
0xbb: {  	_ =	swait.ge [sflag:s7], $0x7D0  }
0xbc: {  	[sflag:s7] =	ssyncset.done $0x0  }
0xbd: {  	[sflag:s7] =	ssyncadd.s32 $0xFFFFF830  }
0xbe: {  	[tilespmem:s14], [sflag:$0x1] =	stream.linear.gather [hbm4b:s21+s4], $0x7D00, $0x38;
	[tilespmem:$0xDAC0] =	vst v63  }
0xbf: {  	_ =	swait.ge [sflag:s7], $0x7D00  }
0xc0: {  	[sflag:s7] =	ssyncset.done $0x0  }
0xc1: {  	[sflag:s7] =	ssyncadd.s32 $0xFFFF8300  }
0xc2: {  	[spmem:s2] =	stream.indirect.scatter.add.f32 [tilespmem:s14], [sflag:$0x1], $0x10, s10, s15, $0xb8;
	[tilespmem:$0xDAC0] =	vst v63  }
0xc3: {  	_ =	swait.ge [sflag:s7], $0x7D00  }
0xc4: {  	[sflag:s7] =	ssyncset.done $0x0  }
0xc5: {  	[sflag:s7] =	ssyncadd.s32 $0xFFFF8300  }
0xc6: {  	[spmem:s3] =	stream.indirect.scatter.add.f32 [tilespmem:s14], [sflag:$0x1], $0x10, s12, s15, $0xb8;
	[tilespmem:$0xDAC0] =	vst v63  }
0xc7: {  	_ =	swait.ge [sflag:s7], $0x7D00  }
0xc8: {  	[sflag:s7] =	ssyncset.done $0x0  }
0xc9: {  	[sflag:s7] =	ssyncadd.s32 $0xFFFF8300  }
0xca: {  	[tilespmem:s10], [sflag:$0x1] =	stream.linear.gather [hbm4b:s22+s4], $0x7D0, $0x38;
	[tilespmem:$0xDAC0] =	vst v63  }
0xcb: {  	_ =	swait.ge [sflag:s7], $0x7D0  }
0xcc: {  	[sflag:s7] =	ssyncset.done $0x0  }
0xcd: {  	[sflag:s7] =	ssyncadd.s32 $0xFFFFF830  }
0xce: {  	[tilespmem:s12], [sflag:$0x1] =	stream.linear.gather [hbm4b:s23+s4], $0x7D0, $0x38;
	[tilespmem:$0xDAC0] =	vst v63  }
0xcf: {  	_ =	swait.ge [sflag:s7], $0x7D0  }
0xd0: {  	[sflag:s7] =	ssyncset.done $0x0  }
0xd1: {  	[sflag:s7] =	ssyncadd.s32 $0xFFFFF830  }
0xd2: {  	[tilespmem:s14], [sflag:$0x1] =	stream.linear.gather [hbm4b:s24+s4], $0x7D00, $0x38;
	[tilespmem:$0xDAC0] =	vst v63  }
0xd3: {  	_ =	swait.ge [sflag:s7], $0x7D00  }
0xd4: {  	[sflag:s7] =	ssyncset.done $0x0  }
0xd5: {  	[sflag:s7] =	ssyncadd.s32 $0xFFFF8300  }
0xd6: {  	[spmem:s2] =	stream.indirect.scatter.add.f32 [tilespmem:s14], [sflag:$0x1], $0x10, s10, s15, $0xb8;
	[tilespmem:$0xDAC0] =	vst v63  }
0xd7: {  	_ =	swait.ge [sflag:s7], $0x7D00  }
0xd8: {  	[sflag:s7] =	ssyncset.done $0x0  }
0xd9: {  	[sflag:s7] =	ssyncadd.s32 $0xFFFF8300  }
0xda: {  	[spmem:s3] =	stream.indirect.scatter.add.f32 [tilespmem:s14], [sflag:$0x1], $0x10, s12, s15, $0xb8;
	[tilespmem:$0xDAC0] =	vst v63  }
0xdb: {  	_ =	swait.ge [sflag:s7], $0x7D00  }
0xdc: {  	[sflag:s7] =	ssyncset.done $0x0  }
0xdd: {  	[sflag:s7] =	ssyncadd.s32 $0xFFFF8300  }
0xde: {  	[tilespmem:s10], [sflag:$0x1] =	stream.linear.gather [hbm4b:s25+s4], $0x7D0, $0x38;
	[tilespmem:$0xDAC0] =	vst v63  }
0xdf: {  	_ =	swait.ge [sflag:s7], $0x7D0  }
0xe0: {  	[sflag:s7] =	ssyncset.done $0x0  }
0xe1: {  	[sflag:s7] =	ssyncadd.s32 $0xFFFFF830  }
0xe2: {  	[tilespmem:s12], [sflag:$0x1] =	stream.linear.gather [hbm4b:s26+s4], $0x7D0, $0x38;
	[tilespmem:$0xDAC0] =	vst v63  }
0xe3: {  	_ =	swait.ge [sflag:s7], $0x7D0  }
0xe4: {  	[sflag:s7] =	ssyncset.done $0x0  }
0xe5: {  	[sflag:s7] =	ssyncadd.s32 $0xFFFFF830  }
0xe6: {  	[tilespmem:s14], [sflag:$0x1] =	stream.linear.gather [hbm4b:s28+s4], $0x7D00, $0x38;
	[tilespmem:$0xDAC0] =	vst v63  }
0xe7: {  	_ =	swait.ge [sflag:s7], $0x7D00  }
0xe8: {  	[sflag:s7] =	ssyncset.done $0x0  }
0xe9: {  	[sflag:s7] =	ssyncadd.s32 $0xFFFF8300  }
0xea: {  	[spmem:s2] =	stream.indirect.scatter.add.f32 [tilespmem:s14], [sflag:$0x1], $0x10, s10, s15, $0xb8;
	[tilespmem:$0xDAC0] =	vst v63  }
0xeb: {  	_ =	swait.ge [sflag:s7], $0x7D00  }
0xec: {  	[sflag:s7] =	ssyncset.done $0x0  }
0xed: {  	[sflag:s7] =	ssyncadd.s32 $0xFFFF8300  }
0xee: {  	[spmem:s3] =	stream.indirect.scatter.add.f32 [tilespmem:s14], [sflag:$0x1], $0x10, s12, s15, $0xb8;
	[tilespmem:$0xDAC0] =	vst v63  }
0xef: {  	_ =	swait.ge [sflag:s7], $0x7D00  }
0xf0: {  	[sflag:s7] =	ssyncset.done $0x0  }
0xf1: {  	[sflag:s7] =	ssyncadd.s32 $0xFFFF8300  }
0xf2: {  	[bflag:$0x0] =	sbarrier.arrive $0xFFFF  }
0xf3: {  	[hbm:s29], [sflag:s6] =	dma.local [spmem:s8], $0x4E2  }
0xf4: {  	p0 =	sne.s32 s31, $0x1;
	_ =	swait.ge [sflag:s7], $0x4E2  }
.Ltmp1:
0xf5: {  	[sflag:s7] =	ssyncset.done $0x0;
	(pc) =	sbr.rel @p0 .LBB2_1-.Ltmp1, $4  }
0xf6: {  	[sflag:s7] =	ssyncadd.s32 $0xFFFFFB1E  }
0xf7: {  	[hbm:s30], [sflag:s6] =	dma.local [spmem:s9], $0x4E2  }
0xf8: {  	_ =	swait.ge [sflag:s7], $0x4E2  }
0xf9: {  	s31 =	sadd.s32 $0xFFFFFFFF, s31;
	[sflag:s7] =	ssyncset.done $0x0  }
.LBB2_2:
0xfa: {  	[sflag:s7] =	ssyncadd.s32 $0xFFFFFB1E  }
0xfb: {  	_ =	sfence.sel $0x180000  }
0xfc: {  	[bflag:$0x0] =	sbarrier.arrive $0xFFFF  }
0xfd: {  	_ =	strace $0x90000050  }
0xfe: {  	s0 =	stileid.u32;
	[bflag:$0x2] =	sbarrier.arrive $0xFFFF  }
0xff: {  	p0 =	sne.s32 s0, $0x0;
	s0 =	rddreg [dreg:$0x5]  }
0x100: {  	s0 =	sadd.s32 @!p0 $0x100000, s0  }
0x101: {  	[sflag:s0] =	ssyncadd.tile.s32 @!p0 $0x1;
	_ =	shalt  }
.Lfunc_end2:
_tile_overlayer_lowered:
.L_overlay_start_2:
0x102: {  	(tag) =	ssettag $0x2  }
0x103: {  	s0 =	rddreg [dreg:$0x0];
	s2 =	stileid.u32  }
0x104: {  	s1 =	rddreg [dreg:$0x1];
	p0 =	sne.s32 s2, $0x0  }
0x105: {  	s3 =	rddreg [dreg:$0x2];
	[bflag:$0x3] =	sbarrier.arrive $0xFFFF;
	s2 =	simm.s32 @!p0 $0x1C01  }
0x106: {  	[timem:s3], [sflag:s2] =	dma.local @!p0 [hbm:s0], s1  }
0x107: {  	s0 =	simm.s32 @!p0 $0x1  }
0x108: {  	_ =	swait.ge @!p0 [sflag:s0], s1  }
0x109: {  	s1 =	ssub.s32 @!p0 $0x0, s1;
	[sflag:s0] =	ssyncset.done @!p0 $0x0  }
0x10a: {  	[sflag:s0] =	ssyncadd.s32 @!p0 s1  }
0x10b: {  	[bflag:$0x3] =	sbarrier.arrive $0xFFFF  }
0x10c: {  	_ =	shalt  }

</sc_bundles>
